<compile_context>
chip_gen: v7x
topology: tpu7x:2x2x1
jax: 0.10.2.dev20260603
libtpu: 0.0.44.dev20260713+nightly
codegen_flags: <defaults>
</compile_context>

<pallas_src>
import functools

import jax
import jax.numpy as jnp
from jax import lax
from jax.experimental import pallas as pl
from jax.experimental.pallas import tpu as pltpu
from jax.experimental.pallas import tpu_sc as plsc

NC = 2
NS = 16
NW = NC * NS



def _lnorm(h, eps=1e-5):
    m = jnp.mean(h, axis=-1, keepdims=True)
    v = jnp.mean((h - m) ** 2, axis=-1, keepdims=True)
    return (h - m) * jax.lax.rsqrt(v + eps)


def _mlp_relu(h, w1, b1, w2, b2):
    h = _lnorm(h)
    h = jax.nn.relu(jnp.dot(h, w1, preferred_element_type=jnp.float32) + b1)
    h = _lnorm(h)
    h = jnp.dot(h, w2, preferred_element_type=jnp.float32) + b2
    return jax.nn.relu(h)


def _tc_first(x, w1, b1, w2, b2, *, rows):
    n, d = x.shape
    h = w1.shape[1]

    def body(x_ref, w1_ref, b1_ref, w2_ref, b2_ref, o_ref):
        o_ref[...] = _mlp_relu(x_ref[...], w1_ref[...], b1_ref[...],
                               w2_ref[...], b2_ref[...])

    full = lambda a: pl.BlockSpec(a.shape, lambda i: (0,) * a.ndim)
    return pl.pallas_call(
        body,
        grid=(n // rows,),
        in_specs=[pl.BlockSpec((rows, d), lambda i: (i, 0)),
                  full(w1), full(b1), full(w2), full(b2)],
        out_specs=pl.BlockSpec((rows, h), lambda i: (i, 0)),
        out_shape=jax.ShapeDtypeStruct((n, h), jnp.float32),
    )(x, w1, b1, w2, b2)


def _tc_mid(p, dw1, db1, dw2, db2, ew1, eb1, ew2, eb2, *, rows):
    _, n, h = p.shape

    def body(p_ref, dw1_ref, db1_ref, dw2_ref, db2_ref,
             ew1_ref, eb1_ref, ew2_ref, eb2_ref, o_ref):
        agg = p_ref[0]
        for t in range(1, p_ref.shape[0]):
            agg = agg + p_ref[t]
        hmid = _mlp_relu(agg, dw1_ref[...], db1_ref[...],
                         dw2_ref[...], db2_ref[...])
        o_ref[...] = _mlp_relu(hmid, ew1_ref[...], eb1_ref[...],
                               ew2_ref[...], eb2_ref[...])

    full = lambda a: pl.BlockSpec(a.shape, lambda i: (0,) * a.ndim)
    ws = [dw1, db1, dw2, db2, ew1, eb1, ew2, eb2]
    return pl.pallas_call(
        body,
        grid=(n // rows,),
        in_specs=[pl.BlockSpec((2, rows, h), lambda i: (0, i, 0))]
                 + [full(a) for a in ws],
        out_specs=pl.BlockSpec((rows, h), lambda i: (i, 0)),
        out_shape=jax.ShapeDtypeStruct((n, h), jnp.float32),
    )(p, *ws)


def _tc_final(p, dw1, db1, dw2, db2, cw1, cb1, cw2, cb2, *, rows):
    _, n, h = p.shape
    c = cw2.shape[1]

    def body(p_ref, dw1_ref, db1_ref, dw2_ref, db2_ref,
             cw1_ref, cb1_ref, cw2_ref, cb2_ref, o_ref):
        agg = p_ref[0]
        for t in range(1, p_ref.shape[0]):
            agg = agg + p_ref[t]
        hm = _mlp_relu(agg, dw1_ref[...], db1_ref[...],
                       dw2_ref[...], db2_ref[...])
        hm = jax.nn.relu(
            jnp.dot(hm, cw1_ref[...], preferred_element_type=jnp.float32)
            + cb1_ref[...])
        hm = _lnorm(hm)
        o_ref[...] = (jnp.dot(hm, cw2_ref[...],
                              preferred_element_type=jnp.float32)
                      + cb2_ref[...])

    full = lambda a: pl.BlockSpec(a.shape, lambda i: (0,) * a.ndim)
    ws = [dw1, db1, dw2, db2, cw1, cb1, cw2, cb2]
    return pl.pallas_call(
        body,
        grid=(n // rows,),
        in_specs=[pl.BlockSpec((2, rows, h), lambda i: (0, i, 0))]
                 + [full(a) for a in ws],
        out_specs=pl.BlockSpec((rows, c), lambda i: (i, 0)),
        out_shape=jax.ShapeDtypeStruct((n, c), jnp.float32),
    )(p, *ws)



@functools.partial(jax.jit, static_argnames=("b",))
def _sc_scatter(h, g0, s0, w0, g1, s1, w1, zeros, *, b):
    n, hdim = h.shape
    nb0 = g0.shape[1]
    nb1 = g1.shape[1]
    nch = hdim // 16
    assert nb0 % 4 == 0 and nb1 % 4 == 0 and nb1 >= 4 and b % 16 == 0
    rs = (n // NS) // 8 * 8
    tail = n - NS * rs

    mesh = plsc.VectorSubcoreMesh(core_axis_name="c", subcore_axis_name="s",
                                  num_cores=NC)

    @functools.partial(
        pl.kernel,
        mesh=mesh,
        compiler_params=pltpu.CompilerParams(use_tc_tiling_on_sc=False),
        out_type=jax.ShapeDtypeStruct((NC, n, hdim), jnp.float32),
        scratch_types=[
            pltpu.VMEM((nb0, b), jnp.int32),
            pltpu.VMEM((nb0, b), jnp.int32),
            pltpu.VMEM((nb0 * b,), jnp.float32),
            pltpu.VMEM((4, b, hdim), jnp.float32),
            pltpu.VMEM_SHARED((n, hdim), jnp.float32),
            pltpu.SemaphoreType.DMA((4,)),
            pltpu.SemaphoreType.DMA((4,)),
        ],
    )
    def scat(h_hbm, g0_hbm, s0_hbm, w0_hbm, g1_hbm, s1_hbm, w1_hbm,
             z_hbm, out_hbm,
             g_v, s_v, w_v, rbuf, acc_sh, sg, ss):
        cid = lax.axis_index("c")
        sid = lax.axis_index("s")
        nb = jnp.where(cid == 0, nb0, nb1)

        with jax.named_scope("stage_g"):
            @pl.when(cid == 0)
            def _():
                pltpu.sync_copy(g0_hbm.at[sid], g_v)

            @pl.when(cid == 1)
            def _():
                pltpu.sync_copy(g1_hbm.at[sid], g_v.at[pl.ds(0, nb1)])

        def start_gather(i, k):
            pltpu.async_copy(h_hbm.at[g_v.at[i]], rbuf.at[k], sg.at[k])

        start_gather(0, 0)
        start_gather(1, 1)

        with jax.named_scope("stage_sw"):
            @pl.when(cid == 0)
            def _():
                pltpu.sync_copy(s0_hbm.at[sid], s_v)
                pltpu.sync_copy(w0_hbm.at[sid], w_v)

            @pl.when(cid == 1)
            def _():
                pltpu.sync_copy(s1_hbm.at[sid], s_v.at[pl.ds(0, nb1)])
                pltpu.sync_copy(w1_hbm.at[sid], w_v.at[pl.ds(0, nb1 * b)])

        with jax.named_scope("zeroinit"):
            pltpu.sync_copy(z_hbm.at[pl.ds(sid * rs, rs)],
                            acc_sh.at[pl.ds(sid * rs, rs)])
            if tail:
                @pl.when(sid == NS - 1)
                def _():
                    pltpu.sync_copy(z_hbm.at[pl.ds(NS * rs, tail)],
                                    acc_sh.at[pl.ds(NS * rs, tail)])
        with jax.named_scope("barrier1"):
            plsc.subcore_barrier()

        def wait_gather(k):
            pltpu.make_async_copy(h_hbm.at[g_v.at[0]], rbuf.at[k],
                                  sg.at[k]).wait()

        def start_scatter(i, k):
            pltpu.async_copy(rbuf.at[k], acc_sh.at[s_v.at[i]], ss.at[k],
                             add=True)

        def wait_scatter(k):
            pltpu.make_async_copy(rbuf.at[k], acc_sh.at[s_v.at[0]],
                                  ss.at[k]).wait()

        def scale(i, k):
            rows = rbuf.at[k]

            @plsc.parallel_loop(0, b // 16)
            def _grp(g):
                wch = w_v[pl.ds(i * b + g * 16, 16)]
                for jb in range(4):
                    es = g * 16 + jb * 4
                    prods = []
                    for j in range(4):
                        w16 = jnp.full((16,), wch[jb * 4 + j])
                        for c in range(nch):
                            prods.append(
                                rows[es + j, pl.ds(c * 16, 16)] * w16)
                    t = 0
                    for j in range(4):
                        for c in range(nch):
                            rows[es + j, pl.ds(c * 16, 16)] = prods[t]
                            t += 1

        with jax.named_scope("pipe"):
            @pl.loop(0, nb)
            def _batch(i):
                k = lax.rem(i, 4)

                @pl.when(i >= 2)
                def _():
                    wait_scatter(lax.rem(i + 2, 4))

                @pl.when(i + 2 < nb)
                def _():
                    start_gather(i + 2, lax.rem(i + 2, 4))

                wait_gather(k)
                scale(i, k)
                start_scatter(i, k)

            wait_scatter(lax.rem(nb - 2, 4))
            wait_scatter(lax.rem(nb - 1, 4))

        with jax.named_scope("barrier2"):
            plsc.subcore_barrier()
        with jax.named_scope("writeback"):
            pltpu.sync_copy(acc_sh.at[pl.ds(sid * rs, rs)],
                            out_hbm.at[cid, pl.ds(sid * rs, rs)])
            if tail:
                @pl.when(sid == NS - 1)
                def _():
                    pltpu.sync_copy(acc_sh.at[pl.ds(NS * rs, tail)],
                                    out_hbm.at[cid, pl.ds(NS * rs, tail)])

    return scat(h, g0, s0, w0, g1, s1, w1, zeros)



def kernel(x, edge_index, edge_weight, params):
    n, d = x.shape
    eg = edge_weight.shape[0]
    p = params

    b = 128
    nb0, nb1 = 148, 12
    cap = NS * (nb0 + nb1) * b
    assert cap >= eg and n % NS == 0
    pad = cap - eg
    cut = NS * nb0 * b

    def split(a):
        a = jnp.concatenate([a, jnp.zeros((pad,), a.dtype)])
        return a[:cut].reshape(NS, nb0, b), a[cut:].reshape(NS, nb1, b)

    src0, src1 = split(edge_index[0])
    dst0, dst1 = split(edge_index[1])
    w0, w1 = split(edge_weight)
    w0 = w0.reshape(NS, nb0 * b)
    w1 = w1.reshape(NS, nb1 * b)
    zeros = jnp.zeros((n, p['v2e0_eW2'].shape[1]), jnp.float32)

    r1 = lambda v: v.reshape(1, -1)
    rows = 1000

    def wset(name):
        return (p[name + '_eW1'], r1(p[name + '_eb1']),
                p[name + '_eW2'], r1(p[name + '_eb2']),
                p[name + '_dW1'], r1(p[name + '_db1']),
                p[name + '_dW2'], r1(p[name + '_db2']))

    v2e0 = wset('v2e0'); e2v0 = wset('e2v0')
    v2e1 = wset('v2e1'); e2v1 = wset('e2v1')

    h = _tc_first(x, *v2e0[:4], rows=rows)
    pp = _sc_scatter(h, src0, dst0, w0, src1, dst1, w1, zeros, b=b)
    h = _tc_mid(pp, *v2e0[4:], *e2v0[:4], rows=rows)
    pp = _sc_scatter(h, dst0, src0, w0, dst1, src1, w1, zeros, b=b)
    h = _tc_mid(pp, *e2v0[4:], *v2e1[:4], rows=rows)
    pp = _sc_scatter(h, src0, dst0, w0, src1, dst1, w1, zeros, b=b)
    h = _tc_mid(pp, *v2e1[4:], *e2v1[:4], rows=rows)
    pp = _sc_scatter(h, dst0, src0, w0, dst1, src1, w1, zeros, b=b)
    out = _tc_final(pp, *e2v1[4:],
                    p['clf_W1'], r1(p['clf_b1']),
                    p['clf_W2'], r1(p['clf_b2']), rows=rows)
    return out

# --- scband reference (transcript-rebuilt; emitter-appended) ---
"""Pipeline reference for scband-set-gnn-74509092651630 (READ-ONLY COPY).

The authoritative reference and input builder live on the scoring server;
editing this copy changes nothing except your own understanding.
"""

import jax, jax.numpy as jnp
import numpy as np

N = 10000
Eg = 320000
D = 128
H = 64
C = 40


def _ln(x, eps=1e-5):
    m = jnp.mean(x, axis=-1, keepdims=True)
    v = jnp.var(x, axis=-1, keepdims=True)
    return (x - m) / jnp.sqrt(v + eps)


def _mlp(x, W1, b1, W2, b2, input_norm):
    # AllSet-style MLP: optional input LayerNorm, hidden layer with ReLU+LN, final linear.
    if input_norm:
        x = _ln(x)
    x = jax.nn.relu(x @ W1 + b1)
    x = _ln(x)
    return x @ W2 + b2


def _half_nlh_conv(x, src, dst, norm, p, pre):
    # HalfNLHconv (attention=False): f_enc -> propagate(norm * x_j, aggr='add') -> f_dec
    h = jax.nn.relu(_mlp(x, p[pre + '_eW1'], p[pre + '_eb1'], p[pre + '_eW2'], p[pre + '_eb2'], True))
    msg = norm[:, None] * h[src]
    h = jax.ops.segment_sum(msg, dst, num_segments=N)
    h = jax.nn.relu(_mlp(h, p[pre + '_dW1'], p[pre + '_db1'], p[pre + '_dW2'], p[pre + '_db2'], True))
    return h


def setup_inputs(seed: int = 0) -> dict:
    key = jax.random.key(seed)
    ks = jax.random.split(key, 64)
    x = jax.random.normal(ks[0], (N, D), dtype=jnp.float32)
    edge_index = jax.random.randint(ks[1], (2, Eg), 0, N, dtype=jnp.int32)
    edge_weight = jax.random.uniform(ks[2], (Eg,), dtype=jnp.float32)

    def lin(k, fan_in, fan_out):
        s = 1.0 / np.sqrt(fan_in)
        return jax.random.uniform(k, (fan_in, fan_out), minval=-s, maxval=s, dtype=jnp.float32)

    params = {}
    ki = 3
    for name, din in [('v2e0', D), ('e2v0', H), ('v2e1', H), ('e2v1', H)]:
        params[name + '_eW1'] = lin(ks[ki], din, H); ki += 1
        params[name + '_eb1'] = jnp.zeros((H,), jnp.float32)
        params[name + '_eW2'] = lin(ks[ki], H, H); ki += 1
        params[name + '_eb2'] = jnp.zeros((H,), jnp.float32)
        params[name + '_dW1'] = lin(ks[ki], H, H); ki += 1
        params[name + '_db1'] = jnp.zeros((H,), jnp.float32)
        params[name + '_dW2'] = lin(ks[ki], H, H); ki += 1
        params[name + '_db2'] = jnp.zeros((H,), jnp.float32)
    params['clf_W1'] = lin(ks[ki], H, H); ki += 1
    params['clf_b1'] = jnp.zeros((H,), jnp.float32)
    params['clf_W2'] = lin(ks[ki], H, C); ki += 1
    params['clf_b2'] = jnp.zeros((C,), jnp.float32)
    return {'x': x, 'edge_index': edge_index, 'edge_weight': edge_weight, 'params': params}


def reference(x, edge_index, edge_weight, params):
    # SetGNN.forward in eval mode (dropout = identity); task != 'bio'
    src = edge_index[0]
    dst = edge_index[1]
    # V2E uses edge_index (gather src -> scatter dst); E2V uses reversed edge_index.
    order = [('v2e0', src, dst), ('e2v0', dst, src), ('v2e1', src, dst), ('e2v1', dst, src)]
    h = x
    for name, s, d in order:
        h = jax.nn.relu(_half_nlh_conv(h, s, d, edge_weight, params, name))
    out = _mlp(h, params['clf_W1'], params['clf_b1'], params['clf_W2'], params['clf_b2'], False)
    return out

if __name__ == "__main__":
    import jax
    _d = setup_inputs()
    print(jax.jit(kernel)(*tuple(_d.values())))

</pallas_src>

<mosaic_0001>
#map = affine_map<(d0, d1) -> (0, 0)>
#map1 = affine_map<(d0, d1) -> (0, 0, 0)>
module attributes {stable_mosaic.version = 14 : i64} {
  func.func @scat(%arg0: i32, %arg1: i32, %arg2: memref<10000x64xf32, #tpu.memory_space<hbm>>, %arg3: memref<16x148x128xi32, #tpu.memory_space<hbm>>, %arg4: memref<16x148x128xi32, #tpu.memory_space<hbm>>, %arg5: memref<16x18944xf32, #tpu.memory_space<hbm>>, %arg6: memref<16x12x128xi32, #tpu.memory_space<hbm>>, %arg7: memref<16x12x128xi32, #tpu.memory_space<hbm>>, %arg8: memref<16x1536xf32, #tpu.memory_space<hbm>>, %arg9: memref<10000x64xf32, #tpu.memory_space<hbm>>, %arg10: memref<2x10000x64xf32, #tpu.memory_space<hbm>>, %arg11: memref<148x128xi32, #tpu.memory_space<vmem>>, %arg12: memref<148x128xi32, #tpu.memory_space<vmem>>, %arg13: memref<18944xf32, #tpu.memory_space<vmem>>, %arg14: memref<4x128x64xf32, #tpu.memory_space<vmem>>, %arg15: memref<10000x64xf32, #tpu.memory_space<vmem_shared>>, %arg16: memref<4x!tpu.dma_semaphore, #tpu.memory_space<semaphore_mem>>, %arg17: memref<4x!tpu.dma_semaphore, #tpu.memory_space<semaphore_mem>>) attributes {dimension_semantics = [#tpu.dimension_semantics<core_parallel>, #tpu.dimension_semantics<subcore_parallel>], iteration_bounds = array<i64: 2, 16>, scalar_prefetch = 0 : i64, scratch_operands = 7 : i64, tpu.core_type = #tpu.core_type<sc_vector_subcore>, window_params = [{transform_indices = #map}, {transform_indices = #map1}, {transform_indices = #map1}, {transform_indices = #map}, {transform_indices = #map1}, {transform_indices = #map1}, {transform_indices = #map}, {transform_indices = #map}, {transform_indices = #map1}]} {
    %eq3A = arith.constant 0 : i32
    %eq3A_0 = arith.cmpi eq, %arg0, %eq3A : i32
    %jit3A = arith.constant 148 : i32
    %jit3A_1 = arith.constant 12 : i32
    %select_n3A = arith.select %eq3A_0, %jit3A, %jit3A_1 : i32
    %eq3A_2 = arith.constant 0 : i32
    "tpu.trace_start"() <{level = 10 : i32, message = "stage_g"}> : () -> ()
    %eq3A_3 = arith.cmpi eq, %arg0, %eq3A_2 : i32
    %convert_element_type3A = arith.extui %eq3A_3 : i1 to i32
    %cond3A = arith.constant 0 : i32
    %cond3A_4 = arith.cmpi ne, %convert_element_type3A, %cond3A : i32
    scf.if %cond3A_4 {
      "tpu.region"() ({
        %run_scoped3A = tpu.sem_alloc : memref<!tpu.dma_semaphore, #tpu.memory_space<semaphore_mem>>
        %dma_start3A_114 = arith.constant 0 : i32
        %dma_start3A_115 = arith.constant 0 : i32
        %dma_start3A_116 = tpu.memref_slice %arg3[%arg1, %dma_start3A_114, %dma_start3A_115] : memref<16x148x128xi32, #tpu.memory_space<hbm>> -> memref<1x148x128xi32, #tpu.memory_space<hbm>>
        %dma_start3A_117 = tpu.memref_squeeze %dma_start3A_116 : memref<1x148x128xi32, #tpu.memory_space<hbm>> -> memref<148x128xi32, #tpu.memory_space<hbm>>
        %dma_start3A_118 = arith.constant 0 : i32
        %dma_start3A_119 = arith.constant 0 : i32
        %dma_start3A_120 = tpu.memref_slice %arg3[%arg1, %dma_start3A_118, %dma_start3A_119] : memref<16x148x128xi32, #tpu.memory_space<hbm>> -> memref<1x148x128xi32, #tpu.memory_space<hbm>>
        %dma_start3A_121 = tpu.memref_squeeze %dma_start3A_120 : memref<1x148x128xi32, #tpu.memory_space<hbm>> -> memref<148x128xi32, #tpu.memory_space<hbm>>
        tpu.enqueue_dma source(%dma_start3A_121 : memref<148x128xi32, #tpu.memory_space<hbm>>) target(%arg11 : memref<148x128xi32, #tpu.memory_space<vmem>>) target_semaphore(%run_scoped3A : memref<!tpu.dma_semaphore, #tpu.memory_space<semaphore_mem>>)
        %dma_wait3A_122 = arith.constant 0 : i32
        %dma_wait3A_123 = arith.constant 0 : i32
        %dma_wait3A_124 = tpu.memref_slice %arg3[%arg1, %dma_wait3A_122, %dma_wait3A_123] : memref<16x148x128xi32, #tpu.memory_space<hbm>> -> memref<1x148x128xi32, #tpu.memory_space<hbm>>
        %dma_wait3A_125 = tpu.memref_squeeze %dma_wait3A_124 : memref<1x148x128xi32, #tpu.memory_space<hbm>> -> memref<148x128xi32, #tpu.memory_space<hbm>>
        %dma_wait3A_126 = arith.constant 0 : i32
        %dma_wait3A_127 = arith.constant 0 : i32
        %dma_wait3A_128 = tpu.memref_slice %arg3[%arg1, %dma_wait3A_126, %dma_wait3A_127] : memref<16x148x128xi32, #tpu.memory_space<hbm>> -> memref<1x148x128xi32, #tpu.memory_space<hbm>>
        %dma_wait3A_129 = tpu.memref_squeeze %dma_wait3A_128 : memref<1x148x128xi32, #tpu.memory_space<hbm>> -> memref<148x128xi32, #tpu.memory_space<hbm>>
        tpu.wait_dma2 semaphore(%run_scoped3A : memref<!tpu.dma_semaphore, #tpu.memory_space<semaphore_mem>>) src(%dma_wait3A_129 : memref<148x128xi32, #tpu.memory_space<hbm>>) dst(%arg11 : memref<148x128xi32, #tpu.memory_space<vmem>>)
        tpu.yield
      }) : () -> ()
    } else {
    }
    %eq3A_5 = arith.constant 1 : i32
    %eq3A_6 = arith.cmpi eq, %arg0, %eq3A_5 : i32
    %convert_element_type3A_7 = arith.extui %eq3A_6 : i1 to i32
    %cond3A_8 = arith.constant 0 : i32
    %cond3A_9 = arith.cmpi ne, %convert_element_type3A_7, %cond3A_8 : i32
    scf.if %cond3A_9 {
      "tpu.region"() ({
        %run_scoped3A = tpu.sem_alloc : memref<!tpu.dma_semaphore, #tpu.memory_space<semaphore_mem>>
        %dma_start3A_114 = arith.constant 0 : i32
        %dma_start3A_115 = arith.constant 0 : i32
        %dma_start3A_116 = tpu.memref_slice %arg11[%dma_start3A_114, %dma_start3A_115] : memref<148x128xi32, #tpu.memory_space<vmem>> -> memref<12x128xi32, #tpu.memory_space<vmem>>
        %dma_start3A_117 = arith.constant 0 : i32
        %dma_start3A_118 = arith.constant 0 : i32
        %dma_start3A_119 = tpu.memref_slice %arg6[%arg1, %dma_start3A_117, %dma_start3A_118] : memref<16x12x128xi32, #tpu.memory_space<hbm>> -> memref<1x12x128xi32, #tpu.memory_space<hbm>>
        %dma_start3A_120 = tpu.memref_squeeze %dma_start3A_119 : memref<1x12x128xi32, #tpu.memory_space<hbm>> -> memref<12x128xi32, #tpu.memory_space<hbm>>
        %dma_start3A_121 = arith.constant 0 : i32
        %dma_start3A_122 = arith.constant 0 : i32
        %dma_start3A_123 = tpu.memref_slice %arg11[%dma_start3A_121, %dma_start3A_122] : memref<148x128xi32, #tpu.memory_space<vmem>> -> memref<12x128xi32, #tpu.memory_space<vmem>>
        %dma_start3A_124 = arith.constant 0 : i32
        %dma_start3A_125 = arith.constant 0 : i32
        %dma_start3A_126 = tpu.memref_slice %arg6[%arg1, %dma_start3A_124, %dma_start3A_125] : memref<16x12x128xi32, #tpu.memory_space<hbm>> -> memref<1x12x128xi32, #tpu.memory_space<hbm>>
        %dma_start3A_127 = tpu.memref_squeeze %dma_start3A_126 : memref<1x12x128xi32, #tpu.memory_space<hbm>> -> memref<12x128xi32, #tpu.memory_space<hbm>>
        tpu.enqueue_dma source(%dma_start3A_127 : memref<12x128xi32, #tpu.memory_space<hbm>>) target(%dma_start3A_123 : memref<12x128xi32, #tpu.memory_space<vmem>>) target_semaphore(%run_scoped3A : memref<!tpu.dma_semaphore, #tpu.memory_space<semaphore_mem>>)
        %dma_wait3A_128 = arith.constant 0 : i32
        %dma_wait3A_129 = arith.constant 0 : i32
        %dma_wait3A_130 = tpu.memref_slice %arg11[%dma_wait3A_128, %dma_wait3A_129] : memref<148x128xi32, #tpu.memory_space<vmem>> -> memref<12x128xi32, #tpu.memory_space<vmem>>
        %dma_wait3A_131 = arith.constant 0 : i32
        %dma_wait3A_132 = arith.constant 0 : i32
        %dma_wait3A_133 = tpu.memref_slice %arg6[%arg1, %dma_wait3A_131, %dma_wait3A_132] : memref<16x12x128xi32, #tpu.memory_space<hbm>> -> memref<1x12x128xi32, #tpu.memory_space<hbm>>
        %dma_wait3A_134 = tpu.memref_squeeze %dma_wait3A_133 : memref<1x12x128xi32, #tpu.memory_space<hbm>> -> memref<12x128xi32, #tpu.memory_space<hbm>>
        %dma_wait3A_135 = arith.constant 0 : i32
        %dma_wait3A_136 = arith.constant 0 : i32
        %dma_wait3A_137 = tpu.memref_slice %arg11[%dma_wait3A_135, %dma_wait3A_136] : memref<148x128xi32, #tpu.memory_space<vmem>> -> memref<12x128xi32, #tpu.memory_space<vmem>>
        %dma_wait3A_138 = arith.constant 0 : i32
        %dma_wait3A_139 = arith.constant 0 : i32
        %dma_wait3A_140 = tpu.memref_slice %arg6[%arg1, %dma_wait3A_138, %dma_wait3A_139] : memref<16x12x128xi32, #tpu.memory_space<hbm>> -> memref<1x12x128xi32, #tpu.memory_space<hbm>>
        %dma_wait3A_141 = tpu.memref_squeeze %dma_wait3A_140 : memref<1x12x128xi32, #tpu.memory_space<hbm>> -> memref<12x128xi32, #tpu.memory_space<hbm>>
        tpu.wait_dma2 semaphore(%run_scoped3A : memref<!tpu.dma_semaphore, #tpu.memory_space<semaphore_mem>>) src(%dma_wait3A_141 : memref<12x128xi32, #tpu.memory_space<hbm>>) dst(%dma_wait3A_137 : memref<12x128xi32, #tpu.memory_space<vmem>>)
        tpu.yield
      }) : () -> ()
    } else {
    }
    %dma_start3A = arith.constant 0 : i32
    %dma_start3A_10 = arith.constant 0 : i32
    %dma_start3A_11 = arith.constant 0 : i32
    "tpu.trace_stop"() : () -> ()
    %dma_start3A_12 = arith.constant 0 : i32
    %dma_start3A_13 = arith.constant 0 : i32
    %dma_start3A_14 = tpu.memref_slice %arg14[%dma_start3A_10, %dma_start3A_12, %dma_start3A_13] : memref<4x128x64xf32, #tpu.memory_space<vmem>> -> memref<1x128x64xf32, #tpu.memory_space<vmem>>
    %dma_start3A_15 = tpu.memref_squeeze %dma_start3A_14 : memref<1x128x64xf32, #tpu.memory_space<vmem>> -> memref<128x64xf32, #tpu.memory_space<vmem>>
    %dma_start3A_16 = arith.constant 0 : i32
    %dma_start3A_17 = tpu.memref_slice %arg11[%dma_start3A, %dma_start3A_16] : memref<148x128xi32, #tpu.memory_space<vmem>> -> memref<1x128xi32, #tpu.memory_space<vmem>>
    %dma_start3A_18 = tpu.memref_squeeze %dma_start3A_17 : memref<1x128xi32, #tpu.memory_space<vmem>> -> memref<128xi32, #tpu.memory_space<vmem>>
    %dma_start3A_19 = arith.constant 0 : i32
    %dma_start3A_20 = arith.constant 0 : i32
    %dma_start3A_21 = tpu.memref_slice %arg2[%dma_start3A_19, %dma_start3A_20] : memref<10000x64xf32, #tpu.memory_space<hbm>> -> memref<10000x64xf32, #tpu.memory_space<hbm>>
    %dma_start3A_22 = tpu.memref_slice %arg16[%dma_start3A_11] : memref<4x!tpu.dma_semaphore, #tpu.memory_space<semaphore_mem>> -> memref<1x!tpu.dma_semaphore, #tpu.memory_space<semaphore_mem>>
    %dma_start3A_23 = tpu.memref_squeeze %dma_start3A_22 : memref<1x!tpu.dma_semaphore, #tpu.memory_space<semaphore_mem>> -> memref<!tpu.dma_semaphore, #tpu.memory_space<semaphore_mem>>
    tpu.enqueue_indirect_dma source(%dma_start3A_21 : memref<10000x64xf32, #tpu.memory_space<hbm>>) target(%dma_start3A_15 : memref<128x64xf32, #tpu.memory_space<vmem>>) offsets(%dma_start3A_18 : memref<128xi32, #tpu.memory_space<vmem>>) semaphore(%dma_start3A_23 : memref<!tpu.dma_semaphore, #tpu.memory_space<semaphore_mem>>)
    %dma_start3A_24 = arith.constant 1 : i32
    %dma_start3A_25 = arith.constant 1 : i32
    %dma_start3A_26 = arith.constant 1 : i32
    %dma_start3A_27 = arith.constant 0 : i32
    %dma_start3A_28 = arith.constant 0 : i32
    %dma_start3A_29 = tpu.memref_slice %arg14[%dma_start3A_25, %dma_start3A_27, %dma_start3A_28] : memref<4x128x64xf32, #tpu.memory_space<vmem>> -> memref<1x128x64xf32, #tpu.memory_space<vmem>>
    %dma_start3A_30 = tpu.memref_squeeze %dma_start3A_29 : memref<1x128x64xf32, #tpu.memory_space<vmem>> -> memref<128x64xf32, #tpu.memory_space<vmem>>
    %dma_start3A_31 = arith.constant 0 : i32
    %dma_start3A_32 = tpu.memref_slice %arg11[%dma_start3A_24, %dma_start3A_31] : memref<148x128xi32, #tpu.memory_space<vmem>> -> memref<1x128xi32, #tpu.memory_space<vmem>>
    %dma_start3A_33 = tpu.memref_squeeze %dma_start3A_32 : memref<1x128xi32, #tpu.memory_space<vmem>> -> memref<128xi32, #tpu.memory_space<vmem>>
    %dma_start3A_34 = arith.constant 0 : i32
    %dma_start3A_35 = arith.constant 0 : i32
    %dma_start3A_36 = tpu.memref_slice %arg2[%dma_start3A_34, %dma_start3A_35] : memref<10000x64xf32, #tpu.memory_space<hbm>> -> memref<10000x64xf32, #tpu.memory_space<hbm>>
    %dma_start3A_37 = tpu.memref_slice %arg16[%dma_start3A_26] : memref<4x!tpu.dma_semaphore, #tpu.memory_space<semaphore_mem>> -> memref<1x!tpu.dma_semaphore, #tpu.memory_space<semaphore_mem>>
    %dma_start3A_38 = tpu.memref_squeeze %dma_start3A_37 : memref<1x!tpu.dma_semaphore, #tpu.memory_space<semaphore_mem>> -> memref<!tpu.dma_semaphore, #tpu.memory_space<semaphore_mem>>
    tpu.enqueue_indirect_dma source(%dma_start3A_36 : memref<10000x64xf32, #tpu.memory_space<hbm>>) target(%dma_start3A_30 : memref<128x64xf32, #tpu.memory_space<vmem>>) offsets(%dma_start3A_33 : memref<128xi32, #tpu.memory_space<vmem>>) semaphore(%dma_start3A_38 : memref<!tpu.dma_semaphore, #tpu.memory_space<semaphore_mem>>)
    %eq3A_39 = arith.constant 0 : i32
    "tpu.trace_start"() <{level = 10 : i32, message = "stage_sw"}> : () -> ()
    %eq3A_40 = arith.cmpi eq, %arg0, %eq3A_39 : i32
    %convert_element_type3A_41 = arith.extui %eq3A_40 : i1 to i32
    %cond3A_42 = arith.constant 0 : i32
    %cond3A_43 = arith.cmpi ne, %convert_element_type3A_41, %cond3A_42 : i32
    scf.if %cond3A_43 {
      "tpu.region"() ({
        %run_scoped3A = tpu.sem_alloc : memref<!tpu.dma_semaphore, #tpu.memory_space<semaphore_mem>>
        %dma_start3A_114 = arith.constant 0 : i32
        %dma_start3A_115 = arith.constant 0 : i32
        %dma_start3A_116 = tpu.memref_slice %arg4[%arg1, %dma_start3A_114, %dma_start3A_115] : memref<16x148x128xi32, #tpu.memory_space<hbm>> -> memref<1x148x128xi32, #tpu.memory_space<hbm>>
        %dma_start3A_117 = tpu.memref_squeeze %dma_start3A_116 : memref<1x148x128xi32, #tpu.memory_space<hbm>> -> memref<148x128xi32, #tpu.memory_space<hbm>>
        %dma_start3A_118 = arith.constant 0 : i32
        %dma_start3A_119 = arith.constant 0 : i32
        %dma_start3A_120 = tpu.memref_slice %arg4[%arg1, %dma_start3A_118, %dma_start3A_119] : memref<16x148x128xi32, #tpu.memory_space<hbm>> -> memref<1x148x128xi32, #tpu.memory_space<hbm>>
        %dma_start3A_121 = tpu.memref_squeeze %dma_start3A_120 : memref<1x148x128xi32, #tpu.memory_space<hbm>> -> memref<148x128xi32, #tpu.memory_space<hbm>>
        tpu.enqueue_dma source(%dma_start3A_121 : memref<148x128xi32, #tpu.memory_space<hbm>>) target(%arg12 : memref<148x128xi32, #tpu.memory_space<vmem>>) target_semaphore(%run_scoped3A : memref<!tpu.dma_semaphore, #tpu.memory_space<semaphore_mem>>)
        %dma_wait3A_122 = arith.constant 0 : i32
        %dma_wait3A_123 = arith.constant 0 : i32
        %dma_wait3A_124 = tpu.memref_slice %arg4[%arg1, %dma_wait3A_122, %dma_wait3A_123] : memref<16x148x128xi32, #tpu.memory_space<hbm>> -> memref<1x148x128xi32, #tpu.memory_space<hbm>>
        %dma_wait3A_125 = tpu.memref_squeeze %dma_wait3A_124 : memref<1x148x128xi32, #tpu.memory_space<hbm>> -> memref<148x128xi32, #tpu.memory_space<hbm>>
        %dma_wait3A_126 = arith.constant 0 : i32
        %dma_wait3A_127 = arith.constant 0 : i32
        %dma_wait3A_128 = tpu.memref_slice %arg4[%arg1, %dma_wait3A_126, %dma_wait3A_127] : memref<16x148x128xi32, #tpu.memory_space<hbm>> -> memref<1x148x128xi32, #tpu.memory_space<hbm>>
        %dma_wait3A_129 = tpu.memref_squeeze %dma_wait3A_128 : memref<1x148x128xi32, #tpu.memory_space<hbm>> -> memref<148x128xi32, #tpu.memory_space<hbm>>
        tpu.wait_dma2 semaphore(%run_scoped3A : memref<!tpu.dma_semaphore, #tpu.memory_space<semaphore_mem>>) src(%dma_wait3A_129 : memref<148x128xi32, #tpu.memory_space<hbm>>) dst(%arg12 : memref<148x128xi32, #tpu.memory_space<vmem>>)
        tpu.yield
      }) : () -> ()
      "tpu.region"() ({
        %run_scoped3A = tpu.sem_alloc : memref<!tpu.dma_semaphore, #tpu.memory_space<semaphore_mem>>
        %dma_start3A_114 = arith.constant 0 : i32
        %dma_start3A_115 = tpu.memref_slice %arg5[%arg1, %dma_start3A_114] : memref<16x18944xf32, #tpu.memory_space<hbm>> -> memref<1x18944xf32, #tpu.memory_space<hbm>>
        %dma_start3A_116 = tpu.memref_squeeze %dma_start3A_115 : memref<1x18944xf32, #tpu.memory_space<hbm>> -> memref<18944xf32, #tpu.memory_space<hbm>>
        %dma_start3A_117 = arith.constant 0 : i32
        %dma_start3A_118 = tpu.memref_slice %arg5[%arg1, %dma_start3A_117] : memref<16x18944xf32, #tpu.memory_space<hbm>> -> memref<1x18944xf32, #tpu.memory_space<hbm>>
        %dma_start3A_119 = tpu.memref_squeeze %dma_start3A_118 : memref<1x18944xf32, #tpu.memory_space<hbm>> -> memref<18944xf32, #tpu.memory_space<hbm>>
        tpu.enqueue_dma source(%dma_start3A_119 : memref<18944xf32, #tpu.memory_space<hbm>>) target(%arg13 : memref<18944xf32, #tpu.memory_space<vmem>>) target_semaphore(%run_scoped3A : memref<!tpu.dma_semaphore, #tpu.memory_space<semaphore_mem>>)
        %dma_wait3A_120 = arith.constant 0 : i32
        %dma_wait3A_121 = tpu.memref_slice %arg5[%arg1, %dma_wait3A_120] : memref<16x18944xf32, #tpu.memory_space<hbm>> -> memref<1x18944xf32, #tpu.memory_space<hbm>>
        %dma_wait3A_122 = tpu.memref_squeeze %dma_wait3A_121 : memref<1x18944xf32, #tpu.memory_space<hbm>> -> memref<18944xf32, #tpu.memory_space<hbm>>
        %dma_wait3A_123 = arith.constant 0 : i32
        %dma_wait3A_124 = tpu.memref_slice %arg5[%arg1, %dma_wait3A_123] : memref<16x18944xf32, #tpu.memory_space<hbm>> -> memref<1x18944xf32, #tpu.memory_space<hbm>>
        %dma_wait3A_125 = tpu.memref_squeeze %dma_wait3A_124 : memref<1x18944xf32, #tpu.memory_space<hbm>> -> memref<18944xf32, #tpu.memory_space<hbm>>
        tpu.wait_dma2 semaphore(%run_scoped3A : memref<!tpu.dma_semaphore, #tpu.memory_space<semaphore_mem>>) src(%dma_wait3A_125 : memref<18944xf32, #tpu.memory_space<hbm>>) dst(%arg13 : memref<18944xf32, #tpu.memory_space<vmem>>)
        tpu.yield
      }) : () -> ()
    } else {
    }
    %eq3A_44 = arith.constant 1 : i32
    %eq3A_45 = arith.cmpi eq, %arg0, %eq3A_44 : i32
    %convert_element_type3A_46 = arith.extui %eq3A_45 : i1 to i32
    %cond3A_47 = arith.constant 0 : i32
    %cond3A_48 = arith.cmpi ne, %convert_element_type3A_46, %cond3A_47 : i32
    scf.if %cond3A_48 {
      "tpu.region"() ({
        %run_scoped3A = tpu.sem_alloc : memref<!tpu.dma_semaphore, #tpu.memory_space<semaphore_mem>>
        %dma_start3A_114 = arith.constant 0 : i32
        %dma_start3A_115 = arith.constant 0 : i32
        %dma_start3A_116 = tpu.memref_slice %arg12[%dma_start3A_114, %dma_start3A_115] : memref<148x128xi32, #tpu.memory_space<vmem>> -> memref<12x128xi32, #tpu.memory_space<vmem>>
        %dma_start3A_117 = arith.constant 0 : i32
        %dma_start3A_118 = arith.constant 0 : i32
        %dma_start3A_119 = tpu.memref_slice %arg7[%arg1, %dma_start3A_117, %dma_start3A_118] : memref<16x12x128xi32, #tpu.memory_space<hbm>> -> memref<1x12x128xi32, #tpu.memory_space<hbm>>
        %dma_start3A_120 = tpu.memref_squeeze %dma_start3A_119 : memref<1x12x128xi32, #tpu.memory_space<hbm>> -> memref<12x128xi32, #tpu.memory_space<hbm>>
        %dma_start3A_121 = arith.constant 0 : i32
        %dma_start3A_122 = arith.constant 0 : i32
        %dma_start3A_123 = tpu.memref_slice %arg12[%dma_start3A_121, %dma_start3A_122] : memref<148x128xi32, #tpu.memory_space<vmem>> -> memref<12x128xi32, #tpu.memory_space<vmem>>
        %dma_start3A_124 = arith.constant 0 : i32
        %dma_start3A_125 = arith.constant 0 : i32
        %dma_start3A_126 = tpu.memref_slice %arg7[%arg1, %dma_start3A_124, %dma_start3A_125] : memref<16x12x128xi32, #tpu.memory_space<hbm>> -> memref<1x12x128xi32, #tpu.memory_space<hbm>>
        %dma_start3A_127 = tpu.memref_squeeze %dma_start3A_126 : memref<1x12x128xi32, #tpu.memory_space<hbm>> -> memref<12x128xi32, #tpu.memory_space<hbm>>
        tpu.enqueue_dma source(%dma_start3A_127 : memref<12x128xi32, #tpu.memory_space<hbm>>) target(%dma_start3A_123 : memref<12x128xi32, #tpu.memory_space<vmem>>) target_semaphore(%run_scoped3A : memref<!tpu.dma_semaphore, #tpu.memory_space<semaphore_mem>>)
        %dma_wait3A_128 = arith.constant 0 : i32
        %dma_wait3A_129 = arith.constant 0 : i32
        %dma_wait3A_130 = tpu.memref_slice %arg12[%dma_wait3A_128, %dma_wait3A_129] : memref<148x128xi32, #tpu.memory_space<vmem>> -> memref<12x128xi32, #tpu.memory_space<vmem>>
        %dma_wait3A_131 = arith.constant 0 : i32
        %dma_wait3A_132 = arith.constant 0 : i32
        %dma_wait3A_133 = tpu.memref_slice %arg7[%arg1, %dma_wait3A_131, %dma_wait3A_132] : memref<16x12x128xi32, #tpu.memory_space<hbm>> -> memref<1x12x128xi32, #tpu.memory_space<hbm>>
        %dma_wait3A_134 = tpu.memref_squeeze %dma_wait3A_133 : memref<1x12x128xi32, #tpu.memory_space<hbm>> -> memref<12x128xi32, #tpu.memory_space<hbm>>
        %dma_wait3A_135 = arith.constant 0 : i32
        %dma_wait3A_136 = arith.constant 0 : i32
        %dma_wait3A_137 = tpu.memref_slice %arg12[%dma_wait3A_135, %dma_wait3A_136] : memref<148x128xi32, #tpu.memory_space<vmem>> -> memref<12x128xi32, #tpu.memory_space<vmem>>
        %dma_wait3A_138 = arith.constant 0 : i32
        %dma_wait3A_139 = arith.constant 0 : i32
        %dma_wait3A_140 = tpu.memref_slice %arg7[%arg1, %dma_wait3A_138, %dma_wait3A_139] : memref<16x12x128xi32, #tpu.memory_space<hbm>> -> memref<1x12x128xi32, #tpu.memory_space<hbm>>
        %dma_wait3A_141 = tpu.memref_squeeze %dma_wait3A_140 : memref<1x12x128xi32, #tpu.memory_space<hbm>> -> memref<12x128xi32, #tpu.memory_space<hbm>>
        tpu.wait_dma2 semaphore(%run_scoped3A : memref<!tpu.dma_semaphore, #tpu.memory_space<semaphore_mem>>) src(%dma_wait3A_141 : memref<12x128xi32, #tpu.memory_space<hbm>>) dst(%dma_wait3A_137 : memref<12x128xi32, #tpu.memory_space<vmem>>)
        tpu.yield
      }) : () -> ()
      "tpu.region"() ({
        %run_scoped3A = tpu.sem_alloc : memref<!tpu.dma_semaphore, #tpu.memory_space<semaphore_mem>>
        %dma_start3A_114 = arith.constant 0 : i32
        %dma_start3A_115 = tpu.memref_slice %arg13[%dma_start3A_114] : memref<18944xf32, #tpu.memory_space<vmem>> -> memref<1536xf32, #tpu.memory_space<vmem>>
        %dma_start3A_116 = arith.constant 0 : i32
        %dma_start3A_117 = tpu.memref_slice %arg8[%arg1, %dma_start3A_116] : memref<16x1536xf32, #tpu.memory_space<hbm>> -> memref<1x1536xf32, #tpu.memory_space<hbm>>
        %dma_start3A_118 = tpu.memref_squeeze %dma_start3A_117 : memref<1x1536xf32, #tpu.memory_space<hbm>> -> memref<1536xf32, #tpu.memory_space<hbm>>
        %dma_start3A_119 = arith.constant 0 : i32
        %dma_start3A_120 = tpu.memref_slice %arg13[%dma_start3A_119] : memref<18944xf32, #tpu.memory_space<vmem>> -> memref<1536xf32, #tpu.memory_space<vmem>>
        %dma_start3A_121 = arith.constant 0 : i32
        %dma_start3A_122 = tpu.memref_slice %arg8[%arg1, %dma_start3A_121] : memref<16x1536xf32, #tpu.memory_space<hbm>> -> memref<1x1536xf32, #tpu.memory_space<hbm>>
        %dma_start3A_123 = tpu.memref_squeeze %dma_start3A_122 : memref<1x1536xf32, #tpu.memory_space<hbm>> -> memref<1536xf32, #tpu.memory_space<hbm>>
        tpu.enqueue_dma source(%dma_start3A_123 : memref<1536xf32, #tpu.memory_space<hbm>>) target(%dma_start3A_120 : memref<1536xf32, #tpu.memory_space<vmem>>) target_semaphore(%run_scoped3A : memref<!tpu.dma_semaphore, #tpu.memory_space<semaphore_mem>>)
        %dma_wait3A_124 = arith.constant 0 : i32
        %dma_wait3A_125 = tpu.memref_slice %arg13[%dma_wait3A_124] : memref<18944xf32, #tpu.memory_space<vmem>> -> memref<1536xf32, #tpu.memory_space<vmem>>
        %dma_wait3A_126 = arith.constant 0 : i32
        %dma_wait3A_127 = tpu.memref_slice %arg8[%arg1, %dma_wait3A_126] : memref<16x1536xf32, #tpu.memory_space<hbm>> -> memref<1x1536xf32, #tpu.memory_space<hbm>>
        %dma_wait3A_128 = tpu.memref_squeeze %dma_wait3A_127 : memref<1x1536xf32, #tpu.memory_space<hbm>> -> memref<1536xf32, #tpu.memory_space<hbm>>
        %dma_wait3A_129 = arith.constant 0 : i32
        %dma_wait3A_130 = tpu.memref_slice %arg13[%dma_wait3A_129] : memref<18944xf32, #tpu.memory_space<vmem>> -> memref<1536xf32, #tpu.memory_space<vmem>>
        %dma_wait3A_131 = arith.constant 0 : i32
        %dma_wait3A_132 = tpu.memref_slice %arg8[%arg1, %dma_wait3A_131] : memref<16x1536xf32, #tpu.memory_space<hbm>> -> memref<1x1536xf32, #tpu.memory_space<hbm>>
        %dma_wait3A_133 = tpu.memref_squeeze %dma_wait3A_132 : memref<1x1536xf32, #tpu.memory_space<hbm>> -> memref<1536xf32, #tpu.memory_space<hbm>>
        tpu.wait_dma2 semaphore(%run_scoped3A : memref<!tpu.dma_semaphore, #tpu.memory_space<semaphore_mem>>) src(%dma_wait3A_133 : memref<1536xf32, #tpu.memory_space<hbm>>) dst(%dma_wait3A_130 : memref<1536xf32, #tpu.memory_space<vmem>>)
        tpu.yield
      }) : () -> ()
    } else {
    }
    "tpu.trace_stop"() : () -> ()
    "tpu.trace_start"() <{level = 10 : i32, message = "zeroinit"}> : () -> ()
    %mul3A = arith.constant 624 : i32
    %mul3A_49 = arith.muli %arg1, %mul3A : i32
    %mul3A_50 = arith.constant 624 : i32
    %mul3A_51 = arith.muli %arg1, %mul3A_50 : i32
    "tpu.region"() ({
      %run_scoped3A = tpu.sem_alloc : memref<!tpu.dma_semaphore, #tpu.memory_space<semaphore_mem>>
      %dma_start3A_114 = arith.constant 0 : i32
      %dma_start3A_115 = tpu.memref_slice %arg15[%mul3A_51, %dma_start3A_114] : memref<10000x64xf32, #tpu.memory_space<vmem_shared>> -> memref<624x64xf32, #tpu.memory_space<vmem_shared>>
      %dma_start3A_116 = arith.constant 0 : i32
      %dma_start3A_117 = tpu.memref_slice %arg9[%mul3A_49, %dma_start3A_116] : memref<10000x64xf32, #tpu.memory_space<hbm>> -> memref<624x64xf32, #tpu.memory_space<hbm>>
      tpu.enqueue_dma source(%dma_start3A_117 : memref<624x64xf32, #tpu.memory_space<hbm>>) target(%dma_start3A_115 : memref<624x64xf32, #tpu.memory_space<vmem_shared>>) target_semaphore(%run_scoped3A : memref<!tpu.dma_semaphore, #tpu.memory_space<semaphore_mem>>)
      %dma_wait3A_118 = arith.constant 0 : i32
      %dma_wait3A_119 = tpu.memref_slice %arg15[%mul3A_51, %dma_wait3A_118] : memref<10000x64xf32, #tpu.memory_space<vmem_shared>> -> memref<624x64xf32, #tpu.memory_space<vmem_shared>>
      %dma_wait3A_120 = arith.constant 0 : i32
      %dma_wait3A_121 = tpu.memref_slice %arg9[%mul3A_49, %dma_wait3A_120] : memref<10000x64xf32, #tpu.memory_space<hbm>> -> memref<624x64xf32, #tpu.memory_space<hbm>>
      tpu.wait_dma2 semaphore(%run_scoped3A : memref<!tpu.dma_semaphore, #tpu.memory_space<semaphore_mem>>) src(%dma_wait3A_121 : memref<624x64xf32, #tpu.memory_space<hbm>>) dst(%dma_wait3A_119 : memref<624x64xf32, #tpu.memory_space<vmem_shared>>)
      tpu.yield
    }) : () -> ()
    %eq3A_52 = arith.constant 15 : i32
    %eq3A_53 = arith.cmpi eq, %arg1, %eq3A_52 : i32
    %convert_element_type3A_54 = arith.extui %eq3A_53 : i1 to i32
    %cond3A_55 = arith.constant 0 : i32
    %cond3A_56 = arith.cmpi ne, %convert_element_type3A_54, %cond3A_55 : i32
    scf.if %cond3A_56 {
      "tpu.region"() ({
        %run_scoped3A = tpu.sem_alloc : memref<!tpu.dma_semaphore, #tpu.memory_space<semaphore_mem>>
        %dma_start3A_114 = arith.constant 9984 : i32
        %dma_start3A_115 = arith.constant 0 : i32
        %dma_start3A_116 = tpu.memref_slice %arg15[%dma_start3A_114, %dma_start3A_115] : memref<10000x64xf32, #tpu.memory_space<vmem_shared>> -> memref<16x64xf32, #tpu.memory_space<vmem_shared>>
        %dma_start3A_117 = arith.constant 9984 : i32
        %dma_start3A_118 = arith.constant 0 : i32
        %dma_start3A_119 = tpu.memref_slice %arg9[%dma_start3A_117, %dma_start3A_118] : memref<10000x64xf32, #tpu.memory_space<hbm>> -> memref<16x64xf32, #tpu.memory_space<hbm>>
        tpu.enqueue_dma source(%dma_start3A_119 : memref<16x64xf32, #tpu.memory_space<hbm>>) target(%dma_start3A_116 : memref<16x64xf32, #tpu.memory_space<vmem_shared>>) target_semaphore(%run_scoped3A : memref<!tpu.dma_semaphore, #tpu.memory_space<semaphore_mem>>)
        %dma_wait3A_120 = arith.constant 9984 : i32
        %dma_wait3A_121 = arith.constant 0 : i32
        %dma_wait3A_122 = tpu.memref_slice %arg15[%dma_wait3A_120, %dma_wait3A_121] : memref<10000x64xf32, #tpu.memory_space<vmem_shared>> -> memref<16x64xf32, #tpu.memory_space<vmem_shared>>
        %dma_wait3A_123 = arith.constant 9984 : i32
        %dma_wait3A_124 = arith.constant 0 : i32
        %dma_wait3A_125 = tpu.memref_slice %arg9[%dma_wait3A_123, %dma_wait3A_124] : memref<10000x64xf32, #tpu.memory_space<hbm>> -> memref<16x64xf32, #tpu.memory_space<hbm>>
        tpu.wait_dma2 semaphore(%run_scoped3A : memref<!tpu.dma_semaphore, #tpu.memory_space<semaphore_mem>>) src(%dma_wait3A_125 : memref<16x64xf32, #tpu.memory_space<hbm>>) dst(%dma_wait3A_122 : memref<16x64xf32, #tpu.memory_space<vmem_shared>>)
        tpu.yield
      }) : () -> ()
    } else {
    }
    "tpu.trace_stop"() : () -> ()
    "tpu.trace_start"() <{level = 10 : i32, message = "barrier1"}> : () -> ()
    %barrier3A = arith.constant 0 : index
    tpu.barrier barrier_id(%barrier3A)
    "tpu.trace_stop"() : () -> ()
    "tpu.trace_start"() <{level = 10 : i32, message = "pipe"}> : () -> ()
    %sub3A = arith.constant 0 : i32
    %sub3A_57 = arith.subi %select_n3A, %sub3A : i32
    %sub3A_58 = arith.constant 1 : i32
    %sub3A_59 = arith.constant 1 : i32
    %sub3A_60 = arith.subi %sub3A_58, %sub3A_59 : i32
    %add3A = arith.addi %sub3A_57, %sub3A_60 : i32
    %div3A = arith.constant 1 : i32
    %div3A_61 = arith.divsi %add3A, %div3A : i32
    %while3A = arith.constant 1 : i32
    %while3A_62 = arith.constant 0 : i32
    %while3A_63 = arith.constant 0 : i32
    %while3A_64 = arith.subi %div3A_61, %while3A_63 : i32
    %while3A_65 = arith.addi %while3A_63, %while3A_64 : i32
    %while3A_66 = arith.constant 1 : i32
    %while3A_67 = arith.divsi %while3A_64, %while3A_66 : i32
    %while3A_68 = arith.muli %while3A_67, %while3A_66 : i32
    %while3A_69 = arith.addi %while3A_63, %while3A_68 : i32
    %while3A_70 = arith.constant 1 : i32
    scf.for %while3A_114 = %while3A_63 to %while3A_69 step %while3A_70  : i32 {
      %mul3A_115 = arith.muli %while3A_114, %while3A : i32
      %add3A_116 = arith.addi %while3A_62, %mul3A_115 : i32
      %rem3A_117 = arith.constant 4 : i32
      %rem3A_118 = arith.remsi %add3A_116, %rem3A_117 : i32
      %ge3A = arith.constant 2 : i32
      %ge3A_119 = arith.cmpi sge, %add3A_116, %ge3A : i32
      %convert_element_type3A_120 = arith.extui %ge3A_119 : i1 to i32
      %cond3A_121 = arith.constant 0 : i32
      %cond3A_122 = arith.cmpi ne, %convert_element_type3A_120, %cond3A_121 : i32
      scf.if %cond3A_122 {
        %add3A_155 = arith.constant 2 : i32
        %add3A_156 = arith.addi %add3A_116, %add3A_155 : i32
        %rem3A_157 = arith.constant 4 : i32
        %rem3A_158 = arith.remsi %add3A_156, %rem3A_157 : i32
        %dma_wait3A_159 = arith.constant 0 : i32
        %dma_wait3A_160 = arith.constant 0 : i32
        %dma_wait3A_161 = arith.constant 0 : i32
        %dma_wait3A_162 = tpu.memref_slice %arg14[%rem3A_158, %dma_wait3A_160, %dma_wait3A_161] : memref<4x128x64xf32, #tpu.memory_space<vmem>> -> memref<1x128x64xf32, #tpu.memory_space<vmem>>
        %dma_wait3A_163 = tpu.memref_squeeze %dma_wait3A_162 : memref<1x128x64xf32, #tpu.memory_space<vmem>> -> memref<128x64xf32, #tpu.memory_space<vmem>>
        %dma_wait3A_164 = arith.constant 0 : i32
        %dma_wait3A_165 = tpu.memref_slice %arg12[%dma_wait3A_159, %dma_wait3A_164] : memref<148x128xi32, #tpu.memory_space<vmem>> -> memref<1x128xi32, #tpu.memory_space<vmem>>
        %dma_wait3A_166 = tpu.memref_squeeze %dma_wait3A_165 : memref<1x128xi32, #tpu.memory_space<vmem>> -> memref<128xi32, #tpu.memory_space<vmem>>
        %dma_wait3A_167 = arith.constant 0 : i32
        %dma_wait3A_168 = arith.constant 0 : i32
        %dma_wait3A_169 = tpu.memref_slice %arg15[%dma_wait3A_167, %dma_wait3A_168] : memref<10000x64xf32, #tpu.memory_space<vmem_shared>> -> memref<10000x64xf32, #tpu.memory_space<vmem_shared>>
        %dma_wait3A_170 = tpu.memref_slice %arg17[%rem3A_158] : memref<4x!tpu.dma_semaphore, #tpu.memory_space<semaphore_mem>> -> memref<1x!tpu.dma_semaphore, #tpu.memory_space<semaphore_mem>>
        %dma_wait3A_171 = tpu.memref_squeeze %dma_wait3A_170 : memref<1x!tpu.dma_semaphore, #tpu.memory_space<semaphore_mem>> -> memref<!tpu.dma_semaphore, #tpu.memory_space<semaphore_mem>>
        tpu.wait_indirect_dma semaphore(%dma_wait3A_171 : memref<!tpu.dma_semaphore, #tpu.memory_space<semaphore_mem>>) src(%dma_wait3A_163 : memref<128x64xf32, #tpu.memory_space<vmem>>) dst(%dma_wait3A_169 : memref<10000x64xf32, #tpu.memory_space<vmem_shared>>)
      } else {
      }
      %add3A_123 = arith.constant 2 : i32
      %add3A_124 = arith.addi %add3A_116, %add3A_123 : i32
      %lt3A = arith.cmpi slt, %add3A_124, %select_n3A : i32
      %convert_element_type3A_125 = arith.extui %lt3A : i1 to i32
      %cond3A_126 = arith.constant 0 : i32
      %cond3A_127 = arith.cmpi ne, %convert_element_type3A_125, %cond3A_126 : i32
      scf.if %cond3A_127 {
        %add3A_155 = arith.constant 2 : i32
        %add3A_156 = arith.addi %add3A_116, %add3A_155 : i32
        %add3A_157 = arith.constant 2 : i32
        %add3A_158 = arith.addi %add3A_116, %add3A_157 : i32
        %rem3A_159 = arith.constant 4 : i32
        %rem3A_160 = arith.remsi %add3A_158, %rem3A_159 : i32
        %dma_start3A_161 = arith.constant 0 : i32
        %dma_start3A_162 = arith.constant 0 : i32
        %dma_start3A_163 = tpu.memref_slice %arg14[%rem3A_160, %dma_start3A_161, %dma_start3A_162] : memref<4x128x64xf32, #tpu.memory_space<vmem>> -> memref<1x128x64xf32, #tpu.memory_space<vmem>>
        %dma_start3A_164 = tpu.memref_squeeze %dma_start3A_163 : memref<1x128x64xf32, #tpu.memory_space<vmem>> -> memref<128x64xf32, #tpu.memory_space<vmem>>
        %dma_start3A_165 = arith.constant 0 : i32
        %dma_start3A_166 = tpu.memref_slice %arg11[%add3A_156, %dma_start3A_165] : memref<148x128xi32, #tpu.memory_space<vmem>> -> memref<1x128xi32, #tpu.memory_space<vmem>>
        %dma_start3A_167 = tpu.memref_squeeze %dma_start3A_166 : memref<1x128xi32, #tpu.memory_space<vmem>> -> memref<128xi32, #tpu.memory_space<vmem>>
        %dma_start3A_168 = arith.constant 0 : i32
        %dma_start3A_169 = arith.constant 0 : i32
        %dma_start3A_170 = tpu.memref_slice %arg2[%dma_start3A_168, %dma_start3A_169] : memref<10000x64xf32, #tpu.memory_space<hbm>> -> memref<10000x64xf32, #tpu.memory_space<hbm>>
        %dma_start3A_171 = tpu.memref_slice %arg16[%rem3A_160] : memref<4x!tpu.dma_semaphore, #tpu.memory_space<semaphore_mem>> -> memref<1x!tpu.dma_semaphore, #tpu.memory_space<semaphore_mem>>
        %dma_start3A_172 = tpu.memref_squeeze %dma_start3A_171 : memref<1x!tpu.dma_semaphore, #tpu.memory_space<semaphore_mem>> -> memref<!tpu.dma_semaphore, #tpu.memory_space<semaphore_mem>>
        tpu.enqueue_indirect_dma source(%dma_start3A_170 : memref<10000x64xf32, #tpu.memory_space<hbm>>) target(%dma_start3A_164 : memref<128x64xf32, #tpu.memory_space<vmem>>) offsets(%dma_start3A_167 : memref<128xi32, #tpu.memory_space<vmem>>) semaphore(%dma_start3A_172 : memref<!tpu.dma_semaphore, #tpu.memory_space<semaphore_mem>>)
      } else {
      }
      %dma_wait3A_128 = arith.constant 0 : i32
      %dma_wait3A_129 = arith.constant 0 : i32
      %dma_wait3A_130 = arith.constant 0 : i32
      %dma_wait3A_131 = tpu.memref_slice %arg14[%rem3A_118, %dma_wait3A_129, %dma_wait3A_130] : memref<4x128x64xf32, #tpu.memory_space<vmem>> -> memref<1x128x64xf32, #tpu.memory_space<vmem>>
      %dma_wait3A_132 = tpu.memref_squeeze %dma_wait3A_131 : memref<1x128x64xf32, #tpu.memory_space<vmem>> -> memref<128x64xf32, #tpu.memory_space<vmem>>
      %dma_wait3A_133 = arith.constant 0 : i32
      %dma_wait3A_134 = tpu.memref_slice %arg11[%dma_wait3A_128, %dma_wait3A_133] : memref<148x128xi32, #tpu.memory_space<vmem>> -> memref<1x128xi32, #tpu.memory_space<vmem>>
      %dma_wait3A_135 = tpu.memref_squeeze %dma_wait3A_134 : memref<1x128xi32, #tpu.memory_space<vmem>> -> memref<128xi32, #tpu.memory_space<vmem>>
      %dma_wait3A_136 = arith.constant 0 : i32
      %dma_wait3A_137 = arith.constant 0 : i32
      %dma_wait3A_138 = tpu.memref_slice %arg2[%dma_wait3A_136, %dma_wait3A_137] : memref<10000x64xf32, #tpu.memory_space<hbm>> -> memref<10000x64xf32, #tpu.memory_space<hbm>>
      %dma_wait3A_139 = tpu.memref_slice %arg16[%rem3A_118] : memref<4x!tpu.dma_semaphore, #tpu.memory_space<semaphore_mem>> -> memref<1x!tpu.dma_semaphore, #tpu.memory_space<semaphore_mem>>
      %dma_wait3A_140 = tpu.memref_squeeze %dma_wait3A_139 : memref<1x!tpu.dma_semaphore, #tpu.memory_space<semaphore_mem>> -> memref<!tpu.dma_semaphore, #tpu.memory_space<semaphore_mem>>
      tpu.wait_indirect_dma semaphore(%dma_wait3A_140 : memref<!tpu.dma_semaphore, #tpu.memory_space<semaphore_mem>>) src(%dma_wait3A_138 : memref<10000x64xf32, #tpu.memory_space<hbm>>) dst(%dma_wait3A_132 : memref<128x64xf32, #tpu.memory_space<vmem>>)
      %parallel_loop3A = arith.constant 0 : i32
      %parallel_loop3A_141 = arith.constant 8 : i32
      %parallel_loop3A_142 = arith.constant 1 : i32
      scf.for %parallel_loop3A_155 = %parallel_loop3A to %parallel_loop3A_141 step %parallel_loop3A_142  : i32 {
        %parallel_loop3A_156 = arith.constant 128 : i32
        %parallel_loop3A_157 = arith.muli %add3A_116, %parallel_loop3A_156 : i32
        %parallel_loop3A_158 = arith.constant 16 : i32
        %parallel_loop3A_159 = arith.muli %parallel_loop3A_155, %parallel_loop3A_158 : i32
        %parallel_loop3A_160 = arith.addi %parallel_loop3A_157, %parallel_loop3A_159 : i32
        %parallel_loop3A_161 = arith.index_cast %parallel_loop3A_160 : i32 to index
        %parallel_loop3A_162 = tpu.vector_load %arg13[%parallel_loop3A_161] {strides = array<i32>} : memref<18944xf32, #tpu.memory_space<vmem>>, vector<16xf32>,
        %parallel_loop3A_163 = vector.shape_cast %parallel_loop3A_162 : vector<16xf32> to vector<16xf32>
        %parallel_loop3A_164 = arith.constant 16 : i32
        %parallel_loop3A_165 = arith.muli %parallel_loop3A_155, %parallel_loop3A_164 : i32
        %parallel_loop3A_166 = arith.constant 0 : i32
        %parallel_loop3A_167 = arith.addi %parallel_loop3A_165, %parallel_loop3A_166 : i32
        %parallel_loop3A_168 = vector.extract_strided_slice %parallel_loop3A_163 {offsets = [0], sizes = [1], strides = [1]} : vector<16xf32> to vector<1xf32>
        %parallel_loop3A_169 = vector.extract %parallel_loop3A_168[0] : f32 from vector<1xf32>
        %parallel_loop3A_170 = vector.broadcast %parallel_loop3A_169 : f32 to vector<16xf32>
        %parallel_loop3A_171 = arith.constant 0 : i32
        %parallel_loop3A_172 = arith.addi %parallel_loop3A_167, %parallel_loop3A_171 : i32
        %parallel_loop3A_173 = arith.constant 0 : i32
        %parallel_loop3A_174 = arith.constant 0 : i32
        %parallel_loop3A_175 = tpu.memref_slice %arg14[%rem3A_118, %parallel_loop3A_173, %parallel_loop3A_174] : memref<4x128x64xf32, #tpu.memory_space<vmem>> -> memref<1x128x64xf32, #tpu.memory_space<vmem>>
        %parallel_loop3A_176 = tpu.memref_squeeze %parallel_loop3A_175 : memref<1x128x64xf32, #tpu.memory_space<vmem>> -> memref<128x64xf32, #tpu.memory_space<vmem>>
        %parallel_loop3A_177 = arith.index_cast %parallel_loop3A_172 : i32 to index
        %parallel_loop3A_178 = arith.constant 0 : index
        %parallel_loop3A_179 = tpu.vector_load %parallel_loop3A_176[%parallel_loop3A_177, %parallel_loop3A_178] {strides = array<i32>} : memref<128x64xf32, #tpu.memory_space<vmem>>, vector<1x16xf32>,
        %parallel_loop3A_180 = vector.shape_cast %parallel_loop3A_179 : vector<1x16xf32> to vector<16xf32>
        %parallel_loop3A_181 = arith.mulf %parallel_loop3A_180, %parallel_loop3A_170 : vector<16xf32>
        %parallel_loop3A_182 = arith.constant 0 : i32
        %parallel_loop3A_183 = arith.addi %parallel_loop3A_167, %parallel_loop3A_182 : i32
        %parallel_loop3A_184 = arith.constant 0 : i32
        %parallel_loop3A_185 = arith.constant 0 : i32
        %parallel_loop3A_186 = tpu.memref_slice %arg14[%rem3A_118, %parallel_loop3A_184, %parallel_loop3A_185] : memref<4x128x64xf32, #tpu.memory_space<vmem>> -> memref<1x128x64xf32, #tpu.memory_space<vmem>>
        %parallel_loop3A_187 = tpu.memref_squeeze %parallel_loop3A_186 : memref<1x128x64xf32, #tpu.memory_space<vmem>> -> memref<128x64xf32, #tpu.memory_space<vmem>>
        %parallel_loop3A_188 = arith.index_cast %parallel_loop3A_183 : i32 to index
        %parallel_loop3A_189 = arith.constant 16 : index
        %parallel_loop3A_190 = tpu.vector_load %parallel_loop3A_187[%parallel_loop3A_188, %parallel_loop3A_189] {strides = array<i32>} : memref<128x64xf32, #tpu.memory_space<vmem>>, vector<1x16xf32>,
        %parallel_loop3A_191 = vector.shape_cast %parallel_loop3A_190 : vector<1x16xf32> to vector<16xf32>
        %parallel_loop3A_192 = arith.mulf %parallel_loop3A_191, %parallel_loop3A_170 : vector<16xf32>
        %parallel_loop3A_193 = arith.constant 0 : i32
        %parallel_loop3A_194 = arith.addi %parallel_loop3A_167, %parallel_loop3A_193 : i32
        %parallel_loop3A_195 = arith.constant 0 : i32
        %parallel_loop3A_196 = arith.constant 0 : i32
        %parallel_loop3A_197 = tpu.memref_slice %arg14[%rem3A_118, %parallel_loop3A_195, %parallel_loop3A_196] : memref<4x128x64xf32, #tpu.memory_space<vmem>> -> memref<1x128x64xf32, #tpu.memory_space<vmem>>
        %parallel_loop3A_198 = tpu.memref_squeeze %parallel_loop3A_197 : memref<1x128x64xf32, #tpu.memory_space<vmem>> -> memref<128x64xf32, #tpu.memory_space<vmem>>
        %parallel_loop3A_199 = arith.index_cast %parallel_loop3A_194 : i32 to index
        %parallel_loop3A_200 = arith.constant 32 : index
        %parallel_loop3A_201 = tpu.vector_load %parallel_loop3A_198[%parallel_loop3A_199, %parallel_loop3A_200] {strides = array<i32>} : memref<128x64xf32, #tpu.memory_space<vmem>>, vector<1x16xf32>,
        %parallel_loop3A_202 = vector.shape_cast %parallel_loop3A_201 : vector<1x16xf32> to vector<16xf32>
        %parallel_loop3A_203 = arith.mulf %parallel_loop3A_202, %parallel_loop3A_170 : vector<16xf32>
        %parallel_loop3A_204 = arith.constant 0 : i32
        %parallel_loop3A_205 = arith.addi %parallel_loop3A_167, %parallel_loop3A_204 : i32
        %parallel_loop3A_206 = arith.constant 0 : i32
        %parallel_loop3A_207 = arith.constant 0 : i32
        %parallel_loop3A_208 = tpu.memref_slice %arg14[%rem3A_118, %parallel_loop3A_206, %parallel_loop3A_207] : memref<4x128x64xf32, #tpu.memory_space<vmem>> -> memref<1x128x64xf32, #tpu.memory_space<vmem>>
        %parallel_loop3A_209 = tpu.memref_squeeze %parallel_loop3A_208 : memref<1x128x64xf32, #tpu.memory_space<vmem>> -> memref<128x64xf32, #tpu.memory_space<vmem>>
        %parallel_loop3A_210 = arith.index_cast %parallel_loop3A_205 : i32 to index
        %parallel_loop3A_211 = arith.constant 48 : index
        %parallel_loop3A_212 = tpu.vector_load %parallel_loop3A_209[%parallel_loop3A_210, %parallel_loop3A_211] {strides = array<i32>} : memref<128x64xf32, #tpu.memory_space<vmem>>, vector<1x16xf32>,
        %parallel_loop3A_213 = vector.shape_cast %parallel_loop3A_212 : vector<1x16xf32> to vector<16xf32>
        %parallel_loop3A_214 = arith.mulf %parallel_loop3A_213, %parallel_loop3A_170 : vector<16xf32>
        %parallel_loop3A_215 = vector.extract_strided_slice %parallel_loop3A_163 {offsets = [1], sizes = [1], strides = [1]} : vector<16xf32> to vector<1xf32>
        %parallel_loop3A_216 = vector.extract %parallel_loop3A_215[0] : f32 from vector<1xf32>
        %parallel_loop3A_217 = vector.broadcast %parallel_loop3A_216 : f32 to vector<16xf32>
        %parallel_loop3A_218 = arith.constant 1 : i32
        %parallel_loop3A_219 = arith.addi %parallel_loop3A_167, %parallel_loop3A_218 : i32
        %parallel_loop3A_220 = arith.constant 0 : i32
        %parallel_loop3A_221 = arith.constant 0 : i32
        %parallel_loop3A_222 = tpu.memref_slice %arg14[%rem3A_118, %parallel_loop3A_220, %parallel_loop3A_221] : memref<4x128x64xf32, #tpu.memory_space<vmem>> -> memref<1x128x64xf32, #tpu.memory_space<vmem>>
        %parallel_loop3A_223 = tpu.memref_squeeze %parallel_loop3A_222 : memref<1x128x64xf32, #tpu.memory_space<vmem>> -> memref<128x64xf32, #tpu.memory_space<vmem>>
        %parallel_loop3A_224 = arith.index_cast %parallel_loop3A_219 : i32 to index
        %parallel_loop3A_225 = arith.constant 0 : index
        %parallel_loop3A_226 = tpu.vector_load %parallel_loop3A_223[%parallel_loop3A_224, %parallel_loop3A_225] {strides = array<i32>} : memref<128x64xf32, #tpu.memory_space<vmem>>, vector<1x16xf32>,
        %parallel_loop3A_227 = vector.shape_cast %parallel_loop3A_226 : vector<1x16xf32> to vector<16xf32>
        %parallel_loop3A_228 = arith.mulf %parallel_loop3A_227, %parallel_loop3A_217 : vector<16xf32>
        %parallel_loop3A_229 = arith.constant 1 : i32
        %parallel_loop3A_230 = arith.addi %parallel_loop3A_167, %parallel_loop3A_229 : i32
        %parallel_loop3A_231 = arith.constant 0 : i32
        %parallel_loop3A_232 = arith.constant 0 : i32
        %parallel_loop3A_233 = tpu.memref_slice %arg14[%rem3A_118, %parallel_loop3A_231, %parallel_loop3A_232] : memref<4x128x64xf32, #tpu.memory_space<vmem>> -> memref<1x128x64xf32, #tpu.memory_space<vmem>>
        %parallel_loop3A_234 = tpu.memref_squeeze %parallel_loop3A_233 : memref<1x128x64xf32, #tpu.memory_space<vmem>> -> memref<128x64xf32, #tpu.memory_space<vmem>>
        %parallel_loop3A_235 = arith.index_cast %parallel_loop3A_230 : i32 to index
        %parallel_loop3A_236 = arith.constant 16 : index
        %parallel_loop3A_237 = tpu.vector_load %parallel_loop3A_234[%parallel_loop3A_235, %parallel_loop3A_236] {strides = array<i32>} : memref<128x64xf32, #tpu.memory_space<vmem>>, vector<1x16xf32>,
        %parallel_loop3A_238 = vector.shape_cast %parallel_loop3A_237 : vector<1x16xf32> to vector<16xf32>
        %parallel_loop3A_239 = arith.mulf %parallel_loop3A_238, %parallel_loop3A_217 : vector<16xf32>
        %parallel_loop3A_240 = arith.constant 1 : i32
        %parallel_loop3A_241 = arith.addi %parallel_loop3A_167, %parallel_loop3A_240 : i32
        %parallel_loop3A_242 = arith.constant 0 : i32
        %parallel_loop3A_243 = arith.constant 0 : i32
        %parallel_loop3A_244 = tpu.memref_slice %arg14[%rem3A_118, %parallel_loop3A_242, %parallel_loop3A_243] : memref<4x128x64xf32, #tpu.memory_space<vmem>> -> memref<1x128x64xf32, #tpu.memory_space<vmem>>
        %parallel_loop3A_245 = tpu.memref_squeeze %parallel_loop3A_244 : memref<1x128x64xf32, #tpu.memory_space<vmem>> -> memref<128x64xf32, #tpu.memory_space<vmem>>
        %parallel_loop3A_246 = arith.index_cast %parallel_loop3A_241 : i32 to index
        %parallel_loop3A_247 = arith.constant 32 : index
        %parallel_loop3A_248 = tpu.vector_load %parallel_loop3A_245[%parallel_loop3A_246, %parallel_loop3A_247] {strides = array<i32>} : memref<128x64xf32, #tpu.memory_space<vmem>>, vector<1x16xf32>,
        %parallel_loop3A_249 = vector.shape_cast %parallel_loop3A_248 : vector<1x16xf32> to vector<16xf32>
        %parallel_loop3A_250 = arith.mulf %parallel_loop3A_249, %parallel_loop3A_217 : vector<16xf32>
        %parallel_loop3A_251 = arith.constant 1 : i32
        %parallel_loop3A_252 = arith.addi %parallel_loop3A_167, %parallel_loop3A_251 : i32
        %parallel_loop3A_253 = arith.constant 0 : i32
        %parallel_loop3A_254 = arith.constant 0 : i32
        %parallel_loop3A_255 = tpu.memref_slice %arg14[%rem3A_118, %parallel_loop3A_253, %parallel_loop3A_254] : memref<4x128x64xf32, #tpu.memory_space<vmem>> -> memref<1x128x64xf32, #tpu.memory_space<vmem>>
        %parallel_loop3A_256 = tpu.memref_squeeze %parallel_loop3A_255 : memref<1x128x64xf32, #tpu.memory_space<vmem>> -> memref<128x64xf32, #tpu.memory_space<vmem>>
        %parallel_loop3A_257 = arith.index_cast %parallel_loop3A_252 : i32 to index
        %parallel_loop3A_258 = arith.constant 48 : index
        %parallel_loop3A_259 = tpu.vector_load %parallel_loop3A_256[%parallel_loop3A_257, %parallel_loop3A_258] {strides = array<i32>} : memref<128x64xf32, #tpu.memory_space<vmem>>, vector<1x16xf32>,
        %parallel_loop3A_260 = vector.shape_cast %parallel_loop3A_259 : vector<1x16xf32> to vector<16xf32>
        %parallel_loop3A_261 = arith.mulf %parallel_loop3A_260, %parallel_loop3A_217 : vector<16xf32>
        %parallel_loop3A_262 = vector.extract_strided_slice %parallel_loop3A_163 {offsets = [2], sizes = [1], strides = [1]} : vector<16xf32> to vector<1xf32>
        %parallel_loop3A_263 = vector.extract %parallel_loop3A_262[0] : f32 from vector<1xf32>
        %parallel_loop3A_264 = vector.broadcast %parallel_loop3A_263 : f32 to vector<16xf32>
        %parallel_loop3A_265 = arith.constant 2 : i32
        %parallel_loop3A_266 = arith.addi %parallel_loop3A_167, %parallel_loop3A_265 : i32
        %parallel_loop3A_267 = arith.constant 0 : i32
        %parallel_loop3A_268 = arith.constant 0 : i32
        %parallel_loop3A_269 = tpu.memref_slice %arg14[%rem3A_118, %parallel_loop3A_267, %parallel_loop3A_268] : memref<4x128x64xf32, #tpu.memory_space<vmem>> -> memref<1x128x64xf32, #tpu.memory_space<vmem>>
        %parallel_loop3A_270 = tpu.memref_squeeze %parallel_loop3A_269 : memref<1x128x64xf32, #tpu.memory_space<vmem>> -> memref<128x64xf32, #tpu.memory_space<vmem>>
        %parallel_loop3A_271 = arith.index_cast %parallel_loop3A_266 : i32 to index
        %parallel_loop3A_272 = arith.constant 0 : index
        %parallel_loop3A_273 = tpu.vector_load %parallel_loop3A_270[%parallel_loop3A_271, %parallel_loop3A_272] {strides = array<i32>} : memref<128x64xf32, #tpu.memory_space<vmem>>, vector<1x16xf32>,
        %parallel_loop3A_274 = vector.shape_cast %parallel_loop3A_273 : vector<1x16xf32> to vector<16xf32>
        %parallel_loop3A_275 = arith.mulf %parallel_loop3A_274, %parallel_loop3A_264 : vector<16xf32>
        %parallel_loop3A_276 = arith.constant 2 : i32
        %parallel_loop3A_277 = arith.addi %parallel_loop3A_167, %parallel_loop3A_276 : i32
        %parallel_loop3A_278 = arith.constant 0 : i32
        %parallel_loop3A_279 = arith.constant 0 : i32
        %parallel_loop3A_280 = tpu.memref_slice %arg14[%rem3A_118, %parallel_loop3A_278, %parallel_loop3A_279] : memref<4x128x64xf32, #tpu.memory_space<vmem>> -> memref<1x128x64xf32, #tpu.memory_space<vmem>>
        %parallel_loop3A_281 = tpu.memref_squeeze %parallel_loop3A_280 : memref<1x128x64xf32, #tpu.memory_space<vmem>> -> memref<128x64xf32, #tpu.memory_space<vmem>>
        %parallel_loop3A_282 = arith.index_cast %parallel_loop3A_277 : i32 to index
        %parallel_loop3A_283 = arith.constant 16 : index
        %parallel_loop3A_284 = tpu.vector_load %parallel_loop3A_281[%parallel_loop3A_282, %parallel_loop3A_283] {strides = array<i32>} : memref<128x64xf32, #tpu.memory_space<vmem>>, vector<1x16xf32>,
        %parallel_loop3A_285 = vector.shape_cast %parallel_loop3A_284 : vector<1x16xf32> to vector<16xf32>
        %parallel_loop3A_286 = arith.mulf %parallel_loop3A_285, %parallel_loop3A_264 : vector<16xf32>
        %parallel_loop3A_287 = arith.constant 2 : i32
        %parallel_loop3A_288 = arith.addi %parallel_loop3A_167, %parallel_loop3A_287 : i32
        %parallel_loop3A_289 = arith.constant 0 : i32
        %parallel_loop3A_290 = arith.constant 0 : i32
        %parallel_loop3A_291 = tpu.memref_slice %arg14[%rem3A_118, %parallel_loop3A_289, %parallel_loop3A_290] : memref<4x128x64xf32, #tpu.memory_space<vmem>> -> memref<1x128x64xf32, #tpu.memory_space<vmem>>
        %parallel_loop3A_292 = tpu.memref_squeeze %parallel_loop3A_291 : memref<1x128x64xf32, #tpu.memory_space<vmem>> -> memref<128x64xf32, #tpu.memory_space<vmem>>
        %parallel_loop3A_293 = arith.index_cast %parallel_loop3A_288 : i32 to index
        %parallel_loop3A_294 = arith.constant 32 : index
        %parallel_loop3A_295 = tpu.vector_load %parallel_loop3A_292[%parallel_loop3A_293, %parallel_loop3A_294] {strides = array<i32>} : memref<128x64xf32, #tpu.memory_space<vmem>>, vector<1x16xf32>,
        %parallel_loop3A_296 = vector.shape_cast %parallel_loop3A_295 : vector<1x16xf32> to vector<16xf32>
        %parallel_loop3A_297 = arith.mulf %parallel_loop3A_296, %parallel_loop3A_264 : vector<16xf32>
        %parallel_loop3A_298 = arith.constant 2 : i32
        %parallel_loop3A_299 = arith.addi %parallel_loop3A_167, %parallel_loop3A_298 : i32
        %parallel_loop3A_300 = arith.constant 0 : i32
        %parallel_loop3A_301 = arith.constant 0 : i32
        %parallel_loop3A_302 = tpu.memref_slice %arg14[%rem3A_118, %parallel_loop3A_300, %parallel_loop3A_301] : memref<4x128x64xf32, #tpu.memory_space<vmem>> -> memref<1x128x64xf32, #tpu.memory_space<vmem>>
        %parallel_loop3A_303 = tpu.memref_squeeze %parallel_loop3A_302 : memref<1x128x64xf32, #tpu.memory_space<vmem>> -> memref<128x64xf32, #tpu.memory_space<vmem>>
        %parallel_loop3A_304 = arith.index_cast %parallel_loop3A_299 : i32 to index
        %parallel_loop3A_305 = arith.constant 48 : index
        %parallel_loop3A_306 = tpu.vector_load %parallel_loop3A_303[%parallel_loop3A_304, %parallel_loop3A_305] {strides = array<i32>} : memref<128x64xf32, #tpu.memory_space<vmem>>, vector<1x16xf32>,
        %parallel_loop3A_307 = vector.shape_cast %parallel_loop3A_306 : vector<1x16xf32> to vector<16xf32>
        %parallel_loop3A_308 = arith.mulf %parallel_loop3A_307, %parallel_loop3A_264 : vector<16xf32>
        %parallel_loop3A_309 = vector.extract_strided_slice %parallel_loop3A_163 {offsets = [3], sizes = [1], strides = [1]} : vector<16xf32> to vector<1xf32>
        %parallel_loop3A_310 = vector.extract %parallel_loop3A_309[0] : f32 from vector<1xf32>
        %parallel_loop3A_311 = vector.broadcast %parallel_loop3A_310 : f32 to vector<16xf32>
        %parallel_loop3A_312 = arith.constant 3 : i32
        %parallel_loop3A_313 = arith.addi %parallel_loop3A_167, %parallel_loop3A_312 : i32
        %parallel_loop3A_314 = arith.constant 0 : i32
        %parallel_loop3A_315 = arith.constant 0 : i32
        %parallel_loop3A_316 = tpu.memref_slice %arg14[%rem3A_118, %parallel_loop3A_314, %parallel_loop3A_315] : memref<4x128x64xf32, #tpu.memory_space<vmem>> -> memref<1x128x64xf32, #tpu.memory_space<vmem>>
        %parallel_loop3A_317 = tpu.memref_squeeze %parallel_loop3A_316 : memref<1x128x64xf32, #tpu.memory_space<vmem>> -> memref<128x64xf32, #tpu.memory_space<vmem>>
        %parallel_loop3A_318 = arith.index_cast %parallel_loop3A_313 : i32 to index
        %parallel_loop3A_319 = arith.constant 0 : index
        %parallel_loop3A_320 = tpu.vector_load %parallel_loop3A_317[%parallel_loop3A_318, %parallel_loop3A_319] {strides = array<i32>} : memref<128x64xf32, #tpu.memory_space<vmem>>, vector<1x16xf32>,
        %parallel_loop3A_321 = vector.shape_cast %parallel_loop3A_320 : vector<1x16xf32> to vector<16xf32>
        %parallel_loop3A_322 = arith.mulf %parallel_loop3A_321, %parallel_loop3A_311 : vector<16xf32>
        %parallel_loop3A_323 = arith.constant 3 : i32
        %parallel_loop3A_324 = arith.addi %parallel_loop3A_167, %parallel_loop3A_323 : i32
        %parallel_loop3A_325 = arith.constant 0 : i32
        %parallel_loop3A_326 = arith.constant 0 : i32
        %parallel_loop3A_327 = tpu.memref_slice %arg14[%rem3A_118, %parallel_loop3A_325, %parallel_loop3A_326] : memref<4x128x64xf32, #tpu.memory_space<vmem>> -> memref<1x128x64xf32, #tpu.memory_space<vmem>>
        %parallel_loop3A_328 = tpu.memref_squeeze %parallel_loop3A_327 : memref<1x128x64xf32, #tpu.memory_space<vmem>> -> memref<128x64xf32, #tpu.memory_space<vmem>>
        %parallel_loop3A_329 = arith.index_cast %parallel_loop3A_324 : i32 to index
        %parallel_loop3A_330 = arith.constant 16 : index
        %parallel_loop3A_331 = tpu.vector_load %parallel_loop3A_328[%parallel_loop3A_329, %parallel_loop3A_330] {strides = array<i32>} : memref<128x64xf32, #tpu.memory_space<vmem>>, vector<1x16xf32>,
        %parallel_loop3A_332 = vector.shape_cast %parallel_loop3A_331 : vector<1x16xf32> to vector<16xf32>
        %parallel_loop3A_333 = arith.mulf %parallel_loop3A_332, %parallel_loop3A_311 : vector<16xf32>
        %parallel_loop3A_334 = arith.constant 3 : i32
        %parallel_loop3A_335 = arith.addi %parallel_loop3A_167, %parallel_loop3A_334 : i32
        %parallel_loop3A_336 = arith.constant 0 : i32
        %parallel_loop3A_337 = arith.constant 0 : i32
        %parallel_loop3A_338 = tpu.memref_slice %arg14[%rem3A_118, %parallel_loop3A_336, %parallel_loop3A_337] : memref<4x128x64xf32, #tpu.memory_space<vmem>> -> memref<1x128x64xf32, #tpu.memory_space<vmem>>
        %parallel_loop3A_339 = tpu.memref_squeeze %parallel_loop3A_338 : memref<1x128x64xf32, #tpu.memory_space<vmem>> -> memref<128x64xf32, #tpu.memory_space<vmem>>
        %parallel_loop3A_340 = arith.index_cast %parallel_loop3A_335 : i32 to index
        %parallel_loop3A_341 = arith.constant 32 : index
        %parallel_loop3A_342 = tpu.vector_load %parallel_loop3A_339[%parallel_loop3A_340, %parallel_loop3A_341] {strides = array<i32>} : memref<128x64xf32, #tpu.memory_space<vmem>>, vector<1x16xf32>,
        %parallel_loop3A_343 = vector.shape_cast %parallel_loop3A_342 : vector<1x16xf32> to vector<16xf32>
        %parallel_loop3A_344 = arith.mulf %parallel_loop3A_343, %parallel_loop3A_311 : vector<16xf32>
        %parallel_loop3A_345 = arith.constant 3 : i32
        %parallel_loop3A_346 = arith.addi %parallel_loop3A_167, %parallel_loop3A_345 : i32
        %parallel_loop3A_347 = arith.constant 0 : i32
        %parallel_loop3A_348 = arith.constant 0 : i32
        %parallel_loop3A_349 = tpu.memref_slice %arg14[%rem3A_118, %parallel_loop3A_347, %parallel_loop3A_348] : memref<4x128x64xf32, #tpu.memory_space<vmem>> -> memref<1x128x64xf32, #tpu.memory_space<vmem>>
        %parallel_loop3A_350 = tpu.memref_squeeze %parallel_loop3A_349 : memref<1x128x64xf32, #tpu.memory_space<vmem>> -> memref<128x64xf32, #tpu.memory_space<vmem>>
        %parallel_loop3A_351 = arith.index_cast %parallel_loop3A_346 : i32 to index
        %parallel_loop3A_352 = arith.constant 48 : index
        %parallel_loop3A_353 = tpu.vector_load %parallel_loop3A_350[%parallel_loop3A_351, %parallel_loop3A_352] {strides = array<i32>} : memref<128x64xf32, #tpu.memory_space<vmem>>, vector<1x16xf32>,
        %parallel_loop3A_354 = vector.shape_cast %parallel_loop3A_353 : vector<1x16xf32> to vector<16xf32>
        %parallel_loop3A_355 = arith.mulf %parallel_loop3A_354, %parallel_loop3A_311 : vector<16xf32>
        %parallel_loop3A_356 = arith.constant 0 : i32
        %parallel_loop3A_357 = arith.addi %parallel_loop3A_167, %parallel_loop3A_356 : i32
        %parallel_loop3A_358 = arith.constant 0 : i32
        %parallel_loop3A_359 = arith.constant 0 : i32
        %parallel_loop3A_360 = tpu.memref_slice %arg14[%rem3A_118, %parallel_loop3A_358, %parallel_loop3A_359] : memref<4x128x64xf32, #tpu.memory_space<vmem>> -> memref<1x128x64xf32, #tpu.memory_space<vmem>>
        %parallel_loop3A_361 = tpu.memref_squeeze %parallel_loop3A_360 : memref<1x128x64xf32, #tpu.memory_space<vmem>> -> memref<128x64xf32, #tpu.memory_space<vmem>>
        %parallel_loop3A_362 = arith.index_cast %parallel_loop3A_357 : i32 to index
        %parallel_loop3A_363 = arith.constant 0 : index
        %parallel_loop3A_364 = tpu.vector_load %parallel_loop3A_361[%parallel_loop3A_362, %parallel_loop3A_363] {strides = array<i32>} : memref<128x64xf32, #tpu.memory_space<vmem>>, vector<1x16xf32>,
        %parallel_loop3A_365 = vector.shape_cast %parallel_loop3A_364 : vector<1x16xf32> to vector<16xf32>
        %parallel_loop3A_366 = vector.shape_cast %parallel_loop3A_181 : vector<16xf32> to vector<1x16xf32>
        tpu.vector_store %parallel_loop3A_361[%parallel_loop3A_362, %parallel_loop3A_363], %parallel_loop3A_366 {strides = array<i32>} : memref<128x64xf32, #tpu.memory_space<vmem>>, vector<1x16xf32>,
        %parallel_loop3A_367 = arith.constant 0 : i32
        %parallel_loop3A_368 = arith.addi %parallel_loop3A_167, %parallel_loop3A_367 : i32
        %parallel_loop3A_369 = arith.constant 0 : i32
        %parallel_loop3A_370 = arith.constant 0 : i32
        %parallel_loop3A_371 = tpu.memref_slice %arg14[%rem3A_118, %parallel_loop3A_369, %parallel_loop3A_370] : memref<4x128x64xf32, #tpu.memory_space<vmem>> -> memref<1x128x64xf32, #tpu.memory_space<vmem>>
        %parallel_loop3A_372 = tpu.memref_squeeze %parallel_loop3A_371 : memref<1x128x64xf32, #tpu.memory_space<vmem>> -> memref<128x64xf32, #tpu.memory_space<vmem>>
        %parallel_loop3A_373 = arith.index_cast %parallel_loop3A_368 : i32 to index
        %parallel_loop3A_374 = arith.constant 16 : index
        %parallel_loop3A_375 = tpu.vector_load %parallel_loop3A_372[%parallel_loop3A_373, %parallel_loop3A_374] {strides = array<i32>} : memref<128x64xf32, #tpu.memory_space<vmem>>, vector<1x16xf32>,
        %parallel_loop3A_376 = vector.shape_cast %parallel_loop3A_375 : vector<1x16xf32> to vector<16xf32>
        %parallel_loop3A_377 = vector.shape_cast %parallel_loop3A_192 : vector<16xf32> to vector<1x16xf32>
        tpu.vector_store %parallel_loop3A_372[%parallel_loop3A_373, %parallel_loop3A_374], %parallel_loop3A_377 {strides = array<i32>} : memref<128x64xf32, #tpu.memory_space<vmem>>, vector<1x16xf32>,
        %parallel_loop3A_378 = arith.constant 0 : i32
        %parallel_loop3A_379 = arith.addi %parallel_loop3A_167, %parallel_loop3A_378 : i32
        %parallel_loop3A_380 = arith.constant 0 : i32
        %parallel_loop3A_381 = arith.constant 0 : i32
        %parallel_loop3A_382 = tpu.memref_slice %arg14[%rem3A_118, %parallel_loop3A_380, %parallel_loop3A_381] : memref<4x128x64xf32, #tpu.memory_space<vmem>> -> memref<1x128x64xf32, #tpu.memory_space<vmem>>
        %parallel_loop3A_383 = tpu.memref_squeeze %parallel_loop3A_382 : memref<1x128x64xf32, #tpu.memory_space<vmem>> -> memref<128x64xf32, #tpu.memory_space<vmem>>
        %parallel_loop3A_384 = arith.index_cast %parallel_loop3A_379 : i32 to index
        %parallel_loop3A_385 = arith.constant 32 : index
        %parallel_loop3A_386 = tpu.vector_load %parallel_loop3A_383[%parallel_loop3A_384, %parallel_loop3A_385] {strides = array<i32>} : memref<128x64xf32, #tpu.memory_space<vmem>>, vector<1x16xf32>,
        %parallel_loop3A_387 = vector.shape_cast %parallel_loop3A_386 : vector<1x16xf32> to vector<16xf32>
        %parallel_loop3A_388 = vector.shape_cast %parallel_loop3A_203 : vector<16xf32> to vector<1x16xf32>
        tpu.vector_store %parallel_loop3A_383[%parallel_loop3A_384, %parallel_loop3A_385], %parallel_loop3A_388 {strides = array<i32>} : memref<128x64xf32, #tpu.memory_space<vmem>>, vector<1x16xf32>,
        %parallel_loop3A_389 = arith.constant 0 : i32
        %parallel_loop3A_390 = arith.addi %parallel_loop3A_167, %parallel_loop3A_389 : i32
        %parallel_loop3A_391 = arith.constant 0 : i32
        %parallel_loop3A_392 = arith.constant 0 : i32
        %parallel_loop3A_393 = tpu.memref_slice %arg14[%rem3A_118, %parallel_loop3A_391, %parallel_loop3A_392] : memref<4x128x64xf32, #tpu.memory_space<vmem>> -> memref<1x128x64xf32, #tpu.memory_space<vmem>>
        %parallel_loop3A_394 = tpu.memref_squeeze %parallel_loop3A_393 : memref<1x128x64xf32, #tpu.memory_space<vmem>> -> memref<128x64xf32, #tpu.memory_space<vmem>>
        %parallel_loop3A_395 = arith.index_cast %parallel_loop3A_390 : i32 to index
        %parallel_loop3A_396 = arith.constant 48 : index
        %parallel_loop3A_397 = tpu.vector_load %parallel_loop3A_394[%parallel_loop3A_395, %parallel_loop3A_396] {strides = array<i32>} : memref<128x64xf32, #tpu.memory_space<vmem>>, vector<1x16xf32>,
        %parallel_loop3A_398 = vector.shape_cast %parallel_loop3A_397 : vector<1x16xf32> to vector<16xf32>
        %parallel_loop3A_399 = vector.shape_cast %parallel_loop3A_214 : vector<16xf32> to vector<1x16xf32>
        tpu.vector_store %parallel_loop3A_394[%parallel_loop3A_395, %parallel_loop3A_396], %parallel_loop3A_399 {strides = array<i32>} : memref<128x64xf32, #tpu.memory_space<vmem>>, vector<1x16xf32>,
        %parallel_loop3A_400 = arith.constant 1 : i32
        %parallel_loop3A_401 = arith.addi %parallel_loop3A_167, %parallel_loop3A_400 : i32
        %parallel_loop3A_402 = arith.constant 0 : i32
        %parallel_loop3A_403 = arith.constant 0 : i32
        %parallel_loop3A_404 = tpu.memref_slice %arg14[%rem3A_118, %parallel_loop3A_402, %parallel_loop3A_403] : memref<4x128x64xf32, #tpu.memory_space<vmem>> -> memref<1x128x64xf32, #tpu.memory_space<vmem>>
        %parallel_loop3A_405 = tpu.memref_squeeze %parallel_loop3A_404 : memref<1x128x64xf32, #tpu.memory_space<vmem>> -> memref<128x64xf32, #tpu.memory_space<vmem>>
        %parallel_loop3A_406 = arith.index_cast %parallel_loop3A_401 : i32 to index
        %parallel_loop3A_407 = arith.constant 0 : index
        %parallel_loop3A_408 = tpu.vector_load %parallel_loop3A_405[%parallel_loop3A_406, %parallel_loop3A_407] {strides = array<i32>} : memref<128x64xf32, #tpu.memory_space<vmem>>, vector<1x16xf32>,
        %parallel_loop3A_409 = vector.shape_cast %parallel_loop3A_408 : vector<1x16xf32> to vector<16xf32>
        %parallel_loop3A_410 = vector.shape_cast %parallel_loop3A_228 : vector<16xf32> to vector<1x16xf32>
        tpu.vector_store %parallel_loop3A_405[%parallel_loop3A_406, %parallel_loop3A_407], %parallel_loop3A_410 {strides = array<i32>} : memref<128x64xf32, #tpu.memory_space<vmem>>, vector<1x16xf32>,
        %parallel_loop3A_411 = arith.constant 1 : i32
        %parallel_loop3A_412 = arith.addi %parallel_loop3A_167, %parallel_loop3A_411 : i32
        %parallel_loop3A_413 = arith.constant 0 : i32
        %parallel_loop3A_414 = arith.constant 0 : i32
        %parallel_loop3A_415 = tpu.memref_slice %arg14[%rem3A_118, %parallel_loop3A_413, %parallel_loop3A_414] : memref<4x128x64xf32, #tpu.memory_space<vmem>> -> memref<1x128x64xf32, #tpu.memory_space<vmem>>
        %parallel_loop3A_416 = tpu.memref_squeeze %parallel_loop3A_415 : memref<1x128x64xf32, #tpu.memory_space<vmem>> -> memref<128x64xf32, #tpu.memory_space<vmem>>
        %parallel_loop3A_417 = arith.index_cast %parallel_loop3A_412 : i32 to index
        %parallel_loop3A_418 = arith.constant 16 : index
        %parallel_loop3A_419 = tpu.vector_load %parallel_loop3A_416[%parallel_loop3A_417, %parallel_loop3A_418] {strides = array<i32>} : memref<128x64xf32, #tpu.memory_space<vmem>>, vector<1x16xf32>,
        %parallel_loop3A_420 = vector.shape_cast %parallel_loop3A_419 : vector<1x16xf32> to vector<16xf32>
        %parallel_loop3A_421 = vector.shape_cast %parallel_loop3A_239 : vector<16xf32> to vector<1x16xf32>
        tpu.vector_store %parallel_loop3A_416[%parallel_loop3A_417, %parallel_loop3A_418], %parallel_loop3A_421 {strides = array<i32>} : memref<128x64xf32, #tpu.memory_space<vmem>>, vector<1x16xf32>,
        %parallel_loop3A_422 = arith.constant 1 : i32
        %parallel_loop3A_423 = arith.addi %parallel_loop3A_167, %parallel_loop3A_422 : i32
        %parallel_loop3A_424 = arith.constant 0 : i32
        %parallel_loop3A_425 = arith.constant 0 : i32
        %parallel_loop3A_426 = tpu.memref_slice %arg14[%rem3A_118, %parallel_loop3A_424, %parallel_loop3A_425] : memref<4x128x64xf32, #tpu.memory_space<vmem>> -> memref<1x128x64xf32, #tpu.memory_space<vmem>>
        %parallel_loop3A_427 = tpu.memref_squeeze %parallel_loop3A_426 : memref<1x128x64xf32, #tpu.memory_space<vmem>> -> memref<128x64xf32, #tpu.memory_space<vmem>>
        %parallel_loop3A_428 = arith.index_cast %parallel_loop3A_423 : i32 to index
        %parallel_loop3A_429 = arith.constant 32 : index
        %parallel_loop3A_430 = tpu.vector_load %parallel_loop3A_427[%parallel_loop3A_428, %parallel_loop3A_429] {strides = array<i32>} : memref<128x64xf32, #tpu.memory_space<vmem>>, vector<1x16xf32>,
        %parallel_loop3A_431 = vector.shape_cast %parallel_loop3A_430 : vector<1x16xf32> to vector<16xf32>
        %parallel_loop3A_432 = vector.shape_cast %parallel_loop3A_250 : vector<16xf32> to vector<1x16xf32>
        tpu.vector_store %parallel_loop3A_427[%parallel_loop3A_428, %parallel_loop3A_429], %parallel_loop3A_432 {strides = array<i32>} : memref<128x64xf32, #tpu.memory_space<vmem>>, vector<1x16xf32>,
        %parallel_loop3A_433 = arith.constant 1 : i32
        %parallel_loop3A_434 = arith.addi %parallel_loop3A_167, %parallel_loop3A_433 : i32
        %parallel_loop3A_435 = arith.constant 0 : i32
        %parallel_loop3A_436 = arith.constant 0 : i32
        %parallel_loop3A_437 = tpu.memref_slice %arg14[%rem3A_118, %parallel_loop3A_435, %parallel_loop3A_436] : memref<4x128x64xf32, #tpu.memory_space<vmem>> -> memref<1x128x64xf32, #tpu.memory_space<vmem>>
        %parallel_loop3A_438 = tpu.memref_squeeze %parallel_loop3A_437 : memref<1x128x64xf32, #tpu.memory_space<vmem>> -> memref<128x64xf32, #tpu.memory_space<vmem>>
        %parallel_loop3A_439 = arith.index_cast %parallel_loop3A_434 : i32 to index
        %parallel_loop3A_440 = arith.constant 48 : index
        %parallel_loop3A_441 = tpu.vector_load %parallel_loop3A_438[%parallel_loop3A_439, %parallel_loop3A_440] {strides = array<i32>} : memref<128x64xf32, #tpu.memory_space<vmem>>, vector<1x16xf32>,
        %parallel_loop3A_442 = vector.shape_cast %parallel_loop3A_441 : vector<1x16xf32> to vector<16xf32>
        %parallel_loop3A_443 = vector.shape_cast %parallel_loop3A_261 : vector<16xf32> to vector<1x16xf32>
        tpu.vector_store %parallel_loop3A_438[%parallel_loop3A_439, %parallel_loop3A_440], %parallel_loop3A_443 {strides = array<i32>} : memref<128x64xf32, #tpu.memory_space<vmem>>, vector<1x16xf32>,
        %parallel_loop3A_444 = arith.constant 2 : i32
        %parallel_loop3A_445 = arith.addi %parallel_loop3A_167, %parallel_loop3A_444 : i32
        %parallel_loop3A_446 = arith.constant 0 : i32
        %parallel_loop3A_447 = arith.constant 0 : i32
        %parallel_loop3A_448 = tpu.memref_slice %arg14[%rem3A_118, %parallel_loop3A_446, %parallel_loop3A_447] : memref<4x128x64xf32, #tpu.memory_space<vmem>> -> memref<1x128x64xf32, #tpu.memory_space<vmem>>
        %parallel_loop3A_449 = tpu.memref_squeeze %parallel_loop3A_448 : memref<1x128x64xf32, #tpu.memory_space<vmem>> -> memref<128x64xf32, #tpu.memory_space<vmem>>
        %parallel_loop3A_450 = arith.index_cast %parallel_loop3A_445 : i32 to index
        %parallel_loop3A_451 = arith.constant 0 : index
        %parallel_loop3A_452 = tpu.vector_load %parallel_loop3A_449[%parallel_loop3A_450, %parallel_loop3A_451] {strides = array<i32>} : memref<128x64xf32, #tpu.memory_space<vmem>>, vector<1x16xf32>,
        %parallel_loop3A_453 = vector.shape_cast %parallel_loop3A_452 : vector<1x16xf32> to vector<16xf32>
        %parallel_loop3A_454 = vector.shape_cast %parallel_loop3A_275 : vector<16xf32> to vector<1x16xf32>
        tpu.vector_store %parallel_loop3A_449[%parallel_loop3A_450, %parallel_loop3A_451], %parallel_loop3A_454 {strides = array<i32>} : memref<128x64xf32, #tpu.memory_space<vmem>>, vector<1x16xf32>,
        %parallel_loop3A_455 = arith.constant 2 : i32
        %parallel_loop3A_456 = arith.addi %parallel_loop3A_167, %parallel_loop3A_455 : i32
        %parallel_loop3A_457 = arith.constant 0 : i32
        %parallel_loop3A_458 = arith.constant 0 : i32
        %parallel_loop3A_459 = tpu.memref_slice %arg14[%rem3A_118, %parallel_loop3A_457, %parallel_loop3A_458] : memref<4x128x64xf32, #tpu.memory_space<vmem>> -> memref<1x128x64xf32, #tpu.memory_space<vmem>>
        %parallel_loop3A_460 = tpu.memref_squeeze %parallel_loop3A_459 : memref<1x128x64xf32, #tpu.memory_space<vmem>> -> memref<128x64xf32, #tpu.memory_space<vmem>>
        %parallel_loop3A_461 = arith.index_cast %parallel_loop3A_456 : i32 to index
        %parallel_loop3A_462 = arith.constant 16 : index
        %parallel_loop3A_463 = tpu.vector_load %parallel_loop3A_460[%parallel_loop3A_461, %parallel_loop3A_462] {strides = array<i32>} : memref<128x64xf32, #tpu.memory_space<vmem>>, vector<1x16xf32>,
        %parallel_loop3A_464 = vector.shape_cast %parallel_loop3A_463 : vector<1x16xf32> to vector<16xf32>
        %parallel_loop3A_465 = vector.shape_cast %parallel_loop3A_286 : vector<16xf32> to vector<1x16xf32>
        tpu.vector_store %parallel_loop3A_460[%parallel_loop3A_461, %parallel_loop3A_462], %parallel_loop3A_465 {strides = array<i32>} : memref<128x64xf32, #tpu.memory_space<vmem>>, vector<1x16xf32>,
        %parallel_loop3A_466 = arith.constant 2 : i32
        %parallel_loop3A_467 = arith.addi %parallel_loop3A_167, %parallel_loop3A_466 : i32
        %parallel_loop3A_468 = arith.constant 0 : i32
        %parallel_loop3A_469 = arith.constant 0 : i32
        %parallel_loop3A_470 = tpu.memref_slice %arg14[%rem3A_118, %parallel_loop3A_468, %parallel_loop3A_469] : memref<4x128x64xf32, #tpu.memory_space<vmem>> -> memref<1x128x64xf32, #tpu.memory_space<vmem>>
        %parallel_loop3A_471 = tpu.memref_squeeze %parallel_loop3A_470 : memref<1x128x64xf32, #tpu.memory_space<vmem>> -> memref<128x64xf32, #tpu.memory_space<vmem>>
        %parallel_loop3A_472 = arith.index_cast %parallel_loop3A_467 : i32 to index
        %parallel_loop3A_473 = arith.constant 32 : index
        %parallel_loop3A_474 = tpu.vector_load %parallel_loop3A_471[%parallel_loop3A_472, %parallel_loop3A_473] {strides = array<i32>} : memref<128x64xf32, #tpu.memory_space<vmem>>, vector<1x16xf32>,
        %parallel_loop3A_475 = vector.shape_cast %parallel_loop3A_474 : vector<1x16xf32> to vector<16xf32>
        %parallel_loop3A_476 = vector.shape_cast %parallel_loop3A_297 : vector<16xf32> to vector<1x16xf32>
        tpu.vector_store %parallel_loop3A_471[%parallel_loop3A_472, %parallel_loop3A_473], %parallel_loop3A_476 {strides = array<i32>} : memref<128x64xf32, #tpu.memory_space<vmem>>, vector<1x16xf32>,
        %parallel_loop3A_477 = arith.constant 2 : i32
        %parallel_loop3A_478 = arith.addi %parallel_loop3A_167, %parallel_loop3A_477 : i32
        %parallel_loop3A_479 = arith.constant 0 : i32
        %parallel_loop3A_480 = arith.constant 0 : i32
        %parallel_loop3A_481 = tpu.memref_slice %arg14[%rem3A_118, %parallel_loop3A_479, %parallel_loop3A_480] : memref<4x128x64xf32, #tpu.memory_space<vmem>> -> memref<1x128x64xf32, #tpu.memory_space<vmem>>
        %parallel_loop3A_482 = tpu.memref_squeeze %parallel_loop3A_481 : memref<1x128x64xf32, #tpu.memory_space<vmem>> -> memref<128x64xf32, #tpu.memory_space<vmem>>
        %parallel_loop3A_483 = arith.index_cast %parallel_loop3A_478 : i32 to index
        %parallel_loop3A_484 = arith.constant 48 : index
        %parallel_loop3A_485 = tpu.vector_load %parallel_loop3A_482[%parallel_loop3A_483, %parallel_loop3A_484] {strides = array<i32>} : memref<128x64xf32, #tpu.memory_space<vmem>>, vector<1x16xf32>,
        %parallel_loop3A_486 = vector.shape_cast %parallel_loop3A_485 : vector<1x16xf32> to vector<16xf32>
        %parallel_loop3A_487 = vector.shape_cast %parallel_loop3A_308 : vector<16xf32> to vector<1x16xf32>
        tpu.vector_store %parallel_loop3A_482[%parallel_loop3A_483, %parallel_loop3A_484], %parallel_loop3A_487 {strides = array<i32>} : memref<128x64xf32, #tpu.memory_space<vmem>>, vector<1x16xf32>,
        %parallel_loop3A_488 = arith.constant 3 : i32
        %parallel_loop3A_489 = arith.addi %parallel_loop3A_167, %parallel_loop3A_488 : i32
        %parallel_loop3A_490 = arith.constant 0 : i32
        %parallel_loop3A_491 = arith.constant 0 : i32
        %parallel_loop3A_492 = tpu.memref_slice %arg14[%rem3A_118, %parallel_loop3A_490, %parallel_loop3A_491] : memref<4x128x64xf32, #tpu.memory_space<vmem>> -> memref<1x128x64xf32, #tpu.memory_space<vmem>>
        %parallel_loop3A_493 = tpu.memref_squeeze %parallel_loop3A_492 : memref<1x128x64xf32, #tpu.memory_space<vmem>> -> memref<128x64xf32, #tpu.memory_space<vmem>>
        %parallel_loop3A_494 = arith.index_cast %parallel_loop3A_489 : i32 to index
        %parallel_loop3A_495 = arith.constant 0 : index
        %parallel_loop3A_496 = tpu.vector_load %parallel_loop3A_493[%parallel_loop3A_494, %parallel_loop3A_495] {strides = array<i32>} : memref<128x64xf32, #tpu.memory_space<vmem>>, vector<1x16xf32>,
        %parallel_loop3A_497 = vector.shape_cast %parallel_loop3A_496 : vector<1x16xf32> to vector<16xf32>
        %parallel_loop3A_498 = vector.shape_cast %parallel_loop3A_322 : vector<16xf32> to vector<1x16xf32>
        tpu.vector_store %parallel_loop3A_493[%parallel_loop3A_494, %parallel_loop3A_495], %parallel_loop3A_498 {strides = array<i32>} : memref<128x64xf32, #tpu.memory_space<vmem>>, vector<1x16xf32>,
        %parallel_loop3A_499 = arith.constant 3 : i32
        %parallel_loop3A_500 = arith.addi %parallel_loop3A_167, %parallel_loop3A_499 : i32
        %parallel_loop3A_501 = arith.constant 0 : i32
        %parallel_loop3A_502 = arith.constant 0 : i32
        %parallel_loop3A_503 = tpu.memref_slice %arg14[%rem3A_118, %parallel_loop3A_501, %parallel_loop3A_502] : memref<4x128x64xf32, #tpu.memory_space<vmem>> -> memref<1x128x64xf32, #tpu.memory_space<vmem>>
        %parallel_loop3A_504 = tpu.memref_squeeze %parallel_loop3A_503 : memref<1x128x64xf32, #tpu.memory_space<vmem>> -> memref<128x64xf32, #tpu.memory_space<vmem>>
        %parallel_loop3A_505 = arith.index_cast %parallel_loop3A_500 : i32 to index
        %parallel_loop3A_506 = arith.constant 16 : index
        %parallel_loop3A_507 = tpu.vector_load %parallel_loop3A_504[%parallel_loop3A_505, %parallel_loop3A_506] {strides = array<i32>} : memref<128x64xf32, #tpu.memory_space<vmem>>, vector<1x16xf32>,
        %parallel_loop3A_508 = vector.shape_cast %parallel_loop3A_507 : vector<1x16xf32> to vector<16xf32>
        %parallel_loop3A_509 = vector.shape_cast %parallel_loop3A_333 : vector<16xf32> to vector<1x16xf32>
        tpu.vector_store %parallel_loop3A_504[%parallel_loop3A_505, %parallel_loop3A_506], %parallel_loop3A_509 {strides = array<i32>} : memref<128x64xf32, #tpu.memory_space<vmem>>, vector<1x16xf32>,
        %parallel_loop3A_510 = arith.constant 3 : i32
        %parallel_loop3A_511 = arith.addi %parallel_loop3A_167, %parallel_loop3A_510 : i32
        %parallel_loop3A_512 = arith.constant 0 : i32
        %parallel_loop3A_513 = arith.constant 0 : i32
        %parallel_loop3A_514 = tpu.memref_slice %arg14[%rem3A_118, %parallel_loop3A_512, %parallel_loop3A_513] : memref<4x128x64xf32, #tpu.memory_space<vmem>> -> memref<1x128x64xf32, #tpu.memory_space<vmem>>
        %parallel_loop3A_515 = tpu.memref_squeeze %parallel_loop3A_514 : memref<1x128x64xf32, #tpu.memory_space<vmem>> -> memref<128x64xf32, #tpu.memory_space<vmem>>
        %parallel_loop3A_516 = arith.index_cast %parallel_loop3A_511 : i32 to index
        %parallel_loop3A_517 = arith.constant 32 : index
        %parallel_loop3A_518 = tpu.vector_load %parallel_loop3A_515[%parallel_loop3A_516, %parallel_loop3A_517] {strides = array<i32>} : memref<128x64xf32, #tpu.memory_space<vmem>>, vector<1x16xf32>,
        %parallel_loop3A_519 = vector.shape_cast %parallel_loop3A_518 : vector<1x16xf32> to vector<16xf32>
        %parallel_loop3A_520 = vector.shape_cast %parallel_loop3A_344 : vector<16xf32> to vector<1x16xf32>
        tpu.vector_store %parallel_loop3A_515[%parallel_loop3A_516, %parallel_loop3A_517], %parallel_loop3A_520 {strides = array<i32>} : memref<128x64xf32, #tpu.memory_space<vmem>>, vector<1x16xf32>,
        %parallel_loop3A_521 = arith.constant 3 : i32
        %parallel_loop3A_522 = arith.addi %parallel_loop3A_167, %parallel_loop3A_521 : i32
        %parallel_loop3A_523 = arith.constant 0 : i32
        %parallel_loop3A_524 = arith.constant 0 : i32
        %parallel_loop3A_525 = tpu.memref_slice %arg14[%rem3A_118, %parallel_loop3A_523, %parallel_loop3A_524] : memref<4x128x64xf32, #tpu.memory_space<vmem>> -> memref<1x128x64xf32, #tpu.memory_space<vmem>>
        %parallel_loop3A_526 = tpu.memref_squeeze %parallel_loop3A_525 : memref<1x128x64xf32, #tpu.memory_space<vmem>> -> memref<128x64xf32, #tpu.memory_space<vmem>>
        %parallel_loop3A_527 = arith.index_cast %parallel_loop3A_522 : i32 to index
        %parallel_loop3A_528 = arith.constant 48 : index
        %parallel_loop3A_529 = tpu.vector_load %parallel_loop3A_526[%parallel_loop3A_527, %parallel_loop3A_528] {strides = array<i32>} : memref<128x64xf32, #tpu.memory_space<vmem>>, vector<1x16xf32>,
        %parallel_loop3A_530 = vector.shape_cast %parallel_loop3A_529 : vector<1x16xf32> to vector<16xf32>
        %parallel_loop3A_531 = vector.shape_cast %parallel_loop3A_355 : vector<16xf32> to vector<1x16xf32>
        tpu.vector_store %parallel_loop3A_526[%parallel_loop3A_527, %parallel_loop3A_528], %parallel_loop3A_531 {strides = array<i32>} : memref<128x64xf32, #tpu.memory_space<vmem>>, vector<1x16xf32>,
        %parallel_loop3A_532 = arith.constant 16 : i32
        %parallel_loop3A_533 = arith.muli %parallel_loop3A_155, %parallel_loop3A_532 : i32
        %parallel_loop3A_534 = arith.constant 4 : i32
        %parallel_loop3A_535 = arith.addi %parallel_loop3A_533, %parallel_loop3A_534 : i32
        %parallel_loop3A_536 = vector.extract_strided_slice %parallel_loop3A_163 {offsets = [4], sizes = [1], strides = [1]} : vector<16xf32> to vector<1xf32>
        %parallel_loop3A_537 = vector.extract %parallel_loop3A_536[0] : f32 from vector<1xf32>
        %parallel_loop3A_538 = vector.broadcast %parallel_loop3A_537 : f32 to vector<16xf32>
        %parallel_loop3A_539 = arith.constant 0 : i32
        %parallel_loop3A_540 = arith.addi %parallel_loop3A_535, %parallel_loop3A_539 : i32
        %parallel_loop3A_541 = arith.constant 0 : i32
        %parallel_loop3A_542 = arith.constant 0 : i32
        %parallel_loop3A_543 = tpu.memref_slice %arg14[%rem3A_118, %parallel_loop3A_541, %parallel_loop3A_542] : memref<4x128x64xf32, #tpu.memory_space<vmem>> -> memref<1x128x64xf32, #tpu.memory_space<vmem>>
        %parallel_loop3A_544 = tpu.memref_squeeze %parallel_loop3A_543 : memref<1x128x64xf32, #tpu.memory_space<vmem>> -> memref<128x64xf32, #tpu.memory_space<vmem>>
        %parallel_loop3A_545 = arith.index_cast %parallel_loop3A_540 : i32 to index
        %parallel_loop3A_546 = arith.constant 0 : index
        %parallel_loop3A_547 = tpu.vector_load %parallel_loop3A_544[%parallel_loop3A_545, %parallel_loop3A_546] {strides = array<i32>} : memref<128x64xf32, #tpu.memory_space<vmem>>, vector<1x16xf32>,
        %parallel_loop3A_548 = vector.shape_cast %parallel_loop3A_547 : vector<1x16xf32> to vector<16xf32>
        %parallel_loop3A_549 = arith.mulf %parallel_loop3A_548, %parallel_loop3A_538 : vector<16xf32>
        %parallel_loop3A_550 = arith.constant 0 : i32
        %parallel_loop3A_551 = arith.addi %parallel_loop3A_535, %parallel_loop3A_550 : i32
        %parallel_loop3A_552 = arith.constant 0 : i32
        %parallel_loop3A_553 = arith.constant 0 : i32
        %parallel_loop3A_554 = tpu.memref_slice %arg14[%rem3A_118, %parallel_loop3A_552, %parallel_loop3A_553] : memref<4x128x64xf32, #tpu.memory_space<vmem>> -> memref<1x128x64xf32, #tpu.memory_space<vmem>>
        %parallel_loop3A_555 = tpu.memref_squeeze %parallel_loop3A_554 : memref<1x128x64xf32, #tpu.memory_space<vmem>> -> memref<128x64xf32, #tpu.memory_space<vmem>>
        %parallel_loop3A_556 = arith.index_cast %parallel_loop3A_551 : i32 to index
        %parallel_loop3A_557 = arith.constant 16 : index
        %parallel_loop3A_558 = tpu.vector_load %parallel_loop3A_555[%parallel_loop3A_556, %parallel_loop3A_557] {strides = array<i32>} : memref<128x64xf32, #tpu.memory_space<vmem>>, vector<1x16xf32>,
        %parallel_loop3A_559 = vector.shape_cast %parallel_loop3A_558 : vector<1x16xf32> to vector<16xf32>
        %parallel_loop3A_560 = arith.mulf %parallel_loop3A_559, %parallel_loop3A_538 : vector<16xf32>
        %parallel_loop3A_561 = arith.constant 0 : i32
        %parallel_loop3A_562 = arith.addi %parallel_loop3A_535, %parallel_loop3A_561 : i32
        %parallel_loop3A_563 = arith.constant 0 : i32
        %parallel_loop3A_564 = arith.constant 0 : i32
        %parallel_loop3A_565 = tpu.memref_slice %arg14[%rem3A_118, %parallel_loop3A_563, %parallel_loop3A_564] : memref<4x128x64xf32, #tpu.memory_space<vmem>> -> memref<1x128x64xf32, #tpu.memory_space<vmem>>
        %parallel_loop3A_566 = tpu.memref_squeeze %parallel_loop3A_565 : memref<1x128x64xf32, #tpu.memory_space<vmem>> -> memref<128x64xf32, #tpu.memory_space<vmem>>
        %parallel_loop3A_567 = arith.index_cast %parallel_loop3A_562 : i32 to index
        %parallel_loop3A_568 = arith.constant 32 : index
        %parallel_loop3A_569 = tpu.vector_load %parallel_loop3A_566[%parallel_loop3A_567, %parallel_loop3A_568] {strides = array<i32>} : memref<128x64xf32, #tpu.memory_space<vmem>>, vector<1x16xf32>,
        %parallel_loop3A_570 = vector.shape_cast %parallel_loop3A_569 : vector<1x16xf32> to vector<16xf32>
        %parallel_loop3A_571 = arith.mulf %parallel_loop3A_570, %parallel_loop3A_538 : vector<16xf32>
        %parallel_loop3A_572 = arith.constant 0 : i32
        %parallel_loop3A_573 = arith.addi %parallel_loop3A_535, %parallel_loop3A_572 : i32
        %parallel_loop3A_574 = arith.constant 0 : i32
        %parallel_loop3A_575 = arith.constant 0 : i32
        %parallel_loop3A_576 = tpu.memref_slice %arg14[%rem3A_118, %parallel_loop3A_574, %parallel_loop3A_575] : memref<4x128x64xf32, #tpu.memory_space<vmem>> -> memref<1x128x64xf32, #tpu.memory_space<vmem>>
        %parallel_loop3A_577 = tpu.memref_squeeze %parallel_loop3A_576 : memref<1x128x64xf32, #tpu.memory_space<vmem>> -> memref<128x64xf32, #tpu.memory_space<vmem>>
        %parallel_loop3A_578 = arith.index_cast %parallel_loop3A_573 : i32 to index
        %parallel_loop3A_579 = arith.constant 48 : index
        %parallel_loop3A_580 = tpu.vector_load %parallel_loop3A_577[%parallel_loop3A_578, %parallel_loop3A_579] {strides = array<i32>} : memref<128x64xf32, #tpu.memory_space<vmem>>, vector<1x16xf32>,
        %parallel_loop3A_581 = vector.shape_cast %parallel_loop3A_580 : vector<1x16xf32> to vector<16xf32>
        %parallel_loop3A_582 = arith.mulf %parallel_loop3A_581, %parallel_loop3A_538 : vector<16xf32>
        %parallel_loop3A_583 = vector.extract_strided_slice %parallel_loop3A_163 {offsets = [5], sizes = [1], strides = [1]} : vector<16xf32> to vector<1xf32>
        %parallel_loop3A_584 = vector.extract %parallel_loop3A_583[0] : f32 from vector<1xf32>
        %parallel_loop3A_585 = vector.broadcast %parallel_loop3A_584 : f32 to vector<16xf32>
        %parallel_loop3A_586 = arith.constant 1 : i32
        %parallel_loop3A_587 = arith.addi %parallel_loop3A_535, %parallel_loop3A_586 : i32
        %parallel_loop3A_588 = arith.constant 0 : i32
        %parallel_loop3A_589 = arith.constant 0 : i32
        %parallel_loop3A_590 = tpu.memref_slice %arg14[%rem3A_118, %parallel_loop3A_588, %parallel_loop3A_589] : memref<4x128x64xf32, #tpu.memory_space<vmem>> -> memref<1x128x64xf32, #tpu.memory_space<vmem>>
        %parallel_loop3A_591 = tpu.memref_squeeze %parallel_loop3A_590 : memref<1x128x64xf32, #tpu.memory_space<vmem>> -> memref<128x64xf32, #tpu.memory_space<vmem>>
        %parallel_loop3A_592 = arith.index_cast %parallel_loop3A_587 : i32 to index
        %parallel_loop3A_593 = arith.constant 0 : index
        %parallel_loop3A_594 = tpu.vector_load %parallel_loop3A_591[%parallel_loop3A_592, %parallel_loop3A_593] {strides = array<i32>} : memref<128x64xf32, #tpu.memory_space<vmem>>, vector<1x16xf32>,
        %parallel_loop3A_595 = vector.shape_cast %parallel_loop3A_594 : vector<1x16xf32> to vector<16xf32>
        %parallel_loop3A_596 = arith.mulf %parallel_loop3A_595, %parallel_loop3A_585 : vector<16xf32>
        %parallel_loop3A_597 = arith.constant 1 : i32
        %parallel_loop3A_598 = arith.addi %parallel_loop3A_535, %parallel_loop3A_597 : i32
        %parallel_loop3A_599 = arith.constant 0 : i32
        %parallel_loop3A_600 = arith.constant 0 : i32
        %parallel_loop3A_601 = tpu.memref_slice %arg14[%rem3A_118, %parallel_loop3A_599, %parallel_loop3A_600] : memref<4x128x64xf32, #tpu.memory_space<vmem>> -> memref<1x128x64xf32, #tpu.memory_space<vmem>>
        %parallel_loop3A_602 = tpu.memref_squeeze %parallel_loop3A_601 : memref<1x128x64xf32, #tpu.memory_space<vmem>> -> memref<128x64xf32, #tpu.memory_space<vmem>>
        %parallel_loop3A_603 = arith.index_cast %parallel_loop3A_598 : i32 to index
        %parallel_loop3A_604 = arith.constant 16 : index
        %parallel_loop3A_605 = tpu.vector_load %parallel_loop3A_602[%parallel_loop3A_603, %parallel_loop3A_604] {strides = array<i32>} : memref<128x64xf32, #tpu.memory_space<vmem>>, vector<1x16xf32>,
        %parallel_loop3A_606 = vector.shape_cast %parallel_loop3A_605 : vector<1x16xf32> to vector<16xf32>
        %parallel_loop3A_607 = arith.mulf %parallel_loop3A_606, %parallel_loop3A_585 : vector<16xf32>
        %parallel_loop3A_608 = arith.constant 1 : i32
        %parallel_loop3A_609 = arith.addi %parallel_loop3A_535, %parallel_loop3A_608 : i32
        %parallel_loop3A_610 = arith.constant 0 : i32
        %parallel_loop3A_611 = arith.constant 0 : i32
        %parallel_loop3A_612 = tpu.memref_slice %arg14[%rem3A_118, %parallel_loop3A_610, %parallel_loop3A_611] : memref<4x128x64xf32, #tpu.memory_space<vmem>> -> memref<1x128x64xf32, #tpu.memory_space<vmem>>
        %parallel_loop3A_613 = tpu.memref_squeeze %parallel_loop3A_612 : memref<1x128x64xf32, #tpu.memory_space<vmem>> -> memref<128x64xf32, #tpu.memory_space<vmem>>
        %parallel_loop3A_614 = arith.index_cast %parallel_loop3A_609 : i32 to index
        %parallel_loop3A_615 = arith.constant 32 : index
        %parallel_loop3A_616 = tpu.vector_load %parallel_loop3A_613[%parallel_loop3A_614, %parallel_loop3A_615] {strides = array<i32>} : memref<128x64xf32, #tpu.memory_space<vmem>>, vector<1x16xf32>,
        %parallel_loop3A_617 = vector.shape_cast %parallel_loop3A_616 : vector<1x16xf32> to vector<16xf32>
        %parallel_loop3A_618 = arith.mulf %parallel_loop3A_617, %parallel_loop3A_585 : vector<16xf32>
        %parallel_loop3A_619 = arith.constant 1 : i32
        %parallel_loop3A_620 = arith.addi %parallel_loop3A_535, %parallel_loop3A_619 : i32
        %parallel_loop3A_621 = arith.constant 0 : i32
        %parallel_loop3A_622 = arith.constant 0 : i32
        %parallel_loop3A_623 = tpu.memref_slice %arg14[%rem3A_118, %parallel_loop3A_621, %parallel_loop3A_622] : memref<4x128x64xf32, #tpu.memory_space<vmem>> -> memref<1x128x64xf32, #tpu.memory_space<vmem>>
        %parallel_loop3A_624 = tpu.memref_squeeze %parallel_loop3A_623 : memref<1x128x64xf32, #tpu.memory_space<vmem>> -> memref<128x64xf32, #tpu.memory_space<vmem>>
        %parallel_loop3A_625 = arith.index_cast %parallel_loop3A_620 : i32 to index
        %parallel_loop3A_626 = arith.constant 48 : index
        %parallel_loop3A_627 = tpu.vector_load %parallel_loop3A_624[%parallel_loop3A_625, %parallel_loop3A_626] {strides = array<i32>} : memref<128x64xf32, #tpu.memory_space<vmem>>, vector<1x16xf32>,
        %parallel_loop3A_628 = vector.shape_cast %parallel_loop3A_627 : vector<1x16xf32> to vector<16xf32>
        %parallel_loop3A_629 = arith.mulf %parallel_loop3A_628, %parallel_loop3A_585 : vector<16xf32>
        %parallel_loop3A_630 = vector.extract_strided_slice %parallel_loop3A_163 {offsets = [6], sizes = [1], strides = [1]} : vector<16xf32> to vector<1xf32>
        %parallel_loop3A_631 = vector.extract %parallel_loop3A_630[0] : f32 from vector<1xf32>
        %parallel_loop3A_632 = vector.broadcast %parallel_loop3A_631 : f32 to vector<16xf32>
        %parallel_loop3A_633 = arith.constant 2 : i32
        %parallel_loop3A_634 = arith.addi %parallel_loop3A_535, %parallel_loop3A_633 : i32
        %parallel_loop3A_635 = arith.constant 0 : i32
        %parallel_loop3A_636 = arith.constant 0 : i32
        %parallel_loop3A_637 = tpu.memref_slice %arg14[%rem3A_118, %parallel_loop3A_635, %parallel_loop3A_636] : memref<4x128x64xf32, #tpu.memory_space<vmem>> -> memref<1x128x64xf32, #tpu.memory_space<vmem>>
        %parallel_loop3A_638 = tpu.memref_squeeze %parallel_loop3A_637 : memref<1x128x64xf32, #tpu.memory_space<vmem>> -> memref<128x64xf32, #tpu.memory_space<vmem>>
        %parallel_loop3A_639 = arith.index_cast %parallel_loop3A_634 : i32 to index
        %parallel_loop3A_640 = arith.constant 0 : index
        %parallel_loop3A_641 = tpu.vector_load %parallel_loop3A_638[%parallel_loop3A_639, %parallel_loop3A_640] {strides = array<i32>} : memref<128x64xf32, #tpu.memory_space<vmem>>, vector<1x16xf32>,
        %parallel_loop3A_642 = vector.shape_cast %parallel_loop3A_641 : vector<1x16xf32> to vector<16xf32>
        %parallel_loop3A_643 = arith.mulf %parallel_loop3A_642, %parallel_loop3A_632 : vector<16xf32>
        %parallel_loop3A_644 = arith.constant 2 : i32
        %parallel_loop3A_645 = arith.addi %parallel_loop3A_535, %parallel_loop3A_644 : i32
        %parallel_loop3A_646 = arith.constant 0 : i32
        %parallel_loop3A_647 = arith.constant 0 : i32
        %parallel_loop3A_648 = tpu.memref_slice %arg14[%rem3A_118, %parallel_loop3A_646, %parallel_loop3A_647] : memref<4x128x64xf32, #tpu.memory_space<vmem>> -> memref<1x128x64xf32, #tpu.memory_space<vmem>>
        %parallel_loop3A_649 = tpu.memref_squeeze %parallel_loop3A_648 : memref<1x128x64xf32, #tpu.memory_space<vmem>> -> memref<128x64xf32, #tpu.memory_space<vmem>>
        %parallel_loop3A_650 = arith.index_cast %parallel_loop3A_645 : i32 to index
        %parallel_loop3A_651 = arith.constant 16 : index
        %parallel_loop3A_652 = tpu.vector_load %parallel_loop3A_649[%parallel_loop3A_650, %parallel_loop3A_651] {strides = array<i32>} : memref<128x64xf32, #tpu.memory_space<vmem>>, vector<1x16xf32>,
        %parallel_loop3A_653 = vector.shape_cast %parallel_loop3A_652 : vector<1x16xf32> to vector<16xf32>
        %parallel_loop3A_654 = arith.mulf %parallel_loop3A_653, %parallel_loop3A_632 : vector<16xf32>
        %parallel_loop3A_655 = arith.constant 2 : i32
        %parallel_loop3A_656 = arith.addi %parallel_loop3A_535, %parallel_loop3A_655 : i32
        %parallel_loop3A_657 = arith.constant 0 : i32
        %parallel_loop3A_658 = arith.constant 0 : i32
        %parallel_loop3A_659 = tpu.memref_slice %arg14[%rem3A_118, %parallel_loop3A_657, %parallel_loop3A_658] : memref<4x128x64xf32, #tpu.memory_space<vmem>> -> memref<1x128x64xf32, #tpu.memory_space<vmem>>
        %parallel_loop3A_660 = tpu.memref_squeeze %parallel_loop3A_659 : memref<1x128x64xf32, #tpu.memory_space<vmem>> -> memref<128x64xf32, #tpu.memory_space<vmem>>
        %parallel_loop3A_661 = arith.index_cast %parallel_loop3A_656 : i32 to index
        %parallel_loop3A_662 = arith.constant 32 : index
        %parallel_loop3A_663 = tpu.vector_load %parallel_loop3A_660[%parallel_loop3A_661, %parallel_loop3A_662] {strides = array<i32>} : memref<128x64xf32, #tpu.memory_space<vmem>>, vector<1x16xf32>,
        %parallel_loop3A_664 = vector.shape_cast %parallel_loop3A_663 : vector<1x16xf32> to vector<16xf32>
        %parallel_loop3A_665 = arith.mulf %parallel_loop3A_664, %parallel_loop3A_632 : vector<16xf32>
        %parallel_loop3A_666 = arith.constant 2 : i32
        %parallel_loop3A_667 = arith.addi %parallel_loop3A_535, %parallel_loop3A_666 : i32
        %parallel_loop3A_668 = arith.constant 0 : i32
        %parallel_loop3A_669 = arith.constant 0 : i32
        %parallel_loop3A_670 = tpu.memref_slice %arg14[%rem3A_118, %parallel_loop3A_668, %parallel_loop3A_669] : memref<4x128x64xf32, #tpu.memory_space<vmem>> -> memref<1x128x64xf32, #tpu.memory_space<vmem>>
        %parallel_loop3A_671 = tpu.memref_squeeze %parallel_loop3A_670 : memref<1x128x64xf32, #tpu.memory_space<vmem>> -> memref<128x64xf32, #tpu.memory_space<vmem>>
        %parallel_loop3A_672 = arith.index_cast %parallel_loop3A_667 : i32 to index
        %parallel_loop3A_673 = arith.constant 48 : index
        %parallel_loop3A_674 = tpu.vector_load %parallel_loop3A_671[%parallel_loop3A_672, %parallel_loop3A_673] {strides = array<i32>} : memref<128x64xf32, #tpu.memory_space<vmem>>, vector<1x16xf32>,
        %parallel_loop3A_675 = vector.shape_cast %parallel_loop3A_674 : vector<1x16xf32> to vector<16xf32>
        %parallel_loop3A_676 = arith.mulf %parallel_loop3A_675, %parallel_loop3A_632 : vector<16xf32>
        %parallel_loop3A_677 = vector.extract_strided_slice %parallel_loop3A_163 {offsets = [7], sizes = [1], strides = [1]} : vector<16xf32> to vector<1xf32>
        %parallel_loop3A_678 = vector.extract %parallel_loop3A_677[0] : f32 from vector<1xf32>
        %parallel_loop3A_679 = vector.broadcast %parallel_loop3A_678 : f32 to vector<16xf32>
        %parallel_loop3A_680 = arith.constant 3 : i32
        %parallel_loop3A_681 = arith.addi %parallel_loop3A_535, %parallel_loop3A_680 : i32
        %parallel_loop3A_682 = arith.constant 0 : i32
        %parallel_loop3A_683 = arith.constant 0 : i32
        %parallel_loop3A_684 = tpu.memref_slice %arg14[%rem3A_118, %parallel_loop3A_682, %parallel_loop3A_683] : memref<4x128x64xf32, #tpu.memory_space<vmem>> -> memref<1x128x64xf32, #tpu.memory_space<vmem>>
        %parallel_loop3A_685 = tpu.memref_squeeze %parallel_loop3A_684 : memref<1x128x64xf32, #tpu.memory_space<vmem>> -> memref<128x64xf32, #tpu.memory_space<vmem>>
        %parallel_loop3A_686 = arith.index_cast %parallel_loop3A_681 : i32 to index
        %parallel_loop3A_687 = arith.constant 0 : index
        %parallel_loop3A_688 = tpu.vector_load %parallel_loop3A_685[%parallel_loop3A_686, %parallel_loop3A_687] {strides = array<i32>} : memref<128x64xf32, #tpu.memory_space<vmem>>, vector<1x16xf32>,
        %parallel_loop3A_689 = vector.shape_cast %parallel_loop3A_688 : vector<1x16xf32> to vector<16xf32>
        %parallel_loop3A_690 = arith.mulf %parallel_loop3A_689, %parallel_loop3A_679 : vector<16xf32>
        %parallel_loop3A_691 = arith.constant 3 : i32
        %parallel_loop3A_692 = arith.addi %parallel_loop3A_535, %parallel_loop3A_691 : i32
        %parallel_loop3A_693 = arith.constant 0 : i32
        %parallel_loop3A_694 = arith.constant 0 : i32
        %parallel_loop3A_695 = tpu.memref_slice %arg14[%rem3A_118, %parallel_loop3A_693, %parallel_loop3A_694] : memref<4x128x64xf32, #tpu.memory_space<vmem>> -> memref<1x128x64xf32, #tpu.memory_space<vmem>>
        %parallel_loop3A_696 = tpu.memref_squeeze %parallel_loop3A_695 : memref<1x128x64xf32, #tpu.memory_space<vmem>> -> memref<128x64xf32, #tpu.memory_space<vmem>>
        %parallel_loop3A_697 = arith.index_cast %parallel_loop3A_692 : i32 to index
        %parallel_loop3A_698 = arith.constant 16 : index
        %parallel_loop3A_699 = tpu.vector_load %parallel_loop3A_696[%parallel_loop3A_697, %parallel_loop3A_698] {strides = array<i32>} : memref<128x64xf32, #tpu.memory_space<vmem>>, vector<1x16xf32>,
        %parallel_loop3A_700 = vector.shape_cast %parallel_loop3A_699 : vector<1x16xf32> to vector<16xf32>
        %parallel_loop3A_701 = arith.mulf %parallel_loop3A_700, %parallel_loop3A_679 : vector<16xf32>
        %parallel_loop3A_702 = arith.constant 3 : i32
        %parallel_loop3A_703 = arith.addi %parallel_loop3A_535, %parallel_loop3A_702 : i32
        %parallel_loop3A_704 = arith.constant 0 : i32
        %parallel_loop3A_705 = arith.constant 0 : i32
        %parallel_loop3A_706 = tpu.memref_slice %arg14[%rem3A_118, %parallel_loop3A_704, %parallel_loop3A_705] : memref<4x128x64xf32, #tpu.memory_space<vmem>> -> memref<1x128x64xf32, #tpu.memory_space<vmem>>
        %parallel_loop3A_707 = tpu.memref_squeeze %parallel_loop3A_706 : memref<1x128x64xf32, #tpu.memory_space<vmem>> -> memref<128x64xf32, #tpu.memory_space<vmem>>
        %parallel_loop3A_708 = arith.index_cast %parallel_loop3A_703 : i32 to index
        %parallel_loop3A_709 = arith.constant 32 : index
        %parallel_loop3A_710 = tpu.vector_load %parallel_loop3A_707[%parallel_loop3A_708, %parallel_loop3A_709] {strides = array<i32>} : memref<128x64xf32, #tpu.memory_space<vmem>>, vector<1x16xf32>,
        %parallel_loop3A_711 = vector.shape_cast %parallel_loop3A_710 : vector<1x16xf32> to vector<16xf32>
        %parallel_loop3A_712 = arith.mulf %parallel_loop3A_711, %parallel_loop3A_679 : vector<16xf32>
        %parallel_loop3A_713 = arith.constant 3 : i32
        %parallel_loop3A_714 = arith.addi %parallel_loop3A_535, %parallel_loop3A_713 : i32
        %parallel_loop3A_715 = arith.constant 0 : i32
        %parallel_loop3A_716 = arith.constant 0 : i32
        %parallel_loop3A_717 = tpu.memref_slice %arg14[%rem3A_118, %parallel_loop3A_715, %parallel_loop3A_716] : memref<4x128x64xf32, #tpu.memory_space<vmem>> -> memref<1x128x64xf32, #tpu.memory_space<vmem>>
        %parallel_loop3A_718 = tpu.memref_squeeze %parallel_loop3A_717 : memref<1x128x64xf32, #tpu.memory_space<vmem>> -> memref<128x64xf32, #tpu.memory_space<vmem>>
        %parallel_loop3A_719 = arith.index_cast %parallel_loop3A_714 : i32 to index
        %parallel_loop3A_720 = arith.constant 48 : index
        %parallel_loop3A_721 = tpu.vector_load %parallel_loop3A_718[%parallel_loop3A_719, %parallel_loop3A_720] {strides = array<i32>} : memref<128x64xf32, #tpu.memory_space<vmem>>, vector<1x16xf32>,
        %parallel_loop3A_722 = vector.shape_cast %parallel_loop3A_721 : vector<1x16xf32> to vector<16xf32>
        %parallel_loop3A_723 = arith.mulf %parallel_loop3A_722, %parallel_loop3A_679 : vector<16xf32>
        %parallel_loop3A_724 = arith.constant 0 : i32
        %parallel_loop3A_725 = arith.addi %parallel_loop3A_535, %parallel_loop3A_724 : i32
        %parallel_loop3A_726 = arith.constant 0 : i32
        %parallel_loop3A_727 = arith.constant 0 : i32
        %parallel_loop3A_728 = tpu.memref_slice %arg14[%rem3A_118, %parallel_loop3A_726, %parallel_loop3A_727] : memref<4x128x64xf32, #tpu.memory_space<vmem>> -> memref<1x128x64xf32, #tpu.memory_space<vmem>>
        %parallel_loop3A_729 = tpu.memref_squeeze %parallel_loop3A_728 : memref<1x128x64xf32, #tpu.memory_space<vmem>> -> memref<128x64xf32, #tpu.memory_space<vmem>>
        %parallel_loop3A_730 = arith.index_cast %parallel_loop3A_725 : i32 to index
        %parallel_loop3A_731 = arith.constant 0 : index
        %parallel_loop3A_732 = tpu.vector_load %parallel_loop3A_729[%parallel_loop3A_730, %parallel_loop3A_731] {strides = array<i32>} : memref<128x64xf32, #tpu.memory_space<vmem>>, vector<1x16xf32>,
        %parallel_loop3A_733 = vector.shape_cast %parallel_loop3A_732 : vector<1x16xf32> to vector<16xf32>
        %parallel_loop3A_734 = vector.shape_cast %parallel_loop3A_549 : vector<16xf32> to vector<1x16xf32>
        tpu.vector_store %parallel_loop3A_729[%parallel_loop3A_730, %parallel_loop3A_731], %parallel_loop3A_734 {strides = array<i32>} : memref<128x64xf32, #tpu.memory_space<vmem>>, vector<1x16xf32>,
        %parallel_loop3A_735 = arith.constant 0 : i32
        %parallel_loop3A_736 = arith.addi %parallel_loop3A_535, %parallel_loop3A_735 : i32
        %parallel_loop3A_737 = arith.constant 0 : i32
        %parallel_loop3A_738 = arith.constant 0 : i32
        %parallel_loop3A_739 = tpu.memref_slice %arg14[%rem3A_118, %parallel_loop3A_737, %parallel_loop3A_738] : memref<4x128x64xf32, #tpu.memory_space<vmem>> -> memref<1x128x64xf32, #tpu.memory_space<vmem>>
        %parallel_loop3A_740 = tpu.memref_squeeze %parallel_loop3A_739 : memref<1x128x64xf32, #tpu.memory_space<vmem>> -> memref<128x64xf32, #tpu.memory_space<vmem>>
        %parallel_loop3A_741 = arith.index_cast %parallel_loop3A_736 : i32 to index
        %parallel_loop3A_742 = arith.constant 16 : index
        %parallel_loop3A_743 = tpu.vector_load %parallel_loop3A_740[%parallel_loop3A_741, %parallel_loop3A_742] {strides = array<i32>} : memref<128x64xf32, #tpu.memory_space<vmem>>, vector<1x16xf32>,
        %parallel_loop3A_744 = vector.shape_cast %parallel_loop3A_743 : vector<1x16xf32> to vector<16xf32>
        %parallel_loop3A_745 = vector.shape_cast %parallel_loop3A_560 : vector<16xf32> to vector<1x16xf32>
        tpu.vector_store %parallel_loop3A_740[%parallel_loop3A_741, %parallel_loop3A_742], %parallel_loop3A_745 {strides = array<i32>} : memref<128x64xf32, #tpu.memory_space<vmem>>, vector<1x16xf32>,
        %parallel_loop3A_746 = arith.constant 0 : i32
        %parallel_loop3A_747 = arith.addi %parallel_loop3A_535, %parallel_loop3A_746 : i32
        %parallel_loop3A_748 = arith.constant 0 : i32
        %parallel_loop3A_749 = arith.constant 0 : i32
        %parallel_loop3A_750 = tpu.memref_slice %arg14[%rem3A_118, %parallel_loop3A_748, %parallel_loop3A_749] : memref<4x128x64xf32, #tpu.memory_space<vmem>> -> memref<1x128x64xf32, #tpu.memory_space<vmem>>
        %parallel_loop3A_751 = tpu.memref_squeeze %parallel_loop3A_750 : memref<1x128x64xf32, #tpu.memory_space<vmem>> -> memref<128x64xf32, #tpu.memory_space<vmem>>
        %parallel_loop3A_752 = arith.index_cast %parallel_loop3A_747 : i32 to index
        %parallel_loop3A_753 = arith.constant 32 : index
        %parallel_loop3A_754 = tpu.vector_load %parallel_loop3A_751[%parallel_loop3A_752, %parallel_loop3A_753] {strides = array<i32>} : memref<128x64xf32, #tpu.memory_space<vmem>>, vector<1x16xf32>,
        %parallel_loop3A_755 = vector.shape_cast %parallel_loop3A_754 : vector<1x16xf32> to vector<16xf32>
        %parallel_loop3A_756 = vector.shape_cast %parallel_loop3A_571 : vector<16xf32> to vector<1x16xf32>
        tpu.vector_store %parallel_loop3A_751[%parallel_loop3A_752, %parallel_loop3A_753], %parallel_loop3A_756 {strides = array<i32>} : memref<128x64xf32, #tpu.memory_space<vmem>>, vector<1x16xf32>,
        %parallel_loop3A_757 = arith.constant 0 : i32
        %parallel_loop3A_758 = arith.addi %parallel_loop3A_535, %parallel_loop3A_757 : i32
        %parallel_loop3A_759 = arith.constant 0 : i32
        %parallel_loop3A_760 = arith.constant 0 : i32
        %parallel_loop3A_761 = tpu.memref_slice %arg14[%rem3A_118, %parallel_loop3A_759, %parallel_loop3A_760] : memref<4x128x64xf32, #tpu.memory_space<vmem>> -> memref<1x128x64xf32, #tpu.memory_space<vmem>>
        %parallel_loop3A_762 = tpu.memref_squeeze %parallel_loop3A_761 : memref<1x128x64xf32, #tpu.memory_space<vmem>> -> memref<128x64xf32, #tpu.memory_space<vmem>>
        %parallel_loop3A_763 = arith.index_cast %parallel_loop3A_758 : i32 to index
        %parallel_loop3A_764 = arith.constant 48 : index
        %parallel_loop3A_765 = tpu.vector_load %parallel_loop3A_762[%parallel_loop3A_763, %parallel_loop3A_764] {strides = array<i32>} : memref<128x64xf32, #tpu.memory_space<vmem>>, vector<1x16xf32>,
        %parallel_loop3A_766 = vector.shape_cast %parallel_loop3A_765 : vector<1x16xf32> to vector<16xf32>
        %parallel_loop3A_767 = vector.shape_cast %parallel_loop3A_582 : vector<16xf32> to vector<1x16xf32>
        tpu.vector_store %parallel_loop3A_762[%parallel_loop3A_763, %parallel_loop3A_764], %parallel_loop3A_767 {strides = array<i32>} : memref<128x64xf32, #tpu.memory_space<vmem>>, vector<1x16xf32>,
        %parallel_loop3A_768 = arith.constant 1 : i32
        %parallel_loop3A_769 = arith.addi %parallel_loop3A_535, %parallel_loop3A_768 : i32
        %parallel_loop3A_770 = arith.constant 0 : i32
        %parallel_loop3A_771 = arith.constant 0 : i32
        %parallel_loop3A_772 = tpu.memref_slice %arg14[%rem3A_118, %parallel_loop3A_770, %parallel_loop3A_771] : memref<4x128x64xf32, #tpu.memory_space<vmem>> -> memref<1x128x64xf32, #tpu.memory_space<vmem>>
        %parallel_loop3A_773 = tpu.memref_squeeze %parallel_loop3A_772 : memref<1x128x64xf32, #tpu.memory_space<vmem>> -> memref<128x64xf32, #tpu.memory_space<vmem>>
        %parallel_loop3A_774 = arith.index_cast %parallel_loop3A_769 : i32 to index
        %parallel_loop3A_775 = arith.constant 0 : index
        %parallel_loop3A_776 = tpu.vector_load %parallel_loop3A_773[%parallel_loop3A_774, %parallel_loop3A_775] {strides = array<i32>} : memref<128x64xf32, #tpu.memory_space<vmem>>, vector<1x16xf32>,
        %parallel_loop3A_777 = vector.shape_cast %parallel_loop3A_776 : vector<1x16xf32> to vector<16xf32>
        %parallel_loop3A_778 = vector.shape_cast %parallel_loop3A_596 : vector<16xf32> to vector<1x16xf32>
        tpu.vector_store %parallel_loop3A_773[%parallel_loop3A_774, %parallel_loop3A_775], %parallel_loop3A_778 {strides = array<i32>} : memref<128x64xf32, #tpu.memory_space<vmem>>, vector<1x16xf32>,
        %parallel_loop3A_779 = arith.constant 1 : i32
        %parallel_loop3A_780 = arith.addi %parallel_loop3A_535, %parallel_loop3A_779 : i32
        %parallel_loop3A_781 = arith.constant 0 : i32
        %parallel_loop3A_782 = arith.constant 0 : i32
        %parallel_loop3A_783 = tpu.memref_slice %arg14[%rem3A_118, %parallel_loop3A_781, %parallel_loop3A_782] : memref<4x128x64xf32, #tpu.memory_space<vmem>> -> memref<1x128x64xf32, #tpu.memory_space<vmem>>
        %parallel_loop3A_784 = tpu.memref_squeeze %parallel_loop3A_783 : memref<1x128x64xf32, #tpu.memory_space<vmem>> -> memref<128x64xf32, #tpu.memory_space<vmem>>
        %parallel_loop3A_785 = arith.index_cast %parallel_loop3A_780 : i32 to index
        %parallel_loop3A_786 = arith.constant 16 : index
        %parallel_loop3A_787 = tpu.vector_load %parallel_loop3A_784[%parallel_loop3A_785, %parallel_loop3A_786] {strides = array<i32>} : memref<128x64xf32, #tpu.memory_space<vmem>>, vector<1x16xf32>,
        %parallel_loop3A_788 = vector.shape_cast %parallel_loop3A_787 : vector<1x16xf32> to vector<16xf32>
        %parallel_loop3A_789 = vector.shape_cast %parallel_loop3A_607 : vector<16xf32> to vector<1x16xf32>
        tpu.vector_store %parallel_loop3A_784[%parallel_loop3A_785, %parallel_loop3A_786], %parallel_loop3A_789 {strides = array<i32>} : memref<128x64xf32, #tpu.memory_space<vmem>>, vector<1x16xf32>,
        %parallel_loop3A_790 = arith.constant 1 : i32
        %parallel_loop3A_791 = arith.addi %parallel_loop3A_535, %parallel_loop3A_790 : i32
        %parallel_loop3A_792 = arith.constant 0 : i32
        %parallel_loop3A_793 = arith.constant 0 : i32
        %parallel_loop3A_794 = tpu.memref_slice %arg14[%rem3A_118, %parallel_loop3A_792, %parallel_loop3A_793] : memref<4x128x64xf32, #tpu.memory_space<vmem>> -> memref<1x128x64xf32, #tpu.memory_space<vmem>>
        %parallel_loop3A_795 = tpu.memref_squeeze %parallel_loop3A_794 : memref<1x128x64xf32, #tpu.memory_space<vmem>> -> memref<128x64xf32, #tpu.memory_space<vmem>>
        %parallel_loop3A_796 = arith.index_cast %parallel_loop3A_791 : i32 to index
        %parallel_loop3A_797 = arith.constant 32 : index
        %parallel_loop3A_798 = tpu.vector_load %parallel_loop3A_795[%parallel_loop3A_796, %parallel_loop3A_797] {strides = array<i32>} : memref<128x64xf32, #tpu.memory_space<vmem>>, vector<1x16xf32>,
        %parallel_loop3A_799 = vector.shape_cast %parallel_loop3A_798 : vector<1x16xf32> to vector<16xf32>
        %parallel_loop3A_800 = vector.shape_cast %parallel_loop3A_618 : vector<16xf32> to vector<1x16xf32>
        tpu.vector_store %parallel_loop3A_795[%parallel_loop3A_796, %parallel_loop3A_797], %parallel_loop3A_800 {strides = array<i32>} : memref<128x64xf32, #tpu.memory_space<vmem>>, vector<1x16xf32>,
        %parallel_loop3A_801 = arith.constant 1 : i32
        %parallel_loop3A_802 = arith.addi %parallel_loop3A_535, %parallel_loop3A_801 : i32
        %parallel_loop3A_803 = arith.constant 0 : i32
        %parallel_loop3A_804 = arith.constant 0 : i32
        %parallel_loop3A_805 = tpu.memref_slice %arg14[%rem3A_118, %parallel_loop3A_803, %parallel_loop3A_804] : memref<4x128x64xf32, #tpu.memory_space<vmem>> -> memref<1x128x64xf32, #tpu.memory_space<vmem>>
        %parallel_loop3A_806 = tpu.memref_squeeze %parallel_loop3A_805 : memref<1x128x64xf32, #tpu.memory_space<vmem>> -> memref<128x64xf32, #tpu.memory_space<vmem>>
        %parallel_loop3A_807 = arith.index_cast %parallel_loop3A_802 : i32 to index
        %parallel_loop3A_808 = arith.constant 48 : index
        %parallel_loop3A_809 = tpu.vector_load %parallel_loop3A_806[%parallel_loop3A_807, %parallel_loop3A_808] {strides = array<i32>} : memref<128x64xf32, #tpu.memory_space<vmem>>, vector<1x16xf32>,
        %parallel_loop3A_810 = vector.shape_cast %parallel_loop3A_809 : vector<1x16xf32> to vector<16xf32>
        %parallel_loop3A_811 = vector.shape_cast %parallel_loop3A_629 : vector<16xf32> to vector<1x16xf32>
        tpu.vector_store %parallel_loop3A_806[%parallel_loop3A_807, %parallel_loop3A_808], %parallel_loop3A_811 {strides = array<i32>} : memref<128x64xf32, #tpu.memory_space<vmem>>, vector<1x16xf32>,
        %parallel_loop3A_812 = arith.constant 2 : i32
        %parallel_loop3A_813 = arith.addi %parallel_loop3A_535, %parallel_loop3A_812 : i32
        %parallel_loop3A_814 = arith.constant 0 : i32
        %parallel_loop3A_815 = arith.constant 0 : i32
        %parallel_loop3A_816 = tpu.memref_slice %arg14[%rem3A_118, %parallel_loop3A_814, %parallel_loop3A_815] : memref<4x128x64xf32, #tpu.memory_space<vmem>> -> memref<1x128x64xf32, #tpu.memory_space<vmem>>
        %parallel_loop3A_817 = tpu.memref_squeeze %parallel_loop3A_816 : memref<1x128x64xf32, #tpu.memory_space<vmem>> -> memref<128x64xf32, #tpu.memory_space<vmem>>
        %parallel_loop3A_818 = arith.index_cast %parallel_loop3A_813 : i32 to index
        %parallel_loop3A_819 = arith.constant 0 : index
        %parallel_loop3A_820 = tpu.vector_load %parallel_loop3A_817[%parallel_loop3A_818, %parallel_loop3A_819] {strides = array<i32>} : memref<128x64xf32, #tpu.memory_space<vmem>>, vector<1x16xf32>,
        %parallel_loop3A_821 = vector.shape_cast %parallel_loop3A_820 : vector<1x16xf32> to vector<16xf32>
        %parallel_loop3A_822 = vector.shape_cast %parallel_loop3A_643 : vector<16xf32> to vector<1x16xf32>
        tpu.vector_store %parallel_loop3A_817[%parallel_loop3A_818, %parallel_loop3A_819], %parallel_loop3A_822 {strides = array<i32>} : memref<128x64xf32, #tpu.memory_space<vmem>>, vector<1x16xf32>,
        %parallel_loop3A_823 = arith.constant 2 : i32
        %parallel_loop3A_824 = arith.addi %parallel_loop3A_535, %parallel_loop3A_823 : i32
        %parallel_loop3A_825 = arith.constant 0 : i32
        %parallel_loop3A_826 = arith.constant 0 : i32
        %parallel_loop3A_827 = tpu.memref_slice %arg14[%rem3A_118, %parallel_loop3A_825, %parallel_loop3A_826] : memref<4x128x64xf32, #tpu.memory_space<vmem>> -> memref<1x128x64xf32, #tpu.memory_space<vmem>>
        %parallel_loop3A_828 = tpu.memref_squeeze %parallel_loop3A_827 : memref<1x128x64xf32, #tpu.memory_space<vmem>> -> memref<128x64xf32, #tpu.memory_space<vmem>>
        %parallel_loop3A_829 = arith.index_cast %parallel_loop3A_824 : i32 to index
        %parallel_loop3A_830 = arith.constant 16 : index
        %parallel_loop3A_831 = tpu.vector_load %parallel_loop3A_828[%parallel_loop3A_829, %parallel_loop3A_830] {strides = array<i32>} : memref<128x64xf32, #tpu.memory_space<vmem>>, vector<1x16xf32>,
        %parallel_loop3A_832 = vector.shape_cast %parallel_loop3A_831 : vector<1x16xf32> to vector<16xf32>
        %parallel_loop3A_833 = vector.shape_cast %parallel_loop3A_654 : vector<16xf32> to vector<1x16xf32>
        tpu.vector_store %parallel_loop3A_828[%parallel_loop3A_829, %parallel_loop3A_830], %parallel_loop3A_833 {strides = array<i32>} : memref<128x64xf32, #tpu.memory_space<vmem>>, vector<1x16xf32>,
        %parallel_loop3A_834 = arith.constant 2 : i32
        %parallel_loop3A_835 = arith.addi %parallel_loop3A_535, %parallel_loop3A_834 : i32
        %parallel_loop3A_836 = arith.constant 0 : i32
        %parallel_loop3A_837 = arith.constant 0 : i32
        %parallel_loop3A_838 = tpu.memref_slice %arg14[%rem3A_118, %parallel_loop3A_836, %parallel_loop3A_837] : memref<4x128x64xf32, #tpu.memory_space<vmem>> -> memref<1x128x64xf32, #tpu.memory_space<vmem>>
        %parallel_loop3A_839 = tpu.memref_squeeze %parallel_loop3A_838 : memref<1x128x64xf32, #tpu.memory_space<vmem>> -> memref<128x64xf32, #tpu.memory_space<vmem>>
        %parallel_loop3A_840 = arith.index_cast %parallel_loop3A_835 : i32 to index
        %parallel_loop3A_841 = arith.constant 32 : index
        %parallel_loop3A_842 = tpu.vector_load %parallel_loop3A_839[%parallel_loop3A_840, %parallel_loop3A_841] {strides = array<i32>} : memref<128x64xf32, #tpu.memory_space<vmem>>, vector<1x16xf32>,
        %parallel_loop3A_843 = vector.shape_cast %parallel_loop3A_842 : vector<1x16xf32> to vector<16xf32>
        %parallel_loop3A_844 = vector.shape_cast %parallel_loop3A_665 : vector<16xf32> to vector<1x16xf32>
        tpu.vector_store %parallel_loop3A_839[%parallel_loop3A_840, %parallel_loop3A_841], %parallel_loop3A_844 {strides = array<i32>} : memref<128x64xf32, #tpu.memory_space<vmem>>, vector<1x16xf32>,
        %parallel_loop3A_845 = arith.constant 2 : i32
        %parallel_loop3A_846 = arith.addi %parallel_loop3A_535, %parallel_loop3A_845 : i32
        %parallel_loop3A_847 = arith.constant 0 : i32
        %parallel_loop3A_848 = arith.constant 0 : i32
        %parallel_loop3A_849 = tpu.memref_slice %arg14[%rem3A_118, %parallel_loop3A_847, %parallel_loop3A_848] : memref<4x128x64xf32, #tpu.memory_space<vmem>> -> memref<1x128x64xf32, #tpu.memory_space<vmem>>
        %parallel_loop3A_850 = tpu.memref_squeeze %parallel_loop3A_849 : memref<1x128x64xf32, #tpu.memory_space<vmem>> -> memref<128x64xf32, #tpu.memory_space<vmem>>
        %parallel_loop3A_851 = arith.index_cast %parallel_loop3A_846 : i32 to index
        %parallel_loop3A_852 = arith.constant 48 : index
        %parallel_loop3A_853 = tpu.vector_load %parallel_loop3A_850[%parallel_loop3A_851, %parallel_loop3A_852] {strides = array<i32>} : memref<128x64xf32, #tpu.memory_space<vmem>>, vector<1x16xf32>,
        %parallel_loop3A_854 = vector.shape_cast %parallel_loop3A_853 : vector<1x16xf32> to vector<16xf32>
        %parallel_loop3A_855 = vector.shape_cast %parallel_loop3A_676 : vector<16xf32> to vector<1x16xf32>
        tpu.vector_store %parallel_loop3A_850[%parallel_loop3A_851, %parallel_loop3A_852], %parallel_loop3A_855 {strides = array<i32>} : memref<128x64xf32, #tpu.memory_space<vmem>>, vector<1x16xf32>,
        %parallel_loop3A_856 = arith.constant 3 : i32
        %parallel_loop3A_857 = arith.addi %parallel_loop3A_535, %parallel_loop3A_856 : i32
        %parallel_loop3A_858 = arith.constant 0 : i32
        %parallel_loop3A_859 = arith.constant 0 : i32
        %parallel_loop3A_860 = tpu.memref_slice %arg14[%rem3A_118, %parallel_loop3A_858, %parallel_loop3A_859] : memref<4x128x64xf32, #tpu.memory_space<vmem>> -> memref<1x128x64xf32, #tpu.memory_space<vmem>>
        %parallel_loop3A_861 = tpu.memref_squeeze %parallel_loop3A_860 : memref<1x128x64xf32, #tpu.memory_space<vmem>> -> memref<128x64xf32, #tpu.memory_space<vmem>>
        %parallel_loop3A_862 = arith.index_cast %parallel_loop3A_857 : i32 to index
        %parallel_loop3A_863 = arith.constant 0 : index
        %parallel_loop3A_864 = tpu.vector_load %parallel_loop3A_861[%parallel_loop3A_862, %parallel_loop3A_863] {strides = array<i32>} : memref<128x64xf32, #tpu.memory_space<vmem>>, vector<1x16xf32>,
        %parallel_loop3A_865 = vector.shape_cast %parallel_loop3A_864 : vector<1x16xf32> to vector<16xf32>
        %parallel_loop3A_866 = vector.shape_cast %parallel_loop3A_690 : vector<16xf32> to vector<1x16xf32>
        tpu.vector_store %parallel_loop3A_861[%parallel_loop3A_862, %parallel_loop3A_863], %parallel_loop3A_866 {strides = array<i32>} : memref<128x64xf32, #tpu.memory_space<vmem>>, vector<1x16xf32>,
        %parallel_loop3A_867 = arith.constant 3 : i32
        %parallel_loop3A_868 = arith.addi %parallel_loop3A_535, %parallel_loop3A_867 : i32
        %parallel_loop3A_869 = arith.constant 0 : i32
        %parallel_loop3A_870 = arith.constant 0 : i32
        %parallel_loop3A_871 = tpu.memref_slice %arg14[%rem3A_118, %parallel_loop3A_869, %parallel_loop3A_870] : memref<4x128x64xf32, #tpu.memory_space<vmem>> -> memref<1x128x64xf32, #tpu.memory_space<vmem>>
        %parallel_loop3A_872 = tpu.memref_squeeze %parallel_loop3A_871 : memref<1x128x64xf32, #tpu.memory_space<vmem>> -> memref<128x64xf32, #tpu.memory_space<vmem>>
        %parallel_loop3A_873 = arith.index_cast %parallel_loop3A_868 : i32 to index
        %parallel_loop3A_874 = arith.constant 16 : index
        %parallel_loop3A_875 = tpu.vector_load %parallel_loop3A_872[%parallel_loop3A_873, %parallel_loop3A_874] {strides = array<i32>} : memref<128x64xf32, #tpu.memory_space<vmem>>, vector<1x16xf32>,
        %parallel_loop3A_876 = vector.shape_cast %parallel_loop3A_875 : vector<1x16xf32> to vector<16xf32>
        %parallel_loop3A_877 = vector.shape_cast %parallel_loop3A_701 : vector<16xf32> to vector<1x16xf32>
        tpu.vector_store %parallel_loop3A_872[%parallel_loop3A_873, %parallel_loop3A_874], %parallel_loop3A_877 {strides = array<i32>} : memref<128x64xf32, #tpu.memory_space<vmem>>, vector<1x16xf32>,
        %parallel_loop3A_878 = arith.constant 3 : i32
        %parallel_loop3A_879 = arith.addi %parallel_loop3A_535, %parallel_loop3A_878 : i32
        %parallel_loop3A_880 = arith.constant 0 : i32
        %parallel_loop3A_881 = arith.constant 0 : i32
        %parallel_loop3A_882 = tpu.memref_slice %arg14[%rem3A_118, %parallel_loop3A_880, %parallel_loop3A_881] : memref<4x128x64xf32, #tpu.memory_space<vmem>> -> memref<1x128x64xf32, #tpu.memory_space<vmem>>
        %parallel_loop3A_883 = tpu.memref_squeeze %parallel_loop3A_882 : memref<1x128x64xf32, #tpu.memory_space<vmem>> -> memref<128x64xf32, #tpu.memory_space<vmem>>
        %parallel_loop3A_884 = arith.index_cast %parallel_loop3A_879 : i32 to index
        %parallel_loop3A_885 = arith.constant 32 : index
        %parallel_loop3A_886 = tpu.vector_load %parallel_loop3A_883[%parallel_loop3A_884, %parallel_loop3A_885] {strides = array<i32>} : memref<128x64xf32, #tpu.memory_space<vmem>>, vector<1x16xf32>,
        %parallel_loop3A_887 = vector.shape_cast %parallel_loop3A_886 : vector<1x16xf32> to vector<16xf32>
        %parallel_loop3A_888 = vector.shape_cast %parallel_loop3A_712 : vector<16xf32> to vector<1x16xf32>
        tpu.vector_store %parallel_loop3A_883[%parallel_loop3A_884, %parallel_loop3A_885], %parallel_loop3A_888 {strides = array<i32>} : memref<128x64xf32, #tpu.memory_space<vmem>>, vector<1x16xf32>,
        %parallel_loop3A_889 = arith.constant 3 : i32
        %parallel_loop3A_890 = arith.addi %parallel_loop3A_535, %parallel_loop3A_889 : i32
        %parallel_loop3A_891 = arith.constant 0 : i32
        %parallel_loop3A_892 = arith.constant 0 : i32
        %parallel_loop3A_893 = tpu.memref_slice %arg14[%rem3A_118, %parallel_loop3A_891, %parallel_loop3A_892] : memref<4x128x64xf32, #tpu.memory_space<vmem>> -> memref<1x128x64xf32, #tpu.memory_space<vmem>>
        %parallel_loop3A_894 = tpu.memref_squeeze %parallel_loop3A_893 : memref<1x128x64xf32, #tpu.memory_space<vmem>> -> memref<128x64xf32, #tpu.memory_space<vmem>>
        %parallel_loop3A_895 = arith.index_cast %parallel_loop3A_890 : i32 to index
        %parallel_loop3A_896 = arith.constant 48 : index
        %parallel_loop3A_897 = tpu.vector_load %parallel_loop3A_894[%parallel_loop3A_895, %parallel_loop3A_896] {strides = array<i32>} : memref<128x64xf32, #tpu.memory_space<vmem>>, vector<1x16xf32>,
        %parallel_loop3A_898 = vector.shape_cast %parallel_loop3A_897 : vector<1x16xf32> to vector<16xf32>
        %parallel_loop3A_899 = vector.shape_cast %parallel_loop3A_723 : vector<16xf32> to vector<1x16xf32>
        tpu.vector_store %parallel_loop3A_894[%parallel_loop3A_895, %parallel_loop3A_896], %parallel_loop3A_899 {strides = array<i32>} : memref<128x64xf32, #tpu.memory_space<vmem>>, vector<1x16xf32>,
        %parallel_loop3A_900 = arith.constant 16 : i32
        %parallel_loop3A_901 = arith.muli %parallel_loop3A_155, %parallel_loop3A_900 : i32
        %parallel_loop3A_902 = arith.constant 8 : i32
        %parallel_loop3A_903 = arith.addi %parallel_loop3A_901, %parallel_loop3A_902 : i32
        %parallel_loop3A_904 = vector.extract_strided_slice %parallel_loop3A_163 {offsets = [8], sizes = [1], strides = [1]} : vector<16xf32> to vector<1xf32>
        %parallel_loop3A_905 = vector.extract %parallel_loop3A_904[0] : f32 from vector<1xf32>
        %parallel_loop3A_906 = vector.broadcast %parallel_loop3A_905 : f32 to vector<16xf32>
        %parallel_loop3A_907 = arith.constant 0 : i32
        %parallel_loop3A_908 = arith.addi %parallel_loop3A_903, %parallel_loop3A_907 : i32
        %parallel_loop3A_909 = arith.constant 0 : i32
        %parallel_loop3A_910 = arith.constant 0 : i32
        %parallel_loop3A_911 = tpu.memref_slice %arg14[%rem3A_118, %parallel_loop3A_909, %parallel_loop3A_910] : memref<4x128x64xf32, #tpu.memory_space<vmem>> -> memref<1x128x64xf32, #tpu.memory_space<vmem>>
        %parallel_loop3A_912 = tpu.memref_squeeze %parallel_loop3A_911 : memref<1x128x64xf32, #tpu.memory_space<vmem>> -> memref<128x64xf32, #tpu.memory_space<vmem>>
        %parallel_loop3A_913 = arith.index_cast %parallel_loop3A_908 : i32 to index
        %parallel_loop3A_914 = arith.constant 0 : index
        %parallel_loop3A_915 = tpu.vector_load %parallel_loop3A_912[%parallel_loop3A_913, %parallel_loop3A_914] {strides = array<i32>} : memref<128x64xf32, #tpu.memory_space<vmem>>, vector<1x16xf32>,
        %parallel_loop3A_916 = vector.shape_cast %parallel_loop3A_915 : vector<1x16xf32> to vector<16xf32>
        %parallel_loop3A_917 = arith.mulf %parallel_loop3A_916, %parallel_loop3A_906 : vector<16xf32>
        %parallel_loop3A_918 = arith.constant 0 : i32
        %parallel_loop3A_919 = arith.addi %parallel_loop3A_903, %parallel_loop3A_918 : i32
        %parallel_loop3A_920 = arith.constant 0 : i32
        %parallel_loop3A_921 = arith.constant 0 : i32
        %parallel_loop3A_922 = tpu.memref_slice %arg14[%rem3A_118, %parallel_loop3A_920, %parallel_loop3A_921] : memref<4x128x64xf32, #tpu.memory_space<vmem>> -> memref<1x128x64xf32, #tpu.memory_space<vmem>>
        %parallel_loop3A_923 = tpu.memref_squeeze %parallel_loop3A_922 : memref<1x128x64xf32, #tpu.memory_space<vmem>> -> memref<128x64xf32, #tpu.memory_space<vmem>>
        %parallel_loop3A_924 = arith.index_cast %parallel_loop3A_919 : i32 to index
        %parallel_loop3A_925 = arith.constant 16 : index
        %parallel_loop3A_926 = tpu.vector_load %parallel_loop3A_923[%parallel_loop3A_924, %parallel_loop3A_925] {strides = array<i32>} : memref<128x64xf32, #tpu.memory_space<vmem>>, vector<1x16xf32>,
        %parallel_loop3A_927 = vector.shape_cast %parallel_loop3A_926 : vector<1x16xf32> to vector<16xf32>
        %parallel_loop3A_928 = arith.mulf %parallel_loop3A_927, %parallel_loop3A_906 : vector<16xf32>
        %parallel_loop3A_929 = arith.constant 0 : i32
        %parallel_loop3A_930 = arith.addi %parallel_loop3A_903, %parallel_loop3A_929 : i32
        %parallel_loop3A_931 = arith.constant 0 : i32
        %parallel_loop3A_932 = arith.constant 0 : i32
        %parallel_loop3A_933 = tpu.memref_slice %arg14[%rem3A_118, %parallel_loop3A_931, %parallel_loop3A_932] : memref<4x128x64xf32, #tpu.memory_space<vmem>> -> memref<1x128x64xf32, #tpu.memory_space<vmem>>
        %parallel_loop3A_934 = tpu.memref_squeeze %parallel_loop3A_933 : memref<1x128x64xf32, #tpu.memory_space<vmem>> -> memref<128x64xf32, #tpu.memory_space<vmem>>
        %parallel_loop3A_935 = arith.index_cast %parallel_loop3A_930 : i32 to index
        %parallel_loop3A_936 = arith.constant 32 : index
        %parallel_loop3A_937 = tpu.vector_load %parallel_loop3A_934[%parallel_loop3A_935, %parallel_loop3A_936] {strides = array<i32>} : memref<128x64xf32, #tpu.memory_space<vmem>>, vector<1x16xf32>,
        %parallel_loop3A_938 = vector.shape_cast %parallel_loop3A_937 : vector<1x16xf32> to vector<16xf32>
        %parallel_loop3A_939 = arith.mulf %parallel_loop3A_938, %parallel_loop3A_906 : vector<16xf32>
        %parallel_loop3A_940 = arith.constant 0 : i32
        %parallel_loop3A_941 = arith.addi %parallel_loop3A_903, %parallel_loop3A_940 : i32
        %parallel_loop3A_942 = arith.constant 0 : i32
        %parallel_loop3A_943 = arith.constant 0 : i32
        %parallel_loop3A_944 = tpu.memref_slice %arg14[%rem3A_118, %parallel_loop3A_942, %parallel_loop3A_943] : memref<4x128x64xf32, #tpu.memory_space<vmem>> -> memref<1x128x64xf32, #tpu.memory_space<vmem>>
        %parallel_loop3A_945 = tpu.memref_squeeze %parallel_loop3A_944 : memref<1x128x64xf32, #tpu.memory_space<vmem>> -> memref<128x64xf32, #tpu.memory_space<vmem>>
        %parallel_loop3A_946 = arith.index_cast %parallel_loop3A_941 : i32 to index
        %parallel_loop3A_947 = arith.constant 48 : index
        %parallel_loop3A_948 = tpu.vector_load %parallel_loop3A_945[%parallel_loop3A_946, %parallel_loop3A_947] {strides = array<i32>} : memref<128x64xf32, #tpu.memory_space<vmem>>, vector<1x16xf32>,
        %parallel_loop3A_949 = vector.shape_cast %parallel_loop3A_948 : vector<1x16xf32> to vector<16xf32>
        %parallel_loop3A_950 = arith.mulf %parallel_loop3A_949, %parallel_loop3A_906 : vector<16xf32>
        %parallel_loop3A_951 = vector.extract_strided_slice %parallel_loop3A_163 {offsets = [9], sizes = [1], strides = [1]} : vector<16xf32> to vector<1xf32>
        %parallel_loop3A_952 = vector.extract %parallel_loop3A_951[0] : f32 from vector<1xf32>
        %parallel_loop3A_953 = vector.broadcast %parallel_loop3A_952 : f32 to vector<16xf32>
        %parallel_loop3A_954 = arith.constant 1 : i32
        %parallel_loop3A_955 = arith.addi %parallel_loop3A_903, %parallel_loop3A_954 : i32
        %parallel_loop3A_956 = arith.constant 0 : i32
        %parallel_loop3A_957 = arith.constant 0 : i32
        %parallel_loop3A_958 = tpu.memref_slice %arg14[%rem3A_118, %parallel_loop3A_956, %parallel_loop3A_957] : memref<4x128x64xf32, #tpu.memory_space<vmem>> -> memref<1x128x64xf32, #tpu.memory_space<vmem>>
        %parallel_loop3A_959 = tpu.memref_squeeze %parallel_loop3A_958 : memref<1x128x64xf32, #tpu.memory_space<vmem>> -> memref<128x64xf32, #tpu.memory_space<vmem>>
        %parallel_loop3A_960 = arith.index_cast %parallel_loop3A_955 : i32 to index
        %parallel_loop3A_961 = arith.constant 0 : index
        %parallel_loop3A_962 = tpu.vector_load %parallel_loop3A_959[%parallel_loop3A_960, %parallel_loop3A_961] {strides = array<i32>} : memref<128x64xf32, #tpu.memory_space<vmem>>, vector<1x16xf32>,
        %parallel_loop3A_963 = vector.shape_cast %parallel_loop3A_962 : vector<1x16xf32> to vector<16xf32>
        %parallel_loop3A_964 = arith.mulf %parallel_loop3A_963, %parallel_loop3A_953 : vector<16xf32>
        %parallel_loop3A_965 = arith.constant 1 : i32
        %parallel_loop3A_966 = arith.addi %parallel_loop3A_903, %parallel_loop3A_965 : i32
        %parallel_loop3A_967 = arith.constant 0 : i32
        %parallel_loop3A_968 = arith.constant 0 : i32
        %parallel_loop3A_969 = tpu.memref_slice %arg14[%rem3A_118, %parallel_loop3A_967, %parallel_loop3A_968] : memref<4x128x64xf32, #tpu.memory_space<vmem>> -> memref<1x128x64xf32, #tpu.memory_space<vmem>>
        %parallel_loop3A_970 = tpu.memref_squeeze %parallel_loop3A_969 : memref<1x128x64xf32, #tpu.memory_space<vmem>> -> memref<128x64xf32, #tpu.memory_space<vmem>>
        %parallel_loop3A_971 = arith.index_cast %parallel_loop3A_966 : i32 to index
        %parallel_loop3A_972 = arith.constant 16 : index
        %parallel_loop3A_973 = tpu.vector_load %parallel_loop3A_970[%parallel_loop3A_971, %parallel_loop3A_972] {strides = array<i32>} : memref<128x64xf32, #tpu.memory_space<vmem>>, vector<1x16xf32>,
        %parallel_loop3A_974 = vector.shape_cast %parallel_loop3A_973 : vector<1x16xf32> to vector<16xf32>
        %parallel_loop3A_975 = arith.mulf %parallel_loop3A_974, %parallel_loop3A_953 : vector<16xf32>
        %parallel_loop3A_976 = arith.constant 1 : i32
        %parallel_loop3A_977 = arith.addi %parallel_loop3A_903, %parallel_loop3A_976 : i32
        %parallel_loop3A_978 = arith.constant 0 : i32
        %parallel_loop3A_979 = arith.constant 0 : i32
        %parallel_loop3A_980 = tpu.memref_slice %arg14[%rem3A_118, %parallel_loop3A_978, %parallel_loop3A_979] : memref<4x128x64xf32, #tpu.memory_space<vmem>> -> memref<1x128x64xf32, #tpu.memory_space<vmem>>
        %parallel_loop3A_981 = tpu.memref_squeeze %parallel_loop3A_980 : memref<1x128x64xf32, #tpu.memory_space<vmem>> -> memref<128x64xf32, #tpu.memory_space<vmem>>
        %parallel_loop3A_982 = arith.index_cast %parallel_loop3A_977 : i32 to index
        %parallel_loop3A_983 = arith.constant 32 : index
        %parallel_loop3A_984 = tpu.vector_load %parallel_loop3A_981[%parallel_loop3A_982, %parallel_loop3A_983] {strides = array<i32>} : memref<128x64xf32, #tpu.memory_space<vmem>>, vector<1x16xf32>,
        %parallel_loop3A_985 = vector.shape_cast %parallel_loop3A_984 : vector<1x16xf32> to vector<16xf32>
        %parallel_loop3A_986 = arith.mulf %parallel_loop3A_985, %parallel_loop3A_953 : vector<16xf32>
        %parallel_loop3A_987 = arith.constant 1 : i32
        %parallel_loop3A_988 = arith.addi %parallel_loop3A_903, %parallel_loop3A_987 : i32
        %parallel_loop3A_989 = arith.constant 0 : i32
        %parallel_loop3A_990 = arith.constant 0 : i32
        %parallel_loop3A_991 = tpu.memref_slice %arg14[%rem3A_118, %parallel_loop3A_989, %parallel_loop3A_990] : memref<4x128x64xf32, #tpu.memory_space<vmem>> -> memref<1x128x64xf32, #tpu.memory_space<vmem>>
        %parallel_loop3A_992 = tpu.memref_squeeze %parallel_loop3A_991 : memref<1x128x64xf32, #tpu.memory_space<vmem>> -> memref<128x64xf32, #tpu.memory_space<vmem>>
        %parallel_loop3A_993 = arith.index_cast %parallel_loop3A_988 : i32 to index
        %parallel_loop3A_994 = arith.constant 48 : index
        %parallel_loop3A_995 = tpu.vector_load %parallel_loop3A_992[%parallel_loop3A_993, %parallel_loop3A_994] {strides = array<i32>} : memref<128x64xf32, #tpu.memory_space<vmem>>, vector<1x16xf32>,
        %parallel_loop3A_996 = vector.shape_cast %parallel_loop3A_995 : vector<1x16xf32> to vector<16xf32>
        %parallel_loop3A_997 = arith.mulf %parallel_loop3A_996, %parallel_loop3A_953 : vector<16xf32>
        %parallel_loop3A_998 = vector.extract_strided_slice %parallel_loop3A_163 {offsets = [10], sizes = [1], strides = [1]} : vector<16xf32> to vector<1xf32>
        %parallel_loop3A_999 = vector.extract %parallel_loop3A_998[0] : f32 from vector<1xf32>
        %parallel_loop3A_1000 = vector.broadcast %parallel_loop3A_999 : f32 to vector<16xf32>
        %parallel_loop3A_1001 = arith.constant 2 : i32
        %parallel_loop3A_1002 = arith.addi %parallel_loop3A_903, %parallel_loop3A_1001 : i32
        %parallel_loop3A_1003 = arith.constant 0 : i32
        %parallel_loop3A_1004 = arith.constant 0 : i32
        %parallel_loop3A_1005 = tpu.memref_slice %arg14[%rem3A_118, %parallel_loop3A_1003, %parallel_loop3A_1004] : memref<4x128x64xf32, #tpu.memory_space<vmem>> -> memref<1x128x64xf32, #tpu.memory_space<vmem>>
        %parallel_loop3A_1006 = tpu.memref_squeeze %parallel_loop3A_1005 : memref<1x128x64xf32, #tpu.memory_space<vmem>> -> memref<128x64xf32, #tpu.memory_space<vmem>>
        %parallel_loop3A_1007 = arith.index_cast %parallel_loop3A_1002 : i32 to index
        %parallel_loop3A_1008 = arith.constant 0 : index
        %parallel_loop3A_1009 = tpu.vector_load %parallel_loop3A_1006[%parallel_loop3A_1007, %parallel_loop3A_1008] {strides = array<i32>} : memref<128x64xf32, #tpu.memory_space<vmem>>, vector<1x16xf32>,
        %parallel_loop3A_1010 = vector.shape_cast %parallel_loop3A_1009 : vector<1x16xf32> to vector<16xf32>
        %parallel_loop3A_1011 = arith.mulf %parallel_loop3A_1010, %parallel_loop3A_1000 : vector<16xf32>
        %parallel_loop3A_1012 = arith.constant 2 : i32
        %parallel_loop3A_1013 = arith.addi %parallel_loop3A_903, %parallel_loop3A_1012 : i32
        %parallel_loop3A_1014 = arith.constant 0 : i32
        %parallel_loop3A_1015 = arith.constant 0 : i32
        %parallel_loop3A_1016 = tpu.memref_slice %arg14[%rem3A_118, %parallel_loop3A_1014, %parallel_loop3A_1015] : memref<4x128x64xf32, #tpu.memory_space<vmem>> -> memref<1x128x64xf32, #tpu.memory_space<vmem>>
        %parallel_loop3A_1017 = tpu.memref_squeeze %parallel_loop3A_1016 : memref<1x128x64xf32, #tpu.memory_space<vmem>> -> memref<128x64xf32, #tpu.memory_space<vmem>>
        %parallel_loop3A_1018 = arith.index_cast %parallel_loop3A_1013 : i32 to index
        %parallel_loop3A_1019 = arith.constant 16 : index
        %parallel_loop3A_1020 = tpu.vector_load %parallel_loop3A_1017[%parallel_loop3A_1018, %parallel_loop3A_1019] {strides = array<i32>} : memref<128x64xf32, #tpu.memory_space<vmem>>, vector<1x16xf32>,
        %parallel_loop3A_1021 = vector.shape_cast %parallel_loop3A_1020 : vector<1x16xf32> to vector<16xf32>
        %parallel_loop3A_1022 = arith.mulf %parallel_loop3A_1021, %parallel_loop3A_1000 : vector<16xf32>
        %parallel_loop3A_1023 = arith.constant 2 : i32
        %parallel_loop3A_1024 = arith.addi %parallel_loop3A_903, %parallel_loop3A_1023 : i32
        %parallel_loop3A_1025 = arith.constant 0 : i32
        %parallel_loop3A_1026 = arith.constant 0 : i32
        %parallel_loop3A_1027 = tpu.memref_slice %arg14[%rem3A_118, %parallel_loop3A_1025, %parallel_loop3A_1026] : memref<4x128x64xf32, #tpu.memory_space<vmem>> -> memref<1x128x64xf32, #tpu.memory_space<vmem>>
        %parallel_loop3A_1028 = tpu.memref_squeeze %parallel_loop3A_1027 : memref<1x128x64xf32, #tpu.memory_space<vmem>> -> memref<128x64xf32, #tpu.memory_space<vmem>>
        %parallel_loop3A_1029 = arith.index_cast %parallel_loop3A_1024 : i32 to index
        %parallel_loop3A_1030 = arith.constant 32 : index
        %parallel_loop3A_1031 = tpu.vector_load %parallel_loop3A_1028[%parallel_loop3A_1029, %parallel_loop3A_1030] {strides = array<i32>} : memref<128x64xf32, #tpu.memory_space<vmem>>, vector<1x16xf32>,
        %parallel_loop3A_1032 = vector.shape_cast %parallel_loop3A_1031 : vector<1x16xf32> to vector<16xf32>
        %parallel_loop3A_1033 = arith.mulf %parallel_loop3A_1032, %parallel_loop3A_1000 : vector<16xf32>
        %parallel_loop3A_1034 = arith.constant 2 : i32
        %parallel_loop3A_1035 = arith.addi %parallel_loop3A_903, %parallel_loop3A_1034 : i32
        %parallel_loop3A_1036 = arith.constant 0 : i32
        %parallel_loop3A_1037 = arith.constant 0 : i32
        %parallel_loop3A_1038 = tpu.memref_slice %arg14[%rem3A_118, %parallel_loop3A_1036, %parallel_loop3A_1037] : memref<4x128x64xf32, #tpu.memory_space<vmem>> -> memref<1x128x64xf32, #tpu.memory_space<vmem>>
        %parallel_loop3A_1039 = tpu.memref_squeeze %parallel_loop3A_1038 : memref<1x128x64xf32, #tpu.memory_space<vmem>> -> memref<128x64xf32, #tpu.memory_space<vmem>>
        %parallel_loop3A_1040 = arith.index_cast %parallel_loop3A_1035 : i32 to index
        %parallel_loop3A_1041 = arith.constant 48 : index
        %parallel_loop3A_1042 = tpu.vector_load %parallel_loop3A_1039[%parallel_loop3A_1040, %parallel_loop3A_1041] {strides = array<i32>} : memref<128x64xf32, #tpu.memory_space<vmem>>, vector<1x16xf32>,
        %parallel_loop3A_1043 = vector.shape_cast %parallel_loop3A_1042 : vector<1x16xf32> to vector<16xf32>
        %parallel_loop3A_1044 = arith.mulf %parallel_loop3A_1043, %parallel_loop3A_1000 : vector<16xf32>
        %parallel_loop3A_1045 = vector.extract_strided_slice %parallel_loop3A_163 {offsets = [11], sizes = [1], strides = [1]} : vector<16xf32> to vector<1xf32>
        %parallel_loop3A_1046 = vector.extract %parallel_loop3A_1045[0] : f32 from vector<1xf32>
        %parallel_loop3A_1047 = vector.broadcast %parallel_loop3A_1046 : f32 to vector<16xf32>
        %parallel_loop3A_1048 = arith.constant 3 : i32
        %parallel_loop3A_1049 = arith.addi %parallel_loop3A_903, %parallel_loop3A_1048 : i32
        %parallel_loop3A_1050 = arith.constant 0 : i32
        %parallel_loop3A_1051 = arith.constant 0 : i32
        %parallel_loop3A_1052 = tpu.memref_slice %arg14[%rem3A_118, %parallel_loop3A_1050, %parallel_loop3A_1051] : memref<4x128x64xf32, #tpu.memory_space<vmem>> -> memref<1x128x64xf32, #tpu.memory_space<vmem>>
        %parallel_loop3A_1053 = tpu.memref_squeeze %parallel_loop3A_1052 : memref<1x128x64xf32, #tpu.memory_space<vmem>> -> memref<128x64xf32, #tpu.memory_space<vmem>>
        %parallel_loop3A_1054 = arith.index_cast %parallel_loop3A_1049 : i32 to index
        %parallel_loop3A_1055 = arith.constant 0 : index
        %parallel_loop3A_1056 = tpu.vector_load %parallel_loop3A_1053[%parallel_loop3A_1054, %parallel_loop3A_1055] {strides = array<i32>} : memref<128x64xf32, #tpu.memory_space<vmem>>, vector<1x16xf32>,
        %parallel_loop3A_1057 = vector.shape_cast %parallel_loop3A_1056 : vector<1x16xf32> to vector<16xf32>
        %parallel_loop3A_1058 = arith.mulf %parallel_loop3A_1057, %parallel_loop3A_1047 : vector<16xf32>
        %parallel_loop3A_1059 = arith.constant 3 : i32
        %parallel_loop3A_1060 = arith.addi %parallel_loop3A_903, %parallel_loop3A_1059 : i32
        %parallel_loop3A_1061 = arith.constant 0 : i32
        %parallel_loop3A_1062 = arith.constant 0 : i32
        %parallel_loop3A_1063 = tpu.memref_slice %arg14[%rem3A_118, %parallel_loop3A_1061, %parallel_loop3A_1062] : memref<4x128x64xf32, #tpu.memory_space<vmem>> -> memref<1x128x64xf32, #tpu.memory_space<vmem>>
        %parallel_loop3A_1064 = tpu.memref_squeeze %parallel_loop3A_1063 : memref<1x128x64xf32, #tpu.memory_space<vmem>> -> memref<128x64xf32, #tpu.memory_space<vmem>>
        %parallel_loop3A_1065 = arith.index_cast %parallel_loop3A_1060 : i32 to index
        %parallel_loop3A_1066 = arith.constant 16 : index
        %parallel_loop3A_1067 = tpu.vector_load %parallel_loop3A_1064[%parallel_loop3A_1065, %parallel_loop3A_1066] {strides = array<i32>} : memref<128x64xf32, #tpu.memory_space<vmem>>, vector<1x16xf32>,
        %parallel_loop3A_1068 = vector.shape_cast %parallel_loop3A_1067 : vector<1x16xf32> to vector<16xf32>
        %parallel_loop3A_1069 = arith.mulf %parallel_loop3A_1068, %parallel_loop3A_1047 : vector<16xf32>
        %parallel_loop3A_1070 = arith.constant 3 : i32
        %parallel_loop3A_1071 = arith.addi %parallel_loop3A_903, %parallel_loop3A_1070 : i32
        %parallel_loop3A_1072 = arith.constant 0 : i32
        %parallel_loop3A_1073 = arith.constant 0 : i32
        %parallel_loop3A_1074 = tpu.memref_slice %arg14[%rem3A_118, %parallel_loop3A_1072, %parallel_loop3A_1073] : memref<4x128x64xf32, #tpu.memory_space<vmem>> -> memref<1x128x64xf32, #tpu.memory_space<vmem>>
        %parallel_loop3A_1075 = tpu.memref_squeeze %parallel_loop3A_1074 : memref<1x128x64xf32, #tpu.memory_space<vmem>> -> memref<128x64xf32, #tpu.memory_space<vmem>>
        %parallel_loop3A_1076 = arith.index_cast %parallel_loop3A_1071 : i32 to index
        %parallel_loop3A_1077 = arith.constant 32 : index
        %parallel_loop3A_1078 = tpu.vector_load %parallel_loop3A_1075[%parallel_loop3A_1076, %parallel_loop3A_1077] {strides = array<i32>} : memref<128x64xf32, #tpu.memory_space<vmem>>, vector<1x16xf32>,
        %parallel_loop3A_1079 = vector.shape_cast %parallel_loop3A_1078 : vector<1x16xf32> to vector<16xf32>
        %parallel_loop3A_1080 = arith.mulf %parallel_loop3A_1079, %parallel_loop3A_1047 : vector<16xf32>
        %parallel_loop3A_1081 = arith.constant 3 : i32
        %parallel_loop3A_1082 = arith.addi %parallel_loop3A_903, %parallel_loop3A_1081 : i32
        %parallel_loop3A_1083 = arith.constant 0 : i32
        %parallel_loop3A_1084 = arith.constant 0 : i32
        %parallel_loop3A_1085 = tpu.memref_slice %arg14[%rem3A_118, %parallel_loop3A_1083, %parallel_loop3A_1084] : memref<4x128x64xf32, #tpu.memory_space<vmem>> -> memref<1x128x64xf32, #tpu.memory_space<vmem>>
        %parallel_loop3A_1086 = tpu.memref_squeeze %parallel_loop3A_1085 : memref<1x128x64xf32, #tpu.memory_space<vmem>> -> memref<128x64xf32, #tpu.memory_space<vmem>>
        %parallel_loop3A_1087 = arith.index_cast %parallel_loop3A_1082 : i32 to index
        %parallel_loop3A_1088 = arith.constant 48 : index
        %parallel_loop3A_1089 = tpu.vector_load %parallel_loop3A_1086[%parallel_loop3A_1087, %parallel_loop3A_1088] {strides = array<i32>} : memref<128x64xf32, #tpu.memory_space<vmem>>, vector<1x16xf32>,
        %parallel_loop3A_1090 = vector.shape_cast %parallel_loop3A_1089 : vector<1x16xf32> to vector<16xf32>
        %parallel_loop3A_1091 = arith.mulf %parallel_loop3A_1090, %parallel_loop3A_1047 : vector<16xf32>
        %parallel_loop3A_1092 = arith.constant 0 : i32
        %parallel_loop3A_1093 = arith.addi %parallel_loop3A_903, %parallel_loop3A_1092 : i32
        %parallel_loop3A_1094 = arith.constant 0 : i32
        %parallel_loop3A_1095 = arith.constant 0 : i32
        %parallel_loop3A_1096 = tpu.memref_slice %arg14[%rem3A_118, %parallel_loop3A_1094, %parallel_loop3A_1095] : memref<4x128x64xf32, #tpu.memory_space<vmem>> -> memref<1x128x64xf32, #tpu.memory_space<vmem>>
        %parallel_loop3A_1097 = tpu.memref_squeeze %parallel_loop3A_1096 : memref<1x128x64xf32, #tpu.memory_space<vmem>> -> memref<128x64xf32, #tpu.memory_space<vmem>>
        %parallel_loop3A_1098 = arith.index_cast %parallel_loop3A_1093 : i32 to index
        %parallel_loop3A_1099 = arith.constant 0 : index
        %parallel_loop3A_1100 = tpu.vector_load %parallel_loop3A_1097[%parallel_loop3A_1098, %parallel_loop3A_1099] {strides = array<i32>} : memref<128x64xf32, #tpu.memory_space<vmem>>, vector<1x16xf32>,
        %parallel_loop3A_1101 = vector.shape_cast %parallel_loop3A_1100 : vector<1x16xf32> to vector<16xf32>
        %parallel_loop3A_1102 = vector.shape_cast %parallel_loop3A_917 : vector<16xf32> to vector<1x16xf32>
        tpu.vector_store %parallel_loop3A_1097[%parallel_loop3A_1098, %parallel_loop3A_1099], %parallel_loop3A_1102 {strides = array<i32>} : memref<128x64xf32, #tpu.memory_space<vmem>>, vector<1x16xf32>,
        %parallel_loop3A_1103 = arith.constant 0 : i32
        %parallel_loop3A_1104 = arith.addi %parallel_loop3A_903, %parallel_loop3A_1103 : i32
        %parallel_loop3A_1105 = arith.constant 0 : i32
        %parallel_loop3A_1106 = arith.constant 0 : i32
        %parallel_loop3A_1107 = tpu.memref_slice %arg14[%rem3A_118, %parallel_loop3A_1105, %parallel_loop3A_1106] : memref<4x128x64xf32, #tpu.memory_space<vmem>> -> memref<1x128x64xf32, #tpu.memory_space<vmem>>
        %parallel_loop3A_1108 = tpu.memref_squeeze %parallel_loop3A_1107 : memref<1x128x64xf32, #tpu.memory_space<vmem>> -> memref<128x64xf32, #tpu.memory_space<vmem>>
        %parallel_loop3A_1109 = arith.index_cast %parallel_loop3A_1104 : i32 to index
        %parallel_loop3A_1110 = arith.constant 16 : index
        %parallel_loop3A_1111 = tpu.vector_load %parallel_loop3A_1108[%parallel_loop3A_1109, %parallel_loop3A_1110] {strides = array<i32>} : memref<128x64xf32, #tpu.memory_space<vmem>>, vector<1x16xf32>,
        %parallel_loop3A_1112 = vector.shape_cast %parallel_loop3A_1111 : vector<1x16xf32> to vector<16xf32>
        %parallel_loop3A_1113 = vector.shape_cast %parallel_loop3A_928 : vector<16xf32> to vector<1x16xf32>
        tpu.vector_store %parallel_loop3A_1108[%parallel_loop3A_1109, %parallel_loop3A_1110], %parallel_loop3A_1113 {strides = array<i32>} : memref<128x64xf32, #tpu.memory_space<vmem>>, vector<1x16xf32>,
        %parallel_loop3A_1114 = arith.constant 0 : i32
        %parallel_loop3A_1115 = arith.addi %parallel_loop3A_903, %parallel_loop3A_1114 : i32
        %parallel_loop3A_1116 = arith.constant 0 : i32
        %parallel_loop3A_1117 = arith.constant 0 : i32
        %parallel_loop3A_1118 = tpu.memref_slice %arg14[%rem3A_118, %parallel_loop3A_1116, %parallel_loop3A_1117] : memref<4x128x64xf32, #tpu.memory_space<vmem>> -> memref<1x128x64xf32, #tpu.memory_space<vmem>>
        %parallel_loop3A_1119 = tpu.memref_squeeze %parallel_loop3A_1118 : memref<1x128x64xf32, #tpu.memory_space<vmem>> -> memref<128x64xf32, #tpu.memory_space<vmem>>
        %parallel_loop3A_1120 = arith.index_cast %parallel_loop3A_1115 : i32 to index
        %parallel_loop3A_1121 = arith.constant 32 : index
        %parallel_loop3A_1122 = tpu.vector_load %parallel_loop3A_1119[%parallel_loop3A_1120, %parallel_loop3A_1121] {strides = array<i32>} : memref<128x64xf32, #tpu.memory_space<vmem>>, vector<1x16xf32>,
        %parallel_loop3A_1123 = vector.shape_cast %parallel_loop3A_1122 : vector<1x16xf32> to vector<16xf32>
        %parallel_loop3A_1124 = vector.shape_cast %parallel_loop3A_939 : vector<16xf32> to vector<1x16xf32>
        tpu.vector_store %parallel_loop3A_1119[%parallel_loop3A_1120, %parallel_loop3A_1121], %parallel_loop3A_1124 {strides = array<i32>} : memref<128x64xf32, #tpu.memory_space<vmem>>, vector<1x16xf32>,
        %parallel_loop3A_1125 = arith.constant 0 : i32
        %parallel_loop3A_1126 = arith.addi %parallel_loop3A_903, %parallel_loop3A_1125 : i32
        %parallel_loop3A_1127 = arith.constant 0 : i32
        %parallel_loop3A_1128 = arith.constant 0 : i32
        %parallel_loop3A_1129 = tpu.memref_slice %arg14[%rem3A_118, %parallel_loop3A_1127, %parallel_loop3A_1128] : memref<4x128x64xf32, #tpu.memory_space<vmem>> -> memref<1x128x64xf32, #tpu.memory_space<vmem>>
        %parallel_loop3A_1130 = tpu.memref_squeeze %parallel_loop3A_1129 : memref<1x128x64xf32, #tpu.memory_space<vmem>> -> memref<128x64xf32, #tpu.memory_space<vmem>>
        %parallel_loop3A_1131 = arith.index_cast %parallel_loop3A_1126 : i32 to index
        %parallel_loop3A_1132 = arith.constant 48 : index
        %parallel_loop3A_1133 = tpu.vector_load %parallel_loop3A_1130[%parallel_loop3A_1131, %parallel_loop3A_1132] {strides = array<i32>} : memref<128x64xf32, #tpu.memory_space<vmem>>, vector<1x16xf32>,
        %parallel_loop3A_1134 = vector.shape_cast %parallel_loop3A_1133 : vector<1x16xf32> to vector<16xf32>
        %parallel_loop3A_1135 = vector.shape_cast %parallel_loop3A_950 : vector<16xf32> to vector<1x16xf32>
        tpu.vector_store %parallel_loop3A_1130[%parallel_loop3A_1131, %parallel_loop3A_1132], %parallel_loop3A_1135 {strides = array<i32>} : memref<128x64xf32, #tpu.memory_space<vmem>>, vector<1x16xf32>,
        %parallel_loop3A_1136 = arith.constant 1 : i32
        %parallel_loop3A_1137 = arith.addi %parallel_loop3A_903, %parallel_loop3A_1136 : i32
        %parallel_loop3A_1138 = arith.constant 0 : i32
        %parallel_loop3A_1139 = arith.constant 0 : i32
        %parallel_loop3A_1140 = tpu.memref_slice %arg14[%rem3A_118, %parallel_loop3A_1138, %parallel_loop3A_1139] : memref<4x128x64xf32, #tpu.memory_space<vmem>> -> memref<1x128x64xf32, #tpu.memory_space<vmem>>
        %parallel_loop3A_1141 = tpu.memref_squeeze %parallel_loop3A_1140 : memref<1x128x64xf32, #tpu.memory_space<vmem>> -> memref<128x64xf32, #tpu.memory_space<vmem>>
        %parallel_loop3A_1142 = arith.index_cast %parallel_loop3A_1137 : i32 to index
        %parallel_loop3A_1143 = arith.constant 0 : index
        %parallel_loop3A_1144 = tpu.vector_load %parallel_loop3A_1141[%parallel_loop3A_1142, %parallel_loop3A_1143] {strides = array<i32>} : memref<128x64xf32, #tpu.memory_space<vmem>>, vector<1x16xf32>,
        %parallel_loop3A_1145 = vector.shape_cast %parallel_loop3A_1144 : vector<1x16xf32> to vector<16xf32>
        %parallel_loop3A_1146 = vector.shape_cast %parallel_loop3A_964 : vector<16xf32> to vector<1x16xf32>
        tpu.vector_store %parallel_loop3A_1141[%parallel_loop3A_1142, %parallel_loop3A_1143], %parallel_loop3A_1146 {strides = array<i32>} : memref<128x64xf32, #tpu.memory_space<vmem>>, vector<1x16xf32>,
        %parallel_loop3A_1147 = arith.constant 1 : i32
        %parallel_loop3A_1148 = arith.addi %parallel_loop3A_903, %parallel_loop3A_1147 : i32
        %parallel_loop3A_1149 = arith.constant 0 : i32
        %parallel_loop3A_1150 = arith.constant 0 : i32
        %parallel_loop3A_1151 = tpu.memref_slice %arg14[%rem3A_118, %parallel_loop3A_1149, %parallel_loop3A_1150] : memref<4x128x64xf32, #tpu.memory_space<vmem>> -> memref<1x128x64xf32, #tpu.memory_space<vmem>>
        %parallel_loop3A_1152 = tpu.memref_squeeze %parallel_loop3A_1151 : memref<1x128x64xf32, #tpu.memory_space<vmem>> -> memref<128x64xf32, #tpu.memory_space<vmem>>
        %parallel_loop3A_1153 = arith.index_cast %parallel_loop3A_1148 : i32 to index
        %parallel_loop3A_1154 = arith.constant 16 : index
        %parallel_loop3A_1155 = tpu.vector_load %parallel_loop3A_1152[%parallel_loop3A_1153, %parallel_loop3A_1154] {strides = array<i32>} : memref<128x64xf32, #tpu.memory_space<vmem>>, vector<1x16xf32>,
        %parallel_loop3A_1156 = vector.shape_cast %parallel_loop3A_1155 : vector<1x16xf32> to vector<16xf32>
        %parallel_loop3A_1157 = vector.shape_cast %parallel_loop3A_975 : vector<16xf32> to vector<1x16xf32>
        tpu.vector_store %parallel_loop3A_1152[%parallel_loop3A_1153, %parallel_loop3A_1154], %parallel_loop3A_1157 {strides = array<i32>} : memref<128x64xf32, #tpu.memory_space<vmem>>, vector<1x16xf32>,
        %parallel_loop3A_1158 = arith.constant 1 : i32
        %parallel_loop3A_1159 = arith.addi %parallel_loop3A_903, %parallel_loop3A_1158 : i32
        %parallel_loop3A_1160 = arith.constant 0 : i32
        %parallel_loop3A_1161 = arith.constant 0 : i32
        %parallel_loop3A_1162 = tpu.memref_slice %arg14[%rem3A_118, %parallel_loop3A_1160, %parallel_loop3A_1161] : memref<4x128x64xf32, #tpu.memory_space<vmem>> -> memref<1x128x64xf32, #tpu.memory_space<vmem>>
        %parallel_loop3A_1163 = tpu.memref_squeeze %parallel_loop3A_1162 : memref<1x128x64xf32, #tpu.memory_space<vmem>> -> memref<128x64xf32, #tpu.memory_space<vmem>>
        %parallel_loop3A_1164 = arith.index_cast %parallel_loop3A_1159 : i32 to index
        %parallel_loop3A_1165 = arith.constant 32 : index
        %parallel_loop3A_1166 = tpu.vector_load %parallel_loop3A_1163[%parallel_loop3A_1164, %parallel_loop3A_1165] {strides = array<i32>} : memref<128x64xf32, #tpu.memory_space<vmem>>, vector<1x16xf32>,
        %parallel_loop3A_1167 = vector.shape_cast %parallel_loop3A_1166 : vector<1x16xf32> to vector<16xf32>
        %parallel_loop3A_1168 = vector.shape_cast %parallel_loop3A_986 : vector<16xf32> to vector<1x16xf32>
        tpu.vector_store %parallel_loop3A_1163[%parallel_loop3A_1164, %parallel_loop3A_1165], %parallel_loop3A_1168 {strides = array<i32>} : memref<128x64xf32, #tpu.memory_space<vmem>>, vector<1x16xf32>,
        %parallel_loop3A_1169 = arith.constant 1 : i32
        %parallel_loop3A_1170 = arith.addi %parallel_loop3A_903, %parallel_loop3A_1169 : i32
        %parallel_loop3A_1171 = arith.constant 0 : i32
        %parallel_loop3A_1172 = arith.constant 0 : i32
        %parallel_loop3A_1173 = tpu.memref_slice %arg14[%rem3A_118, %parallel_loop3A_1171, %parallel_loop3A_1172] : memref<4x128x64xf32, #tpu.memory_space<vmem>> -> memref<1x128x64xf32, #tpu.memory_space<vmem>>
        %parallel_loop3A_1174 = tpu.memref_squeeze %parallel_loop3A_1173 : memref<1x128x64xf32, #tpu.memory_space<vmem>> -> memref<128x64xf32, #tpu.memory_space<vmem>>
        %parallel_loop3A_1175 = arith.index_cast %parallel_loop3A_1170 : i32 to index
        %parallel_loop3A_1176 = arith.constant 48 : index
        %parallel_loop3A_1177 = tpu.vector_load %parallel_loop3A_1174[%parallel_loop3A_1175, %parallel_loop3A_1176] {strides = array<i32>} : memref<128x64xf32, #tpu.memory_space<vmem>>, vector<1x16xf32>,
        %parallel_loop3A_1178 = vector.shape_cast %parallel_loop3A_1177 : vector<1x16xf32> to vector<16xf32>
        %parallel_loop3A_1179 = vector.shape_cast %parallel_loop3A_997 : vector<16xf32> to vector<1x16xf32>
        tpu.vector_store %parallel_loop3A_1174[%parallel_loop3A_1175, %parallel_loop3A_1176], %parallel_loop3A_1179 {strides = array<i32>} : memref<128x64xf32, #tpu.memory_space<vmem>>, vector<1x16xf32>,
        %parallel_loop3A_1180 = arith.constant 2 : i32
        %parallel_loop3A_1181 = arith.addi %parallel_loop3A_903, %parallel_loop3A_1180 : i32
        %parallel_loop3A_1182 = arith.constant 0 : i32
        %parallel_loop3A_1183 = arith.constant 0 : i32
        %parallel_loop3A_1184 = tpu.memref_slice %arg14[%rem3A_118, %parallel_loop3A_1182, %parallel_loop3A_1183] : memref<4x128x64xf32, #tpu.memory_space<vmem>> -> memref<1x128x64xf32, #tpu.memory_space<vmem>>
        %parallel_loop3A_1185 = tpu.memref_squeeze %parallel_loop3A_1184 : memref<1x128x64xf32, #tpu.memory_space<vmem>> -> memref<128x64xf32, #tpu.memory_space<vmem>>
        %parallel_loop3A_1186 = arith.index_cast %parallel_loop3A_1181 : i32 to index
        %parallel_loop3A_1187 = arith.constant 0 : index
        %parallel_loop3A_1188 = tpu.vector_load %parallel_loop3A_1185[%parallel_loop3A_1186, %parallel_loop3A_1187] {strides = array<i32>} : memref<128x64xf32, #tpu.memory_space<vmem>>, vector<1x16xf32>,
        %parallel_loop3A_1189 = vector.shape_cast %parallel_loop3A_1188 : vector<1x16xf32> to vector<16xf32>
        %parallel_loop3A_1190 = vector.shape_cast %parallel_loop3A_1011 : vector<16xf32> to vector<1x16xf32>
        tpu.vector_store %parallel_loop3A_1185[%parallel_loop3A_1186, %parallel_loop3A_1187], %parallel_loop3A_1190 {strides = array<i32>} : memref<128x64xf32, #tpu.memory_space<vmem>>, vector<1x16xf32>,
        %parallel_loop3A_1191 = arith.constant 2 : i32
        %parallel_loop3A_1192 = arith.addi %parallel_loop3A_903, %parallel_loop3A_1191 : i32
        %parallel_loop3A_1193 = arith.constant 0 : i32
        %parallel_loop3A_1194 = arith.constant 0 : i32
        %parallel_loop3A_1195 = tpu.memref_slice %arg14[%rem3A_118, %parallel_loop3A_1193, %parallel_loop3A_1194] : memref<4x128x64xf32, #tpu.memory_space<vmem>> -> memref<1x128x64xf32, #tpu.memory_space<vmem>>
        %parallel_loop3A_1196 = tpu.memref_squeeze %parallel_loop3A_1195 : memref<1x128x64xf32, #tpu.memory_space<vmem>> -> memref<128x64xf32, #tpu.memory_space<vmem>>
        %parallel_loop3A_1197 = arith.index_cast %parallel_loop3A_1192 : i32 to index
        %parallel_loop3A_1198 = arith.constant 16 : index
        %parallel_loop3A_1199 = tpu.vector_load %parallel_loop3A_1196[%parallel_loop3A_1197, %parallel_loop3A_1198] {strides = array<i32>} : memref<128x64xf32, #tpu.memory_space<vmem>>, vector<1x16xf32>,
        %parallel_loop3A_1200 = vector.shape_cast %parallel_loop3A_1199 : vector<1x16xf32> to vector<16xf32>
        %parallel_loop3A_1201 = vector.shape_cast %parallel_loop3A_1022 : vector<16xf32> to vector<1x16xf32>
        tpu.vector_store %parallel_loop3A_1196[%parallel_loop3A_1197, %parallel_loop3A_1198], %parallel_loop3A_1201 {strides = array<i32>} : memref<128x64xf32, #tpu.memory_space<vmem>>, vector<1x16xf32>,
        %parallel_loop3A_1202 = arith.constant 2 : i32
        %parallel_loop3A_1203 = arith.addi %parallel_loop3A_903, %parallel_loop3A_1202 : i32
        %parallel_loop3A_1204 = arith.constant 0 : i32
        %parallel_loop3A_1205 = arith.constant 0 : i32
        %parallel_loop3A_1206 = tpu.memref_slice %arg14[%rem3A_118, %parallel_loop3A_1204, %parallel_loop3A_1205] : memref<4x128x64xf32, #tpu.memory_space<vmem>> -> memref<1x128x64xf32, #tpu.memory_space<vmem>>
        %parallel_loop3A_1207 = tpu.memref_squeeze %parallel_loop3A_1206 : memref<1x128x64xf32, #tpu.memory_space<vmem>> -> memref<128x64xf32, #tpu.memory_space<vmem>>
        %parallel_loop3A_1208 = arith.index_cast %parallel_loop3A_1203 : i32 to index
        %parallel_loop3A_1209 = arith.constant 32 : index
        %parallel_loop3A_1210 = tpu.vector_load %parallel_loop3A_1207[%parallel_loop3A_1208, %parallel_loop3A_1209] {strides = array<i32>} : memref<128x64xf32, #tpu.memory_space<vmem>>, vector<1x16xf32>,
        %parallel_loop3A_1211 = vector.shape_cast %parallel_loop3A_1210 : vector<1x16xf32> to vector<16xf32>
        %parallel_loop3A_1212 = vector.shape_cast %parallel_loop3A_1033 : vector<16xf32> to vector<1x16xf32>
        tpu.vector_store %parallel_loop3A_1207[%parallel_loop3A_1208, %parallel_loop3A_1209], %parallel_loop3A_1212 {strides = array<i32>} : memref<128x64xf32, #tpu.memory_space<vmem>>, vector<1x16xf32>,
        %parallel_loop3A_1213 = arith.constant 2 : i32
        %parallel_loop3A_1214 = arith.addi %parallel_loop3A_903, %parallel_loop3A_1213 : i32
        %parallel_loop3A_1215 = arith.constant 0 : i32
        %parallel_loop3A_1216 = arith.constant 0 : i32
        %parallel_loop3A_1217 = tpu.memref_slice %arg14[%rem3A_118, %parallel_loop3A_1215, %parallel_loop3A_1216] : memref<4x128x64xf32, #tpu.memory_space<vmem>> -> memref<1x128x64xf32, #tpu.memory_space<vmem>>
        %parallel_loop3A_1218 = tpu.memref_squeeze %parallel_loop3A_1217 : memref<1x128x64xf32, #tpu.memory_space<vmem>> -> memref<128x64xf32, #tpu.memory_space<vmem>>
        %parallel_loop3A_1219 = arith.index_cast %parallel_loop3A_1214 : i32 to index
        %parallel_loop3A_1220 = arith.constant 48 : index
        %parallel_loop3A_1221 = tpu.vector_load %parallel_loop3A_1218[%parallel_loop3A_1219, %parallel_loop3A_1220] {strides = array<i32>} : memref<128x64xf32, #tpu.memory_space<vmem>>, vector<1x16xf32>,
        %parallel_loop3A_1222 = vector.shape_cast %parallel_loop3A_1221 : vector<1x16xf32> to vector<16xf32>
        %parallel_loop3A_1223 = vector.shape_cast %parallel_loop3A_1044 : vector<16xf32> to vector<1x16xf32>
        tpu.vector_store %parallel_loop3A_1218[%parallel_loop3A_1219, %parallel_loop3A_1220], %parallel_loop3A_1223 {strides = array<i32>} : memref<128x64xf32, #tpu.memory_space<vmem>>, vector<1x16xf32>,
        %parallel_loop3A_1224 = arith.constant 3 : i32
        %parallel_loop3A_1225 = arith.addi %parallel_loop3A_903, %parallel_loop3A_1224 : i32
        %parallel_loop3A_1226 = arith.constant 0 : i32
        %parallel_loop3A_1227 = arith.constant 0 : i32
        %parallel_loop3A_1228 = tpu.memref_slice %arg14[%rem3A_118, %parallel_loop3A_1226, %parallel_loop3A_1227] : memref<4x128x64xf32, #tpu.memory_space<vmem>> -> memref<1x128x64xf32, #tpu.memory_space<vmem>>
        %parallel_loop3A_1229 = tpu.memref_squeeze %parallel_loop3A_1228 : memref<1x128x64xf32, #tpu.memory_space<vmem>> -> memref<128x64xf32, #tpu.memory_space<vmem>>
        %parallel_loop3A_1230 = arith.index_cast %parallel_loop3A_1225 : i32 to index
        %parallel_loop3A_1231 = arith.constant 0 : index
        %parallel_loop3A_1232 = tpu.vector_load %parallel_loop3A_1229[%parallel_loop3A_1230, %parallel_loop3A_1231] {strides = array<i32>} : memref<128x64xf32, #tpu.memory_space<vmem>>, vector<1x16xf32>,
        %parallel_loop3A_1233 = vector.shape_cast %parallel_loop3A_1232 : vector<1x16xf32> to vector<16xf32>
        %parallel_loop3A_1234 = vector.shape_cast %parallel_loop3A_1058 : vector<16xf32> to vector<1x16xf32>
        tpu.vector_store %parallel_loop3A_1229[%parallel_loop3A_1230, %parallel_loop3A_1231], %parallel_loop3A_1234 {strides = array<i32>} : memref<128x64xf32, #tpu.memory_space<vmem>>, vector<1x16xf32>,
        %parallel_loop3A_1235 = arith.constant 3 : i32
        %parallel_loop3A_1236 = arith.addi %parallel_loop3A_903, %parallel_loop3A_1235 : i32
        %parallel_loop3A_1237 = arith.constant 0 : i32
        %parallel_loop3A_1238 = arith.constant 0 : i32
        %parallel_loop3A_1239 = tpu.memref_slice %arg14[%rem3A_118, %parallel_loop3A_1237, %parallel_loop3A_1238] : memref<4x128x64xf32, #tpu.memory_space<vmem>> -> memref<1x128x64xf32, #tpu.memory_space<vmem>>
        %parallel_loop3A_1240 = tpu.memref_squeeze %parallel_loop3A_1239 : memref<1x128x64xf32, #tpu.memory_space<vmem>> -> memref<128x64xf32, #tpu.memory_space<vmem>>
        %parallel_loop3A_1241 = arith.index_cast %parallel_loop3A_1236 : i32 to index
        %parallel_loop3A_1242 = arith.constant 16 : index
        %parallel_loop3A_1243 = tpu.vector_load %parallel_loop3A_1240[%parallel_loop3A_1241, %parallel_loop3A_1242] {strides = array<i32>} : memref<128x64xf32, #tpu.memory_space<vmem>>, vector<1x16xf32>,
        %parallel_loop3A_1244 = vector.shape_cast %parallel_loop3A_1243 : vector<1x16xf32> to vector<16xf32>
        %parallel_loop3A_1245 = vector.shape_cast %parallel_loop3A_1069 : vector<16xf32> to vector<1x16xf32>
        tpu.vector_store %parallel_loop3A_1240[%parallel_loop3A_1241, %parallel_loop3A_1242], %parallel_loop3A_1245 {strides = array<i32>} : memref<128x64xf32, #tpu.memory_space<vmem>>, vector<1x16xf32>,
        %parallel_loop3A_1246 = arith.constant 3 : i32
        %parallel_loop3A_1247 = arith.addi %parallel_loop3A_903, %parallel_loop3A_1246 : i32
        %parallel_loop3A_1248 = arith.constant 0 : i32
        %parallel_loop3A_1249 = arith.constant 0 : i32
        %parallel_loop3A_1250 = tpu.memref_slice %arg14[%rem3A_118, %parallel_loop3A_1248, %parallel_loop3A_1249] : memref<4x128x64xf32, #tpu.memory_space<vmem>> -> memref<1x128x64xf32, #tpu.memory_space<vmem>>
        %parallel_loop3A_1251 = tpu.memref_squeeze %parallel_loop3A_1250 : memref<1x128x64xf32, #tpu.memory_space<vmem>> -> memref<128x64xf32, #tpu.memory_space<vmem>>
        %parallel_loop3A_1252 = arith.index_cast %parallel_loop3A_1247 : i32 to index
        %parallel_loop3A_1253 = arith.constant 32 : index
        %parallel_loop3A_1254 = tpu.vector_load %parallel_loop3A_1251[%parallel_loop3A_1252, %parallel_loop3A_1253] {strides = array<i32>} : memref<128x64xf32, #tpu.memory_space<vmem>>, vector<1x16xf32>,
        %parallel_loop3A_1255 = vector.shape_cast %parallel_loop3A_1254 : vector<1x16xf32> to vector<16xf32>
        %parallel_loop3A_1256 = vector.shape_cast %parallel_loop3A_1080 : vector<16xf32> to vector<1x16xf32>
        tpu.vector_store %parallel_loop3A_1251[%parallel_loop3A_1252, %parallel_loop3A_1253], %parallel_loop3A_1256 {strides = array<i32>} : memref<128x64xf32, #tpu.memory_space<vmem>>, vector<1x16xf32>,
        %parallel_loop3A_1257 = arith.constant 3 : i32
        %parallel_loop3A_1258 = arith.addi %parallel_loop3A_903, %parallel_loop3A_1257 : i32
        %parallel_loop3A_1259 = arith.constant 0 : i32
        %parallel_loop3A_1260 = arith.constant 0 : i32
        %parallel_loop3A_1261 = tpu.memref_slice %arg14[%rem3A_118, %parallel_loop3A_1259, %parallel_loop3A_1260] : memref<4x128x64xf32, #tpu.memory_space<vmem>> -> memref<1x128x64xf32, #tpu.memory_space<vmem>>
        %parallel_loop3A_1262 = tpu.memref_squeeze %parallel_loop3A_1261 : memref<1x128x64xf32, #tpu.memory_space<vmem>> -> memref<128x64xf32, #tpu.memory_space<vmem>>
        %parallel_loop3A_1263 = arith.index_cast %parallel_loop3A_1258 : i32 to index
        %parallel_loop3A_1264 = arith.constant 48 : index
        %parallel_loop3A_1265 = tpu.vector_load %parallel_loop3A_1262[%parallel_loop3A_1263, %parallel_loop3A_1264] {strides = array<i32>} : memref<128x64xf32, #tpu.memory_space<vmem>>, vector<1x16xf32>,
        %parallel_loop3A_1266 = vector.shape_cast %parallel_loop3A_1265 : vector<1x16xf32> to vector<16xf32>
        %parallel_loop3A_1267 = vector.shape_cast %parallel_loop3A_1091 : vector<16xf32> to vector<1x16xf32>
        tpu.vector_store %parallel_loop3A_1262[%parallel_loop3A_1263, %parallel_loop3A_1264], %parallel_loop3A_1267 {strides = array<i32>} : memref<128x64xf32, #tpu.memory_space<vmem>>, vector<1x16xf32>,
        %parallel_loop3A_1268 = arith.constant 16 : i32
        %parallel_loop3A_1269 = arith.muli %parallel_loop3A_155, %parallel_loop3A_1268 : i32
        %parallel_loop3A_1270 = arith.constant 12 : i32
        %parallel_loop3A_1271 = arith.addi %parallel_loop3A_1269, %parallel_loop3A_1270 : i32
        %parallel_loop3A_1272 = vector.extract_strided_slice %parallel_loop3A_163 {offsets = [12], sizes = [1], strides = [1]} : vector<16xf32> to vector<1xf32>
        %parallel_loop3A_1273 = vector.extract %parallel_loop3A_1272[0] : f32 from vector<1xf32>
        %parallel_loop3A_1274 = vector.broadcast %parallel_loop3A_1273 : f32 to vector<16xf32>
        %parallel_loop3A_1275 = arith.constant 0 : i32
        %parallel_loop3A_1276 = arith.addi %parallel_loop3A_1271, %parallel_loop3A_1275 : i32
        %parallel_loop3A_1277 = arith.constant 0 : i32
        %parallel_loop3A_1278 = arith.constant 0 : i32
        %parallel_loop3A_1279 = tpu.memref_slice %arg14[%rem3A_118, %parallel_loop3A_1277, %parallel_loop3A_1278] : memref<4x128x64xf32, #tpu.memory_space<vmem>> -> memref<1x128x64xf32, #tpu.memory_space<vmem>>
        %parallel_loop3A_1280 = tpu.memref_squeeze %parallel_loop3A_1279 : memref<1x128x64xf32, #tpu.memory_space<vmem>> -> memref<128x64xf32, #tpu.memory_space<vmem>>
        %parallel_loop3A_1281 = arith.index_cast %parallel_loop3A_1276 : i32 to index
        %parallel_loop3A_1282 = arith.constant 0 : index
        %parallel_loop3A_1283 = tpu.vector_load %parallel_loop3A_1280[%parallel_loop3A_1281, %parallel_loop3A_1282] {strides = array<i32>} : memref<128x64xf32, #tpu.memory_space<vmem>>, vector<1x16xf32>,
        %parallel_loop3A_1284 = vector.shape_cast %parallel_loop3A_1283 : vector<1x16xf32> to vector<16xf32>
        %parallel_loop3A_1285 = arith.mulf %parallel_loop3A_1284, %parallel_loop3A_1274 : vector<16xf32>
        %parallel_loop3A_1286 = arith.constant 0 : i32
        %parallel_loop3A_1287 = arith.addi %parallel_loop3A_1271, %parallel_loop3A_1286 : i32
        %parallel_loop3A_1288 = arith.constant 0 : i32
        %parallel_loop3A_1289 = arith.constant 0 : i32
        %parallel_loop3A_1290 = tpu.memref_slice %arg14[%rem3A_118, %parallel_loop3A_1288, %parallel_loop3A_1289] : memref<4x128x64xf32, #tpu.memory_space<vmem>> -> memref<1x128x64xf32, #tpu.memory_space<vmem>>
        %parallel_loop3A_1291 = tpu.memref_squeeze %parallel_loop3A_1290 : memref<1x128x64xf32, #tpu.memory_space<vmem>> -> memref<128x64xf32, #tpu.memory_space<vmem>>
        %parallel_loop3A_1292 = arith.index_cast %parallel_loop3A_1287 : i32 to index
        %parallel_loop3A_1293 = arith.constant 16 : index
        %parallel_loop3A_1294 = tpu.vector_load %parallel_loop3A_1291[%parallel_loop3A_1292, %parallel_loop3A_1293] {strides = array<i32>} : memref<128x64xf32, #tpu.memory_space<vmem>>, vector<1x16xf32>,
        %parallel_loop3A_1295 = vector.shape_cast %parallel_loop3A_1294 : vector<1x16xf32> to vector<16xf32>
        %parallel_loop3A_1296 = arith.mulf %parallel_loop3A_1295, %parallel_loop3A_1274 : vector<16xf32>
        %parallel_loop3A_1297 = arith.constant 0 : i32
        %parallel_loop3A_1298 = arith.addi %parallel_loop3A_1271, %parallel_loop3A_1297 : i32
        %parallel_loop3A_1299 = arith.constant 0 : i32
        %parallel_loop3A_1300 = arith.constant 0 : i32
        %parallel_loop3A_1301 = tpu.memref_slice %arg14[%rem3A_118, %parallel_loop3A_1299, %parallel_loop3A_1300] : memref<4x128x64xf32, #tpu.memory_space<vmem>> -> memref<1x128x64xf32, #tpu.memory_space<vmem>>
        %parallel_loop3A_1302 = tpu.memref_squeeze %parallel_loop3A_1301 : memref<1x128x64xf32, #tpu.memory_space<vmem>> -> memref<128x64xf32, #tpu.memory_space<vmem>>
        %parallel_loop3A_1303 = arith.index_cast %parallel_loop3A_1298 : i32 to index
        %parallel_loop3A_1304 = arith.constant 32 : index
        %parallel_loop3A_1305 = tpu.vector_load %parallel_loop3A_1302[%parallel_loop3A_1303, %parallel_loop3A_1304] {strides = array<i32>} : memref<128x64xf32, #tpu.memory_space<vmem>>, vector<1x16xf32>,
        %parallel_loop3A_1306 = vector.shape_cast %parallel_loop3A_1305 : vector<1x16xf32> to vector<16xf32>
        %parallel_loop3A_1307 = arith.mulf %parallel_loop3A_1306, %parallel_loop3A_1274 : vector<16xf32>
        %parallel_loop3A_1308 = arith.constant 0 : i32
        %parallel_loop3A_1309 = arith.addi %parallel_loop3A_1271, %parallel_loop3A_1308 : i32
        %parallel_loop3A_1310 = arith.constant 0 : i32
        %parallel_loop3A_1311 = arith.constant 0 : i32
        %parallel_loop3A_1312 = tpu.memref_slice %arg14[%rem3A_118, %parallel_loop3A_1310, %parallel_loop3A_1311] : memref<4x128x64xf32, #tpu.memory_space<vmem>> -> memref<1x128x64xf32, #tpu.memory_space<vmem>>
        %parallel_loop3A_1313 = tpu.memref_squeeze %parallel_loop3A_1312 : memref<1x128x64xf32, #tpu.memory_space<vmem>> -> memref<128x64xf32, #tpu.memory_space<vmem>>
        %parallel_loop3A_1314 = arith.index_cast %parallel_loop3A_1309 : i32 to index
        %parallel_loop3A_1315 = arith.constant 48 : index
        %parallel_loop3A_1316 = tpu.vector_load %parallel_loop3A_1313[%parallel_loop3A_1314, %parallel_loop3A_1315] {strides = array<i32>} : memref<128x64xf32, #tpu.memory_space<vmem>>, vector<1x16xf32>,
        %parallel_loop3A_1317 = vector.shape_cast %parallel_loop3A_1316 : vector<1x16xf32> to vector<16xf32>
        %parallel_loop3A_1318 = arith.mulf %parallel_loop3A_1317, %parallel_loop3A_1274 : vector<16xf32>
        %parallel_loop3A_1319 = vector.extract_strided_slice %parallel_loop3A_163 {offsets = [13], sizes = [1], strides = [1]} : vector<16xf32> to vector<1xf32>
        %parallel_loop3A_1320 = vector.extract %parallel_loop3A_1319[0] : f32 from vector<1xf32>
        %parallel_loop3A_1321 = vector.broadcast %parallel_loop3A_1320 : f32 to vector<16xf32>
        %parallel_loop3A_1322 = arith.constant 1 : i32
        %parallel_loop3A_1323 = arith.addi %parallel_loop3A_1271, %parallel_loop3A_1322 : i32
        %parallel_loop3A_1324 = arith.constant 0 : i32
        %parallel_loop3A_1325 = arith.constant 0 : i32
        %parallel_loop3A_1326 = tpu.memref_slice %arg14[%rem3A_118, %parallel_loop3A_1324, %parallel_loop3A_1325] : memref<4x128x64xf32, #tpu.memory_space<vmem>> -> memref<1x128x64xf32, #tpu.memory_space<vmem>>
        %parallel_loop3A_1327 = tpu.memref_squeeze %parallel_loop3A_1326 : memref<1x128x64xf32, #tpu.memory_space<vmem>> -> memref<128x64xf32, #tpu.memory_space<vmem>>
        %parallel_loop3A_1328 = arith.index_cast %parallel_loop3A_1323 : i32 to index
        %parallel_loop3A_1329 = arith.constant 0 : index
        %parallel_loop3A_1330 = tpu.vector_load %parallel_loop3A_1327[%parallel_loop3A_1328, %parallel_loop3A_1329] {strides = array<i32>} : memref<128x64xf32, #tpu.memory_space<vmem>>, vector<1x16xf32>,
        %parallel_loop3A_1331 = vector.shape_cast %parallel_loop3A_1330 : vector<1x16xf32> to vector<16xf32>
        %parallel_loop3A_1332 = arith.mulf %parallel_loop3A_1331, %parallel_loop3A_1321 : vector<16xf32>
        %parallel_loop3A_1333 = arith.constant 1 : i32
        %parallel_loop3A_1334 = arith.addi %parallel_loop3A_1271, %parallel_loop3A_1333 : i32
        %parallel_loop3A_1335 = arith.constant 0 : i32
        %parallel_loop3A_1336 = arith.constant 0 : i32
        %parallel_loop3A_1337 = tpu.memref_slice %arg14[%rem3A_118, %parallel_loop3A_1335, %parallel_loop3A_1336] : memref<4x128x64xf32, #tpu.memory_space<vmem>> -> memref<1x128x64xf32, #tpu.memory_space<vmem>>
        %parallel_loop3A_1338 = tpu.memref_squeeze %parallel_loop3A_1337 : memref<1x128x64xf32, #tpu.memory_space<vmem>> -> memref<128x64xf32, #tpu.memory_space<vmem>>
        %parallel_loop3A_1339 = arith.index_cast %parallel_loop3A_1334 : i32 to index
        %parallel_loop3A_1340 = arith.constant 16 : index
        %parallel_loop3A_1341 = tpu.vector_load %parallel_loop3A_1338[%parallel_loop3A_1339, %parallel_loop3A_1340] {strides = array<i32>} : memref<128x64xf32, #tpu.memory_space<vmem>>, vector<1x16xf32>,
        %parallel_loop3A_1342 = vector.shape_cast %parallel_loop3A_1341 : vector<1x16xf32> to vector<16xf32>
        %parallel_loop3A_1343 = arith.mulf %parallel_loop3A_1342, %parallel_loop3A_1321 : vector<16xf32>
        %parallel_loop3A_1344 = arith.constant 1 : i32
        %parallel_loop3A_1345 = arith.addi %parallel_loop3A_1271, %parallel_loop3A_1344 : i32
        %parallel_loop3A_1346 = arith.constant 0 : i32
        %parallel_loop3A_1347 = arith.constant 0 : i32
        %parallel_loop3A_1348 = tpu.memref_slice %arg14[%rem3A_118, %parallel_loop3A_1346, %parallel_loop3A_1347] : memref<4x128x64xf32, #tpu.memory_space<vmem>> -> memref<1x128x64xf32, #tpu.memory_space<vmem>>
        %parallel_loop3A_1349 = tpu.memref_squeeze %parallel_loop3A_1348 : memref<1x128x64xf32, #tpu.memory_space<vmem>> -> memref<128x64xf32, #tpu.memory_space<vmem>>
        %parallel_loop3A_1350 = arith.index_cast %parallel_loop3A_1345 : i32 to index
        %parallel_loop3A_1351 = arith.constant 32 : index
        %parallel_loop3A_1352 = tpu.vector_load %parallel_loop3A_1349[%parallel_loop3A_1350, %parallel_loop3A_1351] {strides = array<i32>} : memref<128x64xf32, #tpu.memory_space<vmem>>, vector<1x16xf32>,
        %parallel_loop3A_1353 = vector.shape_cast %parallel_loop3A_1352 : vector<1x16xf32> to vector<16xf32>
        %parallel_loop3A_1354 = arith.mulf %parallel_loop3A_1353, %parallel_loop3A_1321 : vector<16xf32>
        %parallel_loop3A_1355 = arith.constant 1 : i32
        %parallel_loop3A_1356 = arith.addi %parallel_loop3A_1271, %parallel_loop3A_1355 : i32
        %parallel_loop3A_1357 = arith.constant 0 : i32
        %parallel_loop3A_1358 = arith.constant 0 : i32
        %parallel_loop3A_1359 = tpu.memref_slice %arg14[%rem3A_118, %parallel_loop3A_1357, %parallel_loop3A_1358] : memref<4x128x64xf32, #tpu.memory_space<vmem>> -> memref<1x128x64xf32, #tpu.memory_space<vmem>>
        %parallel_loop3A_1360 = tpu.memref_squeeze %parallel_loop3A_1359 : memref<1x128x64xf32, #tpu.memory_space<vmem>> -> memref<128x64xf32, #tpu.memory_space<vmem>>
        %parallel_loop3A_1361 = arith.index_cast %parallel_loop3A_1356 : i32 to index
        %parallel_loop3A_1362 = arith.constant 48 : index
        %parallel_loop3A_1363 = tpu.vector_load %parallel_loop3A_1360[%parallel_loop3A_1361, %parallel_loop3A_1362] {strides = array<i32>} : memref<128x64xf32, #tpu.memory_space<vmem>>, vector<1x16xf32>,
        %parallel_loop3A_1364 = vector.shape_cast %parallel_loop3A_1363 : vector<1x16xf32> to vector<16xf32>
        %parallel_loop3A_1365 = arith.mulf %parallel_loop3A_1364, %parallel_loop3A_1321 : vector<16xf32>
        %parallel_loop3A_1366 = vector.extract_strided_slice %parallel_loop3A_163 {offsets = [14], sizes = [1], strides = [1]} : vector<16xf32> to vector<1xf32>
        %parallel_loop3A_1367 = vector.extract %parallel_loop3A_1366[0] : f32 from vector<1xf32>
        %parallel_loop3A_1368 = vector.broadcast %parallel_loop3A_1367 : f32 to vector<16xf32>
        %parallel_loop3A_1369 = arith.constant 2 : i32
        %parallel_loop3A_1370 = arith.addi %parallel_loop3A_1271, %parallel_loop3A_1369 : i32
        %parallel_loop3A_1371 = arith.constant 0 : i32
        %parallel_loop3A_1372 = arith.constant 0 : i32
        %parallel_loop3A_1373 = tpu.memref_slice %arg14[%rem3A_118, %parallel_loop3A_1371, %parallel_loop3A_1372] : memref<4x128x64xf32, #tpu.memory_space<vmem>> -> memref<1x128x64xf32, #tpu.memory_space<vmem>>
        %parallel_loop3A_1374 = tpu.memref_squeeze %parallel_loop3A_1373 : memref<1x128x64xf32, #tpu.memory_space<vmem>> -> memref<128x64xf32, #tpu.memory_space<vmem>>
        %parallel_loop3A_1375 = arith.index_cast %parallel_loop3A_1370 : i32 to index
        %parallel_loop3A_1376 = arith.constant 0 : index
        %parallel_loop3A_1377 = tpu.vector_load %parallel_loop3A_1374[%parallel_loop3A_1375, %parallel_loop3A_1376] {strides = array<i32>} : memref<128x64xf32, #tpu.memory_space<vmem>>, vector<1x16xf32>,
        %parallel_loop3A_1378 = vector.shape_cast %parallel_loop3A_1377 : vector<1x16xf32> to vector<16xf32>
        %parallel_loop3A_1379 = arith.mulf %parallel_loop3A_1378, %parallel_loop3A_1368 : vector<16xf32>
        %parallel_loop3A_1380 = arith.constant 2 : i32
        %parallel_loop3A_1381 = arith.addi %parallel_loop3A_1271, %parallel_loop3A_1380 : i32
        %parallel_loop3A_1382 = arith.constant 0 : i32
        %parallel_loop3A_1383 = arith.constant 0 : i32
        %parallel_loop3A_1384 = tpu.memref_slice %arg14[%rem3A_118, %parallel_loop3A_1382, %parallel_loop3A_1383] : memref<4x128x64xf32, #tpu.memory_space<vmem>> -> memref<1x128x64xf32, #tpu.memory_space<vmem>>
        %parallel_loop3A_1385 = tpu.memref_squeeze %parallel_loop3A_1384 : memref<1x128x64xf32, #tpu.memory_space<vmem>> -> memref<128x64xf32, #tpu.memory_space<vmem>>
        %parallel_loop3A_1386 = arith.index_cast %parallel_loop3A_1381 : i32 to index
        %parallel_loop3A_1387 = arith.constant 16 : index
        %parallel_loop3A_1388 = tpu.vector_load %parallel_loop3A_1385[%parallel_loop3A_1386, %parallel_loop3A_1387] {strides = array<i32>} : memref<128x64xf32, #tpu.memory_space<vmem>>, vector<1x16xf32>,
        %parallel_loop3A_1389 = vector.shape_cast %parallel_loop3A_1388 : vector<1x16xf32> to vector<16xf32>
        %parallel_loop3A_1390 = arith.mulf %parallel_loop3A_1389, %parallel_loop3A_1368 : vector<16xf32>
        %parallel_loop3A_1391 = arith.constant 2 : i32
        %parallel_loop3A_1392 = arith.addi %parallel_loop3A_1271, %parallel_loop3A_1391 : i32
        %parallel_loop3A_1393 = arith.constant 0 : i32
        %parallel_loop3A_1394 = arith.constant 0 : i32
        %parallel_loop3A_1395 = tpu.memref_slice %arg14[%rem3A_118, %parallel_loop3A_1393, %parallel_loop3A_1394] : memref<4x128x64xf32, #tpu.memory_space<vmem>> -> memref<1x128x64xf32, #tpu.memory_space<vmem>>
        %parallel_loop3A_1396 = tpu.memref_squeeze %parallel_loop3A_1395 : memref<1x128x64xf32, #tpu.memory_space<vmem>> -> memref<128x64xf32, #tpu.memory_space<vmem>>
        %parallel_loop3A_1397 = arith.index_cast %parallel_loop3A_1392 : i32 to index
        %parallel_loop3A_1398 = arith.constant 32 : index
        %parallel_loop3A_1399 = tpu.vector_load %parallel_loop3A_1396[%parallel_loop3A_1397, %parallel_loop3A_1398] {strides = array<i32>} : memref<128x64xf32, #tpu.memory_space<vmem>>, vector<1x16xf32>,
        %parallel_loop3A_1400 = vector.shape_cast %parallel_loop3A_1399 : vector<1x16xf32> to vector<16xf32>
        %parallel_loop3A_1401 = arith.mulf %parallel_loop3A_1400, %parallel_loop3A_1368 : vector<16xf32>
        %parallel_loop3A_1402 = arith.constant 2 : i32
        %parallel_loop3A_1403 = arith.addi %parallel_loop3A_1271, %parallel_loop3A_1402 : i32
        %parallel_loop3A_1404 = arith.constant 0 : i32
        %parallel_loop3A_1405 = arith.constant 0 : i32
        %parallel_loop3A_1406 = tpu.memref_slice %arg14[%rem3A_118, %parallel_loop3A_1404, %parallel_loop3A_1405] : memref<4x128x64xf32, #tpu.memory_space<vmem>> -> memref<1x128x64xf32, #tpu.memory_space<vmem>>
        %parallel_loop3A_1407 = tpu.memref_squeeze %parallel_loop3A_1406 : memref<1x128x64xf32, #tpu.memory_space<vmem>> -> memref<128x64xf32, #tpu.memory_space<vmem>>
        %parallel_loop3A_1408 = arith.index_cast %parallel_loop3A_1403 : i32 to index
        %parallel_loop3A_1409 = arith.constant 48 : index
        %parallel_loop3A_1410 = tpu.vector_load %parallel_loop3A_1407[%parallel_loop3A_1408, %parallel_loop3A_1409] {strides = array<i32>} : memref<128x64xf32, #tpu.memory_space<vmem>>, vector<1x16xf32>,
        %parallel_loop3A_1411 = vector.shape_cast %parallel_loop3A_1410 : vector<1x16xf32> to vector<16xf32>
        %parallel_loop3A_1412 = arith.mulf %parallel_loop3A_1411, %parallel_loop3A_1368 : vector<16xf32>
        %parallel_loop3A_1413 = vector.extract_strided_slice %parallel_loop3A_163 {offsets = [15], sizes = [1], strides = [1]} : vector<16xf32> to vector<1xf32>
        %parallel_loop3A_1414 = vector.extract %parallel_loop3A_1413[0] : f32 from vector<1xf32>
        %parallel_loop3A_1415 = vector.broadcast %parallel_loop3A_1414 : f32 to vector<16xf32>
        %parallel_loop3A_1416 = arith.constant 3 : i32
        %parallel_loop3A_1417 = arith.addi %parallel_loop3A_1271, %parallel_loop3A_1416 : i32
        %parallel_loop3A_1418 = arith.constant 0 : i32
        %parallel_loop3A_1419 = arith.constant 0 : i32
        %parallel_loop3A_1420 = tpu.memref_slice %arg14[%rem3A_118, %parallel_loop3A_1418, %parallel_loop3A_1419] : memref<4x128x64xf32, #tpu.memory_space<vmem>> -> memref<1x128x64xf32, #tpu.memory_space<vmem>>
        %parallel_loop3A_1421 = tpu.memref_squeeze %parallel_loop3A_1420 : memref<1x128x64xf32, #tpu.memory_space<vmem>> -> memref<128x64xf32, #tpu.memory_space<vmem>>
        %parallel_loop3A_1422 = arith.index_cast %parallel_loop3A_1417 : i32 to index
        %parallel_loop3A_1423 = arith.constant 0 : index
        %parallel_loop3A_1424 = tpu.vector_load %parallel_loop3A_1421[%parallel_loop3A_1422, %parallel_loop3A_1423] {strides = array<i32>} : memref<128x64xf32, #tpu.memory_space<vmem>>, vector<1x16xf32>,
        %parallel_loop3A_1425 = vector.shape_cast %parallel_loop3A_1424 : vector<1x16xf32> to vector<16xf32>
        %parallel_loop3A_1426 = arith.mulf %parallel_loop3A_1425, %parallel_loop3A_1415 : vector<16xf32>
        %parallel_loop3A_1427 = arith.constant 3 : i32
        %parallel_loop3A_1428 = arith.addi %parallel_loop3A_1271, %parallel_loop3A_1427 : i32
        %parallel_loop3A_1429 = arith.constant 0 : i32
        %parallel_loop3A_1430 = arith.constant 0 : i32
        %parallel_loop3A_1431 = tpu.memref_slice %arg14[%rem3A_118, %parallel_loop3A_1429, %parallel_loop3A_1430] : memref<4x128x64xf32, #tpu.memory_space<vmem>> -> memref<1x128x64xf32, #tpu.memory_space<vmem>>
        %parallel_loop3A_1432 = tpu.memref_squeeze %parallel_loop3A_1431 : memref<1x128x64xf32, #tpu.memory_space<vmem>> -> memref<128x64xf32, #tpu.memory_space<vmem>>
        %parallel_loop3A_1433 = arith.index_cast %parallel_loop3A_1428 : i32 to index
        %parallel_loop3A_1434 = arith.constant 16 : index
        %parallel_loop3A_1435 = tpu.vector_load %parallel_loop3A_1432[%parallel_loop3A_1433, %parallel_loop3A_1434] {strides = array<i32>} : memref<128x64xf32, #tpu.memory_space<vmem>>, vector<1x16xf32>,
        %parallel_loop3A_1436 = vector.shape_cast %parallel_loop3A_1435 : vector<1x16xf32> to vector<16xf32>
        %parallel_loop3A_1437 = arith.mulf %parallel_loop3A_1436, %parallel_loop3A_1415 : vector<16xf32>
        %parallel_loop3A_1438 = arith.constant 3 : i32
        %parallel_loop3A_1439 = arith.addi %parallel_loop3A_1271, %parallel_loop3A_1438 : i32
        %parallel_loop3A_1440 = arith.constant 0 : i32
        %parallel_loop3A_1441 = arith.constant 0 : i32
        %parallel_loop3A_1442 = tpu.memref_slice %arg14[%rem3A_118, %parallel_loop3A_1440, %parallel_loop3A_1441] : memref<4x128x64xf32, #tpu.memory_space<vmem>> -> memref<1x128x64xf32, #tpu.memory_space<vmem>>
        %parallel_loop3A_1443 = tpu.memref_squeeze %parallel_loop3A_1442 : memref<1x128x64xf32, #tpu.memory_space<vmem>> -> memref<128x64xf32, #tpu.memory_space<vmem>>
        %parallel_loop3A_1444 = arith.index_cast %parallel_loop3A_1439 : i32 to index
        %parallel_loop3A_1445 = arith.constant 32 : index
        %parallel_loop3A_1446 = tpu.vector_load %parallel_loop3A_1443[%parallel_loop3A_1444, %parallel_loop3A_1445] {strides = array<i32>} : memref<128x64xf32, #tpu.memory_space<vmem>>, vector<1x16xf32>,
        %parallel_loop3A_1447 = vector.shape_cast %parallel_loop3A_1446 : vector<1x16xf32> to vector<16xf32>
        %parallel_loop3A_1448 = arith.mulf %parallel_loop3A_1447, %parallel_loop3A_1415 : vector<16xf32>
        %parallel_loop3A_1449 = arith.constant 3 : i32
        %parallel_loop3A_1450 = arith.addi %parallel_loop3A_1271, %parallel_loop3A_1449 : i32
        %parallel_loop3A_1451 = arith.constant 0 : i32
        %parallel_loop3A_1452 = arith.constant 0 : i32
        %parallel_loop3A_1453 = tpu.memref_slice %arg14[%rem3A_118, %parallel_loop3A_1451, %parallel_loop3A_1452] : memref<4x128x64xf32, #tpu.memory_space<vmem>> -> memref<1x128x64xf32, #tpu.memory_space<vmem>>
        %parallel_loop3A_1454 = tpu.memref_squeeze %parallel_loop3A_1453 : memref<1x128x64xf32, #tpu.memory_space<vmem>> -> memref<128x64xf32, #tpu.memory_space<vmem>>
        %parallel_loop3A_1455 = arith.index_cast %parallel_loop3A_1450 : i32 to index
        %parallel_loop3A_1456 = arith.constant 48 : index
        %parallel_loop3A_1457 = tpu.vector_load %parallel_loop3A_1454[%parallel_loop3A_1455, %parallel_loop3A_1456] {strides = array<i32>} : memref<128x64xf32, #tpu.memory_space<vmem>>, vector<1x16xf32>,
        %parallel_loop3A_1458 = vector.shape_cast %parallel_loop3A_1457 : vector<1x16xf32> to vector<16xf32>
        %parallel_loop3A_1459 = arith.mulf %parallel_loop3A_1458, %parallel_loop3A_1415 : vector<16xf32>
        %parallel_loop3A_1460 = arith.constant 0 : i32
        %parallel_loop3A_1461 = arith.addi %parallel_loop3A_1271, %parallel_loop3A_1460 : i32
        %parallel_loop3A_1462 = arith.constant 0 : i32
        %parallel_loop3A_1463 = arith.constant 0 : i32
        %parallel_loop3A_1464 = tpu.memref_slice %arg14[%rem3A_118, %parallel_loop3A_1462, %parallel_loop3A_1463] : memref<4x128x64xf32, #tpu.memory_space<vmem>> -> memref<1x128x64xf32, #tpu.memory_space<vmem>>
        %parallel_loop3A_1465 = tpu.memref_squeeze %parallel_loop3A_1464 : memref<1x128x64xf32, #tpu.memory_space<vmem>> -> memref<128x64xf32, #tpu.memory_space<vmem>>
        %parallel_loop3A_1466 = arith.index_cast %parallel_loop3A_1461 : i32 to index
        %parallel_loop3A_1467 = arith.constant 0 : index
        %parallel_loop3A_1468 = tpu.vector_load %parallel_loop3A_1465[%parallel_loop3A_1466, %parallel_loop3A_1467] {strides = array<i32>} : memref<128x64xf32, #tpu.memory_space<vmem>>, vector<1x16xf32>,
        %parallel_loop3A_1469 = vector.shape_cast %parallel_loop3A_1468 : vector<1x16xf32> to vector<16xf32>
        %parallel_loop3A_1470 = vector.shape_cast %parallel_loop3A_1285 : vector<16xf32> to vector<1x16xf32>
        tpu.vector_store %parallel_loop3A_1465[%parallel_loop3A_1466, %parallel_loop3A_1467], %parallel_loop3A_1470 {strides = array<i32>} : memref<128x64xf32, #tpu.memory_space<vmem>>, vector<1x16xf32>,
        %parallel_loop3A_1471 = arith.constant 0 : i32
        %parallel_loop3A_1472 = arith.addi %parallel_loop3A_1271, %parallel_loop3A_1471 : i32
        %parallel_loop3A_1473 = arith.constant 0 : i32
        %parallel_loop3A_1474 = arith.constant 0 : i32
        %parallel_loop3A_1475 = tpu.memref_slice %arg14[%rem3A_118, %parallel_loop3A_1473, %parallel_loop3A_1474] : memref<4x128x64xf32, #tpu.memory_space<vmem>> -> memref<1x128x64xf32, #tpu.memory_space<vmem>>
        %parallel_loop3A_1476 = tpu.memref_squeeze %parallel_loop3A_1475 : memref<1x128x64xf32, #tpu.memory_space<vmem>> -> memref<128x64xf32, #tpu.memory_space<vmem>>
        %parallel_loop3A_1477 = arith.index_cast %parallel_loop3A_1472 : i32 to index
        %parallel_loop3A_1478 = arith.constant 16 : index
        %parallel_loop3A_1479 = tpu.vector_load %parallel_loop3A_1476[%parallel_loop3A_1477, %parallel_loop3A_1478] {strides = array<i32>} : memref<128x64xf32, #tpu.memory_space<vmem>>, vector<1x16xf32>,
        %parallel_loop3A_1480 = vector.shape_cast %parallel_loop3A_1479 : vector<1x16xf32> to vector<16xf32>
        %parallel_loop3A_1481 = vector.shape_cast %parallel_loop3A_1296 : vector<16xf32> to vector<1x16xf32>
        tpu.vector_store %parallel_loop3A_1476[%parallel_loop3A_1477, %parallel_loop3A_1478], %parallel_loop3A_1481 {strides = array<i32>} : memref<128x64xf32, #tpu.memory_space<vmem>>, vector<1x16xf32>,
        %parallel_loop3A_1482 = arith.constant 0 : i32
        %parallel_loop3A_1483 = arith.addi %parallel_loop3A_1271, %parallel_loop3A_1482 : i32
        %parallel_loop3A_1484 = arith.constant 0 : i32
        %parallel_loop3A_1485 = arith.constant 0 : i32
        %parallel_loop3A_1486 = tpu.memref_slice %arg14[%rem3A_118, %parallel_loop3A_1484, %parallel_loop3A_1485] : memref<4x128x64xf32, #tpu.memory_space<vmem>> -> memref<1x128x64xf32, #tpu.memory_space<vmem>>
        %parallel_loop3A_1487 = tpu.memref_squeeze %parallel_loop3A_1486 : memref<1x128x64xf32, #tpu.memory_space<vmem>> -> memref<128x64xf32, #tpu.memory_space<vmem>>
        %parallel_loop3A_1488 = arith.index_cast %parallel_loop3A_1483 : i32 to index
        %parallel_loop3A_1489 = arith.constant 32 : index
        %parallel_loop3A_1490 = tpu.vector_load %parallel_loop3A_1487[%parallel_loop3A_1488, %parallel_loop3A_1489] {strides = array<i32>} : memref<128x64xf32, #tpu.memory_space<vmem>>, vector<1x16xf32>,
        %parallel_loop3A_1491 = vector.shape_cast %parallel_loop3A_1490 : vector<1x16xf32> to vector<16xf32>
        %parallel_loop3A_1492 = vector.shape_cast %parallel_loop3A_1307 : vector<16xf32> to vector<1x16xf32>
        tpu.vector_store %parallel_loop3A_1487[%parallel_loop3A_1488, %parallel_loop3A_1489], %parallel_loop3A_1492 {strides = array<i32>} : memref<128x64xf32, #tpu.memory_space<vmem>>, vector<1x16xf32>,
        %parallel_loop3A_1493 = arith.constant 0 : i32
        %parallel_loop3A_1494 = arith.addi %parallel_loop3A_1271, %parallel_loop3A_1493 : i32
        %parallel_loop3A_1495 = arith.constant 0 : i32
        %parallel_loop3A_1496 = arith.constant 0 : i32
        %parallel_loop3A_1497 = tpu.memref_slice %arg14[%rem3A_118, %parallel_loop3A_1495, %parallel_loop3A_1496] : memref<4x128x64xf32, #tpu.memory_space<vmem>> -> memref<1x128x64xf32, #tpu.memory_space<vmem>>
        %parallel_loop3A_1498 = tpu.memref_squeeze %parallel_loop3A_1497 : memref<1x128x64xf32, #tpu.memory_space<vmem>> -> memref<128x64xf32, #tpu.memory_space<vmem>>
        %parallel_loop3A_1499 = arith.index_cast %parallel_loop3A_1494 : i32 to index
        %parallel_loop3A_1500 = arith.constant 48 : index
        %parallel_loop3A_1501 = tpu.vector_load %parallel_loop3A_1498[%parallel_loop3A_1499, %parallel_loop3A_1500] {strides = array<i32>} : memref<128x64xf32, #tpu.memory_space<vmem>>, vector<1x16xf32>,
        %parallel_loop3A_1502 = vector.shape_cast %parallel_loop3A_1501 : vector<1x16xf32> to vector<16xf32>
        %parallel_loop3A_1503 = vector.shape_cast %parallel_loop3A_1318 : vector<16xf32> to vector<1x16xf32>
        tpu.vector_store %parallel_loop3A_1498[%parallel_loop3A_1499, %parallel_loop3A_1500], %parallel_loop3A_1503 {strides = array<i32>} : memref<128x64xf32, #tpu.memory_space<vmem>>, vector<1x16xf32>,
        %parallel_loop3A_1504 = arith.constant 1 : i32
        %parallel_loop3A_1505 = arith.addi %parallel_loop3A_1271, %parallel_loop3A_1504 : i32
        %parallel_loop3A_1506 = arith.constant 0 : i32
        %parallel_loop3A_1507 = arith.constant 0 : i32
        %parallel_loop3A_1508 = tpu.memref_slice %arg14[%rem3A_118, %parallel_loop3A_1506, %parallel_loop3A_1507] : memref<4x128x64xf32, #tpu.memory_space<vmem>> -> memref<1x128x64xf32, #tpu.memory_space<vmem>>
        %parallel_loop3A_1509 = tpu.memref_squeeze %parallel_loop3A_1508 : memref<1x128x64xf32, #tpu.memory_space<vmem>> -> memref<128x64xf32, #tpu.memory_space<vmem>>
        %parallel_loop3A_1510 = arith.index_cast %parallel_loop3A_1505 : i32 to index
        %parallel_loop3A_1511 = arith.constant 0 : index
        %parallel_loop3A_1512 = tpu.vector_load %parallel_loop3A_1509[%parallel_loop3A_1510, %parallel_loop3A_1511] {strides = array<i32>} : memref<128x64xf32, #tpu.memory_space<vmem>>, vector<1x16xf32>,
        %parallel_loop3A_1513 = vector.shape_cast %parallel_loop3A_1512 : vector<1x16xf32> to vector<16xf32>
        %parallel_loop3A_1514 = vector.shape_cast %parallel_loop3A_1332 : vector<16xf32> to vector<1x16xf32>
        tpu.vector_store %parallel_loop3A_1509[%parallel_loop3A_1510, %parallel_loop3A_1511], %parallel_loop3A_1514 {strides = array<i32>} : memref<128x64xf32, #tpu.memory_space<vmem>>, vector<1x16xf32>,
        %parallel_loop3A_1515 = arith.constant 1 : i32
        %parallel_loop3A_1516 = arith.addi %parallel_loop3A_1271, %parallel_loop3A_1515 : i32
        %parallel_loop3A_1517 = arith.constant 0 : i32
        %parallel_loop3A_1518 = arith.constant 0 : i32
        %parallel_loop3A_1519 = tpu.memref_slice %arg14[%rem3A_118, %parallel_loop3A_1517, %parallel_loop3A_1518] : memref<4x128x64xf32, #tpu.memory_space<vmem>> -> memref<1x128x64xf32, #tpu.memory_space<vmem>>
        %parallel_loop3A_1520 = tpu.memref_squeeze %parallel_loop3A_1519 : memref<1x128x64xf32, #tpu.memory_space<vmem>> -> memref<128x64xf32, #tpu.memory_space<vmem>>
        %parallel_loop3A_1521 = arith.index_cast %parallel_loop3A_1516 : i32 to index
        %parallel_loop3A_1522 = arith.constant 16 : index
        %parallel_loop3A_1523 = tpu.vector_load %parallel_loop3A_1520[%parallel_loop3A_1521, %parallel_loop3A_1522] {strides = array<i32>} : memref<128x64xf32, #tpu.memory_space<vmem>>, vector<1x16xf32>,
        %parallel_loop3A_1524 = vector.shape_cast %parallel_loop3A_1523 : vector<1x16xf32> to vector<16xf32>
        %parallel_loop3A_1525 = vector.shape_cast %parallel_loop3A_1343 : vector<16xf32> to vector<1x16xf32>
        tpu.vector_store %parallel_loop3A_1520[%parallel_loop3A_1521, %parallel_loop3A_1522], %parallel_loop3A_1525 {strides = array<i32>} : memref<128x64xf32, #tpu.memory_space<vmem>>, vector<1x16xf32>,
        %parallel_loop3A_1526 = arith.constant 1 : i32
        %parallel_loop3A_1527 = arith.addi %parallel_loop3A_1271, %parallel_loop3A_1526 : i32
        %parallel_loop3A_1528 = arith.constant 0 : i32
        %parallel_loop3A_1529 = arith.constant 0 : i32
        %parallel_loop3A_1530 = tpu.memref_slice %arg14[%rem3A_118, %parallel_loop3A_1528, %parallel_loop3A_1529] : memref<4x128x64xf32, #tpu.memory_space<vmem>> -> memref<1x128x64xf32, #tpu.memory_space<vmem>>
        %parallel_loop3A_1531 = tpu.memref_squeeze %parallel_loop3A_1530 : memref<1x128x64xf32, #tpu.memory_space<vmem>> -> memref<128x64xf32, #tpu.memory_space<vmem>>
        %parallel_loop3A_1532 = arith.index_cast %parallel_loop3A_1527 : i32 to index
        %parallel_loop3A_1533 = arith.constant 32 : index
        %parallel_loop3A_1534 = tpu.vector_load %parallel_loop3A_1531[%parallel_loop3A_1532, %parallel_loop3A_1533] {strides = array<i32>} : memref<128x64xf32, #tpu.memory_space<vmem>>, vector<1x16xf32>,
        %parallel_loop3A_1535 = vector.shape_cast %parallel_loop3A_1534 : vector<1x16xf32> to vector<16xf32>
        %parallel_loop3A_1536 = vector.shape_cast %parallel_loop3A_1354 : vector<16xf32> to vector<1x16xf32>
        tpu.vector_store %parallel_loop3A_1531[%parallel_loop3A_1532, %parallel_loop3A_1533], %parallel_loop3A_1536 {strides = array<i32>} : memref<128x64xf32, #tpu.memory_space<vmem>>, vector<1x16xf32>,
        %parallel_loop3A_1537 = arith.constant 1 : i32
        %parallel_loop3A_1538 = arith.addi %parallel_loop3A_1271, %parallel_loop3A_1537 : i32
        %parallel_loop3A_1539 = arith.constant 0 : i32
        %parallel_loop3A_1540 = arith.constant 0 : i32
        %parallel_loop3A_1541 = tpu.memref_slice %arg14[%rem3A_118, %parallel_loop3A_1539, %parallel_loop3A_1540] : memref<4x128x64xf32, #tpu.memory_space<vmem>> -> memref<1x128x64xf32, #tpu.memory_space<vmem>>
        %parallel_loop3A_1542 = tpu.memref_squeeze %parallel_loop3A_1541 : memref<1x128x64xf32, #tpu.memory_space<vmem>> -> memref<128x64xf32, #tpu.memory_space<vmem>>
        %parallel_loop3A_1543 = arith.index_cast %parallel_loop3A_1538 : i32 to index
        %parallel_loop3A_1544 = arith.constant 48 : index
        %parallel_loop3A_1545 = tpu.vector_load %parallel_loop3A_1542[%parallel_loop3A_1543, %parallel_loop3A_1544] {strides = array<i32>} : memref<128x64xf32, #tpu.memory_space<vmem>>, vector<1x16xf32>,
        %parallel_loop3A_1546 = vector.shape_cast %parallel_loop3A_1545 : vector<1x16xf32> to vector<16xf32>
        %parallel_loop3A_1547 = vector.shape_cast %parallel_loop3A_1365 : vector<16xf32> to vector<1x16xf32>
        tpu.vector_store %parallel_loop3A_1542[%parallel_loop3A_1543, %parallel_loop3A_1544], %parallel_loop3A_1547 {strides = array<i32>} : memref<128x64xf32, #tpu.memory_space<vmem>>, vector<1x16xf32>,
        %parallel_loop3A_1548 = arith.constant 2 : i32
        %parallel_loop3A_1549 = arith.addi %parallel_loop3A_1271, %parallel_loop3A_1548 : i32
        %parallel_loop3A_1550 = arith.constant 0 : i32
        %parallel_loop3A_1551 = arith.constant 0 : i32
        %parallel_loop3A_1552 = tpu.memref_slice %arg14[%rem3A_118, %parallel_loop3A_1550, %parallel_loop3A_1551] : memref<4x128x64xf32, #tpu.memory_space<vmem>> -> memref<1x128x64xf32, #tpu.memory_space<vmem>>
        %parallel_loop3A_1553 = tpu.memref_squeeze %parallel_loop3A_1552 : memref<1x128x64xf32, #tpu.memory_space<vmem>> -> memref<128x64xf32, #tpu.memory_space<vmem>>
        %parallel_loop3A_1554 = arith.index_cast %parallel_loop3A_1549 : i32 to index
        %parallel_loop3A_1555 = arith.constant 0 : index
        %parallel_loop3A_1556 = tpu.vector_load %parallel_loop3A_1553[%parallel_loop3A_1554, %parallel_loop3A_1555] {strides = array<i32>} : memref<128x64xf32, #tpu.memory_space<vmem>>, vector<1x16xf32>,
        %parallel_loop3A_1557 = vector.shape_cast %parallel_loop3A_1556 : vector<1x16xf32> to vector<16xf32>
        %parallel_loop3A_1558 = vector.shape_cast %parallel_loop3A_1379 : vector<16xf32> to vector<1x16xf32>
        tpu.vector_store %parallel_loop3A_1553[%parallel_loop3A_1554, %parallel_loop3A_1555], %parallel_loop3A_1558 {strides = array<i32>} : memref<128x64xf32, #tpu.memory_space<vmem>>, vector<1x16xf32>,
        %parallel_loop3A_1559 = arith.constant 2 : i32
        %parallel_loop3A_1560 = arith.addi %parallel_loop3A_1271, %parallel_loop3A_1559 : i32
        %parallel_loop3A_1561 = arith.constant 0 : i32
        %parallel_loop3A_1562 = arith.constant 0 : i32
        %parallel_loop3A_1563 = tpu.memref_slice %arg14[%rem3A_118, %parallel_loop3A_1561, %parallel_loop3A_1562] : memref<4x128x64xf32, #tpu.memory_space<vmem>> -> memref<1x128x64xf32, #tpu.memory_space<vmem>>
        %parallel_loop3A_1564 = tpu.memref_squeeze %parallel_loop3A_1563 : memref<1x128x64xf32, #tpu.memory_space<vmem>> -> memref<128x64xf32, #tpu.memory_space<vmem>>
        %parallel_loop3A_1565 = arith.index_cast %parallel_loop3A_1560 : i32 to index
        %parallel_loop3A_1566 = arith.constant 16 : index
        %parallel_loop3A_1567 = tpu.vector_load %parallel_loop3A_1564[%parallel_loop3A_1565, %parallel_loop3A_1566] {strides = array<i32>} : memref<128x64xf32, #tpu.memory_space<vmem>>, vector<1x16xf32>,
        %parallel_loop3A_1568 = vector.shape_cast %parallel_loop3A_1567 : vector<1x16xf32> to vector<16xf32>
        %parallel_loop3A_1569 = vector.shape_cast %parallel_loop3A_1390 : vector<16xf32> to vector<1x16xf32>
        tpu.vector_store %parallel_loop3A_1564[%parallel_loop3A_1565, %parallel_loop3A_1566], %parallel_loop3A_1569 {strides = array<i32>} : memref<128x64xf32, #tpu.memory_space<vmem>>, vector<1x16xf32>,
        %parallel_loop3A_1570 = arith.constant 2 : i32
        %parallel_loop3A_1571 = arith.addi %parallel_loop3A_1271, %parallel_loop3A_1570 : i32
        %parallel_loop3A_1572 = arith.constant 0 : i32
        %parallel_loop3A_1573 = arith.constant 0 : i32
        %parallel_loop3A_1574 = tpu.memref_slice %arg14[%rem3A_118, %parallel_loop3A_1572, %parallel_loop3A_1573] : memref<4x128x64xf32, #tpu.memory_space<vmem>> -> memref<1x128x64xf32, #tpu.memory_space<vmem>>
        %parallel_loop3A_1575 = tpu.memref_squeeze %parallel_loop3A_1574 : memref<1x128x64xf32, #tpu.memory_space<vmem>> -> memref<128x64xf32, #tpu.memory_space<vmem>>
        %parallel_loop3A_1576 = arith.index_cast %parallel_loop3A_1571 : i32 to index
        %parallel_loop3A_1577 = arith.constant 32 : index
        %parallel_loop3A_1578 = tpu.vector_load %parallel_loop3A_1575[%parallel_loop3A_1576, %parallel_loop3A_1577] {strides = array<i32>} : memref<128x64xf32, #tpu.memory_space<vmem>>, vector<1x16xf32>,
        %parallel_loop3A_1579 = vector.shape_cast %parallel_loop3A_1578 : vector<1x16xf32> to vector<16xf32>
        %parallel_loop3A_1580 = vector.shape_cast %parallel_loop3A_1401 : vector<16xf32> to vector<1x16xf32>
        tpu.vector_store %parallel_loop3A_1575[%parallel_loop3A_1576, %parallel_loop3A_1577], %parallel_loop3A_1580 {strides = array<i32>} : memref<128x64xf32, #tpu.memory_space<vmem>>, vector<1x16xf32>,
        %parallel_loop3A_1581 = arith.constant 2 : i32
        %parallel_loop3A_1582 = arith.addi %parallel_loop3A_1271, %parallel_loop3A_1581 : i32
        %parallel_loop3A_1583 = arith.constant 0 : i32
        %parallel_loop3A_1584 = arith.constant 0 : i32
        %parallel_loop3A_1585 = tpu.memref_slice %arg14[%rem3A_118, %parallel_loop3A_1583, %parallel_loop3A_1584] : memref<4x128x64xf32, #tpu.memory_space<vmem>> -> memref<1x128x64xf32, #tpu.memory_space<vmem>>
        %parallel_loop3A_1586 = tpu.memref_squeeze %parallel_loop3A_1585 : memref<1x128x64xf32, #tpu.memory_space<vmem>> -> memref<128x64xf32, #tpu.memory_space<vmem>>
        %parallel_loop3A_1587 = arith.index_cast %parallel_loop3A_1582 : i32 to index
        %parallel_loop3A_1588 = arith.constant 48 : index
        %parallel_loop3A_1589 = tpu.vector_load %parallel_loop3A_1586[%parallel_loop3A_1587, %parallel_loop3A_1588] {strides = array<i32>} : memref<128x64xf32, #tpu.memory_space<vmem>>, vector<1x16xf32>,
        %parallel_loop3A_1590 = vector.shape_cast %parallel_loop3A_1589 : vector<1x16xf32> to vector<16xf32>
        %parallel_loop3A_1591 = vector.shape_cast %parallel_loop3A_1412 : vector<16xf32> to vector<1x16xf32>
        tpu.vector_store %parallel_loop3A_1586[%parallel_loop3A_1587, %parallel_loop3A_1588], %parallel_loop3A_1591 {strides = array<i32>} : memref<128x64xf32, #tpu.memory_space<vmem>>, vector<1x16xf32>,
        %parallel_loop3A_1592 = arith.constant 3 : i32
        %parallel_loop3A_1593 = arith.addi %parallel_loop3A_1271, %parallel_loop3A_1592 : i32
        %parallel_loop3A_1594 = arith.constant 0 : i32
        %parallel_loop3A_1595 = arith.constant 0 : i32
        %parallel_loop3A_1596 = tpu.memref_slice %arg14[%rem3A_118, %parallel_loop3A_1594, %parallel_loop3A_1595] : memref<4x128x64xf32, #tpu.memory_space<vmem>> -> memref<1x128x64xf32, #tpu.memory_space<vmem>>
        %parallel_loop3A_1597 = tpu.memref_squeeze %parallel_loop3A_1596 : memref<1x128x64xf32, #tpu.memory_space<vmem>> -> memref<128x64xf32, #tpu.memory_space<vmem>>
        %parallel_loop3A_1598 = arith.index_cast %parallel_loop3A_1593 : i32 to index
        %parallel_loop3A_1599 = arith.constant 0 : index
        %parallel_loop3A_1600 = tpu.vector_load %parallel_loop3A_1597[%parallel_loop3A_1598, %parallel_loop3A_1599] {strides = array<i32>} : memref<128x64xf32, #tpu.memory_space<vmem>>, vector<1x16xf32>,
        %parallel_loop3A_1601 = vector.shape_cast %parallel_loop3A_1600 : vector<1x16xf32> to vector<16xf32>
        %parallel_loop3A_1602 = vector.shape_cast %parallel_loop3A_1426 : vector<16xf32> to vector<1x16xf32>
        tpu.vector_store %parallel_loop3A_1597[%parallel_loop3A_1598, %parallel_loop3A_1599], %parallel_loop3A_1602 {strides = array<i32>} : memref<128x64xf32, #tpu.memory_space<vmem>>, vector<1x16xf32>,
        %parallel_loop3A_1603 = arith.constant 3 : i32
        %parallel_loop3A_1604 = arith.addi %parallel_loop3A_1271, %parallel_loop3A_1603 : i32
        %parallel_loop3A_1605 = arith.constant 0 : i32
        %parallel_loop3A_1606 = arith.constant 0 : i32
        %parallel_loop3A_1607 = tpu.memref_slice %arg14[%rem3A_118, %parallel_loop3A_1605, %parallel_loop3A_1606] : memref<4x128x64xf32, #tpu.memory_space<vmem>> -> memref<1x128x64xf32, #tpu.memory_space<vmem>>
        %parallel_loop3A_1608 = tpu.memref_squeeze %parallel_loop3A_1607 : memref<1x128x64xf32, #tpu.memory_space<vmem>> -> memref<128x64xf32, #tpu.memory_space<vmem>>
        %parallel_loop3A_1609 = arith.index_cast %parallel_loop3A_1604 : i32 to index
        %parallel_loop3A_1610 = arith.constant 16 : index
        %parallel_loop3A_1611 = tpu.vector_load %parallel_loop3A_1608[%parallel_loop3A_1609, %parallel_loop3A_1610] {strides = array<i32>} : memref<128x64xf32, #tpu.memory_space<vmem>>, vector<1x16xf32>,
        %parallel_loop3A_1612 = vector.shape_cast %parallel_loop3A_1611 : vector<1x16xf32> to vector<16xf32>
        %parallel_loop3A_1613 = vector.shape_cast %parallel_loop3A_1437 : vector<16xf32> to vector<1x16xf32>
        tpu.vector_store %parallel_loop3A_1608[%parallel_loop3A_1609, %parallel_loop3A_1610], %parallel_loop3A_1613 {strides = array<i32>} : memref<128x64xf32, #tpu.memory_space<vmem>>, vector<1x16xf32>,
        %parallel_loop3A_1614 = arith.constant 3 : i32
        %parallel_loop3A_1615 = arith.addi %parallel_loop3A_1271, %parallel_loop3A_1614 : i32
        %parallel_loop3A_1616 = arith.constant 0 : i32
        %parallel_loop3A_1617 = arith.constant 0 : i32
        %parallel_loop3A_1618 = tpu.memref_slice %arg14[%rem3A_118, %parallel_loop3A_1616, %parallel_loop3A_1617] : memref<4x128x64xf32, #tpu.memory_space<vmem>> -> memref<1x128x64xf32, #tpu.memory_space<vmem>>
        %parallel_loop3A_1619 = tpu.memref_squeeze %parallel_loop3A_1618 : memref<1x128x64xf32, #tpu.memory_space<vmem>> -> memref<128x64xf32, #tpu.memory_space<vmem>>
        %parallel_loop3A_1620 = arith.index_cast %parallel_loop3A_1615 : i32 to index
        %parallel_loop3A_1621 = arith.constant 32 : index
        %parallel_loop3A_1622 = tpu.vector_load %parallel_loop3A_1619[%parallel_loop3A_1620, %parallel_loop3A_1621] {strides = array<i32>} : memref<128x64xf32, #tpu.memory_space<vmem>>, vector<1x16xf32>,
        %parallel_loop3A_1623 = vector.shape_cast %parallel_loop3A_1622 : vector<1x16xf32> to vector<16xf32>
        %parallel_loop3A_1624 = vector.shape_cast %parallel_loop3A_1448 : vector<16xf32> to vector<1x16xf32>
        tpu.vector_store %parallel_loop3A_1619[%parallel_loop3A_1620, %parallel_loop3A_1621], %parallel_loop3A_1624 {strides = array<i32>} : memref<128x64xf32, #tpu.memory_space<vmem>>, vector<1x16xf32>,
        %parallel_loop3A_1625 = arith.constant 3 : i32
        %parallel_loop3A_1626 = arith.addi %parallel_loop3A_1271, %parallel_loop3A_1625 : i32
        %parallel_loop3A_1627 = arith.constant 0 : i32
        %parallel_loop3A_1628 = arith.constant 0 : i32
        %parallel_loop3A_1629 = tpu.memref_slice %arg14[%rem3A_118, %parallel_loop3A_1627, %parallel_loop3A_1628] : memref<4x128x64xf32, #tpu.memory_space<vmem>> -> memref<1x128x64xf32, #tpu.memory_space<vmem>>
        %parallel_loop3A_1630 = tpu.memref_squeeze %parallel_loop3A_1629 : memref<1x128x64xf32, #tpu.memory_space<vmem>> -> memref<128x64xf32, #tpu.memory_space<vmem>>
        %parallel_loop3A_1631 = arith.index_cast %parallel_loop3A_1626 : i32 to index
        %parallel_loop3A_1632 = arith.constant 48 : index
        %parallel_loop3A_1633 = tpu.vector_load %parallel_loop3A_1630[%parallel_loop3A_1631, %parallel_loop3A_1632] {strides = array<i32>} : memref<128x64xf32, #tpu.memory_space<vmem>>, vector<1x16xf32>,
        %parallel_loop3A_1634 = vector.shape_cast %parallel_loop3A_1633 : vector<1x16xf32> to vector<16xf32>
        %parallel_loop3A_1635 = vector.shape_cast %parallel_loop3A_1459 : vector<16xf32> to vector<1x16xf32>
        tpu.vector_store %parallel_loop3A_1630[%parallel_loop3A_1631, %parallel_loop3A_1632], %parallel_loop3A_1635 {strides = array<i32>} : memref<128x64xf32, #tpu.memory_space<vmem>>, vector<1x16xf32>,
      } {sc.loop_unroll_factor = 1 : i64, sc.parallel_access}
      %dma_start3A_143 = arith.constant 0 : i32
      %dma_start3A_144 = arith.constant 0 : i32
      %dma_start3A_145 = tpu.memref_slice %arg14[%rem3A_118, %dma_start3A_143, %dma_start3A_144] : memref<4x128x64xf32, #tpu.memory_space<vmem>> -> memref<1x128x64xf32, #tpu.memory_space<vmem>>
      %dma_start3A_146 = tpu.memref_squeeze %dma_start3A_145 : memref<1x128x64xf32, #tpu.memory_space<vmem>> -> memref<128x64xf32, #tpu.memory_space<vmem>>
      %dma_start3A_147 = arith.constant 0 : i32
      %dma_start3A_148 = tpu.memref_slice %arg12[%add3A_116, %dma_start3A_147] : memref<148x128xi32, #tpu.memory_space<vmem>> -> memref<1x128xi32, #tpu.memory_space<vmem>>
      %dma_start3A_149 = tpu.memref_squeeze %dma_start3A_148 : memref<1x128xi32, #tpu.memory_space<vmem>> -> memref<128xi32, #tpu.memory_space<vmem>>
      %dma_start3A_150 = arith.constant 0 : i32
      %dma_start3A_151 = arith.constant 0 : i32
      %dma_start3A_152 = tpu.memref_slice %arg15[%dma_start3A_150, %dma_start3A_151] : memref<10000x64xf32, #tpu.memory_space<vmem_shared>> -> memref<10000x64xf32, #tpu.memory_space<vmem_shared>>
      %dma_start3A_153 = tpu.memref_slice %arg17[%rem3A_118] : memref<4x!tpu.dma_semaphore, #tpu.memory_space<semaphore_mem>> -> memref<1x!tpu.dma_semaphore, #tpu.memory_space<semaphore_mem>>
      %dma_start3A_154 = tpu.memref_squeeze %dma_start3A_153 : memref<1x!tpu.dma_semaphore, #tpu.memory_space<semaphore_mem>> -> memref<!tpu.dma_semaphore, #tpu.memory_space<semaphore_mem>>
      tpu.enqueue_indirect_dma source(%dma_start3A_146 : memref<128x64xf32, #tpu.memory_space<vmem>>) target(%dma_start3A_152 : memref<10000x64xf32, #tpu.memory_space<vmem_shared>>) offsets(%dma_start3A_149 : memref<128xi32, #tpu.memory_space<vmem>>) semaphore(%dma_start3A_154 : memref<!tpu.dma_semaphore, #tpu.memory_space<semaphore_mem>>) {add = true}
    }
    %while3A_71 = arith.constant 1 : i32
    scf.for %while3A_114 = %while3A_69 to %while3A_65 step %while3A_71  : i32 {
      %mul3A_115 = arith.muli %while3A_114, %while3A : i32
      %add3A_116 = arith.addi %while3A_62, %mul3A_115 : i32
      %rem3A_117 = arith.constant 4 : i32
      %rem3A_118 = arith.remsi %add3A_116, %rem3A_117 : i32
      %ge3A = arith.constant 2 : i32
      %ge3A_119 = arith.cmpi sge, %add3A_116, %ge3A : i32
      %convert_element_type3A_120 = arith.extui %ge3A_119 : i1 to i32
      %cond3A_121 = arith.constant 0 : i32
      %cond3A_122 = arith.cmpi ne, %convert_element_type3A_120, %cond3A_121 : i32
      scf.if %cond3A_122 {
        %add3A_155 = arith.constant 2 : i32
        %add3A_156 = arith.addi %add3A_116, %add3A_155 : i32
        %rem3A_157 = arith.constant 4 : i32
        %rem3A_158 = arith.remsi %add3A_156, %rem3A_157 : i32
        %dma_wait3A_159 = arith.constant 0 : i32
        %dma_wait3A_160 = arith.constant 0 : i32
        %dma_wait3A_161 = arith.constant 0 : i32
        %dma_wait3A_162 = tpu.memref_slice %arg14[%rem3A_158, %dma_wait3A_160, %dma_wait3A_161] : memref<4x128x64xf32, #tpu.memory_space<vmem>> -> memref<1x128x64xf32, #tpu.memory_space<vmem>>
        %dma_wait3A_163 = tpu.memref_squeeze %dma_wait3A_162 : memref<1x128x64xf32, #tpu.memory_space<vmem>> -> memref<128x64xf32, #tpu.memory_space<vmem>>
        %dma_wait3A_164 = arith.constant 0 : i32
        %dma_wait3A_165 = tpu.memref_slice %arg12[%dma_wait3A_159, %dma_wait3A_164] : memref<148x128xi32, #tpu.memory_space<vmem>> -> memref<1x128xi32, #tpu.memory_space<vmem>>
        %dma_wait3A_166 = tpu.memref_squeeze %dma_wait3A_165 : memref<1x128xi32, #tpu.memory_space<vmem>> -> memref<128xi32, #tpu.memory_space<vmem>>
        %dma_wait3A_167 = arith.constant 0 : i32
        %dma_wait3A_168 = arith.constant 0 : i32
        %dma_wait3A_169 = tpu.memref_slice %arg15[%dma_wait3A_167, %dma_wait3A_168] : memref<10000x64xf32, #tpu.memory_space<vmem_shared>> -> memref<10000x64xf32, #tpu.memory_space<vmem_shared>>
        %dma_wait3A_170 = tpu.memref_slice %arg17[%rem3A_158] : memref<4x!tpu.dma_semaphore, #tpu.memory_space<semaphore_mem>> -> memref<1x!tpu.dma_semaphore, #tpu.memory_space<semaphore_mem>>
        %dma_wait3A_171 = tpu.memref_squeeze %dma_wait3A_170 : memref<1x!tpu.dma_semaphore, #tpu.memory_space<semaphore_mem>> -> memref<!tpu.dma_semaphore, #tpu.memory_space<semaphore_mem>>
        tpu.wait_indirect_dma semaphore(%dma_wait3A_171 : memref<!tpu.dma_semaphore, #tpu.memory_space<semaphore_mem>>) src(%dma_wait3A_163 : memref<128x64xf32, #tpu.memory_space<vmem>>) dst(%dma_wait3A_169 : memref<10000x64xf32, #tpu.memory_space<vmem_shared>>)
      } else {
      }
      %add3A_123 = arith.constant 2 : i32
      %add3A_124 = arith.addi %add3A_116, %add3A_123 : i32
      %lt3A = arith.cmpi slt, %add3A_124, %select_n3A : i32
      %convert_element_type3A_125 = arith.extui %lt3A : i1 to i32
      %cond3A_126 = arith.constant 0 : i32
      %cond3A_127 = arith.cmpi ne, %convert_element_type3A_125, %cond3A_126 : i32
      scf.if %cond3A_127 {
        %add3A_155 = arith.constant 2 : i32
        %add3A_156 = arith.addi %add3A_116, %add3A_155 : i32
        %add3A_157 = arith.constant 2 : i32
        %add3A_158 = arith.addi %add3A_116, %add3A_157 : i32
        %rem3A_159 = arith.constant 4 : i32
        %rem3A_160 = arith.remsi %add3A_158, %rem3A_159 : i32
        %dma_start3A_161 = arith.constant 0 : i32
        %dma_start3A_162 = arith.constant 0 : i32
        %dma_start3A_163 = tpu.memref_slice %arg14[%rem3A_160, %dma_start3A_161, %dma_start3A_162] : memref<4x128x64xf32, #tpu.memory_space<vmem>> -> memref<1x128x64xf32, #tpu.memory_space<vmem>>
        %dma_start3A_164 = tpu.memref_squeeze %dma_start3A_163 : memref<1x128x64xf32, #tpu.memory_space<vmem>> -> memref<128x64xf32, #tpu.memory_space<vmem>>
        %dma_start3A_165 = arith.constant 0 : i32
        %dma_start3A_166 = tpu.memref_slice %arg11[%add3A_156, %dma_start3A_165] : memref<148x128xi32, #tpu.memory_space<vmem>> -> memref<1x128xi32, #tpu.memory_space<vmem>>
        %dma_start3A_167 = tpu.memref_squeeze %dma_start3A_166 : memref<1x128xi32, #tpu.memory_space<vmem>> -> memref<128xi32, #tpu.memory_space<vmem>>
        %dma_start3A_168 = arith.constant 0 : i32
        %dma_start3A_169 = arith.constant 0 : i32
        %dma_start3A_170 = tpu.memref_slice %arg2[%dma_start3A_168, %dma_start3A_169] : memref<10000x64xf32, #tpu.memory_space<hbm>> -> memref<10000x64xf32, #tpu.memory_space<hbm>>
        %dma_start3A_171 = tpu.memref_slice %arg16[%rem3A_160] : memref<4x!tpu.dma_semaphore, #tpu.memory_space<semaphore_mem>> -> memref<1x!tpu.dma_semaphore, #tpu.memory_space<semaphore_mem>>
        %dma_start3A_172 = tpu.memref_squeeze %dma_start3A_171 : memref<1x!tpu.dma_semaphore, #tpu.memory_space<semaphore_mem>> -> memref<!tpu.dma_semaphore, #tpu.memory_space<semaphore_mem>>
        tpu.enqueue_indirect_dma source(%dma_start3A_170 : memref<10000x64xf32, #tpu.memory_space<hbm>>) target(%dma_start3A_164 : memref<128x64xf32, #tpu.memory_space<vmem>>) offsets(%dma_start3A_167 : memref<128xi32, #tpu.memory_space<vmem>>) semaphore(%dma_start3A_172 : memref<!tpu.dma_semaphore, #tpu.memory_space<semaphore_mem>>)
      } else {
      }
      %dma_wait3A_128 = arith.constant 0 : i32
      %dma_wait3A_129 = arith.constant 0 : i32
      %dma_wait3A_130 = arith.constant 0 : i32
      %dma_wait3A_131 = tpu.memref_slice %arg14[%rem3A_118, %dma_wait3A_129, %dma_wait3A_130] : memref<4x128x64xf32, #tpu.memory_space<vmem>> -> memref<1x128x64xf32, #tpu.memory_space<vmem>>
      %dma_wait3A_132 = tpu.memref_squeeze %dma_wait3A_131 : memref<1x128x64xf32, #tpu.memory_space<vmem>> -> memref<128x64xf32, #tpu.memory_space<vmem>>
      %dma_wait3A_133 = arith.constant 0 : i32
      %dma_wait3A_134 = tpu.memref_slice %arg11[%dma_wait3A_128, %dma_wait3A_133] : memref<148x128xi32, #tpu.memory_space<vmem>> -> memref<1x128xi32, #tpu.memory_space<vmem>>
      %dma_wait3A_135 = tpu.memref_squeeze %dma_wait3A_134 : memref<1x128xi32, #tpu.memory_space<vmem>> -> memref<128xi32, #tpu.memory_space<vmem>>
      %dma_wait3A_136 = arith.constant 0 : i32
      %dma_wait3A_137 = arith.constant 0 : i32
      %dma_wait3A_138 = tpu.memref_slice %arg2[%dma_wait3A_136, %dma_wait3A_137] : memref<10000x64xf32, #tpu.memory_space<hbm>> -> memref<10000x64xf32, #tpu.memory_space<hbm>>
      %dma_wait3A_139 = tpu.memref_slice %arg16[%rem3A_118] : memref<4x!tpu.dma_semaphore, #tpu.memory_space<semaphore_mem>> -> memref<1x!tpu.dma_semaphore, #tpu.memory_space<semaphore_mem>>
      %dma_wait3A_140 = tpu.memref_squeeze %dma_wait3A_139 : memref<1x!tpu.dma_semaphore, #tpu.memory_space<semaphore_mem>> -> memref<!tpu.dma_semaphore, #tpu.memory_space<semaphore_mem>>
      tpu.wait_indirect_dma semaphore(%dma_wait3A_140 : memref<!tpu.dma_semaphore, #tpu.memory_space<semaphore_mem>>) src(%dma_wait3A_138 : memref<10000x64xf32, #tpu.memory_space<hbm>>) dst(%dma_wait3A_132 : memref<128x64xf32, #tpu.memory_space<vmem>>)
      %parallel_loop3A = arith.constant 0 : i32
      %parallel_loop3A_141 = arith.constant 8 : i32
      %parallel_loop3A_142 = arith.constant 1 : i32
      scf.for %parallel_loop3A_155 = %parallel_loop3A to %parallel_loop3A_141 step %parallel_loop3A_142  : i32 {
        %parallel_loop3A_156 = arith.constant 128 : i32
        %parallel_loop3A_157 = arith.muli %add3A_116, %parallel_loop3A_156 : i32
        %parallel_loop3A_158 = arith.constant 16 : i32
        %parallel_loop3A_159 = arith.muli %parallel_loop3A_155, %parallel_loop3A_158 : i32
        %parallel_loop3A_160 = arith.addi %parallel_loop3A_157, %parallel_loop3A_159 : i32
        %parallel_loop3A_161 = arith.index_cast %parallel_loop3A_160 : i32 to index
        %parallel_loop3A_162 = tpu.vector_load %arg13[%parallel_loop3A_161] {strides = array<i32>} : memref<18944xf32, #tpu.memory_space<vmem>>, vector<16xf32>,
        %parallel_loop3A_163 = vector.shape_cast %parallel_loop3A_162 : vector<16xf32> to vector<16xf32>
        %parallel_loop3A_164 = arith.constant 16 : i32
        %parallel_loop3A_165 = arith.muli %parallel_loop3A_155, %parallel_loop3A_164 : i32
        %parallel_loop3A_166 = arith.constant 0 : i32
        %parallel_loop3A_167 = arith.addi %parallel_loop3A_165, %parallel_loop3A_166 : i32
        %parallel_loop3A_168 = vector.extract_strided_slice %parallel_loop3A_163 {offsets = [0], sizes = [1], strides = [1]} : vector<16xf32> to vector<1xf32>
        %parallel_loop3A_169 = vector.extract %parallel_loop3A_168[0] : f32 from vector<1xf32>
        %parallel_loop3A_170 = vector.broadcast %parallel_loop3A_169 : f32 to vector<16xf32>
        %parallel_loop3A_171 = arith.constant 0 : i32
        %parallel_loop3A_172 = arith.addi %parallel_loop3A_167, %parallel_loop3A_171 : i32
        %parallel_loop3A_173 = arith.constant 0 : i32
        %parallel_loop3A_174 = arith.constant 0 : i32
        %parallel_loop3A_175 = tpu.memref_slice %arg14[%rem3A_118, %parallel_loop3A_173, %parallel_loop3A_174] : memref<4x128x64xf32, #tpu.memory_space<vmem>> -> memref<1x128x64xf32, #tpu.memory_space<vmem>>
        %parallel_loop3A_176 = tpu.memref_squeeze %parallel_loop3A_175 : memref<1x128x64xf32, #tpu.memory_space<vmem>> -> memref<128x64xf32, #tpu.memory_space<vmem>>
        %parallel_loop3A_177 = arith.index_cast %parallel_loop3A_172 : i32 to index
        %parallel_loop3A_178 = arith.constant 0 : index
        %parallel_loop3A_179 = tpu.vector_load %parallel_loop3A_176[%parallel_loop3A_177, %parallel_loop3A_178] {strides = array<i32>} : memref<128x64xf32, #tpu.memory_space<vmem>>, vector<1x16xf32>,
        %parallel_loop3A_180 = vector.shape_cast %parallel_loop3A_179 : vector<1x16xf32> to vector<16xf32>
        %parallel_loop3A_181 = arith.mulf %parallel_loop3A_180, %parallel_loop3A_170 : vector<16xf32>
        %parallel_loop3A_182 = arith.constant 0 : i32
        %parallel_loop3A_183 = arith.addi %parallel_loop3A_167, %parallel_loop3A_182 : i32
        %parallel_loop3A_184 = arith.constant 0 : i32
        %parallel_loop3A_185 = arith.constant 0 : i32
        %parallel_loop3A_186 = tpu.memref_slice %arg14[%rem3A_118, %parallel_loop3A_184, %parallel_loop3A_185] : memref<4x128x64xf32, #tpu.memory_space<vmem>> -> memref<1x128x64xf32, #tpu.memory_space<vmem>>
        %parallel_loop3A_187 = tpu.memref_squeeze %parallel_loop3A_186 : memref<1x128x64xf32, #tpu.memory_space<vmem>> -> memref<128x64xf32, #tpu.memory_space<vmem>>
        %parallel_loop3A_188 = arith.index_cast %parallel_loop3A_183 : i32 to index
        %parallel_loop3A_189 = arith.constant 16 : index
        %parallel_loop3A_190 = tpu.vector_load %parallel_loop3A_187[%parallel_loop3A_188, %parallel_loop3A_189] {strides = array<i32>} : memref<128x64xf32, #tpu.memory_space<vmem>>, vector<1x16xf32>,
        %parallel_loop3A_191 = vector.shape_cast %parallel_loop3A_190 : vector<1x16xf32> to vector<16xf32>
        %parallel_loop3A_192 = arith.mulf %parallel_loop3A_191, %parallel_loop3A_170 : vector<16xf32>
        %parallel_loop3A_193 = arith.constant 0 : i32
        %parallel_loop3A_194 = arith.addi %parallel_loop3A_167, %parallel_loop3A_193 : i32
        %parallel_loop3A_195 = arith.constant 0 : i32
        %parallel_loop3A_196 = arith.constant 0 : i32
        %parallel_loop3A_197 = tpu.memref_slice %arg14[%rem3A_118, %parallel_loop3A_195, %parallel_loop3A_196] : memref<4x128x64xf32, #tpu.memory_space<vmem>> -> memref<1x128x64xf32, #tpu.memory_space<vmem>>
        %parallel_loop3A_198 = tpu.memref_squeeze %parallel_loop3A_197 : memref<1x128x64xf32, #tpu.memory_space<vmem>> -> memref<128x64xf32, #tpu.memory_space<vmem>>
        %parallel_loop3A_199 = arith.index_cast %parallel_loop3A_194 : i32 to index
        %parallel_loop3A_200 = arith.constant 32 : index
        %parallel_loop3A_201 = tpu.vector_load %parallel_loop3A_198[%parallel_loop3A_199, %parallel_loop3A_200] {strides = array<i32>} : memref<128x64xf32, #tpu.memory_space<vmem>>, vector<1x16xf32>,
        %parallel_loop3A_202 = vector.shape_cast %parallel_loop3A_201 : vector<1x16xf32> to vector<16xf32>
        %parallel_loop3A_203 = arith.mulf %parallel_loop3A_202, %parallel_loop3A_170 : vector<16xf32>
        %parallel_loop3A_204 = arith.constant 0 : i32
        %parallel_loop3A_205 = arith.addi %parallel_loop3A_167, %parallel_loop3A_204 : i32
        %parallel_loop3A_206 = arith.constant 0 : i32
        %parallel_loop3A_207 = arith.constant 0 : i32
        %parallel_loop3A_208 = tpu.memref_slice %arg14[%rem3A_118, %parallel_loop3A_206, %parallel_loop3A_207] : memref<4x128x64xf32, #tpu.memory_space<vmem>> -> memref<1x128x64xf32, #tpu.memory_space<vmem>>
        %parallel_loop3A_209 = tpu.memref_squeeze %parallel_loop3A_208 : memref<1x128x64xf32, #tpu.memory_space<vmem>> -> memref<128x64xf32, #tpu.memory_space<vmem>>
        %parallel_loop3A_210 = arith.index_cast %parallel_loop3A_205 : i32 to index
        %parallel_loop3A_211 = arith.constant 48 : index
        %parallel_loop3A_212 = tpu.vector_load %parallel_loop3A_209[%parallel_loop3A_210, %parallel_loop3A_211] {strides = array<i32>} : memref<128x64xf32, #tpu.memory_space<vmem>>, vector<1x16xf32>,
        %parallel_loop3A_213 = vector.shape_cast %parallel_loop3A_212 : vector<1x16xf32> to vector<16xf32>
        %parallel_loop3A_214 = arith.mulf %parallel_loop3A_213, %parallel_loop3A_170 : vector<16xf32>
        %parallel_loop3A_215 = vector.extract_strided_slice %parallel_loop3A_163 {offsets = [1], sizes = [1], strides = [1]} : vector<16xf32> to vector<1xf32>
        %parallel_loop3A_216 = vector.extract %parallel_loop3A_215[0] : f32 from vector<1xf32>
        %parallel_loop3A_217 = vector.broadcast %parallel_loop3A_216 : f32 to vector<16xf32>
        %parallel_loop3A_218 = arith.constant 1 : i32
        %parallel_loop3A_219 = arith.addi %parallel_loop3A_167, %parallel_loop3A_218 : i32
        %parallel_loop3A_220 = arith.constant 0 : i32
        %parallel_loop3A_221 = arith.constant 0 : i32
        %parallel_loop3A_222 = tpu.memref_slice %arg14[%rem3A_118, %parallel_loop3A_220, %parallel_loop3A_221] : memref<4x128x64xf32, #tpu.memory_space<vmem>> -> memref<1x128x64xf32, #tpu.memory_space<vmem>>
        %parallel_loop3A_223 = tpu.memref_squeeze %parallel_loop3A_222 : memref<1x128x64xf32, #tpu.memory_space<vmem>> -> memref<128x64xf32, #tpu.memory_space<vmem>>
        %parallel_loop3A_224 = arith.index_cast %parallel_loop3A_219 : i32 to index
        %parallel_loop3A_225 = arith.constant 0 : index
        %parallel_loop3A_226 = tpu.vector_load %parallel_loop3A_223[%parallel_loop3A_224, %parallel_loop3A_225] {strides = array<i32>} : memref<128x64xf32, #tpu.memory_space<vmem>>, vector<1x16xf32>,
        %parallel_loop3A_227 = vector.shape_cast %parallel_loop3A_226 : vector<1x16xf32> to vector<16xf32>
        %parallel_loop3A_228 = arith.mulf %parallel_loop3A_227, %parallel_loop3A_217 : vector<16xf32>
        %parallel_loop3A_229 = arith.constant 1 : i32
        %parallel_loop3A_230 = arith.addi %parallel_loop3A_167, %parallel_loop3A_229 : i32
        %parallel_loop3A_231 = arith.constant 0 : i32
        %parallel_loop3A_232 = arith.constant 0 : i32
        %parallel_loop3A_233 = tpu.memref_slice %arg14[%rem3A_118, %parallel_loop3A_231, %parallel_loop3A_232] : memref<4x128x64xf32, #tpu.memory_space<vmem>> -> memref<1x128x64xf32, #tpu.memory_space<vmem>>
        %parallel_loop3A_234 = tpu.memref_squeeze %parallel_loop3A_233 : memref<1x128x64xf32, #tpu.memory_space<vmem>> -> memref<128x64xf32, #tpu.memory_space<vmem>>
        %parallel_loop3A_235 = arith.index_cast %parallel_loop3A_230 : i32 to index
        %parallel_loop3A_236 = arith.constant 16 : index
        %parallel_loop3A_237 = tpu.vector_load %parallel_loop3A_234[%parallel_loop3A_235, %parallel_loop3A_236] {strides = array<i32>} : memref<128x64xf32, #tpu.memory_space<vmem>>, vector<1x16xf32>,
        %parallel_loop3A_238 = vector.shape_cast %parallel_loop3A_237 : vector<1x16xf32> to vector<16xf32>
        %parallel_loop3A_239 = arith.mulf %parallel_loop3A_238, %parallel_loop3A_217 : vector<16xf32>
        %parallel_loop3A_240 = arith.constant 1 : i32
        %parallel_loop3A_241 = arith.addi %parallel_loop3A_167, %parallel_loop3A_240 : i32
        %parallel_loop3A_242 = arith.constant 0 : i32
        %parallel_loop3A_243 = arith.constant 0 : i32
        %parallel_loop3A_244 = tpu.memref_slice %arg14[%rem3A_118, %parallel_loop3A_242, %parallel_loop3A_243] : memref<4x128x64xf32, #tpu.memory_space<vmem>> -> memref<1x128x64xf32, #tpu.memory_space<vmem>>
        %parallel_loop3A_245 = tpu.memref_squeeze %parallel_loop3A_244 : memref<1x128x64xf32, #tpu.memory_space<vmem>> -> memref<128x64xf32, #tpu.memory_space<vmem>>
        %parallel_loop3A_246 = arith.index_cast %parallel_loop3A_241 : i32 to index
        %parallel_loop3A_247 = arith.constant 32 : index
        %parallel_loop3A_248 = tpu.vector_load %parallel_loop3A_245[%parallel_loop3A_246, %parallel_loop3A_247] {strides = array<i32>} : memref<128x64xf32, #tpu.memory_space<vmem>>, vector<1x16xf32>,
        %parallel_loop3A_249 = vector.shape_cast %parallel_loop3A_248 : vector<1x16xf32> to vector<16xf32>
        %parallel_loop3A_250 = arith.mulf %parallel_loop3A_249, %parallel_loop3A_217 : vector<16xf32>
        %parallel_loop3A_251 = arith.constant 1 : i32
        %parallel_loop3A_252 = arith.addi %parallel_loop3A_167, %parallel_loop3A_251 : i32
        %parallel_loop3A_253 = arith.constant 0 : i32
        %parallel_loop3A_254 = arith.constant 0 : i32
        %parallel_loop3A_255 = tpu.memref_slice %arg14[%rem3A_118, %parallel_loop3A_253, %parallel_loop3A_254] : memref<4x128x64xf32, #tpu.memory_space<vmem>> -> memref<1x128x64xf32, #tpu.memory_space<vmem>>
        %parallel_loop3A_256 = tpu.memref_squeeze %parallel_loop3A_255 : memref<1x128x64xf32, #tpu.memory_space<vmem>> -> memref<128x64xf32, #tpu.memory_space<vmem>>
        %parallel_loop3A_257 = arith.index_cast %parallel_loop3A_252 : i32 to index
        %parallel_loop3A_258 = arith.constant 48 : index
        %parallel_loop3A_259 = tpu.vector_load %parallel_loop3A_256[%parallel_loop3A_257, %parallel_loop3A_258] {strides = array<i32>} : memref<128x64xf32, #tpu.memory_space<vmem>>, vector<1x16xf32>,
        %parallel_loop3A_260 = vector.shape_cast %parallel_loop3A_259 : vector<1x16xf32> to vector<16xf32>
        %parallel_loop3A_261 = arith.mulf %parallel_loop3A_260, %parallel_loop3A_217 : vector<16xf32>
        %parallel_loop3A_262 = vector.extract_strided_slice %parallel_loop3A_163 {offsets = [2], sizes = [1], strides = [1]} : vector<16xf32> to vector<1xf32>
        %parallel_loop3A_263 = vector.extract %parallel_loop3A_262[0] : f32 from vector<1xf32>
        %parallel_loop3A_264 = vector.broadcast %parallel_loop3A_263 : f32 to vector<16xf32>
        %parallel_loop3A_265 = arith.constant 2 : i32
        %parallel_loop3A_266 = arith.addi %parallel_loop3A_167, %parallel_loop3A_265 : i32
        %parallel_loop3A_267 = arith.constant 0 : i32
        %parallel_loop3A_268 = arith.constant 0 : i32
        %parallel_loop3A_269 = tpu.memref_slice %arg14[%rem3A_118, %parallel_loop3A_267, %parallel_loop3A_268] : memref<4x128x64xf32, #tpu.memory_space<vmem>> -> memref<1x128x64xf32, #tpu.memory_space<vmem>>
        %parallel_loop3A_270 = tpu.memref_squeeze %parallel_loop3A_269 : memref<1x128x64xf32, #tpu.memory_space<vmem>> -> memref<128x64xf32, #tpu.memory_space<vmem>>
        %parallel_loop3A_271 = arith.index_cast %parallel_loop3A_266 : i32 to index
        %parallel_loop3A_272 = arith.constant 0 : index
        %parallel_loop3A_273 = tpu.vector_load %parallel_loop3A_270[%parallel_loop3A_271, %parallel_loop3A_272] {strides = array<i32>} : memref<128x64xf32, #tpu.memory_space<vmem>>, vector<1x16xf32>,
        %parallel_loop3A_274 = vector.shape_cast %parallel_loop3A_273 : vector<1x16xf32> to vector<16xf32>
        %parallel_loop3A_275 = arith.mulf %parallel_loop3A_274, %parallel_loop3A_264 : vector<16xf32>
        %parallel_loop3A_276 = arith.constant 2 : i32
        %parallel_loop3A_277 = arith.addi %parallel_loop3A_167, %parallel_loop3A_276 : i32
        %parallel_loop3A_278 = arith.constant 0 : i32
        %parallel_loop3A_279 = arith.constant 0 : i32
        %parallel_loop3A_280 = tpu.memref_slice %arg14[%rem3A_118, %parallel_loop3A_278, %parallel_loop3A_279] : memref<4x128x64xf32, #tpu.memory_space<vmem>> -> memref<1x128x64xf32, #tpu.memory_space<vmem>>
        %parallel_loop3A_281 = tpu.memref_squeeze %parallel_loop3A_280 : memref<1x128x64xf32, #tpu.memory_space<vmem>> -> memref<128x64xf32, #tpu.memory_space<vmem>>
        %parallel_loop3A_282 = arith.index_cast %parallel_loop3A_277 : i32 to index
        %parallel_loop3A_283 = arith.constant 16 : index
        %parallel_loop3A_284 = tpu.vector_load %parallel_loop3A_281[%parallel_loop3A_282, %parallel_loop3A_283] {strides = array<i32>} : memref<128x64xf32, #tpu.memory_space<vmem>>, vector<1x16xf32>,
        %parallel_loop3A_285 = vector.shape_cast %parallel_loop3A_284 : vector<1x16xf32> to vector<16xf32>
        %parallel_loop3A_286 = arith.mulf %parallel_loop3A_285, %parallel_loop3A_264 : vector<16xf32>
        %parallel_loop3A_287 = arith.constant 2 : i32
        %parallel_loop3A_288 = arith.addi %parallel_loop3A_167, %parallel_loop3A_287 : i32
        %parallel_loop3A_289 = arith.constant 0 : i32
        %parallel_loop3A_290 = arith.constant 0 : i32
        %parallel_loop3A_291 = tpu.memref_slice %arg14[%rem3A_118, %parallel_loop3A_289, %parallel_loop3A_290] : memref<4x128x64xf32, #tpu.memory_space<vmem>> -> memref<1x128x64xf32, #tpu.memory_space<vmem>>
        %parallel_loop3A_292 = tpu.memref_squeeze %parallel_loop3A_291 : memref<1x128x64xf32, #tpu.memory_space<vmem>> -> memref<128x64xf32, #tpu.memory_space<vmem>>
        %parallel_loop3A_293 = arith.index_cast %parallel_loop3A_288 : i32 to index
        %parallel_loop3A_294 = arith.constant 32 : index
        %parallel_loop3A_295 = tpu.vector_load %parallel_loop3A_292[%parallel_loop3A_293, %parallel_loop3A_294] {strides = array<i32>} : memref<128x64xf32, #tpu.memory_space<vmem>>, vector<1x16xf32>,
        %parallel_loop3A_296 = vector.shape_cast %parallel_loop3A_295 : vector<1x16xf32> to vector<16xf32>
        %parallel_loop3A_297 = arith.mulf %parallel_loop3A_296, %parallel_loop3A_264 : vector<16xf32>
        %parallel_loop3A_298 = arith.constant 2 : i32
        %parallel_loop3A_299 = arith.addi %parallel_loop3A_167, %parallel_loop3A_298 : i32
        %parallel_loop3A_300 = arith.constant 0 : i32
        %parallel_loop3A_301 = arith.constant 0 : i32
        %parallel_loop3A_302 = tpu.memref_slice %arg14[%rem3A_118, %parallel_loop3A_300, %parallel_loop3A_301] : memref<4x128x64xf32, #tpu.memory_space<vmem>> -> memref<1x128x64xf32, #tpu.memory_space<vmem>>
        %parallel_loop3A_303 = tpu.memref_squeeze %parallel_loop3A_302 : memref<1x128x64xf32, #tpu.memory_space<vmem>> -> memref<128x64xf32, #tpu.memory_space<vmem>>
        %parallel_loop3A_304 = arith.index_cast %parallel_loop3A_299 : i32 to index
        %parallel_loop3A_305 = arith.constant 48 : index
        %parallel_loop3A_306 = tpu.vector_load %parallel_loop3A_303[%parallel_loop3A_304, %parallel_loop3A_305] {strides = array<i32>} : memref<128x64xf32, #tpu.memory_space<vmem>>, vector<1x16xf32>,
        %parallel_loop3A_307 = vector.shape_cast %parallel_loop3A_306 : vector<1x16xf32> to vector<16xf32>
        %parallel_loop3A_308 = arith.mulf %parallel_loop3A_307, %parallel_loop3A_264 : vector<16xf32>
        %parallel_loop3A_309 = vector.extract_strided_slice %parallel_loop3A_163 {offsets = [3], sizes = [1], strides = [1]} : vector<16xf32> to vector<1xf32>
        %parallel_loop3A_310 = vector.extract %parallel_loop3A_309[0] : f32 from vector<1xf32>
        %parallel_loop3A_311 = vector.broadcast %parallel_loop3A_310 : f32 to vector<16xf32>
        %parallel_loop3A_312 = arith.constant 3 : i32
        %parallel_loop3A_313 = arith.addi %parallel_loop3A_167, %parallel_loop3A_312 : i32
        %parallel_loop3A_314 = arith.constant 0 : i32
        %parallel_loop3A_315 = arith.constant 0 : i32
        %parallel_loop3A_316 = tpu.memref_slice %arg14[%rem3A_118, %parallel_loop3A_314, %parallel_loop3A_315] : memref<4x128x64xf32, #tpu.memory_space<vmem>> -> memref<1x128x64xf32, #tpu.memory_space<vmem>>
        %parallel_loop3A_317 = tpu.memref_squeeze %parallel_loop3A_316 : memref<1x128x64xf32, #tpu.memory_space<vmem>> -> memref<128x64xf32, #tpu.memory_space<vmem>>
        %parallel_loop3A_318 = arith.index_cast %parallel_loop3A_313 : i32 to index
        %parallel_loop3A_319 = arith.constant 0 : index
        %parallel_loop3A_320 = tpu.vector_load %parallel_loop3A_317[%parallel_loop3A_318, %parallel_loop3A_319] {strides = array<i32>} : memref<128x64xf32, #tpu.memory_space<vmem>>, vector<1x16xf32>,
        %parallel_loop3A_321 = vector.shape_cast %parallel_loop3A_320 : vector<1x16xf32> to vector<16xf32>
        %parallel_loop3A_322 = arith.mulf %parallel_loop3A_321, %parallel_loop3A_311 : vector<16xf32>
        %parallel_loop3A_323 = arith.constant 3 : i32
        %parallel_loop3A_324 = arith.addi %parallel_loop3A_167, %parallel_loop3A_323 : i32
        %parallel_loop3A_325 = arith.constant 0 : i32
        %parallel_loop3A_326 = arith.constant 0 : i32
        %parallel_loop3A_327 = tpu.memref_slice %arg14[%rem3A_118, %parallel_loop3A_325, %parallel_loop3A_326] : memref<4x128x64xf32, #tpu.memory_space<vmem>> -> memref<1x128x64xf32, #tpu.memory_space<vmem>>
        %parallel_loop3A_328 = tpu.memref_squeeze %parallel_loop3A_327 : memref<1x128x64xf32, #tpu.memory_space<vmem>> -> memref<128x64xf32, #tpu.memory_space<vmem>>
        %parallel_loop3A_329 = arith.index_cast %parallel_loop3A_324 : i32 to index
        %parallel_loop3A_330 = arith.constant 16 : index
        %parallel_loop3A_331 = tpu.vector_load %parallel_loop3A_328[%parallel_loop3A_329, %parallel_loop3A_330] {strides = array<i32>} : memref<128x64xf32, #tpu.memory_space<vmem>>, vector<1x16xf32>,
        %parallel_loop3A_332 = vector.shape_cast %parallel_loop3A_331 : vector<1x16xf32> to vector<16xf32>
        %parallel_loop3A_333 = arith.mulf %parallel_loop3A_332, %parallel_loop3A_311 : vector<16xf32>
        %parallel_loop3A_334 = arith.constant 3 : i32
        %parallel_loop3A_335 = arith.addi %parallel_loop3A_167, %parallel_loop3A_334 : i32
        %parallel_loop3A_336 = arith.constant 0 : i32
        %parallel_loop3A_337 = arith.constant 0 : i32
        %parallel_loop3A_338 = tpu.memref_slice %arg14[%rem3A_118, %parallel_loop3A_336, %parallel_loop3A_337] : memref<4x128x64xf32, #tpu.memory_space<vmem>> -> memref<1x128x64xf32, #tpu.memory_space<vmem>>
        %parallel_loop3A_339 = tpu.memref_squeeze %parallel_loop3A_338 : memref<1x128x64xf32, #tpu.memory_space<vmem>> -> memref<128x64xf32, #tpu.memory_space<vmem>>
        %parallel_loop3A_340 = arith.index_cast %parallel_loop3A_335 : i32 to index
        %parallel_loop3A_341 = arith.constant 32 : index
        %parallel_loop3A_342 = tpu.vector_load %parallel_loop3A_339[%parallel_loop3A_340, %parallel_loop3A_341] {strides = array<i32>} : memref<128x64xf32, #tpu.memory_space<vmem>>, vector<1x16xf32>,
        %parallel_loop3A_343 = vector.shape_cast %parallel_loop3A_342 : vector<1x16xf32> to vector<16xf32>
        %parallel_loop3A_344 = arith.mulf %parallel_loop3A_343, %parallel_loop3A_311 : vector<16xf32>
        %parallel_loop3A_345 = arith.constant 3 : i32
        %parallel_loop3A_346 = arith.addi %parallel_loop3A_167, %parallel_loop3A_345 : i32
        %parallel_loop3A_347 = arith.constant 0 : i32
        %parallel_loop3A_348 = arith.constant 0 : i32
        %parallel_loop3A_349 = tpu.memref_slice %arg14[%rem3A_118, %parallel_loop3A_347, %parallel_loop3A_348] : memref<4x128x64xf32, #tpu.memory_space<vmem>> -> memref<1x128x64xf32, #tpu.memory_space<vmem>>
        %parallel_loop3A_350 = tpu.memref_squeeze %parallel_loop3A_349 : memref<1x128x64xf32, #tpu.memory_space<vmem>> -> memref<128x64xf32, #tpu.memory_space<vmem>>
        %parallel_loop3A_351 = arith.index_cast %parallel_loop3A_346 : i32 to index
        %parallel_loop3A_352 = arith.constant 48 : index
        %parallel_loop3A_353 = tpu.vector_load %parallel_loop3A_350[%parallel_loop3A_351, %parallel_loop3A_352] {strides = array<i32>} : memref<128x64xf32, #tpu.memory_space<vmem>>, vector<1x16xf32>,
        %parallel_loop3A_354 = vector.shape_cast %parallel_loop3A_353 : vector<1x16xf32> to vector<16xf32>
        %parallel_loop3A_355 = arith.mulf %parallel_loop3A_354, %parallel_loop3A_311 : vector<16xf32>
        %parallel_loop3A_356 = arith.constant 0 : i32
        %parallel_loop3A_357 = arith.addi %parallel_loop3A_167, %parallel_loop3A_356 : i32
        %parallel_loop3A_358 = arith.constant 0 : i32
        %parallel_loop3A_359 = arith.constant 0 : i32
        %parallel_loop3A_360 = tpu.memref_slice %arg14[%rem3A_118, %parallel_loop3A_358, %parallel_loop3A_359] : memref<4x128x64xf32, #tpu.memory_space<vmem>> -> memref<1x128x64xf32, #tpu.memory_space<vmem>>
        %parallel_loop3A_361 = tpu.memref_squeeze %parallel_loop3A_360 : memref<1x128x64xf32, #tpu.memory_space<vmem>> -> memref<128x64xf32, #tpu.memory_space<vmem>>
        %parallel_loop3A_362 = arith.index_cast %parallel_loop3A_357 : i32 to index
        %parallel_loop3A_363 = arith.constant 0 : index
        %parallel_loop3A_364 = tpu.vector_load %parallel_loop3A_361[%parallel_loop3A_362, %parallel_loop3A_363] {strides = array<i32>} : memref<128x64xf32, #tpu.memory_space<vmem>>, vector<1x16xf32>,
        %parallel_loop3A_365 = vector.shape_cast %parallel_loop3A_364 : vector<1x16xf32> to vector<16xf32>
        %parallel_loop3A_366 = vector.shape_cast %parallel_loop3A_181 : vector<16xf32> to vector<1x16xf32>
        tpu.vector_store %parallel_loop3A_361[%parallel_loop3A_362, %parallel_loop3A_363], %parallel_loop3A_366 {strides = array<i32>} : memref<128x64xf32, #tpu.memory_space<vmem>>, vector<1x16xf32>,
        %parallel_loop3A_367 = arith.constant 0 : i32
        %parallel_loop3A_368 = arith.addi %parallel_loop3A_167, %parallel_loop3A_367 : i32
        %parallel_loop3A_369 = arith.constant 0 : i32
        %parallel_loop3A_370 = arith.constant 0 : i32
        %parallel_loop3A_371 = tpu.memref_slice %arg14[%rem3A_118, %parallel_loop3A_369, %parallel_loop3A_370] : memref<4x128x64xf32, #tpu.memory_space<vmem>> -> memref<1x128x64xf32, #tpu.memory_space<vmem>>
        %parallel_loop3A_372 = tpu.memref_squeeze %parallel_loop3A_371 : memref<1x128x64xf32, #tpu.memory_space<vmem>> -> memref<128x64xf32, #tpu.memory_space<vmem>>
        %parallel_loop3A_373 = arith.index_cast %parallel_loop3A_368 : i32 to index
        %parallel_loop3A_374 = arith.constant 16 : index
        %parallel_loop3A_375 = tpu.vector_load %parallel_loop3A_372[%parallel_loop3A_373, %parallel_loop3A_374] {strides = array<i32>} : memref<128x64xf32, #tpu.memory_space<vmem>>, vector<1x16xf32>,
        %parallel_loop3A_376 = vector.shape_cast %parallel_loop3A_375 : vector<1x16xf32> to vector<16xf32>
        %parallel_loop3A_377 = vector.shape_cast %parallel_loop3A_192 : vector<16xf32> to vector<1x16xf32>
        tpu.vector_store %parallel_loop3A_372[%parallel_loop3A_373, %parallel_loop3A_374], %parallel_loop3A_377 {strides = array<i32>} : memref<128x64xf32, #tpu.memory_space<vmem>>, vector<1x16xf32>,
        %parallel_loop3A_378 = arith.constant 0 : i32
        %parallel_loop3A_379 = arith.addi %parallel_loop3A_167, %parallel_loop3A_378 : i32
        %parallel_loop3A_380 = arith.constant 0 : i32
        %parallel_loop3A_381 = arith.constant 0 : i32
        %parallel_loop3A_382 = tpu.memref_slice %arg14[%rem3A_118, %parallel_loop3A_380, %parallel_loop3A_381] : memref<4x128x64xf32, #tpu.memory_space<vmem>> -> memref<1x128x64xf32, #tpu.memory_space<vmem>>
        %parallel_loop3A_383 = tpu.memref_squeeze %parallel_loop3A_382 : memref<1x128x64xf32, #tpu.memory_space<vmem>> -> memref<128x64xf32, #tpu.memory_space<vmem>>
        %parallel_loop3A_384 = arith.index_cast %parallel_loop3A_379 : i32 to index
        %parallel_loop3A_385 = arith.constant 32 : index
        %parallel_loop3A_386 = tpu.vector_load %parallel_loop3A_383[%parallel_loop3A_384, %parallel_loop3A_385] {strides = array<i32>} : memref<128x64xf32, #tpu.memory_space<vmem>>, vector<1x16xf32>,
        %parallel_loop3A_387 = vector.shape_cast %parallel_loop3A_386 : vector<1x16xf32> to vector<16xf32>
        %parallel_loop3A_388 = vector.shape_cast %parallel_loop3A_203 : vector<16xf32> to vector<1x16xf32>
        tpu.vector_store %parallel_loop3A_383[%parallel_loop3A_384, %parallel_loop3A_385], %parallel_loop3A_388 {strides = array<i32>} : memref<128x64xf32, #tpu.memory_space<vmem>>, vector<1x16xf32>,
        %parallel_loop3A_389 = arith.constant 0 : i32
        %parallel_loop3A_390 = arith.addi %parallel_loop3A_167, %parallel_loop3A_389 : i32
        %parallel_loop3A_391 = arith.constant 0 : i32
        %parallel_loop3A_392 = arith.constant 0 : i32
        %parallel_loop3A_393 = tpu.memref_slice %arg14[%rem3A_118, %parallel_loop3A_391, %parallel_loop3A_392] : memref<4x128x64xf32, #tpu.memory_space<vmem>> -> memref<1x128x64xf32, #tpu.memory_space<vmem>>
        %parallel_loop3A_394 = tpu.memref_squeeze %parallel_loop3A_393 : memref<1x128x64xf32, #tpu.memory_space<vmem>> -> memref<128x64xf32, #tpu.memory_space<vmem>>
        %parallel_loop3A_395 = arith.index_cast %parallel_loop3A_390 : i32 to index
        %parallel_loop3A_396 = arith.constant 48 : index
        %parallel_loop3A_397 = tpu.vector_load %parallel_loop3A_394[%parallel_loop3A_395, %parallel_loop3A_396] {strides = array<i32>} : memref<128x64xf32, #tpu.memory_space<vmem>>, vector<1x16xf32>,
        %parallel_loop3A_398 = vector.shape_cast %parallel_loop3A_397 : vector<1x16xf32> to vector<16xf32>
        %parallel_loop3A_399 = vector.shape_cast %parallel_loop3A_214 : vector<16xf32> to vector<1x16xf32>
        tpu.vector_store %parallel_loop3A_394[%parallel_loop3A_395, %parallel_loop3A_396], %parallel_loop3A_399 {strides = array<i32>} : memref<128x64xf32, #tpu.memory_space<vmem>>, vector<1x16xf32>,
        %parallel_loop3A_400 = arith.constant 1 : i32
        %parallel_loop3A_401 = arith.addi %parallel_loop3A_167, %parallel_loop3A_400 : i32
        %parallel_loop3A_402 = arith.constant 0 : i32
        %parallel_loop3A_403 = arith.constant 0 : i32
        %parallel_loop3A_404 = tpu.memref_slice %arg14[%rem3A_118, %parallel_loop3A_402, %parallel_loop3A_403] : memref<4x128x64xf32, #tpu.memory_space<vmem>> -> memref<1x128x64xf32, #tpu.memory_space<vmem>>
        %parallel_loop3A_405 = tpu.memref_squeeze %parallel_loop3A_404 : memref<1x128x64xf32, #tpu.memory_space<vmem>> -> memref<128x64xf32, #tpu.memory_space<vmem>>
        %parallel_loop3A_406 = arith.index_cast %parallel_loop3A_401 : i32 to index
        %parallel_loop3A_407 = arith.constant 0 : index
        %parallel_loop3A_408 = tpu.vector_load %parallel_loop3A_405[%parallel_loop3A_406, %parallel_loop3A_407] {strides = array<i32>} : memref<128x64xf32, #tpu.memory_space<vmem>>, vector<1x16xf32>,
        %parallel_loop3A_409 = vector.shape_cast %parallel_loop3A_408 : vector<1x16xf32> to vector<16xf32>
        %parallel_loop3A_410 = vector.shape_cast %parallel_loop3A_228 : vector<16xf32> to vector<1x16xf32>
        tpu.vector_store %parallel_loop3A_405[%parallel_loop3A_406, %parallel_loop3A_407], %parallel_loop3A_410 {strides = array<i32>} : memref<128x64xf32, #tpu.memory_space<vmem>>, vector<1x16xf32>,
        %parallel_loop3A_411 = arith.constant 1 : i32
        %parallel_loop3A_412 = arith.addi %parallel_loop3A_167, %parallel_loop3A_411 : i32
        %parallel_loop3A_413 = arith.constant 0 : i32
        %parallel_loop3A_414 = arith.constant 0 : i32
        %parallel_loop3A_415 = tpu.memref_slice %arg14[%rem3A_118, %parallel_loop3A_413, %parallel_loop3A_414] : memref<4x128x64xf32, #tpu.memory_space<vmem>> -> memref<1x128x64xf32, #tpu.memory_space<vmem>>
        %parallel_loop3A_416 = tpu.memref_squeeze %parallel_loop3A_415 : memref<1x128x64xf32, #tpu.memory_space<vmem>> -> memref<128x64xf32, #tpu.memory_space<vmem>>
        %parallel_loop3A_417 = arith.index_cast %parallel_loop3A_412 : i32 to index
        %parallel_loop3A_418 = arith.constant 16 : index
        %parallel_loop3A_419 = tpu.vector_load %parallel_loop3A_416[%parallel_loop3A_417, %parallel_loop3A_418] {strides = array<i32>} : memref<128x64xf32, #tpu.memory_space<vmem>>, vector<1x16xf32>,
        %parallel_loop3A_420 = vector.shape_cast %parallel_loop3A_419 : vector<1x16xf32> to vector<16xf32>
        %parallel_loop3A_421 = vector.shape_cast %parallel_loop3A_239 : vector<16xf32> to vector<1x16xf32>
        tpu.vector_store %parallel_loop3A_416[%parallel_loop3A_417, %parallel_loop3A_418], %parallel_loop3A_421 {strides = array<i32>} : memref<128x64xf32, #tpu.memory_space<vmem>>, vector<1x16xf32>,
        %parallel_loop3A_422 = arith.constant 1 : i32
        %parallel_loop3A_423 = arith.addi %parallel_loop3A_167, %parallel_loop3A_422 : i32
        %parallel_loop3A_424 = arith.constant 0 : i32
        %parallel_loop3A_425 = arith.constant 0 : i32
        %parallel_loop3A_426 = tpu.memref_slice %arg14[%rem3A_118, %parallel_loop3A_424, %parallel_loop3A_425] : memref<4x128x64xf32, #tpu.memory_space<vmem>> -> memref<1x128x64xf32, #tpu.memory_space<vmem>>
        %parallel_loop3A_427 = tpu.memref_squeeze %parallel_loop3A_426 : memref<1x128x64xf32, #tpu.memory_space<vmem>> -> memref<128x64xf32, #tpu.memory_space<vmem>>
        %parallel_loop3A_428 = arith.index_cast %parallel_loop3A_423 : i32 to index
        %parallel_loop3A_429 = arith.constant 32 : index
        %parallel_loop3A_430 = tpu.vector_load %parallel_loop3A_427[%parallel_loop3A_428, %parallel_loop3A_429] {strides = array<i32>} : memref<128x64xf32, #tpu.memory_space<vmem>>, vector<1x16xf32>,
        %parallel_loop3A_431 = vector.shape_cast %parallel_loop3A_430 : vector<1x16xf32> to vector<16xf32>
        %parallel_loop3A_432 = vector.shape_cast %parallel_loop3A_250 : vector<16xf32> to vector<1x16xf32>
        tpu.vector_store %parallel_loop3A_427[%parallel_loop3A_428, %parallel_loop3A_429], %parallel_loop3A_432 {strides = array<i32>} : memref<128x64xf32, #tpu.memory_space<vmem>>, vector<1x16xf32>,
        %parallel_loop3A_433 = arith.constant 1 : i32
        %parallel_loop3A_434 = arith.addi %parallel_loop3A_167, %parallel_loop3A_433 : i32
        %parallel_loop3A_435 = arith.constant 0 : i32
        %parallel_loop3A_436 = arith.constant 0 : i32
        %parallel_loop3A_437 = tpu.memref_slice %arg14[%rem3A_118, %parallel_loop3A_435, %parallel_loop3A_436] : memref<4x128x64xf32, #tpu.memory_space<vmem>> -> memref<1x128x64xf32, #tpu.memory_space<vmem>>
        %parallel_loop3A_438 = tpu.memref_squeeze %parallel_loop3A_437 : memref<1x128x64xf32, #tpu.memory_space<vmem>> -> memref<128x64xf32, #tpu.memory_space<vmem>>
        %parallel_loop3A_439 = arith.index_cast %parallel_loop3A_434 : i32 to index
        %parallel_loop3A_440 = arith.constant 48 : index
        %parallel_loop3A_441 = tpu.vector_load %parallel_loop3A_438[%parallel_loop3A_439, %parallel_loop3A_440] {strides = array<i32>} : memref<128x64xf32, #tpu.memory_space<vmem>>, vector<1x16xf32>,
        %parallel_loop3A_442 = vector.shape_cast %parallel_loop3A_441 : vector<1x16xf32> to vector<16xf32>
        %parallel_loop3A_443 = vector.shape_cast %parallel_loop3A_261 : vector<16xf32> to vector<1x16xf32>
        tpu.vector_store %parallel_loop3A_438[%parallel_loop3A_439, %parallel_loop3A_440], %parallel_loop3A_443 {strides = array<i32>} : memref<128x64xf32, #tpu.memory_space<vmem>>, vector<1x16xf32>,
        %parallel_loop3A_444 = arith.constant 2 : i32
        %parallel_loop3A_445 = arith.addi %parallel_loop3A_167, %parallel_loop3A_444 : i32
        %parallel_loop3A_446 = arith.constant 0 : i32
        %parallel_loop3A_447 = arith.constant 0 : i32
        %parallel_loop3A_448 = tpu.memref_slice %arg14[%rem3A_118, %parallel_loop3A_446, %parallel_loop3A_447] : memref<4x128x64xf32, #tpu.memory_space<vmem>> -> memref<1x128x64xf32, #tpu.memory_space<vmem>>
        %parallel_loop3A_449 = tpu.memref_squeeze %parallel_loop3A_448 : memref<1x128x64xf32, #tpu.memory_space<vmem>> -> memref<128x64xf32, #tpu.memory_space<vmem>>
        %parallel_loop3A_450 = arith.index_cast %parallel_loop3A_445 : i32 to index
        %parallel_loop3A_451 = arith.constant 0 : index
        %parallel_loop3A_452 = tpu.vector_load %parallel_loop3A_449[%parallel_loop3A_450, %parallel_loop3A_451] {strides = array<i32>} : memref<128x64xf32, #tpu.memory_space<vmem>>, vector<1x16xf32>,
        %parallel_loop3A_453 = vector.shape_cast %parallel_loop3A_452 : vector<1x16xf32> to vector<16xf32>
        %parallel_loop3A_454 = vector.shape_cast %parallel_loop3A_275 : vector<16xf32> to vector<1x16xf32>
        tpu.vector_store %parallel_loop3A_449[%parallel_loop3A_450, %parallel_loop3A_451], %parallel_loop3A_454 {strides = array<i32>} : memref<128x64xf32, #tpu.memory_space<vmem>>, vector<1x16xf32>,
        %parallel_loop3A_455 = arith.constant 2 : i32
        %parallel_loop3A_456 = arith.addi %parallel_loop3A_167, %parallel_loop3A_455 : i32
        %parallel_loop3A_457 = arith.constant 0 : i32
        %parallel_loop3A_458 = arith.constant 0 : i32
        %parallel_loop3A_459 = tpu.memref_slice %arg14[%rem3A_118, %parallel_loop3A_457, %parallel_loop3A_458] : memref<4x128x64xf32, #tpu.memory_space<vmem>> -> memref<1x128x64xf32, #tpu.memory_space<vmem>>
        %parallel_loop3A_460 = tpu.memref_squeeze %parallel_loop3A_459 : memref<1x128x64xf32, #tpu.memory_space<vmem>> -> memref<128x64xf32, #tpu.memory_space<vmem>>
        %parallel_loop3A_461 = arith.index_cast %parallel_loop3A_456 : i32 to index
        %parallel_loop3A_462 = arith.constant 16 : index
        %parallel_loop3A_463 = tpu.vector_load %parallel_loop3A_460[%parallel_loop3A_461, %parallel_loop3A_462] {strides = array<i32>} : memref<128x64xf32, #tpu.memory_space<vmem>>, vector<1x16xf32>,
        %parallel_loop3A_464 = vector.shape_cast %parallel_loop3A_463 : vector<1x16xf32> to vector<16xf32>
        %parallel_loop3A_465 = vector.shape_cast %parallel_loop3A_286 : vector<16xf32> to vector<1x16xf32>
        tpu.vector_store %parallel_loop3A_460[%parallel_loop3A_461, %parallel_loop3A_462], %parallel_loop3A_465 {strides = array<i32>} : memref<128x64xf32, #tpu.memory_space<vmem>>, vector<1x16xf32>,
        %parallel_loop3A_466 = arith.constant 2 : i32
        %parallel_loop3A_467 = arith.addi %parallel_loop3A_167, %parallel_loop3A_466 : i32
        %parallel_loop3A_468 = arith.constant 0 : i32
        %parallel_loop3A_469 = arith.constant 0 : i32
        %parallel_loop3A_470 = tpu.memref_slice %arg14[%rem3A_118, %parallel_loop3A_468, %parallel_loop3A_469] : memref<4x128x64xf32, #tpu.memory_space<vmem>> -> memref<1x128x64xf32, #tpu.memory_space<vmem>>
        %parallel_loop3A_471 = tpu.memref_squeeze %parallel_loop3A_470 : memref<1x128x64xf32, #tpu.memory_space<vmem>> -> memref<128x64xf32, #tpu.memory_space<vmem>>
        %parallel_loop3A_472 = arith.index_cast %parallel_loop3A_467 : i32 to index
        %parallel_loop3A_473 = arith.constant 32 : index
        %parallel_loop3A_474 = tpu.vector_load %parallel_loop3A_471[%parallel_loop3A_472, %parallel_loop3A_473] {strides = array<i32>} : memref<128x64xf32, #tpu.memory_space<vmem>>, vector<1x16xf32>,
        %parallel_loop3A_475 = vector.shape_cast %parallel_loop3A_474 : vector<1x16xf32> to vector<16xf32>
        %parallel_loop3A_476 = vector.shape_cast %parallel_loop3A_297 : vector<16xf32> to vector<1x16xf32>
        tpu.vector_store %parallel_loop3A_471[%parallel_loop3A_472, %parallel_loop3A_473], %parallel_loop3A_476 {strides = array<i32>} : memref<128x64xf32, #tpu.memory_space<vmem>>, vector<1x16xf32>,
        %parallel_loop3A_477 = arith.constant 2 : i32
        %parallel_loop3A_478 = arith.addi %parallel_loop3A_167, %parallel_loop3A_477 : i32
        %parallel_loop3A_479 = arith.constant 0 : i32
        %parallel_loop3A_480 = arith.constant 0 : i32
        %parallel_loop3A_481 = tpu.memref_slice %arg14[%rem3A_118, %parallel_loop3A_479, %parallel_loop3A_480] : memref<4x128x64xf32, #tpu.memory_space<vmem>> -> memref<1x128x64xf32, #tpu.memory_space<vmem>>
        %parallel_loop3A_482 = tpu.memref_squeeze %parallel_loop3A_481 : memref<1x128x64xf32, #tpu.memory_space<vmem>> -> memref<128x64xf32, #tpu.memory_space<vmem>>
        %parallel_loop3A_483 = arith.index_cast %parallel_loop3A_478 : i32 to index
        %parallel_loop3A_484 = arith.constant 48 : index
        %parallel_loop3A_485 = tpu.vector_load %parallel_loop3A_482[%parallel_loop3A_483, %parallel_loop3A_484] {strides = array<i32>} : memref<128x64xf32, #tpu.memory_space<vmem>>, vector<1x16xf32>,
        %parallel_loop3A_486 = vector.shape_cast %parallel_loop3A_485 : vector<1x16xf32> to vector<16xf32>
        %parallel_loop3A_487 = vector.shape_cast %parallel_loop3A_308 : vector<16xf32> to vector<1x16xf32>
        tpu.vector_store %parallel_loop3A_482[%parallel_loop3A_483, %parallel_loop3A_484], %parallel_loop3A_487 {strides = array<i32>} : memref<128x64xf32, #tpu.memory_space<vmem>>, vector<1x16xf32>,
        %parallel_loop3A_488 = arith.constant 3 : i32
        %parallel_loop3A_489 = arith.addi %parallel_loop3A_167, %parallel_loop3A_488 : i32
        %parallel_loop3A_490 = arith.constant 0 : i32
        %parallel_loop3A_491 = arith.constant 0 : i32
        %parallel_loop3A_492 = tpu.memref_slice %arg14[%rem3A_118, %parallel_loop3A_490, %parallel_loop3A_491] : memref<4x128x64xf32, #tpu.memory_space<vmem>> -> memref<1x128x64xf32, #tpu.memory_space<vmem>>
        %parallel_loop3A_493 = tpu.memref_squeeze %parallel_loop3A_492 : memref<1x128x64xf32, #tpu.memory_space<vmem>> -> memref<128x64xf32, #tpu.memory_space<vmem>>
        %parallel_loop3A_494 = arith.index_cast %parallel_loop3A_489 : i32 to index
        %parallel_loop3A_495 = arith.constant 0 : index
        %parallel_loop3A_496 = tpu.vector_load %parallel_loop3A_493[%parallel_loop3A_494, %parallel_loop3A_495] {strides = array<i32>} : memref<128x64xf32, #tpu.memory_space<vmem>>, vector<1x16xf32>,
        %parallel_loop3A_497 = vector.shape_cast %parallel_loop3A_496 : vector<1x16xf32> to vector<16xf32>
        %parallel_loop3A_498 = vector.shape_cast %parallel_loop3A_322 : vector<16xf32> to vector<1x16xf32>
        tpu.vector_store %parallel_loop3A_493[%parallel_loop3A_494, %parallel_loop3A_495], %parallel_loop3A_498 {strides = array<i32>} : memref<128x64xf32, #tpu.memory_space<vmem>>, vector<1x16xf32>,
        %parallel_loop3A_499 = arith.constant 3 : i32
        %parallel_loop3A_500 = arith.addi %parallel_loop3A_167, %parallel_loop3A_499 : i32
        %parallel_loop3A_501 = arith.constant 0 : i32
        %parallel_loop3A_502 = arith.constant 0 : i32
        %parallel_loop3A_503 = tpu.memref_slice %arg14[%rem3A_118, %parallel_loop3A_501, %parallel_loop3A_502] : memref<4x128x64xf32, #tpu.memory_space<vmem>> -> memref<1x128x64xf32, #tpu.memory_space<vmem>>
        %parallel_loop3A_504 = tpu.memref_squeeze %parallel_loop3A_503 : memref<1x128x64xf32, #tpu.memory_space<vmem>> -> memref<128x64xf32, #tpu.memory_space<vmem>>
        %parallel_loop3A_505 = arith.index_cast %parallel_loop3A_500 : i32 to index
        %parallel_loop3A_506 = arith.constant 16 : index
        %parallel_loop3A_507 = tpu.vector_load %parallel_loop3A_504[%parallel_loop3A_505, %parallel_loop3A_506] {strides = array<i32>} : memref<128x64xf32, #tpu.memory_space<vmem>>, vector<1x16xf32>,
        %parallel_loop3A_508 = vector.shape_cast %parallel_loop3A_507 : vector<1x16xf32> to vector<16xf32>
        %parallel_loop3A_509 = vector.shape_cast %parallel_loop3A_333 : vector<16xf32> to vector<1x16xf32>
        tpu.vector_store %parallel_loop3A_504[%parallel_loop3A_505, %parallel_loop3A_506], %parallel_loop3A_509 {strides = array<i32>} : memref<128x64xf32, #tpu.memory_space<vmem>>, vector<1x16xf32>,
        %parallel_loop3A_510 = arith.constant 3 : i32
        %parallel_loop3A_511 = arith.addi %parallel_loop3A_167, %parallel_loop3A_510 : i32
        %parallel_loop3A_512 = arith.constant 0 : i32
        %parallel_loop3A_513 = arith.constant 0 : i32
        %parallel_loop3A_514 = tpu.memref_slice %arg14[%rem3A_118, %parallel_loop3A_512, %parallel_loop3A_513] : memref<4x128x64xf32, #tpu.memory_space<vmem>> -> memref<1x128x64xf32, #tpu.memory_space<vmem>>
        %parallel_loop3A_515 = tpu.memref_squeeze %parallel_loop3A_514 : memref<1x128x64xf32, #tpu.memory_space<vmem>> -> memref<128x64xf32, #tpu.memory_space<vmem>>
        %parallel_loop3A_516 = arith.index_cast %parallel_loop3A_511 : i32 to index
        %parallel_loop3A_517 = arith.constant 32 : index
        %parallel_loop3A_518 = tpu.vector_load %parallel_loop3A_515[%parallel_loop3A_516, %parallel_loop3A_517] {strides = array<i32>} : memref<128x64xf32, #tpu.memory_space<vmem>>, vector<1x16xf32>,
        %parallel_loop3A_519 = vector.shape_cast %parallel_loop3A_518 : vector<1x16xf32> to vector<16xf32>
        %parallel_loop3A_520 = vector.shape_cast %parallel_loop3A_344 : vector<16xf32> to vector<1x16xf32>
        tpu.vector_store %parallel_loop3A_515[%parallel_loop3A_516, %parallel_loop3A_517], %parallel_loop3A_520 {strides = array<i32>} : memref<128x64xf32, #tpu.memory_space<vmem>>, vector<1x16xf32>,
        %parallel_loop3A_521 = arith.constant 3 : i32
        %parallel_loop3A_522 = arith.addi %parallel_loop3A_167, %parallel_loop3A_521 : i32
        %parallel_loop3A_523 = arith.constant 0 : i32
        %parallel_loop3A_524 = arith.constant 0 : i32
        %parallel_loop3A_525 = tpu.memref_slice %arg14[%rem3A_118, %parallel_loop3A_523, %parallel_loop3A_524] : memref<4x128x64xf32, #tpu.memory_space<vmem>> -> memref<1x128x64xf32, #tpu.memory_space<vmem>>
        %parallel_loop3A_526 = tpu.memref_squeeze %parallel_loop3A_525 : memref<1x128x64xf32, #tpu.memory_space<vmem>> -> memref<128x64xf32, #tpu.memory_space<vmem>>
        %parallel_loop3A_527 = arith.index_cast %parallel_loop3A_522 : i32 to index
        %parallel_loop3A_528 = arith.constant 48 : index
        %parallel_loop3A_529 = tpu.vector_load %parallel_loop3A_526[%parallel_loop3A_527, %parallel_loop3A_528] {strides = array<i32>} : memref<128x64xf32, #tpu.memory_space<vmem>>, vector<1x16xf32>,
        %parallel_loop3A_530 = vector.shape_cast %parallel_loop3A_529 : vector<1x16xf32> to vector<16xf32>
        %parallel_loop3A_531 = vector.shape_cast %parallel_loop3A_355 : vector<16xf32> to vector<1x16xf32>
        tpu.vector_store %parallel_loop3A_526[%parallel_loop3A_527, %parallel_loop3A_528], %parallel_loop3A_531 {strides = array<i32>} : memref<128x64xf32, #tpu.memory_space<vmem>>, vector<1x16xf32>,
        %parallel_loop3A_532 = arith.constant 16 : i32
        %parallel_loop3A_533 = arith.muli %parallel_loop3A_155, %parallel_loop3A_532 : i32
        %parallel_loop3A_534 = arith.constant 4 : i32
        %parallel_loop3A_535 = arith.addi %parallel_loop3A_533, %parallel_loop3A_534 : i32
        %parallel_loop3A_536 = vector.extract_strided_slice %parallel_loop3A_163 {offsets = [4], sizes = [1], strides = [1]} : vector<16xf32> to vector<1xf32>
        %parallel_loop3A_537 = vector.extract %parallel_loop3A_536[0] : f32 from vector<1xf32>
        %parallel_loop3A_538 = vector.broadcast %parallel_loop3A_537 : f32 to vector<16xf32>
        %parallel_loop3A_539 = arith.constant 0 : i32
        %parallel_loop3A_540 = arith.addi %parallel_loop3A_535, %parallel_loop3A_539 : i32
        %parallel_loop3A_541 = arith.constant 0 : i32
        %parallel_loop3A_542 = arith.constant 0 : i32
        %parallel_loop3A_543 = tpu.memref_slice %arg14[%rem3A_118, %parallel_loop3A_541, %parallel_loop3A_542] : memref<4x128x64xf32, #tpu.memory_space<vmem>> -> memref<1x128x64xf32, #tpu.memory_space<vmem>>
        %parallel_loop3A_544 = tpu.memref_squeeze %parallel_loop3A_543 : memref<1x128x64xf32, #tpu.memory_space<vmem>> -> memref<128x64xf32, #tpu.memory_space<vmem>>
        %parallel_loop3A_545 = arith.index_cast %parallel_loop3A_540 : i32 to index
        %parallel_loop3A_546 = arith.constant 0 : index
        %parallel_loop3A_547 = tpu.vector_load %parallel_loop3A_544[%parallel_loop3A_545, %parallel_loop3A_546] {strides = array<i32>} : memref<128x64xf32, #tpu.memory_space<vmem>>, vector<1x16xf32>,
        %parallel_loop3A_548 = vector.shape_cast %parallel_loop3A_547 : vector<1x16xf32> to vector<16xf32>
        %parallel_loop3A_549 = arith.mulf %parallel_loop3A_548, %parallel_loop3A_538 : vector<16xf32>
        %parallel_loop3A_550 = arith.constant 0 : i32
        %parallel_loop3A_551 = arith.addi %parallel_loop3A_535, %parallel_loop3A_550 : i32
        %parallel_loop3A_552 = arith.constant 0 : i32
        %parallel_loop3A_553 = arith.constant 0 : i32
        %parallel_loop3A_554 = tpu.memref_slice %arg14[%rem3A_118, %parallel_loop3A_552, %parallel_loop3A_553] : memref<4x128x64xf32, #tpu.memory_space<vmem>> -> memref<1x128x64xf32, #tpu.memory_space<vmem>>
        %parallel_loop3A_555 = tpu.memref_squeeze %parallel_loop3A_554 : memref<1x128x64xf32, #tpu.memory_space<vmem>> -> memref<128x64xf32, #tpu.memory_space<vmem>>
        %parallel_loop3A_556 = arith.index_cast %parallel_loop3A_551 : i32 to index
        %parallel_loop3A_557 = arith.constant 16 : index
        %parallel_loop3A_558 = tpu.vector_load %parallel_loop3A_555[%parallel_loop3A_556, %parallel_loop3A_557] {strides = array<i32>} : memref<128x64xf32, #tpu.memory_space<vmem>>, vector<1x16xf32>,
        %parallel_loop3A_559 = vector.shape_cast %parallel_loop3A_558 : vector<1x16xf32> to vector<16xf32>
        %parallel_loop3A_560 = arith.mulf %parallel_loop3A_559, %parallel_loop3A_538 : vector<16xf32>
        %parallel_loop3A_561 = arith.constant 0 : i32
        %parallel_loop3A_562 = arith.addi %parallel_loop3A_535, %parallel_loop3A_561 : i32
        %parallel_loop3A_563 = arith.constant 0 : i32
        %parallel_loop3A_564 = arith.constant 0 : i32
        %parallel_loop3A_565 = tpu.memref_slice %arg14[%rem3A_118, %parallel_loop3A_563, %parallel_loop3A_564] : memref<4x128x64xf32, #tpu.memory_space<vmem>> -> memref<1x128x64xf32, #tpu.memory_space<vmem>>
        %parallel_loop3A_566 = tpu.memref_squeeze %parallel_loop3A_565 : memref<1x128x64xf32, #tpu.memory_space<vmem>> -> memref<128x64xf32, #tpu.memory_space<vmem>>
        %parallel_loop3A_567 = arith.index_cast %parallel_loop3A_562 : i32 to index
        %parallel_loop3A_568 = arith.constant 32 : index
        %parallel_loop3A_569 = tpu.vector_load %parallel_loop3A_566[%parallel_loop3A_567, %parallel_loop3A_568] {strides = array<i32>} : memref<128x64xf32, #tpu.memory_space<vmem>>, vector<1x16xf32>,
        %parallel_loop3A_570 = vector.shape_cast %parallel_loop3A_569 : vector<1x16xf32> to vector<16xf32>
        %parallel_loop3A_571 = arith.mulf %parallel_loop3A_570, %parallel_loop3A_538 : vector<16xf32>
        %parallel_loop3A_572 = arith.constant 0 : i32
        %parallel_loop3A_573 = arith.addi %parallel_loop3A_535, %parallel_loop3A_572 : i32
        %parallel_loop3A_574 = arith.constant 0 : i32
        %parallel_loop3A_575 = arith.constant 0 : i32
        %parallel_loop3A_576 = tpu.memref_slice %arg14[%rem3A_118, %parallel_loop3A_574, %parallel_loop3A_575] : memref<4x128x64xf32, #tpu.memory_space<vmem>> -> memref<1x128x64xf32, #tpu.memory_space<vmem>>
        %parallel_loop3A_577 = tpu.memref_squeeze %parallel_loop3A_576 : memref<1x128x64xf32, #tpu.memory_space<vmem>> -> memref<128x64xf32, #tpu.memory_space<vmem>>
        %parallel_loop3A_578 = arith.index_cast %parallel_loop3A_573 : i32 to index
        %parallel_loop3A_579 = arith.constant 48 : index
        %parallel_loop3A_580 = tpu.vector_load %parallel_loop3A_577[%parallel_loop3A_578, %parallel_loop3A_579] {strides = array<i32>} : memref<128x64xf32, #tpu.memory_space<vmem>>, vector<1x16xf32>,
        %parallel_loop3A_581 = vector.shape_cast %parallel_loop3A_580 : vector<1x16xf32> to vector<16xf32>
        %parallel_loop3A_582 = arith.mulf %parallel_loop3A_581, %parallel_loop3A_538 : vector<16xf32>
        %parallel_loop3A_583 = vector.extract_strided_slice %parallel_loop3A_163 {offsets = [5], sizes = [1], strides = [1]} : vector<16xf32> to vector<1xf32>
        %parallel_loop3A_584 = vector.extract %parallel_loop3A_583[0] : f32 from vector<1xf32>
        %parallel_loop3A_585 = vector.broadcast %parallel_loop3A_584 : f32 to vector<16xf32>
        %parallel_loop3A_586 = arith.constant 1 : i32
        %parallel_loop3A_587 = arith.addi %parallel_loop3A_535, %parallel_loop3A_586 : i32
        %parallel_loop3A_588 = arith.constant 0 : i32
        %parallel_loop3A_589 = arith.constant 0 : i32
        %parallel_loop3A_590 = tpu.memref_slice %arg14[%rem3A_118, %parallel_loop3A_588, %parallel_loop3A_589] : memref<4x128x64xf32, #tpu.memory_space<vmem>> -> memref<1x128x64xf32, #tpu.memory_space<vmem>>
        %parallel_loop3A_591 = tpu.memref_squeeze %parallel_loop3A_590 : memref<1x128x64xf32, #tpu.memory_space<vmem>> -> memref<128x64xf32, #tpu.memory_space<vmem>>
        %parallel_loop3A_592 = arith.index_cast %parallel_loop3A_587 : i32 to index
        %parallel_loop3A_593 = arith.constant 0 : index
        %parallel_loop3A_594 = tpu.vector_load %parallel_loop3A_591[%parallel_loop3A_592, %parallel_loop3A_593] {strides = array<i32>} : memref<128x64xf32, #tpu.memory_space<vmem>>, vector<1x16xf32>,
        %parallel_loop3A_595 = vector.shape_cast %parallel_loop3A_594 : vector<1x16xf32> to vector<16xf32>
        %parallel_loop3A_596 = arith.mulf %parallel_loop3A_595, %parallel_loop3A_585 : vector<16xf32>
        %parallel_loop3A_597 = arith.constant 1 : i32
        %parallel_loop3A_598 = arith.addi %parallel_loop3A_535, %parallel_loop3A_597 : i32
        %parallel_loop3A_599 = arith.constant 0 : i32
        %parallel_loop3A_600 = arith.constant 0 : i32
        %parallel_loop3A_601 = tpu.memref_slice %arg14[%rem3A_118, %parallel_loop3A_599, %parallel_loop3A_600] : memref<4x128x64xf32, #tpu.memory_space<vmem>> -> memref<1x128x64xf32, #tpu.memory_space<vmem>>
        %parallel_loop3A_602 = tpu.memref_squeeze %parallel_loop3A_601 : memref<1x128x64xf32, #tpu.memory_space<vmem>> -> memref<128x64xf32, #tpu.memory_space<vmem>>
        %parallel_loop3A_603 = arith.index_cast %parallel_loop3A_598 : i32 to index
        %parallel_loop3A_604 = arith.constant 16 : index
        %parallel_loop3A_605 = tpu.vector_load %parallel_loop3A_602[%parallel_loop3A_603, %parallel_loop3A_604] {strides = array<i32>} : memref<128x64xf32, #tpu.memory_space<vmem>>, vector<1x16xf32>,
        %parallel_loop3A_606 = vector.shape_cast %parallel_loop3A_605 : vector<1x16xf32> to vector<16xf32>
        %parallel_loop3A_607 = arith.mulf %parallel_loop3A_606, %parallel_loop3A_585 : vector<16xf32>
        %parallel_loop3A_608 = arith.constant 1 : i32
        %parallel_loop3A_609 = arith.addi %parallel_loop3A_535, %parallel_loop3A_608 : i32
        %parallel_loop3A_610 = arith.constant 0 : i32
        %parallel_loop3A_611 = arith.constant 0 : i32
        %parallel_loop3A_612 = tpu.memref_slice %arg14[%rem3A_118, %parallel_loop3A_610, %parallel_loop3A_611] : memref<4x128x64xf32, #tpu.memory_space<vmem>> -> memref<1x128x64xf32, #tpu.memory_space<vmem>>
        %parallel_loop3A_613 = tpu.memref_squeeze %parallel_loop3A_612 : memref<1x128x64xf32, #tpu.memory_space<vmem>> -> memref<128x64xf32, #tpu.memory_space<vmem>>
        %parallel_loop3A_614 = arith.index_cast %parallel_loop3A_609 : i32 to index
        %parallel_loop3A_615 = arith.constant 32 : index
        %parallel_loop3A_616 = tpu.vector_load %parallel_loop3A_613[%parallel_loop3A_614, %parallel_loop3A_615] {strides = array<i32>} : memref<128x64xf32, #tpu.memory_space<vmem>>, vector<1x16xf32>,
        %parallel_loop3A_617 = vector.shape_cast %parallel_loop3A_616 : vector<1x16xf32> to vector<16xf32>
        %parallel_loop3A_618 = arith.mulf %parallel_loop3A_617, %parallel_loop3A_585 : vector<16xf32>
        %parallel_loop3A_619 = arith.constant 1 : i32
        %parallel_loop3A_620 = arith.addi %parallel_loop3A_535, %parallel_loop3A_619 : i32
        %parallel_loop3A_621 = arith.constant 0 : i32
        %parallel_loop3A_622 = arith.constant 0 : i32
        %parallel_loop3A_623 = tpu.memref_slice %arg14[%rem3A_118, %parallel_loop3A_621, %parallel_loop3A_622] : memref<4x128x64xf32, #tpu.memory_space<vmem>> -> memref<1x128x64xf32, #tpu.memory_space<vmem>>
        %parallel_loop3A_624 = tpu.memref_squeeze %parallel_loop3A_623 : memref<1x128x64xf32, #tpu.memory_space<vmem>> -> memref<128x64xf32, #tpu.memory_space<vmem>>
        %parallel_loop3A_625 = arith.index_cast %parallel_loop3A_620 : i32 to index
        %parallel_loop3A_626 = arith.constant 48 : index
        %parallel_loop3A_627 = tpu.vector_load %parallel_loop3A_624[%parallel_loop3A_625, %parallel_loop3A_626] {strides = array<i32>} : memref<128x64xf32, #tpu.memory_space<vmem>>, vector<1x16xf32>,
        %parallel_loop3A_628 = vector.shape_cast %parallel_loop3A_627 : vector<1x16xf32> to vector<16xf32>
        %parallel_loop3A_629 = arith.mulf %parallel_loop3A_628, %parallel_loop3A_585 : vector<16xf32>
        %parallel_loop3A_630 = vector.extract_strided_slice %parallel_loop3A_163 {offsets = [6], sizes = [1], strides = [1]} : vector<16xf32> to vector<1xf32>
        %parallel_loop3A_631 = vector.extract %parallel_loop3A_630[0] : f32 from vector<1xf32>
        %parallel_loop3A_632 = vector.broadcast %parallel_loop3A_631 : f32 to vector<16xf32>
        %parallel_loop3A_633 = arith.constant 2 : i32
        %parallel_loop3A_634 = arith.addi %parallel_loop3A_535, %parallel_loop3A_633 : i32
        %parallel_loop3A_635 = arith.constant 0 : i32
        %parallel_loop3A_636 = arith.constant 0 : i32
        %parallel_loop3A_637 = tpu.memref_slice %arg14[%rem3A_118, %parallel_loop3A_635, %parallel_loop3A_636] : memref<4x128x64xf32, #tpu.memory_space<vmem>> -> memref<1x128x64xf32, #tpu.memory_space<vmem>>
        %parallel_loop3A_638 = tpu.memref_squeeze %parallel_loop3A_637 : memref<1x128x64xf32, #tpu.memory_space<vmem>> -> memref<128x64xf32, #tpu.memory_space<vmem>>
        %parallel_loop3A_639 = arith.index_cast %parallel_loop3A_634 : i32 to index
        %parallel_loop3A_640 = arith.constant 0 : index
        %parallel_loop3A_641 = tpu.vector_load %parallel_loop3A_638[%parallel_loop3A_639, %parallel_loop3A_640] {strides = array<i32>} : memref<128x64xf32, #tpu.memory_space<vmem>>, vector<1x16xf32>,
        %parallel_loop3A_642 = vector.shape_cast %parallel_loop3A_641 : vector<1x16xf32> to vector<16xf32>
        %parallel_loop3A_643 = arith.mulf %parallel_loop3A_642, %parallel_loop3A_632 : vector<16xf32>
        %parallel_loop3A_644 = arith.constant 2 : i32
        %parallel_loop3A_645 = arith.addi %parallel_loop3A_535, %parallel_loop3A_644 : i32
        %parallel_loop3A_646 = arith.constant 0 : i32
        %parallel_loop3A_647 = arith.constant 0 : i32
        %parallel_loop3A_648 = tpu.memref_slice %arg14[%rem3A_118, %parallel_loop3A_646, %parallel_loop3A_647] : memref<4x128x64xf32, #tpu.memory_space<vmem>> -> memref<1x128x64xf32, #tpu.memory_space<vmem>>
        %parallel_loop3A_649 = tpu.memref_squeeze %parallel_loop3A_648 : memref<1x128x64xf32, #tpu.memory_space<vmem>> -> memref<128x64xf32, #tpu.memory_space<vmem>>
        %parallel_loop3A_650 = arith.index_cast %parallel_loop3A_645 : i32 to index
        %parallel_loop3A_651 = arith.constant 16 : index
        %parallel_loop3A_652 = tpu.vector_load %parallel_loop3A_649[%parallel_loop3A_650, %parallel_loop3A_651] {strides = array<i32>} : memref<128x64xf32, #tpu.memory_space<vmem>>, vector<1x16xf32>,
        %parallel_loop3A_653 = vector.shape_cast %parallel_loop3A_652 : vector<1x16xf32> to vector<16xf32>
        %parallel_loop3A_654 = arith.mulf %parallel_loop3A_653, %parallel_loop3A_632 : vector<16xf32>
        %parallel_loop3A_655 = arith.constant 2 : i32
        %parallel_loop3A_656 = arith.addi %parallel_loop3A_535, %parallel_loop3A_655 : i32
        %parallel_loop3A_657 = arith.constant 0 : i32
        %parallel_loop3A_658 = arith.constant 0 : i32
        %parallel_loop3A_659 = tpu.memref_slice %arg14[%rem3A_118, %parallel_loop3A_657, %parallel_loop3A_658] : memref<4x128x64xf32, #tpu.memory_space<vmem>> -> memref<1x128x64xf32, #tpu.memory_space<vmem>>
        %parallel_loop3A_660 = tpu.memref_squeeze %parallel_loop3A_659 : memref<1x128x64xf32, #tpu.memory_space<vmem>> -> memref<128x64xf32, #tpu.memory_space<vmem>>
        %parallel_loop3A_661 = arith.index_cast %parallel_loop3A_656 : i32 to index
        %parallel_loop3A_662 = arith.constant 32 : index
        %parallel_loop3A_663 = tpu.vector_load %parallel_loop3A_660[%parallel_loop3A_661, %parallel_loop3A_662] {strides = array<i32>} : memref<128x64xf32, #tpu.memory_space<vmem>>, vector<1x16xf32>,
        %parallel_loop3A_664 = vector.shape_cast %parallel_loop3A_663 : vector<1x16xf32> to vector<16xf32>
        %parallel_loop3A_665 = arith.mulf %parallel_loop3A_664, %parallel_loop3A_632 : vector<16xf32>
        %parallel_loop3A_666 = arith.constant 2 : i32
        %parallel_loop3A_667 = arith.addi %parallel_loop3A_535, %parallel_loop3A_666 : i32
        %parallel_loop3A_668 = arith.constant 0 : i32
        %parallel_loop3A_669 = arith.constant 0 : i32
        %parallel_loop3A_670 = tpu.memref_slice %arg14[%rem3A_118, %parallel_loop3A_668, %parallel_loop3A_669] : memref<4x128x64xf32, #tpu.memory_space<vmem>> -> memref<1x128x64xf32, #tpu.memory_space<vmem>>
        %parallel_loop3A_671 = tpu.memref_squeeze %parallel_loop3A_670 : memref<1x128x64xf32, #tpu.memory_space<vmem>> -> memref<128x64xf32, #tpu.memory_space<vmem>>
        %parallel_loop3A_672 = arith.index_cast %parallel_loop3A_667 : i32 to index
        %parallel_loop3A_673 = arith.constant 48 : index
        %parallel_loop3A_674 = tpu.vector_load %parallel_loop3A_671[%parallel_loop3A_672, %parallel_loop3A_673] {strides = array<i32>} : memref<128x64xf32, #tpu.memory_space<vmem>>, vector<1x16xf32>,
        %parallel_loop3A_675 = vector.shape_cast %parallel_loop3A_674 : vector<1x16xf32> to vector<16xf32>
        %parallel_loop3A_676 = arith.mulf %parallel_loop3A_675, %parallel_loop3A_632 : vector<16xf32>
        %parallel_loop3A_677 = vector.extract_strided_slice %parallel_loop3A_163 {offsets = [7], sizes = [1], strides = [1]} : vector<16xf32> to vector<1xf32>
        %parallel_loop3A_678 = vector.extract %parallel_loop3A_677[0] : f32 from vector<1xf32>
        %parallel_loop3A_679 = vector.broadcast %parallel_loop3A_678 : f32 to vector<16xf32>
        %parallel_loop3A_680 = arith.constant 3 : i32
        %parallel_loop3A_681 = arith.addi %parallel_loop3A_535, %parallel_loop3A_680 : i32
        %parallel_loop3A_682 = arith.constant 0 : i32
        %parallel_loop3A_683 = arith.constant 0 : i32
        %parallel_loop3A_684 = tpu.memref_slice %arg14[%rem3A_118, %parallel_loop3A_682, %parallel_loop3A_683] : memref<4x128x64xf32, #tpu.memory_space<vmem>> -> memref<1x128x64xf32, #tpu.memory_space<vmem>>
        %parallel_loop3A_685 = tpu.memref_squeeze %parallel_loop3A_684 : memref<1x128x64xf32, #tpu.memory_space<vmem>> -> memref<128x64xf32, #tpu.memory_space<vmem>>
        %parallel_loop3A_686 = arith.index_cast %parallel_loop3A_681 : i32 to index
        %parallel_loop3A_687 = arith.constant 0 : index
        %parallel_loop3A_688 = tpu.vector_load %parallel_loop3A_685[%parallel_loop3A_686, %parallel_loop3A_687] {strides = array<i32>} : memref<128x64xf32, #tpu.memory_space<vmem>>, vector<1x16xf32>,
        %parallel_loop3A_689 = vector.shape_cast %parallel_loop3A_688 : vector<1x16xf32> to vector<16xf32>
        %parallel_loop3A_690 = arith.mulf %parallel_loop3A_689, %parallel_loop3A_679 : vector<16xf32>
        %parallel_loop3A_691 = arith.constant 3 : i32
        %parallel_loop3A_692 = arith.addi %parallel_loop3A_535, %parallel_loop3A_691 : i32
        %parallel_loop3A_693 = arith.constant 0 : i32
        %parallel_loop3A_694 = arith.constant 0 : i32
        %parallel_loop3A_695 = tpu.memref_slice %arg14[%rem3A_118, %parallel_loop3A_693, %parallel_loop3A_694] : memref<4x128x64xf32, #tpu.memory_space<vmem>> -> memref<1x128x64xf32, #tpu.memory_space<vmem>>
        %parallel_loop3A_696 = tpu.memref_squeeze %parallel_loop3A_695 : memref<1x128x64xf32, #tpu.memory_space<vmem>> -> memref<128x64xf32, #tpu.memory_space<vmem>>
        %parallel_loop3A_697 = arith.index_cast %parallel_loop3A_692 : i32 to index
        %parallel_loop3A_698 = arith.constant 16 : index
        %parallel_loop3A_699 = tpu.vector_load %parallel_loop3A_696[%parallel_loop3A_697, %parallel_loop3A_698] {strides = array<i32>} : memref<128x64xf32, #tpu.memory_space<vmem>>, vector<1x16xf32>,
        %parallel_loop3A_700 = vector.shape_cast %parallel_loop3A_699 : vector<1x16xf32> to vector<16xf32>
        %parallel_loop3A_701 = arith.mulf %parallel_loop3A_700, %parallel_loop3A_679 : vector<16xf32>
        %parallel_loop3A_702 = arith.constant 3 : i32
        %parallel_loop3A_703 = arith.addi %parallel_loop3A_535, %parallel_loop3A_702 : i32
        %parallel_loop3A_704 = arith.constant 0 : i32
        %parallel_loop3A_705 = arith.constant 0 : i32
        %parallel_loop3A_706 = tpu.memref_slice %arg14[%rem3A_118, %parallel_loop3A_704, %parallel_loop3A_705] : memref<4x128x64xf32, #tpu.memory_space<vmem>> -> memref<1x128x64xf32, #tpu.memory_space<vmem>>
        %parallel_loop3A_707 = tpu.memref_squeeze %parallel_loop3A_706 : memref<1x128x64xf32, #tpu.memory_space<vmem>> -> memref<128x64xf32, #tpu.memory_space<vmem>>
        %parallel_loop3A_708 = arith.index_cast %parallel_loop3A_703 : i32 to index
        %parallel_loop3A_709 = arith.constant 32 : index
        %parallel_loop3A_710 = tpu.vector_load %parallel_loop3A_707[%parallel_loop3A_708, %parallel_loop3A_709] {strides = array<i32>} : memref<128x64xf32, #tpu.memory_space<vmem>>, vector<1x16xf32>,
        %parallel_loop3A_711 = vector.shape_cast %parallel_loop3A_710 : vector<1x16xf32> to vector<16xf32>
        %parallel_loop3A_712 = arith.mulf %parallel_loop3A_711, %parallel_loop3A_679 : vector<16xf32>
        %parallel_loop3A_713 = arith.constant 3 : i32
        %parallel_loop3A_714 = arith.addi %parallel_loop3A_535, %parallel_loop3A_713 : i32
        %parallel_loop3A_715 = arith.constant 0 : i32
        %parallel_loop3A_716 = arith.constant 0 : i32
        %parallel_loop3A_717 = tpu.memref_slice %arg14[%rem3A_118, %parallel_loop3A_715, %parallel_loop3A_716] : memref<4x128x64xf32, #tpu.memory_space<vmem>> -> memref<1x128x64xf32, #tpu.memory_space<vmem>>
        %parallel_loop3A_718 = tpu.memref_squeeze %parallel_loop3A_717 : memref<1x128x64xf32, #tpu.memory_space<vmem>> -> memref<128x64xf32, #tpu.memory_space<vmem>>
        %parallel_loop3A_719 = arith.index_cast %parallel_loop3A_714 : i32 to index
        %parallel_loop3A_720 = arith.constant 48 : index
        %parallel_loop3A_721 = tpu.vector_load %parallel_loop3A_718[%parallel_loop3A_719, %parallel_loop3A_720] {strides = array<i32>} : memref<128x64xf32, #tpu.memory_space<vmem>>, vector<1x16xf32>,
        %parallel_loop3A_722 = vector.shape_cast %parallel_loop3A_721 : vector<1x16xf32> to vector<16xf32>
        %parallel_loop3A_723 = arith.mulf %parallel_loop3A_722, %parallel_loop3A_679 : vector<16xf32>
        %parallel_loop3A_724 = arith.constant 0 : i32
        %parallel_loop3A_725 = arith.addi %parallel_loop3A_535, %parallel_loop3A_724 : i32
        %parallel_loop3A_726 = arith.constant 0 : i32
        %parallel_loop3A_727 = arith.constant 0 : i32
        %parallel_loop3A_728 = tpu.memref_slice %arg14[%rem3A_118, %parallel_loop3A_726, %parallel_loop3A_727] : memref<4x128x64xf32, #tpu.memory_space<vmem>> -> memref<1x128x64xf32, #tpu.memory_space<vmem>>
        %parallel_loop3A_729 = tpu.memref_squeeze %parallel_loop3A_728 : memref<1x128x64xf32, #tpu.memory_space<vmem>> -> memref<128x64xf32, #tpu.memory_space<vmem>>
        %parallel_loop3A_730 = arith.index_cast %parallel_loop3A_725 : i32 to index
        %parallel_loop3A_731 = arith.constant 0 : index
        %parallel_loop3A_732 = tpu.vector_load %parallel_loop3A_729[%parallel_loop3A_730, %parallel_loop3A_731] {strides = array<i32>} : memref<128x64xf32, #tpu.memory_space<vmem>>, vector<1x16xf32>,
        %parallel_loop3A_733 = vector.shape_cast %parallel_loop3A_732 : vector<1x16xf32> to vector<16xf32>
        %parallel_loop3A_734 = vector.shape_cast %parallel_loop3A_549 : vector<16xf32> to vector<1x16xf32>
        tpu.vector_store %parallel_loop3A_729[%parallel_loop3A_730, %parallel_loop3A_731], %parallel_loop3A_734 {strides = array<i32>} : memref<128x64xf32, #tpu.memory_space<vmem>>, vector<1x16xf32>,
        %parallel_loop3A_735 = arith.constant 0 : i32
        %parallel_loop3A_736 = arith.addi %parallel_loop3A_535, %parallel_loop3A_735 : i32
        %parallel_loop3A_737 = arith.constant 0 : i32
        %parallel_loop3A_738 = arith.constant 0 : i32
        %parallel_loop3A_739 = tpu.memref_slice %arg14[%rem3A_118, %parallel_loop3A_737, %parallel_loop3A_738] : memref<4x128x64xf32, #tpu.memory_space<vmem>> -> memref<1x128x64xf32, #tpu.memory_space<vmem>>
        %parallel_loop3A_740 = tpu.memref_squeeze %parallel_loop3A_739 : memref<1x128x64xf32, #tpu.memory_space<vmem>> -> memref<128x64xf32, #tpu.memory_space<vmem>>
        %parallel_loop3A_741 = arith.index_cast %parallel_loop3A_736 : i32 to index
        %parallel_loop3A_742 = arith.constant 16 : index
        %parallel_loop3A_743 = tpu.vector_load %parallel_loop3A_740[%parallel_loop3A_741, %parallel_loop3A_742] {strides = array<i32>} : memref<128x64xf32, #tpu.memory_space<vmem>>, vector<1x16xf32>,
        %parallel_loop3A_744 = vector.shape_cast %parallel_loop3A_743 : vector<1x16xf32> to vector<16xf32>
        %parallel_loop3A_745 = vector.shape_cast %parallel_loop3A_560 : vector<16xf32> to vector<1x16xf32>
        tpu.vector_store %parallel_loop3A_740[%parallel_loop3A_741, %parallel_loop3A_742], %parallel_loop3A_745 {strides = array<i32>} : memref<128x64xf32, #tpu.memory_space<vmem>>, vector<1x16xf32>,
        %parallel_loop3A_746 = arith.constant 0 : i32
        %parallel_loop3A_747 = arith.addi %parallel_loop3A_535, %parallel_loop3A_746 : i32
        %parallel_loop3A_748 = arith.constant 0 : i32
        %parallel_loop3A_749 = arith.constant 0 : i32
        %parallel_loop3A_750 = tpu.memref_slice %arg14[%rem3A_118, %parallel_loop3A_748, %parallel_loop3A_749] : memref<4x128x64xf32, #tpu.memory_space<vmem>> -> memref<1x128x64xf32, #tpu.memory_space<vmem>>
        %parallel_loop3A_751 = tpu.memref_squeeze %parallel_loop3A_750 : memref<1x128x64xf32, #tpu.memory_space<vmem>> -> memref<128x64xf32, #tpu.memory_space<vmem>>
        %parallel_loop3A_752 = arith.index_cast %parallel_loop3A_747 : i32 to index
        %parallel_loop3A_753 = arith.constant 32 : index
        %parallel_loop3A_754 = tpu.vector_load %parallel_loop3A_751[%parallel_loop3A_752, %parallel_loop3A_753] {strides = array<i32>} : memref<128x64xf32, #tpu.memory_space<vmem>>, vector<1x16xf32>,
        %parallel_loop3A_755 = vector.shape_cast %parallel_loop3A_754 : vector<1x16xf32> to vector<16xf32>
        %parallel_loop3A_756 = vector.shape_cast %parallel_loop3A_571 : vector<16xf32> to vector<1x16xf32>
        tpu.vector_store %parallel_loop3A_751[%parallel_loop3A_752, %parallel_loop3A_753], %parallel_loop3A_756 {strides = array<i32>} : memref<128x64xf32, #tpu.memory_space<vmem>>, vector<1x16xf32>,
        %parallel_loop3A_757 = arith.constant 0 : i32
        %parallel_loop3A_758 = arith.addi %parallel_loop3A_535, %parallel_loop3A_757 : i32
        %parallel_loop3A_759 = arith.constant 0 : i32
        %parallel_loop3A_760 = arith.constant 0 : i32
        %parallel_loop3A_761 = tpu.memref_slice %arg14[%rem3A_118, %parallel_loop3A_759, %parallel_loop3A_760] : memref<4x128x64xf32, #tpu.memory_space<vmem>> -> memref<1x128x64xf32, #tpu.memory_space<vmem>>
        %parallel_loop3A_762 = tpu.memref_squeeze %parallel_loop3A_761 : memref<1x128x64xf32, #tpu.memory_space<vmem>> -> memref<128x64xf32, #tpu.memory_space<vmem>>
        %parallel_loop3A_763 = arith.index_cast %parallel_loop3A_758 : i32 to index
        %parallel_loop3A_764 = arith.constant 48 : index
        %parallel_loop3A_765 = tpu.vector_load %parallel_loop3A_762[%parallel_loop3A_763, %parallel_loop3A_764] {strides = array<i32>} : memref<128x64xf32, #tpu.memory_space<vmem>>, vector<1x16xf32>,
        %parallel_loop3A_766 = vector.shape_cast %parallel_loop3A_765 : vector<1x16xf32> to vector<16xf32>
        %parallel_loop3A_767 = vector.shape_cast %parallel_loop3A_582 : vector<16xf32> to vector<1x16xf32>
        tpu.vector_store %parallel_loop3A_762[%parallel_loop3A_763, %parallel_loop3A_764], %parallel_loop3A_767 {strides = array<i32>} : memref<128x64xf32, #tpu.memory_space<vmem>>, vector<1x16xf32>,
        %parallel_loop3A_768 = arith.constant 1 : i32
        %parallel_loop3A_769 = arith.addi %parallel_loop3A_535, %parallel_loop3A_768 : i32
        %parallel_loop3A_770 = arith.constant 0 : i32
        %parallel_loop3A_771 = arith.constant 0 : i32
        %parallel_loop3A_772 = tpu.memref_slice %arg14[%rem3A_118, %parallel_loop3A_770, %parallel_loop3A_771] : memref<4x128x64xf32, #tpu.memory_space<vmem>> -> memref<1x128x64xf32, #tpu.memory_space<vmem>>
        %parallel_loop3A_773 = tpu.memref_squeeze %parallel_loop3A_772 : memref<1x128x64xf32, #tpu.memory_space<vmem>> -> memref<128x64xf32, #tpu.memory_space<vmem>>
        %parallel_loop3A_774 = arith.index_cast %parallel_loop3A_769 : i32 to index
        %parallel_loop3A_775 = arith.constant 0 : index
        %parallel_loop3A_776 = tpu.vector_load %parallel_loop3A_773[%parallel_loop3A_774, %parallel_loop3A_775] {strides = array<i32>} : memref<128x64xf32, #tpu.memory_space<vmem>>, vector<1x16xf32>,
        %parallel_loop3A_777 = vector.shape_cast %parallel_loop3A_776 : vector<1x16xf32> to vector<16xf32>
        %parallel_loop3A_778 = vector.shape_cast %parallel_loop3A_596 : vector<16xf32> to vector<1x16xf32>
        tpu.vector_store %parallel_loop3A_773[%parallel_loop3A_774, %parallel_loop3A_775], %parallel_loop3A_778 {strides = array<i32>} : memref<128x64xf32, #tpu.memory_space<vmem>>, vector<1x16xf32>,
        %parallel_loop3A_779 = arith.constant 1 : i32
        %parallel_loop3A_780 = arith.addi %parallel_loop3A_535, %parallel_loop3A_779 : i32
        %parallel_loop3A_781 = arith.constant 0 : i32
        %parallel_loop3A_782 = arith.constant 0 : i32
        %parallel_loop3A_783 = tpu.memref_slice %arg14[%rem3A_118, %parallel_loop3A_781, %parallel_loop3A_782] : memref<4x128x64xf32, #tpu.memory_space<vmem>> -> memref<1x128x64xf32, #tpu.memory_space<vmem>>
        %parallel_loop3A_784 = tpu.memref_squeeze %parallel_loop3A_783 : memref<1x128x64xf32, #tpu.memory_space<vmem>> -> memref<128x64xf32, #tpu.memory_space<vmem>>
        %parallel_loop3A_785 = arith.index_cast %parallel_loop3A_780 : i32 to index
        %parallel_loop3A_786 = arith.constant 16 : index
        %parallel_loop3A_787 = tpu.vector_load %parallel_loop3A_784[%parallel_loop3A_785, %parallel_loop3A_786] {strides = array<i32>} : memref<128x64xf32, #tpu.memory_space<vmem>>, vector<1x16xf32>,
        %parallel_loop3A_788 = vector.shape_cast %parallel_loop3A_787 : vector<1x16xf32> to vector<16xf32>
        %parallel_loop3A_789 = vector.shape_cast %parallel_loop3A_607 : vector<16xf32> to vector<1x16xf32>
        tpu.vector_store %parallel_loop3A_784[%parallel_loop3A_785, %parallel_loop3A_786], %parallel_loop3A_789 {strides = array<i32>} : memref<128x64xf32, #tpu.memory_space<vmem>>, vector<1x16xf32>,
        %parallel_loop3A_790 = arith.constant 1 : i32
        %parallel_loop3A_791 = arith.addi %parallel_loop3A_535, %parallel_loop3A_790 : i32
        %parallel_loop3A_792 = arith.constant 0 : i32
        %parallel_loop3A_793 = arith.constant 0 : i32
        %parallel_loop3A_794 = tpu.memref_slice %arg14[%rem3A_118, %parallel_loop3A_792, %parallel_loop3A_793] : memref<4x128x64xf32, #tpu.memory_space<vmem>> -> memref<1x128x64xf32, #tpu.memory_space<vmem>>
        %parallel_loop3A_795 = tpu.memref_squeeze %parallel_loop3A_794 : memref<1x128x64xf32, #tpu.memory_space<vmem>> -> memref<128x64xf32, #tpu.memory_space<vmem>>
        %parallel_loop3A_796 = arith.index_cast %parallel_loop3A_791 : i32 to index
        %parallel_loop3A_797 = arith.constant 32 : index
        %parallel_loop3A_798 = tpu.vector_load %parallel_loop3A_795[%parallel_loop3A_796, %parallel_loop3A_797] {strides = array<i32>} : memref<128x64xf32, #tpu.memory_space<vmem>>, vector<1x16xf32>,
        %parallel_loop3A_799 = vector.shape_cast %parallel_loop3A_798 : vector<1x16xf32> to vector<16xf32>
        %parallel_loop3A_800 = vector.shape_cast %parallel_loop3A_618 : vector<16xf32> to vector<1x16xf32>
        tpu.vector_store %parallel_loop3A_795[%parallel_loop3A_796, %parallel_loop3A_797], %parallel_loop3A_800 {strides = array<i32>} : memref<128x64xf32, #tpu.memory_space<vmem>>, vector<1x16xf32>,
        %parallel_loop3A_801 = arith.constant 1 : i32
        %parallel_loop3A_802 = arith.addi %parallel_loop3A_535, %parallel_loop3A_801 : i32
        %parallel_loop3A_803 = arith.constant 0 : i32
        %parallel_loop3A_804 = arith.constant 0 : i32
        %parallel_loop3A_805 = tpu.memref_slice %arg14[%rem3A_118, %parallel_loop3A_803, %parallel_loop3A_804] : memref<4x128x64xf32, #tpu.memory_space<vmem>> -> memref<1x128x64xf32, #tpu.memory_space<vmem>>
        %parallel_loop3A_806 = tpu.memref_squeeze %parallel_loop3A_805 : memref<1x128x64xf32, #tpu.memory_space<vmem>> -> memref<128x64xf32, #tpu.memory_space<vmem>>
        %parallel_loop3A_807 = arith.index_cast %parallel_loop3A_802 : i32 to index
        %parallel_loop3A_808 = arith.constant 48 : index
        %parallel_loop3A_809 = tpu.vector_load %parallel_loop3A_806[%parallel_loop3A_807, %parallel_loop3A_808] {strides = array<i32>} : memref<128x64xf32, #tpu.memory_space<vmem>>, vector<1x16xf32>,
        %parallel_loop3A_810 = vector.shape_cast %parallel_loop3A_809 : vector<1x16xf32> to vector<16xf32>
        %parallel_loop3A_811 = vector.shape_cast %parallel_loop3A_629 : vector<16xf32> to vector<1x16xf32>
        tpu.vector_store %parallel_loop3A_806[%parallel_loop3A_807, %parallel_loop3A_808], %parallel_loop3A_811 {strides = array<i32>} : memref<128x64xf32, #tpu.memory_space<vmem>>, vector<1x16xf32>,
        %parallel_loop3A_812 = arith.constant 2 : i32
        %parallel_loop3A_813 = arith.addi %parallel_loop3A_535, %parallel_loop3A_812 : i32
        %parallel_loop3A_814 = arith.constant 0 : i32
        %parallel_loop3A_815 = arith.constant 0 : i32
        %parallel_loop3A_816 = tpu.memref_slice %arg14[%rem3A_118, %parallel_loop3A_814, %parallel_loop3A_815] : memref<4x128x64xf32, #tpu.memory_space<vmem>> -> memref<1x128x64xf32, #tpu.memory_space<vmem>>
        %parallel_loop3A_817 = tpu.memref_squeeze %parallel_loop3A_816 : memref<1x128x64xf32, #tpu.memory_space<vmem>> -> memref<128x64xf32, #tpu.memory_space<vmem>>
        %parallel_loop3A_818 = arith.index_cast %parallel_loop3A_813 : i32 to index
        %parallel_loop3A_819 = arith.constant 0 : index
        %parallel_loop3A_820 = tpu.vector_load %parallel_loop3A_817[%parallel_loop3A_818, %parallel_loop3A_819] {strides = array<i32>} : memref<128x64xf32, #tpu.memory_space<vmem>>, vector<1x16xf32>,
        %parallel_loop3A_821 = vector.shape_cast %parallel_loop3A_820 : vector<1x16xf32> to vector<16xf32>
        %parallel_loop3A_822 = vector.shape_cast %parallel_loop3A_643 : vector<16xf32> to vector<1x16xf32>
        tpu.vector_store %parallel_loop3A_817[%parallel_loop3A_818, %parallel_loop3A_819], %parallel_loop3A_822 {strides = array<i32>} : memref<128x64xf32, #tpu.memory_space<vmem>>, vector<1x16xf32>,
        %parallel_loop3A_823 = arith.constant 2 : i32
        %parallel_loop3A_824 = arith.addi %parallel_loop3A_535, %parallel_loop3A_823 : i32
        %parallel_loop3A_825 = arith.constant 0 : i32
        %parallel_loop3A_826 = arith.constant 0 : i32
        %parallel_loop3A_827 = tpu.memref_slice %arg14[%rem3A_118, %parallel_loop3A_825, %parallel_loop3A_826] : memref<4x128x64xf32, #tpu.memory_space<vmem>> -> memref<1x128x64xf32, #tpu.memory_space<vmem>>
        %parallel_loop3A_828 = tpu.memref_squeeze %parallel_loop3A_827 : memref<1x128x64xf32, #tpu.memory_space<vmem>> -> memref<128x64xf32, #tpu.memory_space<vmem>>
        %parallel_loop3A_829 = arith.index_cast %parallel_loop3A_824 : i32 to index
        %parallel_loop3A_830 = arith.constant 16 : index
        %parallel_loop3A_831 = tpu.vector_load %parallel_loop3A_828[%parallel_loop3A_829, %parallel_loop3A_830] {strides = array<i32>} : memref<128x64xf32, #tpu.memory_space<vmem>>, vector<1x16xf32>,
        %parallel_loop3A_832 = vector.shape_cast %parallel_loop3A_831 : vector<1x16xf32> to vector<16xf32>
        %parallel_loop3A_833 = vector.shape_cast %parallel_loop3A_654 : vector<16xf32> to vector<1x16xf32>
        tpu.vector_store %parallel_loop3A_828[%parallel_loop3A_829, %parallel_loop3A_830], %parallel_loop3A_833 {strides = array<i32>} : memref<128x64xf32, #tpu.memory_space<vmem>>, vector<1x16xf32>,
        %parallel_loop3A_834 = arith.constant 2 : i32
        %parallel_loop3A_835 = arith.addi %parallel_loop3A_535, %parallel_loop3A_834 : i32
        %parallel_loop3A_836 = arith.constant 0 : i32
        %parallel_loop3A_837 = arith.constant 0 : i32
        %parallel_loop3A_838 = tpu.memref_slice %arg14[%rem3A_118, %parallel_loop3A_836, %parallel_loop3A_837] : memref<4x128x64xf32, #tpu.memory_space<vmem>> -> memref<1x128x64xf32, #tpu.memory_space<vmem>>
        %parallel_loop3A_839 = tpu.memref_squeeze %parallel_loop3A_838 : memref<1x128x64xf32, #tpu.memory_space<vmem>> -> memref<128x64xf32, #tpu.memory_space<vmem>>
        %parallel_loop3A_840 = arith.index_cast %parallel_loop3A_835 : i32 to index
        %parallel_loop3A_841 = arith.constant 32 : index
        %parallel_loop3A_842 = tpu.vector_load %parallel_loop3A_839[%parallel_loop3A_840, %parallel_loop3A_841] {strides = array<i32>} : memref<128x64xf32, #tpu.memory_space<vmem>>, vector<1x16xf32>,
        %parallel_loop3A_843 = vector.shape_cast %parallel_loop3A_842 : vector<1x16xf32> to vector<16xf32>
        %parallel_loop3A_844 = vector.shape_cast %parallel_loop3A_665 : vector<16xf32> to vector<1x16xf32>
        tpu.vector_store %parallel_loop3A_839[%parallel_loop3A_840, %parallel_loop3A_841], %parallel_loop3A_844 {strides = array<i32>} : memref<128x64xf32, #tpu.memory_space<vmem>>, vector<1x16xf32>,
        %parallel_loop3A_845 = arith.constant 2 : i32
        %parallel_loop3A_846 = arith.addi %parallel_loop3A_535, %parallel_loop3A_845 : i32
        %parallel_loop3A_847 = arith.constant 0 : i32
        %parallel_loop3A_848 = arith.constant 0 : i32
        %parallel_loop3A_849 = tpu.memref_slice %arg14[%rem3A_118, %parallel_loop3A_847, %parallel_loop3A_848] : memref<4x128x64xf32, #tpu.memory_space<vmem>> -> memref<1x128x64xf32, #tpu.memory_space<vmem>>
        %parallel_loop3A_850 = tpu.memref_squeeze %parallel_loop3A_849 : memref<1x128x64xf32, #tpu.memory_space<vmem>> -> memref<128x64xf32, #tpu.memory_space<vmem>>
        %parallel_loop3A_851 = arith.index_cast %parallel_loop3A_846 : i32 to index
        %parallel_loop3A_852 = arith.constant 48 : index
        %parallel_loop3A_853 = tpu.vector_load %parallel_loop3A_850[%parallel_loop3A_851, %parallel_loop3A_852] {strides = array<i32>} : memref<128x64xf32, #tpu.memory_space<vmem>>, vector<1x16xf32>,
        %parallel_loop3A_854 = vector.shape_cast %parallel_loop3A_853 : vector<1x16xf32> to vector<16xf32>
        %parallel_loop3A_855 = vector.shape_cast %parallel_loop3A_676 : vector<16xf32> to vector<1x16xf32>
        tpu.vector_store %parallel_loop3A_850[%parallel_loop3A_851, %parallel_loop3A_852], %parallel_loop3A_855 {strides = array<i32>} : memref<128x64xf32, #tpu.memory_space<vmem>>, vector<1x16xf32>,
        %parallel_loop3A_856 = arith.constant 3 : i32
        %parallel_loop3A_857 = arith.addi %parallel_loop3A_535, %parallel_loop3A_856 : i32
        %parallel_loop3A_858 = arith.constant 0 : i32
        %parallel_loop3A_859 = arith.constant 0 : i32
        %parallel_loop3A_860 = tpu.memref_slice %arg14[%rem3A_118, %parallel_loop3A_858, %parallel_loop3A_859] : memref<4x128x64xf32, #tpu.memory_space<vmem>> -> memref<1x128x64xf32, #tpu.memory_space<vmem>>
        %parallel_loop3A_861 = tpu.memref_squeeze %parallel_loop3A_860 : memref<1x128x64xf32, #tpu.memory_space<vmem>> -> memref<128x64xf32, #tpu.memory_space<vmem>>
        %parallel_loop3A_862 = arith.index_cast %parallel_loop3A_857 : i32 to index
        %parallel_loop3A_863 = arith.constant 0 : index
        %parallel_loop3A_864 = tpu.vector_load %parallel_loop3A_861[%parallel_loop3A_862, %parallel_loop3A_863] {strides = array<i32>} : memref<128x64xf32, #tpu.memory_space<vmem>>, vector<1x16xf32>,
        %parallel_loop3A_865 = vector.shape_cast %parallel_loop3A_864 : vector<1x16xf32> to vector<16xf32>
        %parallel_loop3A_866 = vector.shape_cast %parallel_loop3A_690 : vector<16xf32> to vector<1x16xf32>
        tpu.vector_store %parallel_loop3A_861[%parallel_loop3A_862, %parallel_loop3A_863], %parallel_loop3A_866 {strides = array<i32>} : memref<128x64xf32, #tpu.memory_space<vmem>>, vector<1x16xf32>,
        %parallel_loop3A_867 = arith.constant 3 : i32
        %parallel_loop3A_868 = arith.addi %parallel_loop3A_535, %parallel_loop3A_867 : i32
        %parallel_loop3A_869 = arith.constant 0 : i32
        %parallel_loop3A_870 = arith.constant 0 : i32
        %parallel_loop3A_871 = tpu.memref_slice %arg14[%rem3A_118, %parallel_loop3A_869, %parallel_loop3A_870] : memref<4x128x64xf32, #tpu.memory_space<vmem>> -> memref<1x128x64xf32, #tpu.memory_space<vmem>>
        %parallel_loop3A_872 = tpu.memref_squeeze %parallel_loop3A_871 : memref<1x128x64xf32, #tpu.memory_space<vmem>> -> memref<128x64xf32, #tpu.memory_space<vmem>>
        %parallel_loop3A_873 = arith.index_cast %parallel_loop3A_868 : i32 to index
        %parallel_loop3A_874 = arith.constant 16 : index
        %parallel_loop3A_875 = tpu.vector_load %parallel_loop3A_872[%parallel_loop3A_873, %parallel_loop3A_874] {strides = array<i32>} : memref<128x64xf32, #tpu.memory_space<vmem>>, vector<1x16xf32>,
        %parallel_loop3A_876 = vector.shape_cast %parallel_loop3A_875 : vector<1x16xf32> to vector<16xf32>
        %parallel_loop3A_877 = vector.shape_cast %parallel_loop3A_701 : vector<16xf32> to vector<1x16xf32>
        tpu.vector_store %parallel_loop3A_872[%parallel_loop3A_873, %parallel_loop3A_874], %parallel_loop3A_877 {strides = array<i32>} : memref<128x64xf32, #tpu.memory_space<vmem>>, vector<1x16xf32>,
        %parallel_loop3A_878 = arith.constant 3 : i32
        %parallel_loop3A_879 = arith.addi %parallel_loop3A_535, %parallel_loop3A_878 : i32
        %parallel_loop3A_880 = arith.constant 0 : i32
        %parallel_loop3A_881 = arith.constant 0 : i32
        %parallel_loop3A_882 = tpu.memref_slice %arg14[%rem3A_118, %parallel_loop3A_880, %parallel_loop3A_881] : memref<4x128x64xf32, #tpu.memory_space<vmem>> -> memref<1x128x64xf32, #tpu.memory_space<vmem>>
        %parallel_loop3A_883 = tpu.memref_squeeze %parallel_loop3A_882 : memref<1x128x64xf32, #tpu.memory_space<vmem>> -> memref<128x64xf32, #tpu.memory_space<vmem>>
        %parallel_loop3A_884 = arith.index_cast %parallel_loop3A_879 : i32 to index
        %parallel_loop3A_885 = arith.constant 32 : index
        %parallel_loop3A_886 = tpu.vector_load %parallel_loop3A_883[%parallel_loop3A_884, %parallel_loop3A_885] {strides = array<i32>} : memref<128x64xf32, #tpu.memory_space<vmem>>, vector<1x16xf32>,
        %parallel_loop3A_887 = vector.shape_cast %parallel_loop3A_886 : vector<1x16xf32> to vector<16xf32>
        %parallel_loop3A_888 = vector.shape_cast %parallel_loop3A_712 : vector<16xf32> to vector<1x16xf32>
        tpu.vector_store %parallel_loop3A_883[%parallel_loop3A_884, %parallel_loop3A_885], %parallel_loop3A_888 {strides = array<i32>} : memref<128x64xf32, #tpu.memory_space<vmem>>, vector<1x16xf32>,
        %parallel_loop3A_889 = arith.constant 3 : i32
        %parallel_loop3A_890 = arith.addi %parallel_loop3A_535, %parallel_loop3A_889 : i32
        %parallel_loop3A_891 = arith.constant 0 : i32
        %parallel_loop3A_892 = arith.constant 0 : i32
        %parallel_loop3A_893 = tpu.memref_slice %arg14[%rem3A_118, %parallel_loop3A_891, %parallel_loop3A_892] : memref<4x128x64xf32, #tpu.memory_space<vmem>> -> memref<1x128x64xf32, #tpu.memory_space<vmem>>
        %parallel_loop3A_894 = tpu.memref_squeeze %parallel_loop3A_893 : memref<1x128x64xf32, #tpu.memory_space<vmem>> -> memref<128x64xf32, #tpu.memory_space<vmem>>
        %parallel_loop3A_895 = arith.index_cast %parallel_loop3A_890 : i32 to index
        %parallel_loop3A_896 = arith.constant 48 : index
        %parallel_loop3A_897 = tpu.vector_load %parallel_loop3A_894[%parallel_loop3A_895, %parallel_loop3A_896] {strides = array<i32>} : memref<128x64xf32, #tpu.memory_space<vmem>>, vector<1x16xf32>,
        %parallel_loop3A_898 = vector.shape_cast %parallel_loop3A_897 : vector<1x16xf32> to vector<16xf32>
        %parallel_loop3A_899 = vector.shape_cast %parallel_loop3A_723 : vector<16xf32> to vector<1x16xf32>
        tpu.vector_store %parallel_loop3A_894[%parallel_loop3A_895, %parallel_loop3A_896], %parallel_loop3A_899 {strides = array<i32>} : memref<128x64xf32, #tpu.memory_space<vmem>>, vector<1x16xf32>,
        %parallel_loop3A_900 = arith.constant 16 : i32
        %parallel_loop3A_901 = arith.muli %parallel_loop3A_155, %parallel_loop3A_900 : i32
        %parallel_loop3A_902 = arith.constant 8 : i32
        %parallel_loop3A_903 = arith.addi %parallel_loop3A_901, %parallel_loop3A_902 : i32
        %parallel_loop3A_904 = vector.extract_strided_slice %parallel_loop3A_163 {offsets = [8], sizes = [1], strides = [1]} : vector<16xf32> to vector<1xf32>
        %parallel_loop3A_905 = vector.extract %parallel_loop3A_904[0] : f32 from vector<1xf32>
        %parallel_loop3A_906 = vector.broadcast %parallel_loop3A_905 : f32 to vector<16xf32>
        %parallel_loop3A_907 = arith.constant 0 : i32
        %parallel_loop3A_908 = arith.addi %parallel_loop3A_903, %parallel_loop3A_907 : i32
        %parallel_loop3A_909 = arith.constant 0 : i32
        %parallel_loop3A_910 = arith.constant 0 : i32
        %parallel_loop3A_911 = tpu.memref_slice %arg14[%rem3A_118, %parallel_loop3A_909, %parallel_loop3A_910] : memref<4x128x64xf32, #tpu.memory_space<vmem>> -> memref<1x128x64xf32, #tpu.memory_space<vmem>>
        %parallel_loop3A_912 = tpu.memref_squeeze %parallel_loop3A_911 : memref<1x128x64xf32, #tpu.memory_space<vmem>> -> memref<128x64xf32, #tpu.memory_space<vmem>>
        %parallel_loop3A_913 = arith.index_cast %parallel_loop3A_908 : i32 to index
        %parallel_loop3A_914 = arith.constant 0 : index
        %parallel_loop3A_915 = tpu.vector_load %parallel_loop3A_912[%parallel_loop3A_913, %parallel_loop3A_914] {strides = array<i32>} : memref<128x64xf32, #tpu.memory_space<vmem>>, vector<1x16xf32>,
        %parallel_loop3A_916 = vector.shape_cast %parallel_loop3A_915 : vector<1x16xf32> to vector<16xf32>
        %parallel_loop3A_917 = arith.mulf %parallel_loop3A_916, %parallel_loop3A_906 : vector<16xf32>
        %parallel_loop3A_918 = arith.constant 0 : i32
        %parallel_loop3A_919 = arith.addi %parallel_loop3A_903, %parallel_loop3A_918 : i32
        %parallel_loop3A_920 = arith.constant 0 : i32
        %parallel_loop3A_921 = arith.constant 0 : i32
        %parallel_loop3A_922 = tpu.memref_slice %arg14[%rem3A_118, %parallel_loop3A_920, %parallel_loop3A_921] : memref<4x128x64xf32, #tpu.memory_space<vmem>> -> memref<1x128x64xf32, #tpu.memory_space<vmem>>
        %parallel_loop3A_923 = tpu.memref_squeeze %parallel_loop3A_922 : memref<1x128x64xf32, #tpu.memory_space<vmem>> -> memref<128x64xf32, #tpu.memory_space<vmem>>
        %parallel_loop3A_924 = arith.index_cast %parallel_loop3A_919 : i32 to index
        %parallel_loop3A_925 = arith.constant 16 : index
        %parallel_loop3A_926 = tpu.vector_load %parallel_loop3A_923[%parallel_loop3A_924, %parallel_loop3A_925] {strides = array<i32>} : memref<128x64xf32, #tpu.memory_space<vmem>>, vector<1x16xf32>,
        %parallel_loop3A_927 = vector.shape_cast %parallel_loop3A_926 : vector<1x16xf32> to vector<16xf32>
        %parallel_loop3A_928 = arith.mulf %parallel_loop3A_927, %parallel_loop3A_906 : vector<16xf32>
        %parallel_loop3A_929 = arith.constant 0 : i32
        %parallel_loop3A_930 = arith.addi %parallel_loop3A_903, %parallel_loop3A_929 : i32
        %parallel_loop3A_931 = arith.constant 0 : i32
        %parallel_loop3A_932 = arith.constant 0 : i32
        %parallel_loop3A_933 = tpu.memref_slice %arg14[%rem3A_118, %parallel_loop3A_931, %parallel_loop3A_932] : memref<4x128x64xf32, #tpu.memory_space<vmem>> -> memref<1x128x64xf32, #tpu.memory_space<vmem>>
        %parallel_loop3A_934 = tpu.memref_squeeze %parallel_loop3A_933 : memref<1x128x64xf32, #tpu.memory_space<vmem>> -> memref<128x64xf32, #tpu.memory_space<vmem>>
        %parallel_loop3A_935 = arith.index_cast %parallel_loop3A_930 : i32 to index
        %parallel_loop3A_936 = arith.constant 32 : index
        %parallel_loop3A_937 = tpu.vector_load %parallel_loop3A_934[%parallel_loop3A_935, %parallel_loop3A_936] {strides = array<i32>} : memref<128x64xf32, #tpu.memory_space<vmem>>, vector<1x16xf32>,
        %parallel_loop3A_938 = vector.shape_cast %parallel_loop3A_937 : vector<1x16xf32> to vector<16xf32>
        %parallel_loop3A_939 = arith.mulf %parallel_loop3A_938, %parallel_loop3A_906 : vector<16xf32>
        %parallel_loop3A_940 = arith.constant 0 : i32
        %parallel_loop3A_941 = arith.addi %parallel_loop3A_903, %parallel_loop3A_940 : i32
        %parallel_loop3A_942 = arith.constant 0 : i32
        %parallel_loop3A_943 = arith.constant 0 : i32
        %parallel_loop3A_944 = tpu.memref_slice %arg14[%rem3A_118, %parallel_loop3A_942, %parallel_loop3A_943] : memref<4x128x64xf32, #tpu.memory_space<vmem>> -> memref<1x128x64xf32, #tpu.memory_space<vmem>>
        %parallel_loop3A_945 = tpu.memref_squeeze %parallel_loop3A_944 : memref<1x128x64xf32, #tpu.memory_space<vmem>> -> memref<128x64xf32, #tpu.memory_space<vmem>>
        %parallel_loop3A_946 = arith.index_cast %parallel_loop3A_941 : i32 to index
        %parallel_loop3A_947 = arith.constant 48 : index
        %parallel_loop3A_948 = tpu.vector_load %parallel_loop3A_945[%parallel_loop3A_946, %parallel_loop3A_947] {strides = array<i32>} : memref<128x64xf32, #tpu.memory_space<vmem>>, vector<1x16xf32>,
        %parallel_loop3A_949 = vector.shape_cast %parallel_loop3A_948 : vector<1x16xf32> to vector<16xf32>
        %parallel_loop3A_950 = arith.mulf %parallel_loop3A_949, %parallel_loop3A_906 : vector<16xf32>
        %parallel_loop3A_951 = vector.extract_strided_slice %parallel_loop3A_163 {offsets = [9], sizes = [1], strides = [1]} : vector<16xf32> to vector<1xf32>
        %parallel_loop3A_952 = vector.extract %parallel_loop3A_951[0] : f32 from vector<1xf32>
        %parallel_loop3A_953 = vector.broadcast %parallel_loop3A_952 : f32 to vector<16xf32>
        %parallel_loop3A_954 = arith.constant 1 : i32
        %parallel_loop3A_955 = arith.addi %parallel_loop3A_903, %parallel_loop3A_954 : i32
        %parallel_loop3A_956 = arith.constant 0 : i32
        %parallel_loop3A_957 = arith.constant 0 : i32
        %parallel_loop3A_958 = tpu.memref_slice %arg14[%rem3A_118, %parallel_loop3A_956, %parallel_loop3A_957] : memref<4x128x64xf32, #tpu.memory_space<vmem>> -> memref<1x128x64xf32, #tpu.memory_space<vmem>>
        %parallel_loop3A_959 = tpu.memref_squeeze %parallel_loop3A_958 : memref<1x128x64xf32, #tpu.memory_space<vmem>> -> memref<128x64xf32, #tpu.memory_space<vmem>>
        %parallel_loop3A_960 = arith.index_cast %parallel_loop3A_955 : i32 to index
        %parallel_loop3A_961 = arith.constant 0 : index
        %parallel_loop3A_962 = tpu.vector_load %parallel_loop3A_959[%parallel_loop3A_960, %parallel_loop3A_961] {strides = array<i32>} : memref<128x64xf32, #tpu.memory_space<vmem>>, vector<1x16xf32>,
        %parallel_loop3A_963 = vector.shape_cast %parallel_loop3A_962 : vector<1x16xf32> to vector<16xf32>
        %parallel_loop3A_964 = arith.mulf %parallel_loop3A_963, %parallel_loop3A_953 : vector<16xf32>
        %parallel_loop3A_965 = arith.constant 1 : i32
        %parallel_loop3A_966 = arith.addi %parallel_loop3A_903, %parallel_loop3A_965 : i32
        %parallel_loop3A_967 = arith.constant 0 : i32
        %parallel_loop3A_968 = arith.constant 0 : i32
        %parallel_loop3A_969 = tpu.memref_slice %arg14[%rem3A_118, %parallel_loop3A_967, %parallel_loop3A_968] : memref<4x128x64xf32, #tpu.memory_space<vmem>> -> memref<1x128x64xf32, #tpu.memory_space<vmem>>
        %parallel_loop3A_970 = tpu.memref_squeeze %parallel_loop3A_969 : memref<1x128x64xf32, #tpu.memory_space<vmem>> -> memref<128x64xf32, #tpu.memory_space<vmem>>
        %parallel_loop3A_971 = arith.index_cast %parallel_loop3A_966 : i32 to index
        %parallel_loop3A_972 = arith.constant 16 : index
        %parallel_loop3A_973 = tpu.vector_load %parallel_loop3A_970[%parallel_loop3A_971, %parallel_loop3A_972] {strides = array<i32>} : memref<128x64xf32, #tpu.memory_space<vmem>>, vector<1x16xf32>,
        %parallel_loop3A_974 = vector.shape_cast %parallel_loop3A_973 : vector<1x16xf32> to vector<16xf32>
        %parallel_loop3A_975 = arith.mulf %parallel_loop3A_974, %parallel_loop3A_953 : vector<16xf32>
        %parallel_loop3A_976 = arith.constant 1 : i32
        %parallel_loop3A_977 = arith.addi %parallel_loop3A_903, %parallel_loop3A_976 : i32
        %parallel_loop3A_978 = arith.constant 0 : i32
        %parallel_loop3A_979 = arith.constant 0 : i32
        %parallel_loop3A_980 = tpu.memref_slice %arg14[%rem3A_118, %parallel_loop3A_978, %parallel_loop3A_979] : memref<4x128x64xf32, #tpu.memory_space<vmem>> -> memref<1x128x64xf32, #tpu.memory_space<vmem>>
        %parallel_loop3A_981 = tpu.memref_squeeze %parallel_loop3A_980 : memref<1x128x64xf32, #tpu.memory_space<vmem>> -> memref<128x64xf32, #tpu.memory_space<vmem>>
        %parallel_loop3A_982 = arith.index_cast %parallel_loop3A_977 : i32 to index
        %parallel_loop3A_983 = arith.constant 32 : index
        %parallel_loop3A_984 = tpu.vector_load %parallel_loop3A_981[%parallel_loop3A_982, %parallel_loop3A_983] {strides = array<i32>} : memref<128x64xf32, #tpu.memory_space<vmem>>, vector<1x16xf32>,
        %parallel_loop3A_985 = vector.shape_cast %parallel_loop3A_984 : vector<1x16xf32> to vector<16xf32>
        %parallel_loop3A_986 = arith.mulf %parallel_loop3A_985, %parallel_loop3A_953 : vector<16xf32>
        %parallel_loop3A_987 = arith.constant 1 : i32
        %parallel_loop3A_988 = arith.addi %parallel_loop3A_903, %parallel_loop3A_987 : i32
        %parallel_loop3A_989 = arith.constant 0 : i32
        %parallel_loop3A_990 = arith.constant 0 : i32
        %parallel_loop3A_991 = tpu.memref_slice %arg14[%rem3A_118, %parallel_loop3A_989, %parallel_loop3A_990] : memref<4x128x64xf32, #tpu.memory_space<vmem>> -> memref<1x128x64xf32, #tpu.memory_space<vmem>>
        %parallel_loop3A_992 = tpu.memref_squeeze %parallel_loop3A_991 : memref<1x128x64xf32, #tpu.memory_space<vmem>> -> memref<128x64xf32, #tpu.memory_space<vmem>>
        %parallel_loop3A_993 = arith.index_cast %parallel_loop3A_988 : i32 to index
        %parallel_loop3A_994 = arith.constant 48 : index
        %parallel_loop3A_995 = tpu.vector_load %parallel_loop3A_992[%parallel_loop3A_993, %parallel_loop3A_994] {strides = array<i32>} : memref<128x64xf32, #tpu.memory_space<vmem>>, vector<1x16xf32>,
        %parallel_loop3A_996 = vector.shape_cast %parallel_loop3A_995 : vector<1x16xf32> to vector<16xf32>
        %parallel_loop3A_997 = arith.mulf %parallel_loop3A_996, %parallel_loop3A_953 : vector<16xf32>
        %parallel_loop3A_998 = vector.extract_strided_slice %parallel_loop3A_163 {offsets = [10], sizes = [1], strides = [1]} : vector<16xf32> to vector<1xf32>
        %parallel_loop3A_999 = vector.extract %parallel_loop3A_998[0] : f32 from vector<1xf32>
        %parallel_loop3A_1000 = vector.broadcast %parallel_loop3A_999 : f32 to vector<16xf32>
        %parallel_loop3A_1001 = arith.constant 2 : i32
        %parallel_loop3A_1002 = arith.addi %parallel_loop3A_903, %parallel_loop3A_1001 : i32
        %parallel_loop3A_1003 = arith.constant 0 : i32
        %parallel_loop3A_1004 = arith.constant 0 : i32
        %parallel_loop3A_1005 = tpu.memref_slice %arg14[%rem3A_118, %parallel_loop3A_1003, %parallel_loop3A_1004] : memref<4x128x64xf32, #tpu.memory_space<vmem>> -> memref<1x128x64xf32, #tpu.memory_space<vmem>>
        %parallel_loop3A_1006 = tpu.memref_squeeze %parallel_loop3A_1005 : memref<1x128x64xf32, #tpu.memory_space<vmem>> -> memref<128x64xf32, #tpu.memory_space<vmem>>
        %parallel_loop3A_1007 = arith.index_cast %parallel_loop3A_1002 : i32 to index
        %parallel_loop3A_1008 = arith.constant 0 : index
        %parallel_loop3A_1009 = tpu.vector_load %parallel_loop3A_1006[%parallel_loop3A_1007, %parallel_loop3A_1008] {strides = array<i32>} : memref<128x64xf32, #tpu.memory_space<vmem>>, vector<1x16xf32>,
        %parallel_loop3A_1010 = vector.shape_cast %parallel_loop3A_1009 : vector<1x16xf32> to vector<16xf32>
        %parallel_loop3A_1011 = arith.mulf %parallel_loop3A_1010, %parallel_loop3A_1000 : vector<16xf32>
        %parallel_loop3A_1012 = arith.constant 2 : i32
        %parallel_loop3A_1013 = arith.addi %parallel_loop3A_903, %parallel_loop3A_1012 : i32
        %parallel_loop3A_1014 = arith.constant 0 : i32
        %parallel_loop3A_1015 = arith.constant 0 : i32
        %parallel_loop3A_1016 = tpu.memref_slice %arg14[%rem3A_118, %parallel_loop3A_1014, %parallel_loop3A_1015] : memref<4x128x64xf32, #tpu.memory_space<vmem>> -> memref<1x128x64xf32, #tpu.memory_space<vmem>>
        %parallel_loop3A_1017 = tpu.memref_squeeze %parallel_loop3A_1016 : memref<1x128x64xf32, #tpu.memory_space<vmem>> -> memref<128x64xf32, #tpu.memory_space<vmem>>
        %parallel_loop3A_1018 = arith.index_cast %parallel_loop3A_1013 : i32 to index
        %parallel_loop3A_1019 = arith.constant 16 : index
        %parallel_loop3A_1020 = tpu.vector_load %parallel_loop3A_1017[%parallel_loop3A_1018, %parallel_loop3A_1019] {strides = array<i32>} : memref<128x64xf32, #tpu.memory_space<vmem>>, vector<1x16xf32>,
        %parallel_loop3A_1021 = vector.shape_cast %parallel_loop3A_1020 : vector<1x16xf32> to vector<16xf32>
        %parallel_loop3A_1022 = arith.mulf %parallel_loop3A_1021, %parallel_loop3A_1000 : vector<16xf32>
        %parallel_loop3A_1023 = arith.constant 2 : i32
        %parallel_loop3A_1024 = arith.addi %parallel_loop3A_903, %parallel_loop3A_1023 : i32
        %parallel_loop3A_1025 = arith.constant 0 : i32
        %parallel_loop3A_1026 = arith.constant 0 : i32
        %parallel_loop3A_1027 = tpu.memref_slice %arg14[%rem3A_118, %parallel_loop3A_1025, %parallel_loop3A_1026] : memref<4x128x64xf32, #tpu.memory_space<vmem>> -> memref<1x128x64xf32, #tpu.memory_space<vmem>>
        %parallel_loop3A_1028 = tpu.memref_squeeze %parallel_loop3A_1027 : memref<1x128x64xf32, #tpu.memory_space<vmem>> -> memref<128x64xf32, #tpu.memory_space<vmem>>
        %parallel_loop3A_1029 = arith.index_cast %parallel_loop3A_1024 : i32 to index
        %parallel_loop3A_1030 = arith.constant 32 : index
        %parallel_loop3A_1031 = tpu.vector_load %parallel_loop3A_1028[%parallel_loop3A_1029, %parallel_loop3A_1030] {strides = array<i32>} : memref<128x64xf32, #tpu.memory_space<vmem>>, vector<1x16xf32>,
        %parallel_loop3A_1032 = vector.shape_cast %parallel_loop3A_1031 : vector<1x16xf32> to vector<16xf32>
        %parallel_loop3A_1033 = arith.mulf %parallel_loop3A_1032, %parallel_loop3A_1000 : vector<16xf32>
        %parallel_loop3A_1034 = arith.constant 2 : i32
        %parallel_loop3A_1035 = arith.addi %parallel_loop3A_903, %parallel_loop3A_1034 : i32
        %parallel_loop3A_1036 = arith.constant 0 : i32
        %parallel_loop3A_1037 = arith.constant 0 : i32
        %parallel_loop3A_1038 = tpu.memref_slice %arg14[%rem3A_118, %parallel_loop3A_1036, %parallel_loop3A_1037] : memref<4x128x64xf32, #tpu.memory_space<vmem>> -> memref<1x128x64xf32, #tpu.memory_space<vmem>>
        %parallel_loop3A_1039 = tpu.memref_squeeze %parallel_loop3A_1038 : memref<1x128x64xf32, #tpu.memory_space<vmem>> -> memref<128x64xf32, #tpu.memory_space<vmem>>
        %parallel_loop3A_1040 = arith.index_cast %parallel_loop3A_1035 : i32 to index
        %parallel_loop3A_1041 = arith.constant 48 : index
        %parallel_loop3A_1042 = tpu.vector_load %parallel_loop3A_1039[%parallel_loop3A_1040, %parallel_loop3A_1041] {strides = array<i32>} : memref<128x64xf32, #tpu.memory_space<vmem>>, vector<1x16xf32>,
        %parallel_loop3A_1043 = vector.shape_cast %parallel_loop3A_1042 : vector<1x16xf32> to vector<16xf32>
        %parallel_loop3A_1044 = arith.mulf %parallel_loop3A_1043, %parallel_loop3A_1000 : vector<16xf32>
        %parallel_loop3A_1045 = vector.extract_strided_slice %parallel_loop3A_163 {offsets = [11], sizes = [1], strides = [1]} : vector<16xf32> to vector<1xf32>
        %parallel_loop3A_1046 = vector.extract %parallel_loop3A_1045[0] : f32 from vector<1xf32>
        %parallel_loop3A_1047 = vector.broadcast %parallel_loop3A_1046 : f32 to vector<16xf32>
        %parallel_loop3A_1048 = arith.constant 3 : i32
        %parallel_loop3A_1049 = arith.addi %parallel_loop3A_903, %parallel_loop3A_1048 : i32
        %parallel_loop3A_1050 = arith.constant 0 : i32
        %parallel_loop3A_1051 = arith.constant 0 : i32
        %parallel_loop3A_1052 = tpu.memref_slice %arg14[%rem3A_118, %parallel_loop3A_1050, %parallel_loop3A_1051] : memref<4x128x64xf32, #tpu.memory_space<vmem>> -> memref<1x128x64xf32, #tpu.memory_space<vmem>>
        %parallel_loop3A_1053 = tpu.memref_squeeze %parallel_loop3A_1052 : memref<1x128x64xf32, #tpu.memory_space<vmem>> -> memref<128x64xf32, #tpu.memory_space<vmem>>
        %parallel_loop3A_1054 = arith.index_cast %parallel_loop3A_1049 : i32 to index
        %parallel_loop3A_1055 = arith.constant 0 : index
        %parallel_loop3A_1056 = tpu.vector_load %parallel_loop3A_1053[%parallel_loop3A_1054, %parallel_loop3A_1055] {strides = array<i32>} : memref<128x64xf32, #tpu.memory_space<vmem>>, vector<1x16xf32>,
        %parallel_loop3A_1057 = vector.shape_cast %parallel_loop3A_1056 : vector<1x16xf32> to vector<16xf32>
        %parallel_loop3A_1058 = arith.mulf %parallel_loop3A_1057, %parallel_loop3A_1047 : vector<16xf32>
        %parallel_loop3A_1059 = arith.constant 3 : i32
        %parallel_loop3A_1060 = arith.addi %parallel_loop3A_903, %parallel_loop3A_1059 : i32
        %parallel_loop3A_1061 = arith.constant 0 : i32
        %parallel_loop3A_1062 = arith.constant 0 : i32
        %parallel_loop3A_1063 = tpu.memref_slice %arg14[%rem3A_118, %parallel_loop3A_1061, %parallel_loop3A_1062] : memref<4x128x64xf32, #tpu.memory_space<vmem>> -> memref<1x128x64xf32, #tpu.memory_space<vmem>>
        %parallel_loop3A_1064 = tpu.memref_squeeze %parallel_loop3A_1063 : memref<1x128x64xf32, #tpu.memory_space<vmem>> -> memref<128x64xf32, #tpu.memory_space<vmem>>
        %parallel_loop3A_1065 = arith.index_cast %parallel_loop3A_1060 : i32 to index
        %parallel_loop3A_1066 = arith.constant 16 : index
        %parallel_loop3A_1067 = tpu.vector_load %parallel_loop3A_1064[%parallel_loop3A_1065, %parallel_loop3A_1066] {strides = array<i32>} : memref<128x64xf32, #tpu.memory_space<vmem>>, vector<1x16xf32>,
        %parallel_loop3A_1068 = vector.shape_cast %parallel_loop3A_1067 : vector<1x16xf32> to vector<16xf32>
        %parallel_loop3A_1069 = arith.mulf %parallel_loop3A_1068, %parallel_loop3A_1047 : vector<16xf32>
        %parallel_loop3A_1070 = arith.constant 3 : i32
        %parallel_loop3A_1071 = arith.addi %parallel_loop3A_903, %parallel_loop3A_1070 : i32
        %parallel_loop3A_1072 = arith.constant 0 : i32
        %parallel_loop3A_1073 = arith.constant 0 : i32
        %parallel_loop3A_1074 = tpu.memref_slice %arg14[%rem3A_118, %parallel_loop3A_1072, %parallel_loop3A_1073] : memref<4x128x64xf32, #tpu.memory_space<vmem>> -> memref<1x128x64xf32, #tpu.memory_space<vmem>>
        %parallel_loop3A_1075 = tpu.memref_squeeze %parallel_loop3A_1074 : memref<1x128x64xf32, #tpu.memory_space<vmem>> -> memref<128x64xf32, #tpu.memory_space<vmem>>
        %parallel_loop3A_1076 = arith.index_cast %parallel_loop3A_1071 : i32 to index
        %parallel_loop3A_1077 = arith.constant 32 : index
        %parallel_loop3A_1078 = tpu.vector_load %parallel_loop3A_1075[%parallel_loop3A_1076, %parallel_loop3A_1077] {strides = array<i32>} : memref<128x64xf32, #tpu.memory_space<vmem>>, vector<1x16xf32>,
        %parallel_loop3A_1079 = vector.shape_cast %parallel_loop3A_1078 : vector<1x16xf32> to vector<16xf32>
        %parallel_loop3A_1080 = arith.mulf %parallel_loop3A_1079, %parallel_loop3A_1047 : vector<16xf32>
        %parallel_loop3A_1081 = arith.constant 3 : i32
        %parallel_loop3A_1082 = arith.addi %parallel_loop3A_903, %parallel_loop3A_1081 : i32
        %parallel_loop3A_1083 = arith.constant 0 : i32
        %parallel_loop3A_1084 = arith.constant 0 : i32
        %parallel_loop3A_1085 = tpu.memref_slice %arg14[%rem3A_118, %parallel_loop3A_1083, %parallel_loop3A_1084] : memref<4x128x64xf32, #tpu.memory_space<vmem>> -> memref<1x128x64xf32, #tpu.memory_space<vmem>>
        %parallel_loop3A_1086 = tpu.memref_squeeze %parallel_loop3A_1085 : memref<1x128x64xf32, #tpu.memory_space<vmem>> -> memref<128x64xf32, #tpu.memory_space<vmem>>
        %parallel_loop3A_1087 = arith.index_cast %parallel_loop3A_1082 : i32 to index
        %parallel_loop3A_1088 = arith.constant 48 : index
        %parallel_loop3A_1089 = tpu.vector_load %parallel_loop3A_1086[%parallel_loop3A_1087, %parallel_loop3A_1088] {strides = array<i32>} : memref<128x64xf32, #tpu.memory_space<vmem>>, vector<1x16xf32>,
        %parallel_loop3A_1090 = vector.shape_cast %parallel_loop3A_1089 : vector<1x16xf32> to vector<16xf32>
        %parallel_loop3A_1091 = arith.mulf %parallel_loop3A_1090, %parallel_loop3A_1047 : vector<16xf32>
        %parallel_loop3A_1092 = arith.constant 0 : i32
        %parallel_loop3A_1093 = arith.addi %parallel_loop3A_903, %parallel_loop3A_1092 : i32
        %parallel_loop3A_1094 = arith.constant 0 : i32
        %parallel_loop3A_1095 = arith.constant 0 : i32
        %parallel_loop3A_1096 = tpu.memref_slice %arg14[%rem3A_118, %parallel_loop3A_1094, %parallel_loop3A_1095] : memref<4x128x64xf32, #tpu.memory_space<vmem>> -> memref<1x128x64xf32, #tpu.memory_space<vmem>>
        %parallel_loop3A_1097 = tpu.memref_squeeze %parallel_loop3A_1096 : memref<1x128x64xf32, #tpu.memory_space<vmem>> -> memref<128x64xf32, #tpu.memory_space<vmem>>
        %parallel_loop3A_1098 = arith.index_cast %parallel_loop3A_1093 : i32 to index
        %parallel_loop3A_1099 = arith.constant 0 : index
        %parallel_loop3A_1100 = tpu.vector_load %parallel_loop3A_1097[%parallel_loop3A_1098, %parallel_loop3A_1099] {strides = array<i32>} : memref<128x64xf32, #tpu.memory_space<vmem>>, vector<1x16xf32>,
        %parallel_loop3A_1101 = vector.shape_cast %parallel_loop3A_1100 : vector<1x16xf32> to vector<16xf32>
        %parallel_loop3A_1102 = vector.shape_cast %parallel_loop3A_917 : vector<16xf32> to vector<1x16xf32>
        tpu.vector_store %parallel_loop3A_1097[%parallel_loop3A_1098, %parallel_loop3A_1099], %parallel_loop3A_1102 {strides = array<i32>} : memref<128x64xf32, #tpu.memory_space<vmem>>, vector<1x16xf32>,
        %parallel_loop3A_1103 = arith.constant 0 : i32
        %parallel_loop3A_1104 = arith.addi %parallel_loop3A_903, %parallel_loop3A_1103 : i32
        %parallel_loop3A_1105 = arith.constant 0 : i32
        %parallel_loop3A_1106 = arith.constant 0 : i32
        %parallel_loop3A_1107 = tpu.memref_slice %arg14[%rem3A_118, %parallel_loop3A_1105, %parallel_loop3A_1106] : memref<4x128x64xf32, #tpu.memory_space<vmem>> -> memref<1x128x64xf32, #tpu.memory_space<vmem>>
        %parallel_loop3A_1108 = tpu.memref_squeeze %parallel_loop3A_1107 : memref<1x128x64xf32, #tpu.memory_space<vmem>> -> memref<128x64xf32, #tpu.memory_space<vmem>>
        %parallel_loop3A_1109 = arith.index_cast %parallel_loop3A_1104 : i32 to index
        %parallel_loop3A_1110 = arith.constant 16 : index
        %parallel_loop3A_1111 = tpu.vector_load %parallel_loop3A_1108[%parallel_loop3A_1109, %parallel_loop3A_1110] {strides = array<i32>} : memref<128x64xf32, #tpu.memory_space<vmem>>, vector<1x16xf32>,
        %parallel_loop3A_1112 = vector.shape_cast %parallel_loop3A_1111 : vector<1x16xf32> to vector<16xf32>
        %parallel_loop3A_1113 = vector.shape_cast %parallel_loop3A_928 : vector<16xf32> to vector<1x16xf32>
        tpu.vector_store %parallel_loop3A_1108[%parallel_loop3A_1109, %parallel_loop3A_1110], %parallel_loop3A_1113 {strides = array<i32>} : memref<128x64xf32, #tpu.memory_space<vmem>>, vector<1x16xf32>,
        %parallel_loop3A_1114 = arith.constant 0 : i32
        %parallel_loop3A_1115 = arith.addi %parallel_loop3A_903, %parallel_loop3A_1114 : i32
        %parallel_loop3A_1116 = arith.constant 0 : i32
        %parallel_loop3A_1117 = arith.constant 0 : i32
        %parallel_loop3A_1118 = tpu.memref_slice %arg14[%rem3A_118, %parallel_loop3A_1116, %parallel_loop3A_1117] : memref<4x128x64xf32, #tpu.memory_space<vmem>> -> memref<1x128x64xf32, #tpu.memory_space<vmem>>
        %parallel_loop3A_1119 = tpu.memref_squeeze %parallel_loop3A_1118 : memref<1x128x64xf32, #tpu.memory_space<vmem>> -> memref<128x64xf32, #tpu.memory_space<vmem>>
        %parallel_loop3A_1120 = arith.index_cast %parallel_loop3A_1115 : i32 to index
        %parallel_loop3A_1121 = arith.constant 32 : index
        %parallel_loop3A_1122 = tpu.vector_load %parallel_loop3A_1119[%parallel_loop3A_1120, %parallel_loop3A_1121] {strides = array<i32>} : memref<128x64xf32, #tpu.memory_space<vmem>>, vector<1x16xf32>,
        %parallel_loop3A_1123 = vector.shape_cast %parallel_loop3A_1122 : vector<1x16xf32> to vector<16xf32>
        %parallel_loop3A_1124 = vector.shape_cast %parallel_loop3A_939 : vector<16xf32> to vector<1x16xf32>
        tpu.vector_store %parallel_loop3A_1119[%parallel_loop3A_1120, %parallel_loop3A_1121], %parallel_loop3A_1124 {strides = array<i32>} : memref<128x64xf32, #tpu.memory_space<vmem>>, vector<1x16xf32>,
        %parallel_loop3A_1125 = arith.constant 0 : i32
        %parallel_loop3A_1126 = arith.addi %parallel_loop3A_903, %parallel_loop3A_1125 : i32
        %parallel_loop3A_1127 = arith.constant 0 : i32
        %parallel_loop3A_1128 = arith.constant 0 : i32
        %parallel_loop3A_1129 = tpu.memref_slice %arg14[%rem3A_118, %parallel_loop3A_1127, %parallel_loop3A_1128] : memref<4x128x64xf32, #tpu.memory_space<vmem>> -> memref<1x128x64xf32, #tpu.memory_space<vmem>>
        %parallel_loop3A_1130 = tpu.memref_squeeze %parallel_loop3A_1129 : memref<1x128x64xf32, #tpu.memory_space<vmem>> -> memref<128x64xf32, #tpu.memory_space<vmem>>
        %parallel_loop3A_1131 = arith.index_cast %parallel_loop3A_1126 : i32 to index
        %parallel_loop3A_1132 = arith.constant 48 : index
        %parallel_loop3A_1133 = tpu.vector_load %parallel_loop3A_1130[%parallel_loop3A_1131, %parallel_loop3A_1132] {strides = array<i32>} : memref<128x64xf32, #tpu.memory_space<vmem>>, vector<1x16xf32>,
        %parallel_loop3A_1134 = vector.shape_cast %parallel_loop3A_1133 : vector<1x16xf32> to vector<16xf32>
        %parallel_loop3A_1135 = vector.shape_cast %parallel_loop3A_950 : vector<16xf32> to vector<1x16xf32>
        tpu.vector_store %parallel_loop3A_1130[%parallel_loop3A_1131, %parallel_loop3A_1132], %parallel_loop3A_1135 {strides = array<i32>} : memref<128x64xf32, #tpu.memory_space<vmem>>, vector<1x16xf32>,
        %parallel_loop3A_1136 = arith.constant 1 : i32
        %parallel_loop3A_1137 = arith.addi %parallel_loop3A_903, %parallel_loop3A_1136 : i32
        %parallel_loop3A_1138 = arith.constant 0 : i32
        %parallel_loop3A_1139 = arith.constant 0 : i32
        %parallel_loop3A_1140 = tpu.memref_slice %arg14[%rem3A_118, %parallel_loop3A_1138, %parallel_loop3A_1139] : memref<4x128x64xf32, #tpu.memory_space<vmem>> -> memref<1x128x64xf32, #tpu.memory_space<vmem>>
        %parallel_loop3A_1141 = tpu.memref_squeeze %parallel_loop3A_1140 : memref<1x128x64xf32, #tpu.memory_space<vmem>> -> memref<128x64xf32, #tpu.memory_space<vmem>>
        %parallel_loop3A_1142 = arith.index_cast %parallel_loop3A_1137 : i32 to index
        %parallel_loop3A_1143 = arith.constant 0 : index
        %parallel_loop3A_1144 = tpu.vector_load %parallel_loop3A_1141[%parallel_loop3A_1142, %parallel_loop3A_1143] {strides = array<i32>} : memref<128x64xf32, #tpu.memory_space<vmem>>, vector<1x16xf32>,
        %parallel_loop3A_1145 = vector.shape_cast %parallel_loop3A_1144 : vector<1x16xf32> to vector<16xf32>
        %parallel_loop3A_1146 = vector.shape_cast %parallel_loop3A_964 : vector<16xf32> to vector<1x16xf32>
        tpu.vector_store %parallel_loop3A_1141[%parallel_loop3A_1142, %parallel_loop3A_1143], %parallel_loop3A_1146 {strides = array<i32>} : memref<128x64xf32, #tpu.memory_space<vmem>>, vector<1x16xf32>,
        %parallel_loop3A_1147 = arith.constant 1 : i32
        %parallel_loop3A_1148 = arith.addi %parallel_loop3A_903, %parallel_loop3A_1147 : i32
        %parallel_loop3A_1149 = arith.constant 0 : i32
        %parallel_loop3A_1150 = arith.constant 0 : i32
        %parallel_loop3A_1151 = tpu.memref_slice %arg14[%rem3A_118, %parallel_loop3A_1149, %parallel_loop3A_1150] : memref<4x128x64xf32, #tpu.memory_space<vmem>> -> memref<1x128x64xf32, #tpu.memory_space<vmem>>
        %parallel_loop3A_1152 = tpu.memref_squeeze %parallel_loop3A_1151 : memref<1x128x64xf32, #tpu.memory_space<vmem>> -> memref<128x64xf32, #tpu.memory_space<vmem>>
        %parallel_loop3A_1153 = arith.index_cast %parallel_loop3A_1148 : i32 to index
        %parallel_loop3A_1154 = arith.constant 16 : index
        %parallel_loop3A_1155 = tpu.vector_load %parallel_loop3A_1152[%parallel_loop3A_1153, %parallel_loop3A_1154] {strides = array<i32>} : memref<128x64xf32, #tpu.memory_space<vmem>>, vector<1x16xf32>,
        %parallel_loop3A_1156 = vector.shape_cast %parallel_loop3A_1155 : vector<1x16xf32> to vector<16xf32>
        %parallel_loop3A_1157 = vector.shape_cast %parallel_loop3A_975 : vector<16xf32> to vector<1x16xf32>
        tpu.vector_store %parallel_loop3A_1152[%parallel_loop3A_1153, %parallel_loop3A_1154], %parallel_loop3A_1157 {strides = array<i32>} : memref<128x64xf32, #tpu.memory_space<vmem>>, vector<1x16xf32>,
        %parallel_loop3A_1158 = arith.constant 1 : i32
        %parallel_loop3A_1159 = arith.addi %parallel_loop3A_903, %parallel_loop3A_1158 : i32
        %parallel_loop3A_1160 = arith.constant 0 : i32
        %parallel_loop3A_1161 = arith.constant 0 : i32
        %parallel_loop3A_1162 = tpu.memref_slice %arg14[%rem3A_118, %parallel_loop3A_1160, %parallel_loop3A_1161] : memref<4x128x64xf32, #tpu.memory_space<vmem>> -> memref<1x128x64xf32, #tpu.memory_space<vmem>>
        %parallel_loop3A_1163 = tpu.memref_squeeze %parallel_loop3A_1162 : memref<1x128x64xf32, #tpu.memory_space<vmem>> -> memref<128x64xf32, #tpu.memory_space<vmem>>
        %parallel_loop3A_1164 = arith.index_cast %parallel_loop3A_1159 : i32 to index
        %parallel_loop3A_1165 = arith.constant 32 : index
        %parallel_loop3A_1166 = tpu.vector_load %parallel_loop3A_1163[%parallel_loop3A_1164, %parallel_loop3A_1165] {strides = array<i32>} : memref<128x64xf32, #tpu.memory_space<vmem>>, vector<1x16xf32>,
        %parallel_loop3A_1167 = vector.shape_cast %parallel_loop3A_1166 : vector<1x16xf32> to vector<16xf32>
        %parallel_loop3A_1168 = vector.shape_cast %parallel_loop3A_986 : vector<16xf32> to vector<1x16xf32>
        tpu.vector_store %parallel_loop3A_1163[%parallel_loop3A_1164, %parallel_loop3A_1165], %parallel_loop3A_1168 {strides = array<i32>} : memref<128x64xf32, #tpu.memory_space<vmem>>, vector<1x16xf32>,
        %parallel_loop3A_1169 = arith.constant 1 : i32
        %parallel_loop3A_1170 = arith.addi %parallel_loop3A_903, %parallel_loop3A_1169 : i32
        %parallel_loop3A_1171 = arith.constant 0 : i32
        %parallel_loop3A_1172 = arith.constant 0 : i32
        %parallel_loop3A_1173 = tpu.memref_slice %arg14[%rem3A_118, %parallel_loop3A_1171, %parallel_loop3A_1172] : memref<4x128x64xf32, #tpu.memory_space<vmem>> -> memref<1x128x64xf32, #tpu.memory_space<vmem>>
        %parallel_loop3A_1174 = tpu.memref_squeeze %parallel_loop3A_1173 : memref<1x128x64xf32, #tpu.memory_space<vmem>> -> memref<128x64xf32, #tpu.memory_space<vmem>>
        %parallel_loop3A_1175 = arith.index_cast %parallel_loop3A_1170 : i32 to index
        %parallel_loop3A_1176 = arith.constant 48 : index
        %parallel_loop3A_1177 = tpu.vector_load %parallel_loop3A_1174[%parallel_loop3A_1175, %parallel_loop3A_1176] {strides = array<i32>} : memref<128x64xf32, #tpu.memory_space<vmem>>, vector<1x16xf32>,
        %parallel_loop3A_1178 = vector.shape_cast %parallel_loop3A_1177 : vector<1x16xf32> to vector<16xf32>
        %parallel_loop3A_1179 = vector.shape_cast %parallel_loop3A_997 : vector<16xf32> to vector<1x16xf32>
        tpu.vector_store %parallel_loop3A_1174[%parallel_loop3A_1175, %parallel_loop3A_1176], %parallel_loop3A_1179 {strides = array<i32>} : memref<128x64xf32, #tpu.memory_space<vmem>>, vector<1x16xf32>,
        %parallel_loop3A_1180 = arith.constant 2 : i32
        %parallel_loop3A_1181 = arith.addi %parallel_loop3A_903, %parallel_loop3A_1180 : i32
        %parallel_loop3A_1182 = arith.constant 0 : i32
        %parallel_loop3A_1183 = arith.constant 0 : i32
        %parallel_loop3A_1184 = tpu.memref_slice %arg14[%rem3A_118, %parallel_loop3A_1182, %parallel_loop3A_1183] : memref<4x128x64xf32, #tpu.memory_space<vmem>> -> memref<1x128x64xf32, #tpu.memory_space<vmem>>
        %parallel_loop3A_1185 = tpu.memref_squeeze %parallel_loop3A_1184 : memref<1x128x64xf32, #tpu.memory_space<vmem>> -> memref<128x64xf32, #tpu.memory_space<vmem>>
        %parallel_loop3A_1186 = arith.index_cast %parallel_loop3A_1181 : i32 to index
        %parallel_loop3A_1187 = arith.constant 0 : index
        %parallel_loop3A_1188 = tpu.vector_load %parallel_loop3A_1185[%parallel_loop3A_1186, %parallel_loop3A_1187] {strides = array<i32>} : memref<128x64xf32, #tpu.memory_space<vmem>>, vector<1x16xf32>,
        %parallel_loop3A_1189 = vector.shape_cast %parallel_loop3A_1188 : vector<1x16xf32> to vector<16xf32>
        %parallel_loop3A_1190 = vector.shape_cast %parallel_loop3A_1011 : vector<16xf32> to vector<1x16xf32>
        tpu.vector_store %parallel_loop3A_1185[%parallel_loop3A_1186, %parallel_loop3A_1187], %parallel_loop3A_1190 {strides = array<i32>} : memref<128x64xf32, #tpu.memory_space<vmem>>, vector<1x16xf32>,
        %parallel_loop3A_1191 = arith.constant 2 : i32
        %parallel_loop3A_1192 = arith.addi %parallel_loop3A_903, %parallel_loop3A_1191 : i32
        %parallel_loop3A_1193 = arith.constant 0 : i32
        %parallel_loop3A_1194 = arith.constant 0 : i32
        %parallel_loop3A_1195 = tpu.memref_slice %arg14[%rem3A_118, %parallel_loop3A_1193, %parallel_loop3A_1194] : memref<4x128x64xf32, #tpu.memory_space<vmem>> -> memref<1x128x64xf32, #tpu.memory_space<vmem>>
        %parallel_loop3A_1196 = tpu.memref_squeeze %parallel_loop3A_1195 : memref<1x128x64xf32, #tpu.memory_space<vmem>> -> memref<128x64xf32, #tpu.memory_space<vmem>>
        %parallel_loop3A_1197 = arith.index_cast %parallel_loop3A_1192 : i32 to index
        %parallel_loop3A_1198 = arith.constant 16 : index
        %parallel_loop3A_1199 = tpu.vector_load %parallel_loop3A_1196[%parallel_loop3A_1197, %parallel_loop3A_1198] {strides = array<i32>} : memref<128x64xf32, #tpu.memory_space<vmem>>, vector<1x16xf32>,
        %parallel_loop3A_1200 = vector.shape_cast %parallel_loop3A_1199 : vector<1x16xf32> to vector<16xf32>
        %parallel_loop3A_1201 = vector.shape_cast %parallel_loop3A_1022 : vector<16xf32> to vector<1x16xf32>
        tpu.vector_store %parallel_loop3A_1196[%parallel_loop3A_1197, %parallel_loop3A_1198], %parallel_loop3A_1201 {strides = array<i32>} : memref<128x64xf32, #tpu.memory_space<vmem>>, vector<1x16xf32>,
        %parallel_loop3A_1202 = arith.constant 2 : i32
        %parallel_loop3A_1203 = arith.addi %parallel_loop3A_903, %parallel_loop3A_1202 : i32
        %parallel_loop3A_1204 = arith.constant 0 : i32
        %parallel_loop3A_1205 = arith.constant 0 : i32
        %parallel_loop3A_1206 = tpu.memref_slice %arg14[%rem3A_118, %parallel_loop3A_1204, %parallel_loop3A_1205] : memref<4x128x64xf32, #tpu.memory_space<vmem>> -> memref<1x128x64xf32, #tpu.memory_space<vmem>>
        %parallel_loop3A_1207 = tpu.memref_squeeze %parallel_loop3A_1206 : memref<1x128x64xf32, #tpu.memory_space<vmem>> -> memref<128x64xf32, #tpu.memory_space<vmem>>
        %parallel_loop3A_1208 = arith.index_cast %parallel_loop3A_1203 : i32 to index
        %parallel_loop3A_1209 = arith.constant 32 : index
        %parallel_loop3A_1210 = tpu.vector_load %parallel_loop3A_1207[%parallel_loop3A_1208, %parallel_loop3A_1209] {strides = array<i32>} : memref<128x64xf32, #tpu.memory_space<vmem>>, vector<1x16xf32>,
        %parallel_loop3A_1211 = vector.shape_cast %parallel_loop3A_1210 : vector<1x16xf32> to vector<16xf32>
        %parallel_loop3A_1212 = vector.shape_cast %parallel_loop3A_1033 : vector<16xf32> to vector<1x16xf32>
        tpu.vector_store %parallel_loop3A_1207[%parallel_loop3A_1208, %parallel_loop3A_1209], %parallel_loop3A_1212 {strides = array<i32>} : memref<128x64xf32, #tpu.memory_space<vmem>>, vector<1x16xf32>,
        %parallel_loop3A_1213 = arith.constant 2 : i32
        %parallel_loop3A_1214 = arith.addi %parallel_loop3A_903, %parallel_loop3A_1213 : i32
        %parallel_loop3A_1215 = arith.constant 0 : i32
        %parallel_loop3A_1216 = arith.constant 0 : i32
        %parallel_loop3A_1217 = tpu.memref_slice %arg14[%rem3A_118, %parallel_loop3A_1215, %parallel_loop3A_1216] : memref<4x128x64xf32, #tpu.memory_space<vmem>> -> memref<1x128x64xf32, #tpu.memory_space<vmem>>
        %parallel_loop3A_1218 = tpu.memref_squeeze %parallel_loop3A_1217 : memref<1x128x64xf32, #tpu.memory_space<vmem>> -> memref<128x64xf32, #tpu.memory_space<vmem>>
        %parallel_loop3A_1219 = arith.index_cast %parallel_loop3A_1214 : i32 to index
        %parallel_loop3A_1220 = arith.constant 48 : index
        %parallel_loop3A_1221 = tpu.vector_load %parallel_loop3A_1218[%parallel_loop3A_1219, %parallel_loop3A_1220] {strides = array<i32>} : memref<128x64xf32, #tpu.memory_space<vmem>>, vector<1x16xf32>,
        %parallel_loop3A_1222 = vector.shape_cast %parallel_loop3A_1221 : vector<1x16xf32> to vector<16xf32>
        %parallel_loop3A_1223 = vector.shape_cast %parallel_loop3A_1044 : vector<16xf32> to vector<1x16xf32>
        tpu.vector_store %parallel_loop3A_1218[%parallel_loop3A_1219, %parallel_loop3A_1220], %parallel_loop3A_1223 {strides = array<i32>} : memref<128x64xf32, #tpu.memory_space<vmem>>, vector<1x16xf32>,
        %parallel_loop3A_1224 = arith.constant 3 : i32
        %parallel_loop3A_1225 = arith.addi %parallel_loop3A_903, %parallel_loop3A_1224 : i32
        %parallel_loop3A_1226 = arith.constant 0 : i32
        %parallel_loop3A_1227 = arith.constant 0 : i32
        %parallel_loop3A_1228 = tpu.memref_slice %arg14[%rem3A_118, %parallel_loop3A_1226, %parallel_loop3A_1227] : memref<4x128x64xf32, #tpu.memory_space<vmem>> -> memref<1x128x64xf32, #tpu.memory_space<vmem>>
        %parallel_loop3A_1229 = tpu.memref_squeeze %parallel_loop3A_1228 : memref<1x128x64xf32, #tpu.memory_space<vmem>> -> memref<128x64xf32, #tpu.memory_space<vmem>>
        %parallel_loop3A_1230 = arith.index_cast %parallel_loop3A_1225 : i32 to index
        %parallel_loop3A_1231 = arith.constant 0 : index
        %parallel_loop3A_1232 = tpu.vector_load %parallel_loop3A_1229[%parallel_loop3A_1230, %parallel_loop3A_1231] {strides = array<i32>} : memref<128x64xf32, #tpu.memory_space<vmem>>, vector<1x16xf32>,
        %parallel_loop3A_1233 = vector.shape_cast %parallel_loop3A_1232 : vector<1x16xf32> to vector<16xf32>
        %parallel_loop3A_1234 = vector.shape_cast %parallel_loop3A_1058 : vector<16xf32> to vector<1x16xf32>
        tpu.vector_store %parallel_loop3A_1229[%parallel_loop3A_1230, %parallel_loop3A_1231], %parallel_loop3A_1234 {strides = array<i32>} : memref<128x64xf32, #tpu.memory_space<vmem>>, vector<1x16xf32>,
        %parallel_loop3A_1235 = arith.constant 3 : i32
        %parallel_loop3A_1236 = arith.addi %parallel_loop3A_903, %parallel_loop3A_1235 : i32
        %parallel_loop3A_1237 = arith.constant 0 : i32
        %parallel_loop3A_1238 = arith.constant 0 : i32
        %parallel_loop3A_1239 = tpu.memref_slice %arg14[%rem3A_118, %parallel_loop3A_1237, %parallel_loop3A_1238] : memref<4x128x64xf32, #tpu.memory_space<vmem>> -> memref<1x128x64xf32, #tpu.memory_space<vmem>>
        %parallel_loop3A_1240 = tpu.memref_squeeze %parallel_loop3A_1239 : memref<1x128x64xf32, #tpu.memory_space<vmem>> -> memref<128x64xf32, #tpu.memory_space<vmem>>
        %parallel_loop3A_1241 = arith.index_cast %parallel_loop3A_1236 : i32 to index
        %parallel_loop3A_1242 = arith.constant 16 : index
        %parallel_loop3A_1243 = tpu.vector_load %parallel_loop3A_1240[%parallel_loop3A_1241, %parallel_loop3A_1242] {strides = array<i32>} : memref<128x64xf32, #tpu.memory_space<vmem>>, vector<1x16xf32>,
        %parallel_loop3A_1244 = vector.shape_cast %parallel_loop3A_1243 : vector<1x16xf32> to vector<16xf32>
        %parallel_loop3A_1245 = vector.shape_cast %parallel_loop3A_1069 : vector<16xf32> to vector<1x16xf32>
        tpu.vector_store %parallel_loop3A_1240[%parallel_loop3A_1241, %parallel_loop3A_1242], %parallel_loop3A_1245 {strides = array<i32>} : memref<128x64xf32, #tpu.memory_space<vmem>>, vector<1x16xf32>,
        %parallel_loop3A_1246 = arith.constant 3 : i32
        %parallel_loop3A_1247 = arith.addi %parallel_loop3A_903, %parallel_loop3A_1246 : i32
        %parallel_loop3A_1248 = arith.constant 0 : i32
        %parallel_loop3A_1249 = arith.constant 0 : i32
        %parallel_loop3A_1250 = tpu.memref_slice %arg14[%rem3A_118, %parallel_loop3A_1248, %parallel_loop3A_1249] : memref<4x128x64xf32, #tpu.memory_space<vmem>> -> memref<1x128x64xf32, #tpu.memory_space<vmem>>
        %parallel_loop3A_1251 = tpu.memref_squeeze %parallel_loop3A_1250 : memref<1x128x64xf32, #tpu.memory_space<vmem>> -> memref<128x64xf32, #tpu.memory_space<vmem>>
        %parallel_loop3A_1252 = arith.index_cast %parallel_loop3A_1247 : i32 to index
        %parallel_loop3A_1253 = arith.constant 32 : index
        %parallel_loop3A_1254 = tpu.vector_load %parallel_loop3A_1251[%parallel_loop3A_1252, %parallel_loop3A_1253] {strides = array<i32>} : memref<128x64xf32, #tpu.memory_space<vmem>>, vector<1x16xf32>,
        %parallel_loop3A_1255 = vector.shape_cast %parallel_loop3A_1254 : vector<1x16xf32> to vector<16xf32>
        %parallel_loop3A_1256 = vector.shape_cast %parallel_loop3A_1080 : vector<16xf32> to vector<1x16xf32>
        tpu.vector_store %parallel_loop3A_1251[%parallel_loop3A_1252, %parallel_loop3A_1253], %parallel_loop3A_1256 {strides = array<i32>} : memref<128x64xf32, #tpu.memory_space<vmem>>, vector<1x16xf32>,
        %parallel_loop3A_1257 = arith.constant 3 : i32
        %parallel_loop3A_1258 = arith.addi %parallel_loop3A_903, %parallel_loop3A_1257 : i32
        %parallel_loop3A_1259 = arith.constant 0 : i32
        %parallel_loop3A_1260 = arith.constant 0 : i32
        %parallel_loop3A_1261 = tpu.memref_slice %arg14[%rem3A_118, %parallel_loop3A_1259, %parallel_loop3A_1260] : memref<4x128x64xf32, #tpu.memory_space<vmem>> -> memref<1x128x64xf32, #tpu.memory_space<vmem>>
        %parallel_loop3A_1262 = tpu.memref_squeeze %parallel_loop3A_1261 : memref<1x128x64xf32, #tpu.memory_space<vmem>> -> memref<128x64xf32, #tpu.memory_space<vmem>>
        %parallel_loop3A_1263 = arith.index_cast %parallel_loop3A_1258 : i32 to index
        %parallel_loop3A_1264 = arith.constant 48 : index
        %parallel_loop3A_1265 = tpu.vector_load %parallel_loop3A_1262[%parallel_loop3A_1263, %parallel_loop3A_1264] {strides = array<i32>} : memref<128x64xf32, #tpu.memory_space<vmem>>, vector<1x16xf32>,
        %parallel_loop3A_1266 = vector.shape_cast %parallel_loop3A_1265 : vector<1x16xf32> to vector<16xf32>
        %parallel_loop3A_1267 = vector.shape_cast %parallel_loop3A_1091 : vector<16xf32> to vector<1x16xf32>
        tpu.vector_store %parallel_loop3A_1262[%parallel_loop3A_1263, %parallel_loop3A_1264], %parallel_loop3A_1267 {strides = array<i32>} : memref<128x64xf32, #tpu.memory_space<vmem>>, vector<1x16xf32>,
        %parallel_loop3A_1268 = arith.constant 16 : i32
        %parallel_loop3A_1269 = arith.muli %parallel_loop3A_155, %parallel_loop3A_1268 : i32
        %parallel_loop3A_1270 = arith.constant 12 : i32
        %parallel_loop3A_1271 = arith.addi %parallel_loop3A_1269, %parallel_loop3A_1270 : i32
        %parallel_loop3A_1272 = vector.extract_strided_slice %parallel_loop3A_163 {offsets = [12], sizes = [1], strides = [1]} : vector<16xf32> to vector<1xf32>
        %parallel_loop3A_1273 = vector.extract %parallel_loop3A_1272[0] : f32 from vector<1xf32>
        %parallel_loop3A_1274 = vector.broadcast %parallel_loop3A_1273 : f32 to vector<16xf32>
        %parallel_loop3A_1275 = arith.constant 0 : i32
        %parallel_loop3A_1276 = arith.addi %parallel_loop3A_1271, %parallel_loop3A_1275 : i32
        %parallel_loop3A_1277 = arith.constant 0 : i32
        %parallel_loop3A_1278 = arith.constant 0 : i32
        %parallel_loop3A_1279 = tpu.memref_slice %arg14[%rem3A_118, %parallel_loop3A_1277, %parallel_loop3A_1278] : memref<4x128x64xf32, #tpu.memory_space<vmem>> -> memref<1x128x64xf32, #tpu.memory_space<vmem>>
        %parallel_loop3A_1280 = tpu.memref_squeeze %parallel_loop3A_1279 : memref<1x128x64xf32, #tpu.memory_space<vmem>> -> memref<128x64xf32, #tpu.memory_space<vmem>>
        %parallel_loop3A_1281 = arith.index_cast %parallel_loop3A_1276 : i32 to index
        %parallel_loop3A_1282 = arith.constant 0 : index
        %parallel_loop3A_1283 = tpu.vector_load %parallel_loop3A_1280[%parallel_loop3A_1281, %parallel_loop3A_1282] {strides = array<i32>} : memref<128x64xf32, #tpu.memory_space<vmem>>, vector<1x16xf32>,
        %parallel_loop3A_1284 = vector.shape_cast %parallel_loop3A_1283 : vector<1x16xf32> to vector<16xf32>
        %parallel_loop3A_1285 = arith.mulf %parallel_loop3A_1284, %parallel_loop3A_1274 : vector<16xf32>
        %parallel_loop3A_1286 = arith.constant 0 : i32
        %parallel_loop3A_1287 = arith.addi %parallel_loop3A_1271, %parallel_loop3A_1286 : i32
        %parallel_loop3A_1288 = arith.constant 0 : i32
        %parallel_loop3A_1289 = arith.constant 0 : i32
        %parallel_loop3A_1290 = tpu.memref_slice %arg14[%rem3A_118, %parallel_loop3A_1288, %parallel_loop3A_1289] : memref<4x128x64xf32, #tpu.memory_space<vmem>> -> memref<1x128x64xf32, #tpu.memory_space<vmem>>
        %parallel_loop3A_1291 = tpu.memref_squeeze %parallel_loop3A_1290 : memref<1x128x64xf32, #tpu.memory_space<vmem>> -> memref<128x64xf32, #tpu.memory_space<vmem>>
        %parallel_loop3A_1292 = arith.index_cast %parallel_loop3A_1287 : i32 to index
        %parallel_loop3A_1293 = arith.constant 16 : index
        %parallel_loop3A_1294 = tpu.vector_load %parallel_loop3A_1291[%parallel_loop3A_1292, %parallel_loop3A_1293] {strides = array<i32>} : memref<128x64xf32, #tpu.memory_space<vmem>>, vector<1x16xf32>,
        %parallel_loop3A_1295 = vector.shape_cast %parallel_loop3A_1294 : vector<1x16xf32> to vector<16xf32>
        %parallel_loop3A_1296 = arith.mulf %parallel_loop3A_1295, %parallel_loop3A_1274 : vector<16xf32>
        %parallel_loop3A_1297 = arith.constant 0 : i32
        %parallel_loop3A_1298 = arith.addi %parallel_loop3A_1271, %parallel_loop3A_1297 : i32
        %parallel_loop3A_1299 = arith.constant 0 : i32
        %parallel_loop3A_1300 = arith.constant 0 : i32
        %parallel_loop3A_1301 = tpu.memref_slice %arg14[%rem3A_118, %parallel_loop3A_1299, %parallel_loop3A_1300] : memref<4x128x64xf32, #tpu.memory_space<vmem>> -> memref<1x128x64xf32, #tpu.memory_space<vmem>>
        %parallel_loop3A_1302 = tpu.memref_squeeze %parallel_loop3A_1301 : memref<1x128x64xf32, #tpu.memory_space<vmem>> -> memref<128x64xf32, #tpu.memory_space<vmem>>
        %parallel_loop3A_1303 = arith.index_cast %parallel_loop3A_1298 : i32 to index
        %parallel_loop3A_1304 = arith.constant 32 : index
        %parallel_loop3A_1305 = tpu.vector_load %parallel_loop3A_1302[%parallel_loop3A_1303, %parallel_loop3A_1304] {strides = array<i32>} : memref<128x64xf32, #tpu.memory_space<vmem>>, vector<1x16xf32>,
        %parallel_loop3A_1306 = vector.shape_cast %parallel_loop3A_1305 : vector<1x16xf32> to vector<16xf32>
        %parallel_loop3A_1307 = arith.mulf %parallel_loop3A_1306, %parallel_loop3A_1274 : vector<16xf32>
        %parallel_loop3A_1308 = arith.constant 0 : i32
        %parallel_loop3A_1309 = arith.addi %parallel_loop3A_1271, %parallel_loop3A_1308 : i32
        %parallel_loop3A_1310 = arith.constant 0 : i32
        %parallel_loop3A_1311 = arith.constant 0 : i32
        %parallel_loop3A_1312 = tpu.memref_slice %arg14[%rem3A_118, %parallel_loop3A_1310, %parallel_loop3A_1311] : memref<4x128x64xf32, #tpu.memory_space<vmem>> -> memref<1x128x64xf32, #tpu.memory_space<vmem>>
        %parallel_loop3A_1313 = tpu.memref_squeeze %parallel_loop3A_1312 : memref<1x128x64xf32, #tpu.memory_space<vmem>> -> memref<128x64xf32, #tpu.memory_space<vmem>>
        %parallel_loop3A_1314 = arith.index_cast %parallel_loop3A_1309 : i32 to index
        %parallel_loop3A_1315 = arith.constant 48 : index
        %parallel_loop3A_1316 = tpu.vector_load %parallel_loop3A_1313[%parallel_loop3A_1314, %parallel_loop3A_1315] {strides = array<i32>} : memref<128x64xf32, #tpu.memory_space<vmem>>, vector<1x16xf32>,
        %parallel_loop3A_1317 = vector.shape_cast %parallel_loop3A_1316 : vector<1x16xf32> to vector<16xf32>
        %parallel_loop3A_1318 = arith.mulf %parallel_loop3A_1317, %parallel_loop3A_1274 : vector<16xf32>
        %parallel_loop3A_1319 = vector.extract_strided_slice %parallel_loop3A_163 {offsets = [13], sizes = [1], strides = [1]} : vector<16xf32> to vector<1xf32>
        %parallel_loop3A_1320 = vector.extract %parallel_loop3A_1319[0] : f32 from vector<1xf32>
        %parallel_loop3A_1321 = vector.broadcast %parallel_loop3A_1320 : f32 to vector<16xf32>
        %parallel_loop3A_1322 = arith.constant 1 : i32
        %parallel_loop3A_1323 = arith.addi %parallel_loop3A_1271, %parallel_loop3A_1322 : i32
        %parallel_loop3A_1324 = arith.constant 0 : i32
        %parallel_loop3A_1325 = arith.constant 0 : i32
        %parallel_loop3A_1326 = tpu.memref_slice %arg14[%rem3A_118, %parallel_loop3A_1324, %parallel_loop3A_1325] : memref<4x128x64xf32, #tpu.memory_space<vmem>> -> memref<1x128x64xf32, #tpu.memory_space<vmem>>
        %parallel_loop3A_1327 = tpu.memref_squeeze %parallel_loop3A_1326 : memref<1x128x64xf32, #tpu.memory_space<vmem>> -> memref<128x64xf32, #tpu.memory_space<vmem>>
        %parallel_loop3A_1328 = arith.index_cast %parallel_loop3A_1323 : i32 to index
        %parallel_loop3A_1329 = arith.constant 0 : index
        %parallel_loop3A_1330 = tpu.vector_load %parallel_loop3A_1327[%parallel_loop3A_1328, %parallel_loop3A_1329] {strides = array<i32>} : memref<128x64xf32, #tpu.memory_space<vmem>>, vector<1x16xf32>,
        %parallel_loop3A_1331 = vector.shape_cast %parallel_loop3A_1330 : vector<1x16xf32> to vector<16xf32>
        %parallel_loop3A_1332 = arith.mulf %parallel_loop3A_1331, %parallel_loop3A_1321 : vector<16xf32>
        %parallel_loop3A_1333 = arith.constant 1 : i32
        %parallel_loop3A_1334 = arith.addi %parallel_loop3A_1271, %parallel_loop3A_1333 : i32
        %parallel_loop3A_1335 = arith.constant 0 : i32
        %parallel_loop3A_1336 = arith.constant 0 : i32
        %parallel_loop3A_1337 = tpu.memref_slice %arg14[%rem3A_118, %parallel_loop3A_1335, %parallel_loop3A_1336] : memref<4x128x64xf32, #tpu.memory_space<vmem>> -> memref<1x128x64xf32, #tpu.memory_space<vmem>>
        %parallel_loop3A_1338 = tpu.memref_squeeze %parallel_loop3A_1337 : memref<1x128x64xf32, #tpu.memory_space<vmem>> -> memref<128x64xf32, #tpu.memory_space<vmem>>
        %parallel_loop3A_1339 = arith.index_cast %parallel_loop3A_1334 : i32 to index
        %parallel_loop3A_1340 = arith.constant 16 : index
        %parallel_loop3A_1341 = tpu.vector_load %parallel_loop3A_1338[%parallel_loop3A_1339, %parallel_loop3A_1340] {strides = array<i32>} : memref<128x64xf32, #tpu.memory_space<vmem>>, vector<1x16xf32>,
        %parallel_loop3A_1342 = vector.shape_cast %parallel_loop3A_1341 : vector<1x16xf32> to vector<16xf32>
        %parallel_loop3A_1343 = arith.mulf %parallel_loop3A_1342, %parallel_loop3A_1321 : vector<16xf32>
        %parallel_loop3A_1344 = arith.constant 1 : i32
        %parallel_loop3A_1345 = arith.addi %parallel_loop3A_1271, %parallel_loop3A_1344 : i32
        %parallel_loop3A_1346 = arith.constant 0 : i32
        %parallel_loop3A_1347 = arith.constant 0 : i32
        %parallel_loop3A_1348 = tpu.memref_slice %arg14[%rem3A_118, %parallel_loop3A_1346, %parallel_loop3A_1347] : memref<4x128x64xf32, #tpu.memory_space<vmem>> -> memref<1x128x64xf32, #tpu.memory_space<vmem>>
        %parallel_loop3A_1349 = tpu.memref_squeeze %parallel_loop3A_1348 : memref<1x128x64xf32, #tpu.memory_space<vmem>> -> memref<128x64xf32, #tpu.memory_space<vmem>>
        %parallel_loop3A_1350 = arith.index_cast %parallel_loop3A_1345 : i32 to index
        %parallel_loop3A_1351 = arith.constant 32 : index
        %parallel_loop3A_1352 = tpu.vector_load %parallel_loop3A_1349[%parallel_loop3A_1350, %parallel_loop3A_1351] {strides = array<i32>} : memref<128x64xf32, #tpu.memory_space<vmem>>, vector<1x16xf32>,
        %parallel_loop3A_1353 = vector.shape_cast %parallel_loop3A_1352 : vector<1x16xf32> to vector<16xf32>
        %parallel_loop3A_1354 = arith.mulf %parallel_loop3A_1353, %parallel_loop3A_1321 : vector<16xf32>
        %parallel_loop3A_1355 = arith.constant 1 : i32
        %parallel_loop3A_1356 = arith.addi %parallel_loop3A_1271, %parallel_loop3A_1355 : i32
        %parallel_loop3A_1357 = arith.constant 0 : i32
        %parallel_loop3A_1358 = arith.constant 0 : i32
        %parallel_loop3A_1359 = tpu.memref_slice %arg14[%rem3A_118, %parallel_loop3A_1357, %parallel_loop3A_1358] : memref<4x128x64xf32, #tpu.memory_space<vmem>> -> memref<1x128x64xf32, #tpu.memory_space<vmem>>
        %parallel_loop3A_1360 = tpu.memref_squeeze %parallel_loop3A_1359 : memref<1x128x64xf32, #tpu.memory_space<vmem>> -> memref<128x64xf32, #tpu.memory_space<vmem>>
        %parallel_loop3A_1361 = arith.index_cast %parallel_loop3A_1356 : i32 to index
        %parallel_loop3A_1362 = arith.constant 48 : index
        %parallel_loop3A_1363 = tpu.vector_load %parallel_loop3A_1360[%parallel_loop3A_1361, %parallel_loop3A_1362] {strides = array<i32>} : memref<128x64xf32, #tpu.memory_space<vmem>>, vector<1x16xf32>,
        %parallel_loop3A_1364 = vector.shape_cast %parallel_loop3A_1363 : vector<1x16xf32> to vector<16xf32>
        %parallel_loop3A_1365 = arith.mulf %parallel_loop3A_1364, %parallel_loop3A_1321 : vector<16xf32>
        %parallel_loop3A_1366 = vector.extract_strided_slice %parallel_loop3A_163 {offsets = [14], sizes = [1], strides = [1]} : vector<16xf32> to vector<1xf32>
        %parallel_loop3A_1367 = vector.extract %parallel_loop3A_1366[0] : f32 from vector<1xf32>
        %parallel_loop3A_1368 = vector.broadcast %parallel_loop3A_1367 : f32 to vector<16xf32>
        %parallel_loop3A_1369 = arith.constant 2 : i32
        %parallel_loop3A_1370 = arith.addi %parallel_loop3A_1271, %parallel_loop3A_1369 : i32
        %parallel_loop3A_1371 = arith.constant 0 : i32
        %parallel_loop3A_1372 = arith.constant 0 : i32
        %parallel_loop3A_1373 = tpu.memref_slice %arg14[%rem3A_118, %parallel_loop3A_1371, %parallel_loop3A_1372] : memref<4x128x64xf32, #tpu.memory_space<vmem>> -> memref<1x128x64xf32, #tpu.memory_space<vmem>>
        %parallel_loop3A_1374 = tpu.memref_squeeze %parallel_loop3A_1373 : memref<1x128x64xf32, #tpu.memory_space<vmem>> -> memref<128x64xf32, #tpu.memory_space<vmem>>
        %parallel_loop3A_1375 = arith.index_cast %parallel_loop3A_1370 : i32 to index
        %parallel_loop3A_1376 = arith.constant 0 : index
        %parallel_loop3A_1377 = tpu.vector_load %parallel_loop3A_1374[%parallel_loop3A_1375, %parallel_loop3A_1376] {strides = array<i32>} : memref<128x64xf32, #tpu.memory_space<vmem>>, vector<1x16xf32>,
        %parallel_loop3A_1378 = vector.shape_cast %parallel_loop3A_1377 : vector<1x16xf32> to vector<16xf32>
        %parallel_loop3A_1379 = arith.mulf %parallel_loop3A_1378, %parallel_loop3A_1368 : vector<16xf32>
        %parallel_loop3A_1380 = arith.constant 2 : i32
        %parallel_loop3A_1381 = arith.addi %parallel_loop3A_1271, %parallel_loop3A_1380 : i32
        %parallel_loop3A_1382 = arith.constant 0 : i32
        %parallel_loop3A_1383 = arith.constant 0 : i32
        %parallel_loop3A_1384 = tpu.memref_slice %arg14[%rem3A_118, %parallel_loop3A_1382, %parallel_loop3A_1383] : memref<4x128x64xf32, #tpu.memory_space<vmem>> -> memref<1x128x64xf32, #tpu.memory_space<vmem>>
        %parallel_loop3A_1385 = tpu.memref_squeeze %parallel_loop3A_1384 : memref<1x128x64xf32, #tpu.memory_space<vmem>> -> memref<128x64xf32, #tpu.memory_space<vmem>>
        %parallel_loop3A_1386 = arith.index_cast %parallel_loop3A_1381 : i32 to index
        %parallel_loop3A_1387 = arith.constant 16 : index
        %parallel_loop3A_1388 = tpu.vector_load %parallel_loop3A_1385[%parallel_loop3A_1386, %parallel_loop3A_1387] {strides = array<i32>} : memref<128x64xf32, #tpu.memory_space<vmem>>, vector<1x16xf32>,
        %parallel_loop3A_1389 = vector.shape_cast %parallel_loop3A_1388 : vector<1x16xf32> to vector<16xf32>
        %parallel_loop3A_1390 = arith.mulf %parallel_loop3A_1389, %parallel_loop3A_1368 : vector<16xf32>
        %parallel_loop3A_1391 = arith.constant 2 : i32
        %parallel_loop3A_1392 = arith.addi %parallel_loop3A_1271, %parallel_loop3A_1391 : i32
        %parallel_loop3A_1393 = arith.constant 0 : i32
        %parallel_loop3A_1394 = arith.constant 0 : i32
        %parallel_loop3A_1395 = tpu.memref_slice %arg14[%rem3A_118, %parallel_loop3A_1393, %parallel_loop3A_1394] : memref<4x128x64xf32, #tpu.memory_space<vmem>> -> memref<1x128x64xf32, #tpu.memory_space<vmem>>
        %parallel_loop3A_1396 = tpu.memref_squeeze %parallel_loop3A_1395 : memref<1x128x64xf32, #tpu.memory_space<vmem>> -> memref<128x64xf32, #tpu.memory_space<vmem>>
        %parallel_loop3A_1397 = arith.index_cast %parallel_loop3A_1392 : i32 to index
        %parallel_loop3A_1398 = arith.constant 32 : index
        %parallel_loop3A_1399 = tpu.vector_load %parallel_loop3A_1396[%parallel_loop3A_1397, %parallel_loop3A_1398] {strides = array<i32>} : memref<128x64xf32, #tpu.memory_space<vmem>>, vector<1x16xf32>,
        %parallel_loop3A_1400 = vector.shape_cast %parallel_loop3A_1399 : vector<1x16xf32> to vector<16xf32>
        %parallel_loop3A_1401 = arith.mulf %parallel_loop3A_1400, %parallel_loop3A_1368 : vector<16xf32>
        %parallel_loop3A_1402 = arith.constant 2 : i32
        %parallel_loop3A_1403 = arith.addi %parallel_loop3A_1271, %parallel_loop3A_1402 : i32
        %parallel_loop3A_1404 = arith.constant 0 : i32
        %parallel_loop3A_1405 = arith.constant 0 : i32
        %parallel_loop3A_1406 = tpu.memref_slice %arg14[%rem3A_118, %parallel_loop3A_1404, %parallel_loop3A_1405] : memref<4x128x64xf32, #tpu.memory_space<vmem>> -> memref<1x128x64xf32, #tpu.memory_space<vmem>>
        %parallel_loop3A_1407 = tpu.memref_squeeze %parallel_loop3A_1406 : memref<1x128x64xf32, #tpu.memory_space<vmem>> -> memref<128x64xf32, #tpu.memory_space<vmem>>
        %parallel_loop3A_1408 = arith.index_cast %parallel_loop3A_1403 : i32 to index
        %parallel_loop3A_1409 = arith.constant 48 : index
        %parallel_loop3A_1410 = tpu.vector_load %parallel_loop3A_1407[%parallel_loop3A_1408, %parallel_loop3A_1409] {strides = array<i32>} : memref<128x64xf32, #tpu.memory_space<vmem>>, vector<1x16xf32>,
        %parallel_loop3A_1411 = vector.shape_cast %parallel_loop3A_1410 : vector<1x16xf32> to vector<16xf32>
        %parallel_loop3A_1412 = arith.mulf %parallel_loop3A_1411, %parallel_loop3A_1368 : vector<16xf32>
        %parallel_loop3A_1413 = vector.extract_strided_slice %parallel_loop3A_163 {offsets = [15], sizes = [1], strides = [1]} : vector<16xf32> to vector<1xf32>
        %parallel_loop3A_1414 = vector.extract %parallel_loop3A_1413[0] : f32 from vector<1xf32>
        %parallel_loop3A_1415 = vector.broadcast %parallel_loop3A_1414 : f32 to vector<16xf32>
        %parallel_loop3A_1416 = arith.constant 3 : i32
        %parallel_loop3A_1417 = arith.addi %parallel_loop3A_1271, %parallel_loop3A_1416 : i32
        %parallel_loop3A_1418 = arith.constant 0 : i32
        %parallel_loop3A_1419 = arith.constant 0 : i32
        %parallel_loop3A_1420 = tpu.memref_slice %arg14[%rem3A_118, %parallel_loop3A_1418, %parallel_loop3A_1419] : memref<4x128x64xf32, #tpu.memory_space<vmem>> -> memref<1x128x64xf32, #tpu.memory_space<vmem>>
        %parallel_loop3A_1421 = tpu.memref_squeeze %parallel_loop3A_1420 : memref<1x128x64xf32, #tpu.memory_space<vmem>> -> memref<128x64xf32, #tpu.memory_space<vmem>>
        %parallel_loop3A_1422 = arith.index_cast %parallel_loop3A_1417 : i32 to index
        %parallel_loop3A_1423 = arith.constant 0 : index
        %parallel_loop3A_1424 = tpu.vector_load %parallel_loop3A_1421[%parallel_loop3A_1422, %parallel_loop3A_1423] {strides = array<i32>} : memref<128x64xf32, #tpu.memory_space<vmem>>, vector<1x16xf32>,
        %parallel_loop3A_1425 = vector.shape_cast %parallel_loop3A_1424 : vector<1x16xf32> to vector<16xf32>
        %parallel_loop3A_1426 = arith.mulf %parallel_loop3A_1425, %parallel_loop3A_1415 : vector<16xf32>
        %parallel_loop3A_1427 = arith.constant 3 : i32
        %parallel_loop3A_1428 = arith.addi %parallel_loop3A_1271, %parallel_loop3A_1427 : i32
        %parallel_loop3A_1429 = arith.constant 0 : i32
        %parallel_loop3A_1430 = arith.constant 0 : i32
        %parallel_loop3A_1431 = tpu.memref_slice %arg14[%rem3A_118, %parallel_loop3A_1429, %parallel_loop3A_1430] : memref<4x128x64xf32, #tpu.memory_space<vmem>> -> memref<1x128x64xf32, #tpu.memory_space<vmem>>
        %parallel_loop3A_1432 = tpu.memref_squeeze %parallel_loop3A_1431 : memref<1x128x64xf32, #tpu.memory_space<vmem>> -> memref<128x64xf32, #tpu.memory_space<vmem>>
        %parallel_loop3A_1433 = arith.index_cast %parallel_loop3A_1428 : i32 to index
        %parallel_loop3A_1434 = arith.constant 16 : index
        %parallel_loop3A_1435 = tpu.vector_load %parallel_loop3A_1432[%parallel_loop3A_1433, %parallel_loop3A_1434] {strides = array<i32>} : memref<128x64xf32, #tpu.memory_space<vmem>>, vector<1x16xf32>,
        %parallel_loop3A_1436 = vector.shape_cast %parallel_loop3A_1435 : vector<1x16xf32> to vector<16xf32>
        %parallel_loop3A_1437 = arith.mulf %parallel_loop3A_1436, %parallel_loop3A_1415 : vector<16xf32>
        %parallel_loop3A_1438 = arith.constant 3 : i32
        %parallel_loop3A_1439 = arith.addi %parallel_loop3A_1271, %parallel_loop3A_1438 : i32
        %parallel_loop3A_1440 = arith.constant 0 : i32
        %parallel_loop3A_1441 = arith.constant 0 : i32
        %parallel_loop3A_1442 = tpu.memref_slice %arg14[%rem3A_118, %parallel_loop3A_1440, %parallel_loop3A_1441] : memref<4x128x64xf32, #tpu.memory_space<vmem>> -> memref<1x128x64xf32, #tpu.memory_space<vmem>>
        %parallel_loop3A_1443 = tpu.memref_squeeze %parallel_loop3A_1442 : memref<1x128x64xf32, #tpu.memory_space<vmem>> -> memref<128x64xf32, #tpu.memory_space<vmem>>
        %parallel_loop3A_1444 = arith.index_cast %parallel_loop3A_1439 : i32 to index
        %parallel_loop3A_1445 = arith.constant 32 : index
        %parallel_loop3A_1446 = tpu.vector_load %parallel_loop3A_1443[%parallel_loop3A_1444, %parallel_loop3A_1445] {strides = array<i32>} : memref<128x64xf32, #tpu.memory_space<vmem>>, vector<1x16xf32>,
        %parallel_loop3A_1447 = vector.shape_cast %parallel_loop3A_1446 : vector<1x16xf32> to vector<16xf32>
        %parallel_loop3A_1448 = arith.mulf %parallel_loop3A_1447, %parallel_loop3A_1415 : vector<16xf32>
        %parallel_loop3A_1449 = arith.constant 3 : i32
        %parallel_loop3A_1450 = arith.addi %parallel_loop3A_1271, %parallel_loop3A_1449 : i32
        %parallel_loop3A_1451 = arith.constant 0 : i32
        %parallel_loop3A_1452 = arith.constant 0 : i32
        %parallel_loop3A_1453 = tpu.memref_slice %arg14[%rem3A_118, %parallel_loop3A_1451, %parallel_loop3A_1452] : memref<4x128x64xf32, #tpu.memory_space<vmem>> -> memref<1x128x64xf32, #tpu.memory_space<vmem>>
        %parallel_loop3A_1454 = tpu.memref_squeeze %parallel_loop3A_1453 : memref<1x128x64xf32, #tpu.memory_space<vmem>> -> memref<128x64xf32, #tpu.memory_space<vmem>>
        %parallel_loop3A_1455 = arith.index_cast %parallel_loop3A_1450 : i32 to index
        %parallel_loop3A_1456 = arith.constant 48 : index
        %parallel_loop3A_1457 = tpu.vector_load %parallel_loop3A_1454[%parallel_loop3A_1455, %parallel_loop3A_1456] {strides = array<i32>} : memref<128x64xf32, #tpu.memory_space<vmem>>, vector<1x16xf32>,
        %parallel_loop3A_1458 = vector.shape_cast %parallel_loop3A_1457 : vector<1x16xf32> to vector<16xf32>
        %parallel_loop3A_1459 = arith.mulf %parallel_loop3A_1458, %parallel_loop3A_1415 : vector<16xf32>
        %parallel_loop3A_1460 = arith.constant 0 : i32
        %parallel_loop3A_1461 = arith.addi %parallel_loop3A_1271, %parallel_loop3A_1460 : i32
        %parallel_loop3A_1462 = arith.constant 0 : i32
        %parallel_loop3A_1463 = arith.constant 0 : i32
        %parallel_loop3A_1464 = tpu.memref_slice %arg14[%rem3A_118, %parallel_loop3A_1462, %parallel_loop3A_1463] : memref<4x128x64xf32, #tpu.memory_space<vmem>> -> memref<1x128x64xf32, #tpu.memory_space<vmem>>
        %parallel_loop3A_1465 = tpu.memref_squeeze %parallel_loop3A_1464 : memref<1x128x64xf32, #tpu.memory_space<vmem>> -> memref<128x64xf32, #tpu.memory_space<vmem>>
        %parallel_loop3A_1466 = arith.index_cast %parallel_loop3A_1461 : i32 to index
        %parallel_loop3A_1467 = arith.constant 0 : index
        %parallel_loop3A_1468 = tpu.vector_load %parallel_loop3A_1465[%parallel_loop3A_1466, %parallel_loop3A_1467] {strides = array<i32>} : memref<128x64xf32, #tpu.memory_space<vmem>>, vector<1x16xf32>,
        %parallel_loop3A_1469 = vector.shape_cast %parallel_loop3A_1468 : vector<1x16xf32> to vector<16xf32>
        %parallel_loop3A_1470 = vector.shape_cast %parallel_loop3A_1285 : vector<16xf32> to vector<1x16xf32>
        tpu.vector_store %parallel_loop3A_1465[%parallel_loop3A_1466, %parallel_loop3A_1467], %parallel_loop3A_1470 {strides = array<i32>} : memref<128x64xf32, #tpu.memory_space<vmem>>, vector<1x16xf32>,
        %parallel_loop3A_1471 = arith.constant 0 : i32
        %parallel_loop3A_1472 = arith.addi %parallel_loop3A_1271, %parallel_loop3A_1471 : i32
        %parallel_loop3A_1473 = arith.constant 0 : i32
        %parallel_loop3A_1474 = arith.constant 0 : i32
        %parallel_loop3A_1475 = tpu.memref_slice %arg14[%rem3A_118, %parallel_loop3A_1473, %parallel_loop3A_1474] : memref<4x128x64xf32, #tpu.memory_space<vmem>> -> memref<1x128x64xf32, #tpu.memory_space<vmem>>
        %parallel_loop3A_1476 = tpu.memref_squeeze %parallel_loop3A_1475 : memref<1x128x64xf32, #tpu.memory_space<vmem>> -> memref<128x64xf32, #tpu.memory_space<vmem>>
        %parallel_loop3A_1477 = arith.index_cast %parallel_loop3A_1472 : i32 to index
        %parallel_loop3A_1478 = arith.constant 16 : index
        %parallel_loop3A_1479 = tpu.vector_load %parallel_loop3A_1476[%parallel_loop3A_1477, %parallel_loop3A_1478] {strides = array<i32>} : memref<128x64xf32, #tpu.memory_space<vmem>>, vector<1x16xf32>,
        %parallel_loop3A_1480 = vector.shape_cast %parallel_loop3A_1479 : vector<1x16xf32> to vector<16xf32>
        %parallel_loop3A_1481 = vector.shape_cast %parallel_loop3A_1296 : vector<16xf32> to vector<1x16xf32>
        tpu.vector_store %parallel_loop3A_1476[%parallel_loop3A_1477, %parallel_loop3A_1478], %parallel_loop3A_1481 {strides = array<i32>} : memref<128x64xf32, #tpu.memory_space<vmem>>, vector<1x16xf32>,
        %parallel_loop3A_1482 = arith.constant 0 : i32
        %parallel_loop3A_1483 = arith.addi %parallel_loop3A_1271, %parallel_loop3A_1482 : i32
        %parallel_loop3A_1484 = arith.constant 0 : i32
        %parallel_loop3A_1485 = arith.constant 0 : i32
        %parallel_loop3A_1486 = tpu.memref_slice %arg14[%rem3A_118, %parallel_loop3A_1484, %parallel_loop3A_1485] : memref<4x128x64xf32, #tpu.memory_space<vmem>> -> memref<1x128x64xf32, #tpu.memory_space<vmem>>
        %parallel_loop3A_1487 = tpu.memref_squeeze %parallel_loop3A_1486 : memref<1x128x64xf32, #tpu.memory_space<vmem>> -> memref<128x64xf32, #tpu.memory_space<vmem>>
        %parallel_loop3A_1488 = arith.index_cast %parallel_loop3A_1483 : i32 to index
        %parallel_loop3A_1489 = arith.constant 32 : index
        %parallel_loop3A_1490 = tpu.vector_load %parallel_loop3A_1487[%parallel_loop3A_1488, %parallel_loop3A_1489] {strides = array<i32>} : memref<128x64xf32, #tpu.memory_space<vmem>>, vector<1x16xf32>,
        %parallel_loop3A_1491 = vector.shape_cast %parallel_loop3A_1490 : vector<1x16xf32> to vector<16xf32>
        %parallel_loop3A_1492 = vector.shape_cast %parallel_loop3A_1307 : vector<16xf32> to vector<1x16xf32>
        tpu.vector_store %parallel_loop3A_1487[%parallel_loop3A_1488, %parallel_loop3A_1489], %parallel_loop3A_1492 {strides = array<i32>} : memref<128x64xf32, #tpu.memory_space<vmem>>, vector<1x16xf32>,
        %parallel_loop3A_1493 = arith.constant 0 : i32
        %parallel_loop3A_1494 = arith.addi %parallel_loop3A_1271, %parallel_loop3A_1493 : i32
        %parallel_loop3A_1495 = arith.constant 0 : i32
        %parallel_loop3A_1496 = arith.constant 0 : i32
        %parallel_loop3A_1497 = tpu.memref_slice %arg14[%rem3A_118, %parallel_loop3A_1495, %parallel_loop3A_1496] : memref<4x128x64xf32, #tpu.memory_space<vmem>> -> memref<1x128x64xf32, #tpu.memory_space<vmem>>
        %parallel_loop3A_1498 = tpu.memref_squeeze %parallel_loop3A_1497 : memref<1x128x64xf32, #tpu.memory_space<vmem>> -> memref<128x64xf32, #tpu.memory_space<vmem>>
        %parallel_loop3A_1499 = arith.index_cast %parallel_loop3A_1494 : i32 to index
        %parallel_loop3A_1500 = arith.constant 48 : index
        %parallel_loop3A_1501 = tpu.vector_load %parallel_loop3A_1498[%parallel_loop3A_1499, %parallel_loop3A_1500] {strides = array<i32>} : memref<128x64xf32, #tpu.memory_space<vmem>>, vector<1x16xf32>,
        %parallel_loop3A_1502 = vector.shape_cast %parallel_loop3A_1501 : vector<1x16xf32> to vector<16xf32>
        %parallel_loop3A_1503 = vector.shape_cast %parallel_loop3A_1318 : vector<16xf32> to vector<1x16xf32>
        tpu.vector_store %parallel_loop3A_1498[%parallel_loop3A_1499, %parallel_loop3A_1500], %parallel_loop3A_1503 {strides = array<i32>} : memref<128x64xf32, #tpu.memory_space<vmem>>, vector<1x16xf32>,
        %parallel_loop3A_1504 = arith.constant 1 : i32
        %parallel_loop3A_1505 = arith.addi %parallel_loop3A_1271, %parallel_loop3A_1504 : i32
        %parallel_loop3A_1506 = arith.constant 0 : i32
        %parallel_loop3A_1507 = arith.constant 0 : i32
        %parallel_loop3A_1508 = tpu.memref_slice %arg14[%rem3A_118, %parallel_loop3A_1506, %parallel_loop3A_1507] : memref<4x128x64xf32, #tpu.memory_space<vmem>> -> memref<1x128x64xf32, #tpu.memory_space<vmem>>
        %parallel_loop3A_1509 = tpu.memref_squeeze %parallel_loop3A_1508 : memref<1x128x64xf32, #tpu.memory_space<vmem>> -> memref<128x64xf32, #tpu.memory_space<vmem>>
        %parallel_loop3A_1510 = arith.index_cast %parallel_loop3A_1505 : i32 to index
        %parallel_loop3A_1511 = arith.constant 0 : index
        %parallel_loop3A_1512 = tpu.vector_load %parallel_loop3A_1509[%parallel_loop3A_1510, %parallel_loop3A_1511] {strides = array<i32>} : memref<128x64xf32, #tpu.memory_space<vmem>>, vector<1x16xf32>,
        %parallel_loop3A_1513 = vector.shape_cast %parallel_loop3A_1512 : vector<1x16xf32> to vector<16xf32>
        %parallel_loop3A_1514 = vector.shape_cast %parallel_loop3A_1332 : vector<16xf32> to vector<1x16xf32>
        tpu.vector_store %parallel_loop3A_1509[%parallel_loop3A_1510, %parallel_loop3A_1511], %parallel_loop3A_1514 {strides = array<i32>} : memref<128x64xf32, #tpu.memory_space<vmem>>, vector<1x16xf32>,
        %parallel_loop3A_1515 = arith.constant 1 : i32
        %parallel_loop3A_1516 = arith.addi %parallel_loop3A_1271, %parallel_loop3A_1515 : i32
        %parallel_loop3A_1517 = arith.constant 0 : i32
        %parallel_loop3A_1518 = arith.constant 0 : i32
        %parallel_loop3A_1519 = tpu.memref_slice %arg14[%rem3A_118, %parallel_loop3A_1517, %parallel_loop3A_1518] : memref<4x128x64xf32, #tpu.memory_space<vmem>> -> memref<1x128x64xf32, #tpu.memory_space<vmem>>
        %parallel_loop3A_1520 = tpu.memref_squeeze %parallel_loop3A_1519 : memref<1x128x64xf32, #tpu.memory_space<vmem>> -> memref<128x64xf32, #tpu.memory_space<vmem>>
        %parallel_loop3A_1521 = arith.index_cast %parallel_loop3A_1516 : i32 to index
        %parallel_loop3A_1522 = arith.constant 16 : index
        %parallel_loop3A_1523 = tpu.vector_load %parallel_loop3A_1520[%parallel_loop3A_1521, %parallel_loop3A_1522] {strides = array<i32>} : memref<128x64xf32, #tpu.memory_space<vmem>>, vector<1x16xf32>,
        %parallel_loop3A_1524 = vector.shape_cast %parallel_loop3A_1523 : vector<1x16xf32> to vector<16xf32>
        %parallel_loop3A_1525 = vector.shape_cast %parallel_loop3A_1343 : vector<16xf32> to vector<1x16xf32>
        tpu.vector_store %parallel_loop3A_1520[%parallel_loop3A_1521, %parallel_loop3A_1522], %parallel_loop3A_1525 {strides = array<i32>} : memref<128x64xf32, #tpu.memory_space<vmem>>, vector<1x16xf32>,
        %parallel_loop3A_1526 = arith.constant 1 : i32
        %parallel_loop3A_1527 = arith.addi %parallel_loop3A_1271, %parallel_loop3A_1526 : i32
        %parallel_loop3A_1528 = arith.constant 0 : i32
        %parallel_loop3A_1529 = arith.constant 0 : i32
        %parallel_loop3A_1530 = tpu.memref_slice %arg14[%rem3A_118, %parallel_loop3A_1528, %parallel_loop3A_1529] : memref<4x128x64xf32, #tpu.memory_space<vmem>> -> memref<1x128x64xf32, #tpu.memory_space<vmem>>
        %parallel_loop3A_1531 = tpu.memref_squeeze %parallel_loop3A_1530 : memref<1x128x64xf32, #tpu.memory_space<vmem>> -> memref<128x64xf32, #tpu.memory_space<vmem>>
        %parallel_loop3A_1532 = arith.index_cast %parallel_loop3A_1527 : i32 to index
        %parallel_loop3A_1533 = arith.constant 32 : index
        %parallel_loop3A_1534 = tpu.vector_load %parallel_loop3A_1531[%parallel_loop3A_1532, %parallel_loop3A_1533] {strides = array<i32>} : memref<128x64xf32, #tpu.memory_space<vmem>>, vector<1x16xf32>,
        %parallel_loop3A_1535 = vector.shape_cast %parallel_loop3A_1534 : vector<1x16xf32> to vector<16xf32>
        %parallel_loop3A_1536 = vector.shape_cast %parallel_loop3A_1354 : vector<16xf32> to vector<1x16xf32>
        tpu.vector_store %parallel_loop3A_1531[%parallel_loop3A_1532, %parallel_loop3A_1533], %parallel_loop3A_1536 {strides = array<i32>} : memref<128x64xf32, #tpu.memory_space<vmem>>, vector<1x16xf32>,
        %parallel_loop3A_1537 = arith.constant 1 : i32
        %parallel_loop3A_1538 = arith.addi %parallel_loop3A_1271, %parallel_loop3A_1537 : i32
        %parallel_loop3A_1539 = arith.constant 0 : i32
        %parallel_loop3A_1540 = arith.constant 0 : i32
        %parallel_loop3A_1541 = tpu.memref_slice %arg14[%rem3A_118, %parallel_loop3A_1539, %parallel_loop3A_1540] : memref<4x128x64xf32, #tpu.memory_space<vmem>> -> memref<1x128x64xf32, #tpu.memory_space<vmem>>
        %parallel_loop3A_1542 = tpu.memref_squeeze %parallel_loop3A_1541 : memref<1x128x64xf32, #tpu.memory_space<vmem>> -> memref<128x64xf32, #tpu.memory_space<vmem>>
        %parallel_loop3A_1543 = arith.index_cast %parallel_loop3A_1538 : i32 to index
        %parallel_loop3A_1544 = arith.constant 48 : index
        %parallel_loop3A_1545 = tpu.vector_load %parallel_loop3A_1542[%parallel_loop3A_1543, %parallel_loop3A_1544] {strides = array<i32>} : memref<128x64xf32, #tpu.memory_space<vmem>>, vector<1x16xf32>,
        %parallel_loop3A_1546 = vector.shape_cast %parallel_loop3A_1545 : vector<1x16xf32> to vector<16xf32>
        %parallel_loop3A_1547 = vector.shape_cast %parallel_loop3A_1365 : vector<16xf32> to vector<1x16xf32>
        tpu.vector_store %parallel_loop3A_1542[%parallel_loop3A_1543, %parallel_loop3A_1544], %parallel_loop3A_1547 {strides = array<i32>} : memref<128x64xf32, #tpu.memory_space<vmem>>, vector<1x16xf32>,
        %parallel_loop3A_1548 = arith.constant 2 : i32
        %parallel_loop3A_1549 = arith.addi %parallel_loop3A_1271, %parallel_loop3A_1548 : i32
        %parallel_loop3A_1550 = arith.constant 0 : i32
        %parallel_loop3A_1551 = arith.constant 0 : i32
        %parallel_loop3A_1552 = tpu.memref_slice %arg14[%rem3A_118, %parallel_loop3A_1550, %parallel_loop3A_1551] : memref<4x128x64xf32, #tpu.memory_space<vmem>> -> memref<1x128x64xf32, #tpu.memory_space<vmem>>
        %parallel_loop3A_1553 = tpu.memref_squeeze %parallel_loop3A_1552 : memref<1x128x64xf32, #tpu.memory_space<vmem>> -> memref<128x64xf32, #tpu.memory_space<vmem>>
        %parallel_loop3A_1554 = arith.index_cast %parallel_loop3A_1549 : i32 to index
        %parallel_loop3A_1555 = arith.constant 0 : index
        %parallel_loop3A_1556 = tpu.vector_load %parallel_loop3A_1553[%parallel_loop3A_1554, %parallel_loop3A_1555] {strides = array<i32>} : memref<128x64xf32, #tpu.memory_space<vmem>>, vector<1x16xf32>,
        %parallel_loop3A_1557 = vector.shape_cast %parallel_loop3A_1556 : vector<1x16xf32> to vector<16xf32>
        %parallel_loop3A_1558 = vector.shape_cast %parallel_loop3A_1379 : vector<16xf32> to vector<1x16xf32>
        tpu.vector_store %parallel_loop3A_1553[%parallel_loop3A_1554, %parallel_loop3A_1555], %parallel_loop3A_1558 {strides = array<i32>} : memref<128x64xf32, #tpu.memory_space<vmem>>, vector<1x16xf32>,
        %parallel_loop3A_1559 = arith.constant 2 : i32
        %parallel_loop3A_1560 = arith.addi %parallel_loop3A_1271, %parallel_loop3A_1559 : i32
        %parallel_loop3A_1561 = arith.constant 0 : i32
        %parallel_loop3A_1562 = arith.constant 0 : i32
        %parallel_loop3A_1563 = tpu.memref_slice %arg14[%rem3A_118, %parallel_loop3A_1561, %parallel_loop3A_1562] : memref<4x128x64xf32, #tpu.memory_space<vmem>> -> memref<1x128x64xf32, #tpu.memory_space<vmem>>
        %parallel_loop3A_1564 = tpu.memref_squeeze %parallel_loop3A_1563 : memref<1x128x64xf32, #tpu.memory_space<vmem>> -> memref<128x64xf32, #tpu.memory_space<vmem>>
        %parallel_loop3A_1565 = arith.index_cast %parallel_loop3A_1560 : i32 to index
        %parallel_loop3A_1566 = arith.constant 16 : index
        %parallel_loop3A_1567 = tpu.vector_load %parallel_loop3A_1564[%parallel_loop3A_1565, %parallel_loop3A_1566] {strides = array<i32>} : memref<128x64xf32, #tpu.memory_space<vmem>>, vector<1x16xf32>,
        %parallel_loop3A_1568 = vector.shape_cast %parallel_loop3A_1567 : vector<1x16xf32> to vector<16xf32>
        %parallel_loop3A_1569 = vector.shape_cast %parallel_loop3A_1390 : vector<16xf32> to vector<1x16xf32>
        tpu.vector_store %parallel_loop3A_1564[%parallel_loop3A_1565, %parallel_loop3A_1566], %parallel_loop3A_1569 {strides = array<i32>} : memref<128x64xf32, #tpu.memory_space<vmem>>, vector<1x16xf32>,
        %parallel_loop3A_1570 = arith.constant 2 : i32
        %parallel_loop3A_1571 = arith.addi %parallel_loop3A_1271, %parallel_loop3A_1570 : i32
        %parallel_loop3A_1572 = arith.constant 0 : i32
        %parallel_loop3A_1573 = arith.constant 0 : i32
        %parallel_loop3A_1574 = tpu.memref_slice %arg14[%rem3A_118, %parallel_loop3A_1572, %parallel_loop3A_1573] : memref<4x128x64xf32, #tpu.memory_space<vmem>> -> memref<1x128x64xf32, #tpu.memory_space<vmem>>
        %parallel_loop3A_1575 = tpu.memref_squeeze %parallel_loop3A_1574 : memref<1x128x64xf32, #tpu.memory_space<vmem>> -> memref<128x64xf32, #tpu.memory_space<vmem>>
        %parallel_loop3A_1576 = arith.index_cast %parallel_loop3A_1571 : i32 to index
        %parallel_loop3A_1577 = arith.constant 32 : index
        %parallel_loop3A_1578 = tpu.vector_load %parallel_loop3A_1575[%parallel_loop3A_1576, %parallel_loop3A_1577] {strides = array<i32>} : memref<128x64xf32, #tpu.memory_space<vmem>>, vector<1x16xf32>,
        %parallel_loop3A_1579 = vector.shape_cast %parallel_loop3A_1578 : vector<1x16xf32> to vector<16xf32>
        %parallel_loop3A_1580 = vector.shape_cast %parallel_loop3A_1401 : vector<16xf32> to vector<1x16xf32>
        tpu.vector_store %parallel_loop3A_1575[%parallel_loop3A_1576, %parallel_loop3A_1577], %parallel_loop3A_1580 {strides = array<i32>} : memref<128x64xf32, #tpu.memory_space<vmem>>, vector<1x16xf32>,
        %parallel_loop3A_1581 = arith.constant 2 : i32
        %parallel_loop3A_1582 = arith.addi %parallel_loop3A_1271, %parallel_loop3A_1581 : i32
        %parallel_loop3A_1583 = arith.constant 0 : i32
        %parallel_loop3A_1584 = arith.constant 0 : i32
        %parallel_loop3A_1585 = tpu.memref_slice %arg14[%rem3A_118, %parallel_loop3A_1583, %parallel_loop3A_1584] : memref<4x128x64xf32, #tpu.memory_space<vmem>> -> memref<1x128x64xf32, #tpu.memory_space<vmem>>
        %parallel_loop3A_1586 = tpu.memref_squeeze %parallel_loop3A_1585 : memref<1x128x64xf32, #tpu.memory_space<vmem>> -> memref<128x64xf32, #tpu.memory_space<vmem>>
        %parallel_loop3A_1587 = arith.index_cast %parallel_loop3A_1582 : i32 to index
        %parallel_loop3A_1588 = arith.constant 48 : index
        %parallel_loop3A_1589 = tpu.vector_load %parallel_loop3A_1586[%parallel_loop3A_1587, %parallel_loop3A_1588] {strides = array<i32>} : memref<128x64xf32, #tpu.memory_space<vmem>>, vector<1x16xf32>,
        %parallel_loop3A_1590 = vector.shape_cast %parallel_loop3A_1589 : vector<1x16xf32> to vector<16xf32>
        %parallel_loop3A_1591 = vector.shape_cast %parallel_loop3A_1412 : vector<16xf32> to vector<1x16xf32>
        tpu.vector_store %parallel_loop3A_1586[%parallel_loop3A_1587, %parallel_loop3A_1588], %parallel_loop3A_1591 {strides = array<i32>} : memref<128x64xf32, #tpu.memory_space<vmem>>, vector<1x16xf32>,
        %parallel_loop3A_1592 = arith.constant 3 : i32
        %parallel_loop3A_1593 = arith.addi %parallel_loop3A_1271, %parallel_loop3A_1592 : i32
        %parallel_loop3A_1594 = arith.constant 0 : i32
        %parallel_loop3A_1595 = arith.constant 0 : i32
        %parallel_loop3A_1596 = tpu.memref_slice %arg14[%rem3A_118, %parallel_loop3A_1594, %parallel_loop3A_1595] : memref<4x128x64xf32, #tpu.memory_space<vmem>> -> memref<1x128x64xf32, #tpu.memory_space<vmem>>
        %parallel_loop3A_1597 = tpu.memref_squeeze %parallel_loop3A_1596 : memref<1x128x64xf32, #tpu.memory_space<vmem>> -> memref<128x64xf32, #tpu.memory_space<vmem>>
        %parallel_loop3A_1598 = arith.index_cast %parallel_loop3A_1593 : i32 to index
        %parallel_loop3A_1599 = arith.constant 0 : index
        %parallel_loop3A_1600 = tpu.vector_load %parallel_loop3A_1597[%parallel_loop3A_1598, %parallel_loop3A_1599] {strides = array<i32>} : memref<128x64xf32, #tpu.memory_space<vmem>>, vector<1x16xf32>,
        %parallel_loop3A_1601 = vector.shape_cast %parallel_loop3A_1600 : vector<1x16xf32> to vector<16xf32>
        %parallel_loop3A_1602 = vector.shape_cast %parallel_loop3A_1426 : vector<16xf32> to vector<1x16xf32>
        tpu.vector_store %parallel_loop3A_1597[%parallel_loop3A_1598, %parallel_loop3A_1599], %parallel_loop3A_1602 {strides = array<i32>} : memref<128x64xf32, #tpu.memory_space<vmem>>, vector<1x16xf32>,
        %parallel_loop3A_1603 = arith.constant 3 : i32
        %parallel_loop3A_1604 = arith.addi %parallel_loop3A_1271, %parallel_loop3A_1603 : i32
        %parallel_loop3A_1605 = arith.constant 0 : i32
        %parallel_loop3A_1606 = arith.constant 0 : i32
        %parallel_loop3A_1607 = tpu.memref_slice %arg14[%rem3A_118, %parallel_loop3A_1605, %parallel_loop3A_1606] : memref<4x128x64xf32, #tpu.memory_space<vmem>> -> memref<1x128x64xf32, #tpu.memory_space<vmem>>
        %parallel_loop3A_1608 = tpu.memref_squeeze %parallel_loop3A_1607 : memref<1x128x64xf32, #tpu.memory_space<vmem>> -> memref<128x64xf32, #tpu.memory_space<vmem>>
        %parallel_loop3A_1609 = arith.index_cast %parallel_loop3A_1604 : i32 to index
        %parallel_loop3A_1610 = arith.constant 16 : index
        %parallel_loop3A_1611 = tpu.vector_load %parallel_loop3A_1608[%parallel_loop3A_1609, %parallel_loop3A_1610] {strides = array<i32>} : memref<128x64xf32, #tpu.memory_space<vmem>>, vector<1x16xf32>,
        %parallel_loop3A_1612 = vector.shape_cast %parallel_loop3A_1611 : vector<1x16xf32> to vector<16xf32>
        %parallel_loop3A_1613 = vector.shape_cast %parallel_loop3A_1437 : vector<16xf32> to vector<1x16xf32>
        tpu.vector_store %parallel_loop3A_1608[%parallel_loop3A_1609, %parallel_loop3A_1610], %parallel_loop3A_1613 {strides = array<i32>} : memref<128x64xf32, #tpu.memory_space<vmem>>, vector<1x16xf32>,
        %parallel_loop3A_1614 = arith.constant 3 : i32
        %parallel_loop3A_1615 = arith.addi %parallel_loop3A_1271, %parallel_loop3A_1614 : i32
        %parallel_loop3A_1616 = arith.constant 0 : i32
        %parallel_loop3A_1617 = arith.constant 0 : i32
        %parallel_loop3A_1618 = tpu.memref_slice %arg14[%rem3A_118, %parallel_loop3A_1616, %parallel_loop3A_1617] : memref<4x128x64xf32, #tpu.memory_space<vmem>> -> memref<1x128x64xf32, #tpu.memory_space<vmem>>
        %parallel_loop3A_1619 = tpu.memref_squeeze %parallel_loop3A_1618 : memref<1x128x64xf32, #tpu.memory_space<vmem>> -> memref<128x64xf32, #tpu.memory_space<vmem>>
        %parallel_loop3A_1620 = arith.index_cast %parallel_loop3A_1615 : i32 to index
        %parallel_loop3A_1621 = arith.constant 32 : index
        %parallel_loop3A_1622 = tpu.vector_load %parallel_loop3A_1619[%parallel_loop3A_1620, %parallel_loop3A_1621] {strides = array<i32>} : memref<128x64xf32, #tpu.memory_space<vmem>>, vector<1x16xf32>,
        %parallel_loop3A_1623 = vector.shape_cast %parallel_loop3A_1622 : vector<1x16xf32> to vector<16xf32>
        %parallel_loop3A_1624 = vector.shape_cast %parallel_loop3A_1448 : vector<16xf32> to vector<1x16xf32>
        tpu.vector_store %parallel_loop3A_1619[%parallel_loop3A_1620, %parallel_loop3A_1621], %parallel_loop3A_1624 {strides = array<i32>} : memref<128x64xf32, #tpu.memory_space<vmem>>, vector<1x16xf32>,
        %parallel_loop3A_1625 = arith.constant 3 : i32
        %parallel_loop3A_1626 = arith.addi %parallel_loop3A_1271, %parallel_loop3A_1625 : i32
        %parallel_loop3A_1627 = arith.constant 0 : i32
        %parallel_loop3A_1628 = arith.constant 0 : i32
        %parallel_loop3A_1629 = tpu.memref_slice %arg14[%rem3A_118, %parallel_loop3A_1627, %parallel_loop3A_1628] : memref<4x128x64xf32, #tpu.memory_space<vmem>> -> memref<1x128x64xf32, #tpu.memory_space<vmem>>
        %parallel_loop3A_1630 = tpu.memref_squeeze %parallel_loop3A_1629 : memref<1x128x64xf32, #tpu.memory_space<vmem>> -> memref<128x64xf32, #tpu.memory_space<vmem>>
        %parallel_loop3A_1631 = arith.index_cast %parallel_loop3A_1626 : i32 to index
        %parallel_loop3A_1632 = arith.constant 48 : index
        %parallel_loop3A_1633 = tpu.vector_load %parallel_loop3A_1630[%parallel_loop3A_1631, %parallel_loop3A_1632] {strides = array<i32>} : memref<128x64xf32, #tpu.memory_space<vmem>>, vector<1x16xf32>,
        %parallel_loop3A_1634 = vector.shape_cast %parallel_loop3A_1633 : vector<1x16xf32> to vector<16xf32>
        %parallel_loop3A_1635 = vector.shape_cast %parallel_loop3A_1459 : vector<16xf32> to vector<1x16xf32>
        tpu.vector_store %parallel_loop3A_1630[%parallel_loop3A_1631, %parallel_loop3A_1632], %parallel_loop3A_1635 {strides = array<i32>} : memref<128x64xf32, #tpu.memory_space<vmem>>, vector<1x16xf32>,
      } {sc.loop_unroll_factor = 1 : i64, sc.parallel_access}
      %dma_start3A_143 = arith.constant 0 : i32
      %dma_start3A_144 = arith.constant 0 : i32
      %dma_start3A_145 = tpu.memref_slice %arg14[%rem3A_118, %dma_start3A_143, %dma_start3A_144] : memref<4x128x64xf32, #tpu.memory_space<vmem>> -> memref<1x128x64xf32, #tpu.memory_space<vmem>>
      %dma_start3A_146 = tpu.memref_squeeze %dma_start3A_145 : memref<1x128x64xf32, #tpu.memory_space<vmem>> -> memref<128x64xf32, #tpu.memory_space<vmem>>
      %dma_start3A_147 = arith.constant 0 : i32
      %dma_start3A_148 = tpu.memref_slice %arg12[%add3A_116, %dma_start3A_147] : memref<148x128xi32, #tpu.memory_space<vmem>> -> memref<1x128xi32, #tpu.memory_space<vmem>>
      %dma_start3A_149 = tpu.memref_squeeze %dma_start3A_148 : memref<1x128xi32, #tpu.memory_space<vmem>> -> memref<128xi32, #tpu.memory_space<vmem>>
      %dma_start3A_150 = arith.constant 0 : i32
      %dma_start3A_151 = arith.constant 0 : i32
      %dma_start3A_152 = tpu.memref_slice %arg15[%dma_start3A_150, %dma_start3A_151] : memref<10000x64xf32, #tpu.memory_space<vmem_shared>> -> memref<10000x64xf32, #tpu.memory_space<vmem_shared>>
      %dma_start3A_153 = tpu.memref_slice %arg17[%rem3A_118] : memref<4x!tpu.dma_semaphore, #tpu.memory_space<semaphore_mem>> -> memref<1x!tpu.dma_semaphore, #tpu.memory_space<semaphore_mem>>
      %dma_start3A_154 = tpu.memref_squeeze %dma_start3A_153 : memref<1x!tpu.dma_semaphore, #tpu.memory_space<semaphore_mem>> -> memref<!tpu.dma_semaphore, #tpu.memory_space<semaphore_mem>>
      tpu.enqueue_indirect_dma source(%dma_start3A_146 : memref<128x64xf32, #tpu.memory_space<vmem>>) target(%dma_start3A_152 : memref<10000x64xf32, #tpu.memory_space<vmem_shared>>) offsets(%dma_start3A_149 : memref<128xi32, #tpu.memory_space<vmem>>) semaphore(%dma_start3A_154 : memref<!tpu.dma_semaphore, #tpu.memory_space<semaphore_mem>>) {add = true}
    }
    %sub3A_72 = arith.constant 2 : i32
    %sub3A_73 = arith.subi %select_n3A, %sub3A_72 : i32
    %rem3A = arith.constant 4 : i32
    %rem3A_74 = arith.remsi %sub3A_73, %rem3A : i32
    %dma_wait3A = arith.constant 0 : i32
    %dma_wait3A_75 = arith.constant 0 : i32
    %dma_wait3A_76 = arith.constant 0 : i32
    %dma_wait3A_77 = tpu.memref_slice %arg14[%rem3A_74, %dma_wait3A_75, %dma_wait3A_76] : memref<4x128x64xf32, #tpu.memory_space<vmem>> -> memref<1x128x64xf32, #tpu.memory_space<vmem>>
    %dma_wait3A_78 = tpu.memref_squeeze %dma_wait3A_77 : memref<1x128x64xf32, #tpu.memory_space<vmem>> -> memref<128x64xf32, #tpu.memory_space<vmem>>
    %dma_wait3A_79 = arith.constant 0 : i32
    %dma_wait3A_80 = tpu.memref_slice %arg12[%dma_wait3A, %dma_wait3A_79] : memref<148x128xi32, #tpu.memory_space<vmem>> -> memref<1x128xi32, #tpu.memory_space<vmem>>
    %dma_wait3A_81 = tpu.memref_squeeze %dma_wait3A_80 : memref<1x128xi32, #tpu.memory_space<vmem>> -> memref<128xi32, #tpu.memory_space<vmem>>
    %dma_wait3A_82 = arith.constant 0 : i32
    %dma_wait3A_83 = arith.constant 0 : i32
    %dma_wait3A_84 = tpu.memref_slice %arg15[%dma_wait3A_82, %dma_wait3A_83] : memref<10000x64xf32, #tpu.memory_space<vmem_shared>> -> memref<10000x64xf32, #tpu.memory_space<vmem_shared>>
    %dma_wait3A_85 = tpu.memref_slice %arg17[%rem3A_74] : memref<4x!tpu.dma_semaphore, #tpu.memory_space<semaphore_mem>> -> memref<1x!tpu.dma_semaphore, #tpu.memory_space<semaphore_mem>>
    %dma_wait3A_86 = tpu.memref_squeeze %dma_wait3A_85 : memref<1x!tpu.dma_semaphore, #tpu.memory_space<semaphore_mem>> -> memref<!tpu.dma_semaphore, #tpu.memory_space<semaphore_mem>>
    tpu.wait_indirect_dma semaphore(%dma_wait3A_86 : memref<!tpu.dma_semaphore, #tpu.memory_space<semaphore_mem>>) src(%dma_wait3A_78 : memref<128x64xf32, #tpu.memory_space<vmem>>) dst(%dma_wait3A_84 : memref<10000x64xf32, #tpu.memory_space<vmem_shared>>)
    %sub3A_87 = arith.constant 1 : i32
    %sub3A_88 = arith.subi %select_n3A, %sub3A_87 : i32
    %rem3A_89 = arith.constant 4 : i32
    %rem3A_90 = arith.remsi %sub3A_88, %rem3A_89 : i32
    %dma_wait3A_91 = arith.constant 0 : i32
    %dma_wait3A_92 = arith.constant 0 : i32
    %dma_wait3A_93 = arith.constant 0 : i32
    %dma_wait3A_94 = tpu.memref_slice %arg14[%rem3A_90, %dma_wait3A_92, %dma_wait3A_93] : memref<4x128x64xf32, #tpu.memory_space<vmem>> -> memref<1x128x64xf32, #tpu.memory_space<vmem>>
    %dma_wait3A_95 = tpu.memref_squeeze %dma_wait3A_94 : memref<1x128x64xf32, #tpu.memory_space<vmem>> -> memref<128x64xf32, #tpu.memory_space<vmem>>
    %dma_wait3A_96 = arith.constant 0 : i32
    %dma_wait3A_97 = tpu.memref_slice %arg12[%dma_wait3A_91, %dma_wait3A_96] : memref<148x128xi32, #tpu.memory_space<vmem>> -> memref<1x128xi32, #tpu.memory_space<vmem>>
    %dma_wait3A_98 = tpu.memref_squeeze %dma_wait3A_97 : memref<1x128xi32, #tpu.memory_space<vmem>> -> memref<128xi32, #tpu.memory_space<vmem>>
    %dma_wait3A_99 = arith.constant 0 : i32
    %dma_wait3A_100 = arith.constant 0 : i32
    %dma_wait3A_101 = tpu.memref_slice %arg15[%dma_wait3A_99, %dma_wait3A_100] : memref<10000x64xf32, #tpu.memory_space<vmem_shared>> -> memref<10000x64xf32, #tpu.memory_space<vmem_shared>>
    %dma_wait3A_102 = tpu.memref_slice %arg17[%rem3A_90] : memref<4x!tpu.dma_semaphore, #tpu.memory_space<semaphore_mem>> -> memref<1x!tpu.dma_semaphore, #tpu.memory_space<semaphore_mem>>
    %dma_wait3A_103 = tpu.memref_squeeze %dma_wait3A_102 : memref<1x!tpu.dma_semaphore, #tpu.memory_space<semaphore_mem>> -> memref<!tpu.dma_semaphore, #tpu.memory_space<semaphore_mem>>
    tpu.wait_indirect_dma semaphore(%dma_wait3A_103 : memref<!tpu.dma_semaphore, #tpu.memory_space<semaphore_mem>>) src(%dma_wait3A_95 : memref<128x64xf32, #tpu.memory_space<vmem>>) dst(%dma_wait3A_101 : memref<10000x64xf32, #tpu.memory_space<vmem_shared>>)
    "tpu.trace_stop"() : () -> ()
    "tpu.trace_start"() <{level = 10 : i32, message = "barrier2"}> : () -> ()
    %barrier3A_104 = arith.constant 0 : index
    tpu.barrier barrier_id(%barrier3A_104)
    "tpu.trace_stop"() : () -> ()
    "tpu.trace_start"() <{level = 10 : i32, message = "writeback"}> : () -> ()
    %mul3A_105 = arith.constant 624 : i32
    %mul3A_106 = arith.muli %arg1, %mul3A_105 : i32
    %mul3A_107 = arith.constant 624 : i32
    %mul3A_108 = arith.muli %arg1, %mul3A_107 : i32
    "tpu.region"() ({
      %run_scoped3A = tpu.sem_alloc : memref<!tpu.dma_semaphore, #tpu.memory_space<semaphore_mem>>
      %dma_start3A_114 = arith.constant 0 : i32
      %dma_start3A_115 = tpu.memref_slice %arg10[%arg0, %mul3A_108, %dma_start3A_114] : memref<2x10000x64xf32, #tpu.memory_space<hbm>> -> memref<1x624x64xf32, #tpu.memory_space<hbm>>
      %dma_start3A_116 = tpu.memref_squeeze %dma_start3A_115 : memref<1x624x64xf32, #tpu.memory_space<hbm>> -> memref<624x64xf32, #tpu.memory_space<hbm>>
      %dma_start3A_117 = arith.constant 0 : i32
      %dma_start3A_118 = tpu.memref_slice %arg15[%mul3A_106, %dma_start3A_117] : memref<10000x64xf32, #tpu.memory_space<vmem_shared>> -> memref<624x64xf32, #tpu.memory_space<vmem_shared>>
      tpu.enqueue_dma source(%dma_start3A_118 : memref<624x64xf32, #tpu.memory_space<vmem_shared>>) target(%dma_start3A_116 : memref<624x64xf32, #tpu.memory_space<hbm>>) target_semaphore(%run_scoped3A : memref<!tpu.dma_semaphore, #tpu.memory_space<semaphore_mem>>)
      %dma_wait3A_119 = arith.constant 0 : i32
      %dma_wait3A_120 = tpu.memref_slice %arg10[%arg0, %mul3A_108, %dma_wait3A_119] : memref<2x10000x64xf32, #tpu.memory_space<hbm>> -> memref<1x624x64xf32, #tpu.memory_space<hbm>>
      %dma_wait3A_121 = tpu.memref_squeeze %dma_wait3A_120 : memref<1x624x64xf32, #tpu.memory_space<hbm>> -> memref<624x64xf32, #tpu.memory_space<hbm>>
      %dma_wait3A_122 = arith.constant 0 : i32
      %dma_wait3A_123 = tpu.memref_slice %arg15[%mul3A_106, %dma_wait3A_122] : memref<10000x64xf32, #tpu.memory_space<vmem_shared>> -> memref<624x64xf32, #tpu.memory_space<vmem_shared>>
      tpu.wait_dma2 semaphore(%run_scoped3A : memref<!tpu.dma_semaphore, #tpu.memory_space<semaphore_mem>>) src(%dma_wait3A_123 : memref<624x64xf32, #tpu.memory_space<vmem_shared>>) dst(%dma_wait3A_121 : memref<624x64xf32, #tpu.memory_space<hbm>>)
      tpu.yield
    }) : () -> ()
    %eq3A_109 = arith.constant 15 : i32
    %eq3A_110 = arith.cmpi eq, %arg1, %eq3A_109 : i32
    %convert_element_type3A_111 = arith.extui %eq3A_110 : i1 to i32
    %cond3A_112 = arith.constant 0 : i32
    %cond3A_113 = arith.cmpi ne, %convert_element_type3A_111, %cond3A_112 : i32
    scf.if %cond3A_113 {
      "tpu.region"() ({
        %run_scoped3A = tpu.sem_alloc : memref<!tpu.dma_semaphore, #tpu.memory_space<semaphore_mem>>
        %dma_start3A_114 = arith.constant 9984 : i32
        %dma_start3A_115 = arith.constant 0 : i32
        %dma_start3A_116 = tpu.memref_slice %arg10[%arg0, %dma_start3A_114, %dma_start3A_115] : memref<2x10000x64xf32, #tpu.memory_space<hbm>> -> memref<1x16x64xf32, #tpu.memory_space<hbm>>
        %dma_start3A_117 = tpu.memref_squeeze %dma_start3A_116 : memref<1x16x64xf32, #tpu.memory_space<hbm>> -> memref<16x64xf32, #tpu.memory_space<hbm>>
        %dma_start3A_118 = arith.constant 9984 : i32
        %dma_start3A_119 = arith.constant 0 : i32
        %dma_start3A_120 = tpu.memref_slice %arg15[%dma_start3A_118, %dma_start3A_119] : memref<10000x64xf32, #tpu.memory_space<vmem_shared>> -> memref<16x64xf32, #tpu.memory_space<vmem_shared>>
        tpu.enqueue_dma source(%dma_start3A_120 : memref<16x64xf32, #tpu.memory_space<vmem_shared>>) target(%dma_start3A_117 : memref<16x64xf32, #tpu.memory_space<hbm>>) target_semaphore(%run_scoped3A : memref<!tpu.dma_semaphore, #tpu.memory_space<semaphore_mem>>)
        %dma_wait3A_121 = arith.constant 9984 : i32
        %dma_wait3A_122 = arith.constant 0 : i32
        %dma_wait3A_123 = tpu.memref_slice %arg10[%arg0, %dma_wait3A_121, %dma_wait3A_122] : memref<2x10000x64xf32, #tpu.memory_space<hbm>> -> memref<1x16x64xf32, #tpu.memory_space<hbm>>
        %dma_wait3A_124 = tpu.memref_squeeze %dma_wait3A_123 : memref<1x16x64xf32, #tpu.memory_space<hbm>> -> memref<16x64xf32, #tpu.memory_space<hbm>>
        %dma_wait3A_125 = arith.constant 9984 : i32
        %dma_wait3A_126 = arith.constant 0 : i32
        %dma_wait3A_127 = tpu.memref_slice %arg15[%dma_wait3A_125, %dma_wait3A_126] : memref<10000x64xf32, #tpu.memory_space<vmem_shared>> -> memref<16x64xf32, #tpu.memory_space<vmem_shared>>
        tpu.wait_dma2 semaphore(%run_scoped3A : memref<!tpu.dma_semaphore, #tpu.memory_space<semaphore_mem>>) src(%dma_wait3A_127 : memref<16x64xf32, #tpu.memory_space<vmem_shared>>) dst(%dma_wait3A_124 : memref<16x64xf32, #tpu.memory_space<hbm>>)
        tpu.yield
      }) : () -> ()
    } else {
    }
    "tpu.trace_stop"() : () -> ()
    return
  }
}

</mosaic_0001>

<sc_bundles>
// kernel: _sc_scatter.3.cloned.1.call-start
scs
__scs_entry_jumppad:
0x0: {  	(pc) =	sbr.rel $0x88, $3  }
0x1: {  	(tag) =	ssettag $0x0;
	lr =	simm.s32 $0x1  }
0x2: {  	[smem:$0x3F99] =	sst lr;
	_ =	strace $0xD0000000  }
0x3: {  	_ = 	snop  }
0x4: {  	_ = 	snop  }
0x5: {  	_ = 	snop  }
0x6: {  	_ = 	snop  }
0x7: {  	_ = 	snop  }
__scs_overlays_trampoline_lowered:
0x8: {  	[smem:$0x3FA8] =	sst s0  }
0x9: {  	[smem:$0x3FA9] =	sst s1  }
0xa: {  	[smem:$0x3FAA] =	sst s2  }
0xb: {  	[smem:$0x3FAB] =	sst s3  }
0xc: {  	[smem:$0x3FAC] =	sst s4  }
0xd: {  	[smem:$0x3FAD] =	sst s5  }
0xe: {  	[smem:$0x3FAE] =	sst s6  }
0xf: {  	[smem:$0x3FAF] =	sst s7  }
0x10: {  	[smem:$0x3FB0] =	sst s8  }
0x11: {  	[smem:$0x3FB1] =	sst s9;
	s0 =	simm.s32 @!p0 $0x0  }
0x12: {  	s1 =	sld [smem:$0x3F97];
	s0 =	simm.s32 @p0 $0x1  }
0x13: {  	[smem:$0x3FB2] =	sst s0;
	s0 =	simm.s32 @!p1 $0x0  }
0x14: {  	s2 =	sld [smem:$0x3F96];
	s0 =	simm.s32 @p1 $0x1  }
0x15: {  	[smem:$0x3FB3] =	sst s0;
	s0 =	simm.s32 @!p2 $0x0  }
0x16: {  	s3 =	sld [smem:$0x3FDB];
	s0 =	simm.s32 @p2 $0x1  }
0x17: {  	s4 =	simm.s32 $0x1BF5;
	[smem:$0x3FB5] =	sst s0  }
0x18: {  	s0 =	sld [smem:$0x3F98];
	_ =	swait.ge [sflag:s4], $0x0  }
0x19: {  	s7 =	sld [smem:$0x3F99]  }
0x1a: {  	s8 =	sadd.s32 $0xFFFFE003, lr  }
0x1b: {  	s9 =	sadd.s32 $0xFFFFFEF7, lr;
	s5 =	simm.s32 $0xFFFFFFFF;
	p2 =	slt.u32 s8, $0xFFFFF086  }
0x1c: {  	p1 =	slt.u32 s9, $0xF7A;
	s5 =	simm.s32 @!p2 $0x0  }
0x1d: {  	s5 =	simm.s32 @p1 $0x1;
	p0 =	seq.s32 s7, s2  }
0x1e: {  	s7 =	smul.u32 @!p0 $0xF7A, s2;
	p2 =	seq.s32 @!p0 s5, $0x0  }
0x1f: {  	s9 =	smul.u32 $0xF7A, s1;
	s8 =	simm.s32 @!p0 $0x1BF5;
	p2 =	por !p2, p0  }
0x20: {  	[sflag:s8] =	ssyncset.s32 @!p0 $0xFFFFF086;
	s6 =	sadd.s32 @!p0 s3, s7;
	s7 =	simm.s32 @!p0 $0x108  }
0x21: {  	s3 =	sadd.s32 s3, s9;
	s6 =	sadd.s32 @!p0 $0x88, s6;
	s7 =	simm.s32 @p2 $0x1082  }
0x22: {  	[simem:s7], [sflag:s8] =	dma.local @!p0 [hbm:s6], $0xF7A  }
0x23: {  	s9 =	sor.u32 $0xD0000000, s2;
	s6 =	simm.s32 $0x108;
	_ =	swait.ge @!p0 [sflag:s8], $0x0  }
0x24: {  	s3 =	sadd.s32 $0x88, s3;
	s6 =	simm.s32 @!p1 $0x1082;
	[sflag:s4] =	ssyncset.s32 $0xFFFFF086  }
0x25: {  	[simem:s6], [sflag:s4] =	dma.local [hbm:s3], $0xF7A  }
0x26: {  	[smem:$0x3F99] =	sst s1;
	(tag) =	ssettag s2;
	_ =	strace s9  }
0x27: {  	s1 =	sld [smem:$0x3FA9]  }
0x28: {  	s2 =	sld [smem:$0x3FAA]  }
0x29: {  	s4 =	sld [smem:$0x3FAC]  }
0x2a: {  	p0 =	seq.s32 s5, $0x0;
	s5 =	sld [smem:$0x3FAD]  }
0x2b: {  	s6 =	sld [smem:$0x3FAE]  }
0x2c: {  	s7 =	sld [smem:$0x3FAF]  }
0x2d: {  	s3 =	simm.s32 $0x108;
	s8 =	sld [smem:$0x3FB0]  }
0x2e: {  	s3 =	simm.s32 @!p0 $0x1082;
	s9 =	sld [smem:$0x3FB1]  }
0x2f: {  	lr =	sadd.s32 s0, s3;
	s0 =	sld [smem:$0x3FA8]  }
0x30: {  	s3 =	sld [smem:$0x3FAB]  }
0x31: {  	[smem:$0x3FB4] =	sst s10  }
0x32: {  	s10 =	sld [smem:$0x3FB2];
	_ =	sdelay $0x3  }
0x33: {  	p0 =	seq.s32 s10, $0x1;
	s10 =	sld [smem:$0x3FB4];
	_ =	sdelay $0x3  }
0x34: {  	[smem:$0x3FB4] =	sst s10  }
0x35: {  	s10 =	sld [smem:$0x3FB3];
	_ =	sdelay $0x3  }
0x36: {  	p1 =	seq.s32 s10, $0x1;
	s10 =	sld [smem:$0x3FB4];
	_ =	sdelay $0x3  }
0x37: {  	[smem:$0x3FB4] =	sst s10  }
0x38: {  	s10 =	sld [smem:$0x3FB5]  }
0x39: {  	_ = 	snop;
	(pc) =	sbr.ind lr, $3  }
0x3a: {  	_ = 	snop  }
0x3b: {  	_ = 	snop  }
0x3c: {  	p2 =	seq.s32 s10, $0x1;
	s10 =	sld [smem:$0x3FB4]  }
0x3d: {  	_ =	shalt  }
0x3e: {  	_ =	shalt  }
0x3f: {  	_ =	shalt  }
0x40: {  	_ =	shalt  }
0x41: {  	_ =	shalt  }
0x42: {  	_ =	shalt  }
0x43: {  	_ =	shalt  }
0x44: {  	_ =	shalt  }
0x45: {  	_ =	shalt  }
0x46: {  	_ =	shalt  }
0x47: {  	_ =	shalt  }
0x48: {  	_ =	shalt  }
0x49: {  	_ =	shalt  }
0x4a: {  	_ =	shalt  }
0x4b: {  	_ =	shalt  }
0x4c: {  	_ =	shalt  }
0x4d: {  	_ =	shalt  }
0x4e: {  	_ =	shalt  }
0x4f: {  	_ =	shalt  }
0x50: {  	_ =	shalt  }
0x51: {  	_ =	shalt  }
0x52: {  	_ =	shalt  }
0x53: {  	_ =	shalt  }
0x54: {  	_ =	shalt  }
0x55: {  	_ =	shalt  }
0x56: {  	_ =	shalt  }
0x57: {  	_ =	shalt  }
0x58: {  	_ =	shalt  }
0x59: {  	_ =	shalt  }
0x5a: {  	_ =	shalt  }
0x5b: {  	_ =	shalt  }
0x5c: {  	_ =	shalt  }
0x5d: {  	_ =	shalt  }
0x5e: {  	_ =	shalt  }
0x5f: {  	_ =	shalt  }
0x60: {  	_ =	shalt  }
0x61: {  	_ =	shalt  }
0x62: {  	_ =	shalt  }
0x63: {  	_ =	shalt  }
0x64: {  	_ =	shalt  }
0x65: {  	_ =	shalt  }
0x66: {  	_ =	shalt  }
0x67: {  	_ =	shalt  }
0x68: {  	_ =	shalt  }
0x69: {  	_ =	shalt  }
0x6a: {  	_ =	shalt  }
0x6b: {  	_ =	shalt  }
0x6c: {  	_ =	shalt  }
0x6d: {  	_ =	shalt  }
0x6e: {  	_ =	shalt  }
0x6f: {  	_ =	shalt  }
0x70: {  	_ =	shalt  }
0x71: {  	_ =	shalt  }
0x72: {  	_ =	shalt  }
0x73: {  	_ =	shalt  }
0x74: {  	_ =	shalt  }
0x75: {  	_ =	shalt  }
0x76: {  	_ =	shalt  }
0x77: {  	_ =	shalt  }
0x78: {  	_ =	shalt  }
0x79: {  	_ =	shalt  }
0x7a: {  	_ =	shalt  }
0x7b: {  	_ =	shalt  }
0x7c: {  	_ =	shalt  }
0x7d: {  	_ =	shalt  }
0x7e: {  	_ =	shalt  }
0x7f: {  	_ =	shalt  }
0x80: {  	_ =	shalt  }
0x81: {  	_ =	shalt  }
0x82: {  	_ =	shalt  }
0x83: {  	_ =	shalt  }
0x84: {  	_ =	shalt  }
0x85: {  	_ =	shalt  }
0x86: {  	_ =	shalt  }
0x87: {  	_ =	shalt  }
.Lfunc_end0:
.L_simem_size_0:
called_computation_lowered:
.L_overlay_start_0:
0x88: {  	s2 =	sld [smem:$0x3FD9]  }
0x89: {  	s3 =	sld [smem:$0x3FFE];
	_ =	sdelay $0x1  }
0x8a: {  	s1 =	srdreg.scid  }
0x8b: {  	s0 =	sand.u32 $0x1, s1  }
0x8c: {  	s17 =	sshll.u32 s0, $0xA;
	s2 =	sadd.s32 s3, s2  }
0x8d: {  	s2 =	sadd.s32 s2, s17  }
0x8e: {  	[smem:$0x3FC0] =	sst s2  }
0x8f: {  	_ = 	snop  }
0x90: {  	s2 =	sld [smem:$0x3FD0];
	(tm) =	ssettm $0x1  }
0x91: {  	s18 =	sld [smem:$0x3FFB];
	_ =	sdelay $0x3  }
0x92: {  	_ =	strace s18  }
0x93: {  	s3 =	sld [smem:$0x3FFC];
	_ =	sdelay $0x3  }
0x94: {  	_ =	strace s3  }
0x95: {  	s3 =	sld [smem:$0x3FFD];
	_ =	sdelay $0x3  }
0x96: {  	_ =	strace s3  }
0x97: {  	_ =	strace $0x8FFFFFFF  }
0x98: {  	s19 =	sld [smem:$0x3FDB];
	_ =	sdelay $0x1  }
0x99: {  	s4 =	simm.s32 $_scs_section_size  }
0x9a: {  	s5 =	simm.s32 $_size__tile_overlayer_lowered;
	s6 =	simm.s32 $_tile_overlayer_lowered  }
0x9b: {  	s22 =	simm.s32 $0x1BFF;
	s21 =	sshll.u32 s6, $0x1;
	s3 =	sadd.s32 s4, s19  }
0x9c: {  	s7 =	simm.s32 $0x0;
	s20 =	sshll.u32 s5, $0x1;
	s5 =	sadd.s32 s21, s3  }
0x9d: {  	[timem:s7], [sflag:s22] =	dma.local [hbm:s5], s20  }
0x9e: {  	_ =	swait.ge [sflag:s22], s20  }
0x9f: {  	s4 =	ssub.s32 $0x0, s20;
	[sflag:s22] =	ssyncset.done $0x0  }
0xa0: {  	[sflag:s22] =	ssyncadd.s32 s4;
	_ =	sdelay $0x1  }
0xa1: {  	s23 =	simm.s32 $0x1B8B  }
0xa2: {  	_ =	swait.ge [sflag:s23], $0x1  }
0xa3: {  	[sflag:s23] =	ssyncset.done $0x0  }
0xa4: {  	s25 =	simm.s32 $0x1B8E;
	s24 =	sld [smem:$0x3FFE];
	[sflag:s23] =	ssyncadd.s32 $0xFFFFFFFF  }
0xa5: {  	s26 =	simm.s32 $execute0_lowered;
	[smem:$0x3FD2] =	sst s25  }
0xa6: {  	s5 =	sshll.u32 s26, $0x1;
	_ =	strace $0x80000046;
	[dreg:$0x1] =	wrdreg $0xFFFFFFFF  }
0xa7: {  	s28 =	simm.s32 $_size_execute0_lowered;
	s3 =	sadd.s32 s3, s5;
	[dreg:$0x0] =	wrdreg $0x0  }
0xa8: {  	s5 =	sshll.u32 s28, $0x1;
	[dreg:$0x2] =	wrdreg s3  }
0xa9: {  	[dreg:$0x3] =	wrdreg s5  }
0xaa: {  	[dreg:$0x4] =	wrdreg $0xC0  }
0xab: {  	_ =	task [dreg:s7], $0x5FFFF  }
0xac: {  	[dreg:$0x1] =	wrdreg $0xFFFFFFFF  }
0xad: {  	[dreg:$0x0] =	wrdreg $0x60  }
0xae: {  	[dreg:$0x2] =	wrdreg s24  }
0xaf: {  	[dreg:$0x3] =	wrdreg s2  }
0xb0: {  	[dreg:$0x4] =	wrdreg $0x15E000  }
0xb1: {  	[dreg:$0x5] =	wrdreg $0x9  }
0xb2: {  	_ =	task.clear_ibuf [dreg:s7], $0x6FFFF;
	_ =	strace $0x90000046  }
0xb3: {  	s29 =	simm.s32 $0x9;
	_ =	strace $0x8000004F  }
0xb4: {  	_ =	swait.ge [sflag:s29], $0x1  }
0xb5: {  	[sflag:s29] =	ssyncadd.s32 $0xFFFFFFFF  }
0xb6: {  	_ =	strace $0x9000004F  }
0xb7: {  	_ =	sfence  }
0xb8: {  	s30 =	sld [smem:$0x0];
	_ =	sdelay $0x2  }
0xb9: {  	s31 =	sshll.u32 s1, $0xD;
	s1 =	sshrl.u32 s1, $0x2  }
0xba: {  	s3 =	sand.u32 $0x4000, s31;
	s1 =	sadd.s32 s1, s30  }
0xbb: {  	s0 =	sor.u32 s3, s0;
	s1 =	sshll.u32 s1, $0x11  }
0xbc: {  	s0 =	sor.u32 s1, s0  }
0xbd: {  	s0 =	sadd.s32 $0x8F2B, s0  }
0xbe: {  	[sflag:s0] =	ssyncadd.remote.s32 $0x1  }
0xbf: {  	_ =	sfence.sel $0xFFFF  }
0xc0: {  	[dreg:$0x0] =	wrdreg $0xFFFFFFFF;
	(pc) =	sbr.abs _section_cstart, $3  }
0xc1: {  	[dreg:$0x1] =	wrdreg $0xFFFFFFFF  }
0xc2: {  	_ =	task.clear_ibuf [dreg:s7], $0x2FFFF;
	_ =	strace $0x9FFFFFFF  }
0xc3: {  	(tm) =	ssettm $0x7FFFFFFF  }
tec
execute0_lowered:
.L_overlay_start_1:
0x0: {  	(tag) =	ssettag $0x1  }
0x1: {  	s0 =	rddreg [dreg:$0x0]  }
0x2: {  	s1 =	rddreg [dreg:$0x1];
	s20 =	stileid.u32  }
0x3: {  	s2 =	rddreg [dreg:$0x2];
	s3 =	simm.s32 $0x0;
	s22 =	smul.u32 $0x940, s20  }
0x4: {  	s5 =	srdreg.scid;
	s19 =	simm.s32 $0x80;
	s6 =	smul.u32 $0x9C00, s20  }
0x5: {  	[smem:$0x7FF] =	sst s3;
	s4 =	sadd.s32 $0x1EC00, s0;
	s7 =	smul.u32 $0xC0, s20  }
0x6: {  	s8 =	sand.u32 $0x1, s5;
	s5 =	simm.s32 $0x94;
	s14 =	sadd.s32 $0x9C000, s2  }
0x7: {  	s15 =	sadd.s32 $0x45E00, s0;
	s31 =	sshll.u32 s20, $0x6;
	p1 =	sne.s32 s20, $0xF  }
0x8: {  	_ =	strace $0x80000047;
	s9 =	ssub.s32 $0x2, s8;
	p0 =	seq.s32 s8, $0x0  }
0x9: {  	s28 =	smul.u32 $0x9C400, s8;
	s3 =	sadd.s32 s22, s0;
	s23 =	sshrl.u32 s6, $0x3  }
0xa: {  	s7 =	sadd.s32 s7, s0;
	s24 =	sshrl.u32 s9, $0x1;
	s5 =	simm.s32 @!p0 $0xC  }
0xb: {  	s12 =	sadd.s32 s6, s2;
	p0 =	sne.s32 s8, $0x0;
	s22 =	sor.u32 $0x1C09, s31  }
0xc: {  	s13 =	sadd.s32 s23, s0;
	s9 =	ssub.s32 s9, s24;
	s10 =	sadd.s32 $0x1800, s7  }
0xd: {  	s25 =	sadd.s32 $0xC400, s3;
	s26 =	sadd.s32 $0x2400, s7;
	[dreg:$0x4] =	wrdreg s10  }
0xe: {  	s7 =	sadd.s32 $0xC00, s7;
	s11 =	sadd.s32 $0x3000, s3;
	[dreg:$0x5] =	wrdreg s25  }
0xf: {  	s29 =	sadd.s32 s6, s28;
	s30 =	sshrl.u32 s28, $0x3;
	[dreg:$0x6] =	wrdreg s26  }
0x10: {  	s23 =	simm.s32 $0x9;
	s24 =	simm.s32 $0x7;
	[dreg:$0x7] =	wrdreg s7  }
0x11: {  	s10 =	sadd.s32 $0x15800, s3;
	s13 =	sadd.s32 $0x32600, s13;
	s3 =	sshrl.u32 s29, $0x3  }
0x12: {  	s6 =	sadd.s32 s1, s30;
	s18 =	smax.u32 s9, $0x1;
	s25 =	simm.s32 $0x8  }
0x13: {  	s26 =	simm.s32 $0x0;
	s16 =	sadd.s32 s1, s3;
	s17 =	sadd.s32 $0x13800, s6  }
.LBB2_1:
0x14: {  	_ =	strace $0x80000048  }
0x15: {  	s0 =	simm.s32 @p0 $0x0;
	s1 =	rddreg [dreg:$0x4]  }
0x16: {  	[tilespmem:s0], [sflag:$0x9] =	stream.linear.gather @p0 [hbm4b:s1+s0], $0x600, $0x200038;
	[tilespmem:$0x1FA40] =	vst v63  }
0x17: {  	s1 =	simm.s32 @p0 $0x9  }
0x18: {  	_ =	swait.ge @p0 [sflag:s1], $0x600  }
0x19: {  	[sflag:s1] =	ssyncset.done @p0 $0x0  }
0x1a: {  	s3 =	simm.s32 @!p0 $0x0;
	s6 =	rddreg [dreg:$0x5];
	[sflag:s1] =	ssyncadd.s32 @p0 $0xFFFFFA00  }
0x1b: {  	[tilespmem:s3], [sflag:$0x9] =	stream.linear.gather @!p0 [hbm4b:s6+s3], $0x4A00, $0x200038;
	[tilespmem:$0x1FA40] =	vst v63  }
0x1c: {  	s6 =	simm.s32 @!p0 $0x9  }
0x1d: {  	_ =	swait.ge @!p0 [sflag:s6], $0x4A00  }
0x1e: {  	[sflag:s6] =	ssyncset.done @!p0 $0x0  }
0x1f: {  	[sflag:s6] =	ssyncadd.s32 @!p0 $0xFFFFB600  }
0x20: {  	s7 =	simm.s32 $0x0;
	s8 =	simm.s32 $0xDE00;
	_ =	strace $0x90000048  }
0x21: {  	[tilespmem:s8], [sflag:$0x1] =	stream.indirect.gather [hbm4b:s4+s19], $0x40, s7, s19, $0xb8;
	[tilespmem:$0x1FA40] =	vst v63  }
0x22: {  	s21 =	simm.s32 $0xFE00  }
0x23: {  	[tilespmem:s21], [sflag:$0x2] =	stream.indirect.gather [hbm4b:s4+s19], $0x40, s19, s19, $0xb8;
	[tilespmem:$0x1FA40] =	vst v63  }
0x24: {  	_ =	strace $0x80000049  }
0x25: {  	s7 =	simm.s32 @p0 $0x4A00;
	s8 =	rddreg [dreg:$0x6]  }
0x26: {  	[tilespmem:s7], [sflag:$0x9] =	stream.linear.gather @p0 [hbm4b:s8+s0], $0x600, $0x200038;
	[tilespmem:$0x1FA40] =	vst v63  }
0x27: {  	_ =	swait.ge @p0 [sflag:s1], $0x600  }
0x28: {  	[sflag:s1] =	ssyncset.done @p0 $0x0  }
0x29: {  	s7 =	simm.s32 @p0 $0x9400;
	s8 =	rddreg [dreg:$0x7];
	[sflag:s1] =	ssyncadd.s32 @p0 $0xFFFFFA00  }
0x2a: {  	[tilespmem:s7], [sflag:$0x9] =	stream.linear.gather @p0 [hbm4b:s8+s0], $0x600, $0x200038;
	[tilespmem:$0x1FA40] =	vst v63  }
0x2b: {  	_ =	swait.ge @p0 [sflag:s1], $0x600  }
0x2c: {  	[sflag:s1] =	ssyncset.done @p0 $0x0  }
0x2d: {  	s0 =	simm.s32 @!p0 $0x4A00;
	[sflag:s1] =	ssyncadd.s32 @p0 $0xFFFFFA00  }
0x2e: {  	[tilespmem:s0], [sflag:$0x9] =	stream.linear.gather @!p0 [hbm4b:s10+s3], $0x4A00, $0x200038;
	[tilespmem:$0x1FA40] =	vst v63  }
0x2f: {  	_ =	swait.ge @!p0 [sflag:s6], $0x4A00  }
0x30: {  	[sflag:s6] =	ssyncset.done @!p0 $0x0  }
0x31: {  	s0 =	simm.s32 @!p0 $0x9400;
	[sflag:s6] =	ssyncadd.s32 @!p0 $0xFFFFB600  }
0x32: {  	[tilespmem:s0], [sflag:$0x9] =	stream.linear.gather @!p0 [hbm4b:s11+s3], $0x4A00, $0x200038;
	[tilespmem:$0x1FA40] =	vst v63  }
0x33: {  	_ =	swait.ge @!p0 [sflag:s6], $0x4A00  }
0x34: {  	[sflag:s6] =	ssyncset.done @!p0 $0x0  }
0x35: {  	[sflag:s6] =	ssyncadd.s32 @!p0 $0xFFFFB600  }
0x36: {  	_ =	strace $0x90000049  }
0x37: {  	s28 =	sshrl.u32 s12, $0x3;
	_ =	strace $0x8000004A  }
0x38: {  	[spmem:s28], [sflag:s22] =	dma.local [hbm:s13], $0x1380  }
0x39: {  	_ =	swait.ge [sflag:s23], $0x1380  }
0x3a: {  	[sflag:s23] =	ssyncset.done $0x0  }
0x3b: {  	s29 =	sshrl.u32 @!p1 s14, $0x3;
	s0 =	simm.s32 @!p1 $0x9;
	[sflag:s23] =	ssyncadd.s32 $0xFFFFEC80  }
0x3c: {  	[spmem:s29], [sflag:s22] =	dma.local @!p1 [hbm:s15], $0x80  }
0x3d: {  	_ =	swait.ge @!p1 [sflag:s0], $0x80  }
0x3e: {  	[sflag:s0] =	ssyncset.done @!p1 $0x0  }
0x3f: {  	[sflag:s0] =	ssyncadd.s32 @!p1 $0xFFFFFF80  }
0x40: {  	_ =	strace $0x9000004A  }
0x41: {  	_ =	strace $0x8000004B  }
0x42: {  	[bflag:$0x0] =	sbarrier.arrive $0xFFFF  }
0x43: {  	s30 =	simm.s32 $0x9400;
	_ =	strace $0x9000004B  }
0x44: {  	s31 =	simm.s32 $0x0;
	s0 =	simm.s32 $0x0;
	_ =	strace $0x8000004C  }
.LBB2_2:
0x45: {  	s1 =	sand.u32 $0x3, s0;
	p2 =	slt.u32 s0, $0x2;
	s6 =	sadd.s32 $0x2, s0  }
0x46: {  	s3 =	sxor.u32 @!p2 $0x2, s1;
	p3 =	sge.u32 s6, s5  }
0x47: {  	s3 =	sadd.s32 @!p2 $0x5, s3;
	s7 =	sand.u32 @!p3 $0x3, s6  }
0x48: {  	s6 =	sshll.u32 @!p3 s6, $0x7;
	_ =	swait.ge @!p2 [sflag:s3], $0x2000;
	s8 =	sshll.u32 @!p3 s7, $0xD  }
0x49: {  	s6 =	sand.u32 @!p3 $0x3FFFFF80, s6;
	s7 =	sadd.s32 @!p3 $0x1, s7;
	[sflag:s3] =	ssyncset.done @!p2 $0x0  }
0x4a: {  	[sflag:s3] =	ssyncadd.s32 @!p2 $0xFFFFE000;
	s3 =	sadd.s32 @!p3 $0xDE00, s8;
	s8 =	simm.s32 @!p3 $0x80  }
0x4b: {  	v1 =	vmov s30;
	[tilespmem:s3], [sflag:s7] =	stream.indirect.gather @!p3 [hbm4b:s4+s8], $0x40, s6, s8, $0x2000b8;
	[tilespmem:$0x1FA40] =	vst v63  }
0x4c: {  	s7 =	sadd.s32 $0x1, s1  }
0x4d: {  	_ =	swait.ge [sflag:s7], $0x2000  }
0x4e: {  	s8 =	sand.u32 $0x3, s31;
	[sflag:s7] =	ssyncset.done $0x0  }
0x4f: {  	s9 =	simm.s32 $0x0;
	s6 =	sshll.u32 s8, $0xD;
	[sflag:s7] =	ssyncadd.s32 $0xFFFFE000  }
0x50: {  	s3 =	sadd.s32 $0xE000, s6;
	v3 =	vld.idx.msk [tilespmem:v1+s9+$0x0 ss:$0x1], $0xffff  }
0x51: {  	v0 =	vld [tilespmem:s3+$0x1F0]  }
0x52: {  	v4 =	vld [tilespmem:s3+$0xFFFFFE00]  }
0x53: {  	v5 =	vld [tilespmem:s3+$0xFFFFFE10]  }
0x54: {  	v6 =	vld [tilespmem:s3+$0xFFFFFE20]  }
0x55: {  	v7 =	vld [tilespmem:s3+$0xFFFFFE30]  }
0x56: {  	v8 =	vld [tilespmem:s3+$0xFFFFFE40]  }
0x57: {  	v9 =	vld [tilespmem:s3+$0xFFFFFE50]  }
0x58: {  	v10 =	vld [tilespmem:s3+$0xFFFFFE60]  }
0x59: {  	v11 =	vld [tilespmem:s3+$0xFFFFFE80]  }
0x5a: {  	v13 =	vld [tilespmem:s3+$0xFFFFFE90]  }
0x5b: {  	v14 =	vld [tilespmem:s3+$0xFFFFFEA0]  }
0x5c: {  	v15 =	vld [tilespmem:s3+$0xFFFFFEB0];
	v2 =	vbroadcast v3, $0xF  }
0x5d: {  	v16 =	vld [tilespmem:s3+$0xFFFFFEC0];
	v12 =	vbroadcast v3, $0x0  }
0x5e: {  	v32 =	vld [tilespmem:s3+$0xFFFFFFC0];
	v0 =	vmul.f32 v0, v2  }
0x5f: {  	v17 =	vld [tilespmem:s3+$0xFFFFFEE0];
	v4 =	vmul.f32 v12, v4  }
0x60: {  	v24 =	vld [tilespmem:s3+$0xFFFFFFB0];
	v5 =	vmul.f32 v5, v12;
	[tilespmem:s3+$0x1F0] =	vst v0  }
0x61: {  	v43 =	vld [tilespmem:s3+$0xFFFFFFE0];
	v54 =	vbroadcast v3, $0x7;
	v6 =	vmul.f32 v6, v12;
	[tilespmem:s3+$0xFFFFFE00] =	vst v4  }
0x62: {  	v7 =	vmul.f32 v7, v12;
	v0 =	vld [tilespmem:s3+$0xFFFFFE70];
	[tilespmem:s3+$0xFFFFFE10] =	vst v5;
	v5 =	vbroadcast v3, $0x1  }
0x63: {  	v45 =	vld [tilespmem:s3+$0xFFFFFFF0];
	v56 =	vmul.f32 v32, v54;
	[tilespmem:s3+$0xFFFFFE20] =	vst v6  }
0x64: {  	v47 =	vld [tilespmem:s3+$0x20];
	[tilespmem:s3+$0xFFFFFE30] =	vst v7;
	v6 =	vmul.f32 v8, v5  }
0x65: {  	v50 =	vld [tilespmem:s3+$0x40];
	[tilespmem:s3+$0xFFFFFFC0] =	vst v56;
	v7 =	vmul.f32 v9, v5  }
0x66: {  	v52 =	vld [tilespmem:s3+$0x50];
	v9 =	vmul.f32 v10, v5;
	v10 =	vbroadcast v3, $0x2;
	[tilespmem:s3+$0xFFFFFE40] =	vst v6  }
0x67: {  	v55 =	vld [tilespmem:s3+$0x60];
	[tilespmem:s3+$0xFFFFFE50] =	vst v7;
	v0 =	vmul.f32 v0, v5  }
0x68: {  	v4 =	vld [tilespmem:s3+$0xFFFFFED0];
	[tilespmem:s3+$0xFFFFFE60] =	vst v9;
	v9 =	vmul.f32 v11, v10  }
0x69: {  	v8 =	vld [tilespmem:s3+$0xFFFFFEF0];
	[tilespmem:s3+$0xFFFFFE70] =	vst v0;
	v0 =	vmul.f32 v13, v10  }
0x6a: {  	v6 =	vld [tilespmem:s3+$0xFFFFFF00];
	v12 =	vmul.f32 v14, v10;
	v14 =	vbroadcast v3, $0x3;
	[tilespmem:s3+$0xFFFFFE80] =	vst v9  }
0x6b: {  	v7 =	vld [tilespmem:s3+$0xFFFFFF10];
	[tilespmem:s3+$0xFFFFFE90] =	vst v0;
	v0 =	vmul.f32 v15, v10  }
0x6c: {  	v28 =	vbroadcast v3, $0x4;
	v11 =	vld [tilespmem:s3+$0xFFFFFF30];
	[tilespmem:s3+$0xFFFFFEA0] =	vst v12;
	v12 =	vmul.f32 v16, v14  }
0x6d: {  	v5 =	vld [tilespmem:s3+$0xFFFFFF20];
	[tilespmem:s3+$0xFFFFFEB0] =	vst v0;
	v0 =	vmul.f32 v4, v14;
	v4 =	vmul.f32 v17, v14  }
0x6e: {  	s20 =	simm.s32 $0x10;
	v13 =	vld [tilespmem:s3+$0xFFFFFF50];
	v8 =	vmul.f32 v8, v14;
	[tilespmem:s3+$0xFFFFFEC0] =	vst v12  }
0x6f: {  	v6 =	vmul.f32 v6, v28;
	[tilespmem:s3+$0xFFFFFEE0] =	vst v4;
	v4 =	vld.idx.msk [tilespmem:v1+s20+$0x0 ss:$0x1], $0xffff  }
0x70: {  	v15 =	vld [tilespmem:s3+$0xFFFFFF70];
	[tilespmem:s3+$0xFFFFFEF0] =	vst v8;
	v7 =	vmul.f32 v7, v28;
	s20 =	sadd.s32 $0x400, s3  }
0x71: {  	v11 =	vmul.f32 v11, v28;
	[tilespmem:s3+$0xFFFFFF00] =	vst v6;
	v18 =	vld [tilespmem:s20+$0x1F0]  }
0x72: {  	v44 =	vbroadcast v3, $0x5;
	[tilespmem:s3+$0xFFFFFF10] =	vst v7;
	v19 =	vld [tilespmem:s20+$0xFFFFFE00]  }
0x73: {  	v5 =	vmul.f32 v5, v28;
	[tilespmem:s3+$0xFFFFFF30] =	vst v11;
	v20 =	vld [tilespmem:s20+$0xFFFFFE10]  }
0x74: {  	v11 =	vmul.f32 v13, v44;
	[tilespmem:s3+$0xFFFFFED0] =	vst v0;
	v21 =	vld [tilespmem:s20+$0xFFFFFE20];
	v0 =	vbroadcast v4, $0xF  }
0x75: {  	[tilespmem:s3+$0xFFFFFF20] =	vst v5;
	v22 =	vld [tilespmem:s20+$0xFFFFFE30];
	v15 =	vmul.f32 v15, v44;
	v26 =	vbroadcast v4, $0x0  }
0x76: {  	v14 =	vld [tilespmem:s20+$0xFFFFFE40];
	[tilespmem:s3+$0xFFFFFF50] =	vst v11;
	v18 =	vmul.f32 v18, v0  }
0x77: {  	v23 =	vld [tilespmem:s20+$0xFFFFFE50];
	[tilespmem:s3+$0xFFFFFF70] =	vst v15;
	v19 =	vmul.f32 v26, v19  }
0x78: {  	v8 =	vld [tilespmem:s20+$0xFFFFFE60];
	v20 =	vmul.f32 v20, v26;
	[tilespmem:s20+$0x1F0] =	vst v18  }
0x79: {  	v27 =	vld [tilespmem:s20+$0xFFFFFE90];
	v7 =	vbroadcast v4, $0x1;
	v21 =	vmul.f32 v21, v26;
	[tilespmem:s20+$0xFFFFFE00] =	vst v19  }
0x7a: {  	v29 =	vld [tilespmem:s20+$0xFFFFFEA0];
	v22 =	vmul.f32 v22, v26;
	[tilespmem:s20+$0xFFFFFE10] =	vst v20  }
0x7b: {  	v31 =	vld [tilespmem:s20+$0xFFFFFEC0];
	v5 =	vmul.f32 v14, v7;
	[tilespmem:s20+$0xFFFFFE20] =	vst v21  }
0x7c: {  	v6 =	vld [tilespmem:s20+$0xFFFFFED0];
	v46 =	vbroadcast v4, $0x2;
	v23 =	vmul.f32 v23, v7;
	[tilespmem:s20+$0xFFFFFE30] =	vst v22  }
0x7d: {  	v57 =	vld [tilespmem:s3+$0x70];
	v8 =	vmul.f32 v8, v7;
	[tilespmem:s20+$0xFFFFFE40] =	vst v5  }
0x7e: {  	v9 =	vld [tilespmem:s3+$0xFFFFFF40];
	v51 =	vbroadcast v4, $0x3;
	v48 =	vmul.f32 v27, v46;
	[tilespmem:s20+$0xFFFFFE50] =	vst v23  }
0x7f: {  	v10 =	vld [tilespmem:s3+$0xFFFFFF60];
	v49 =	vmul.f32 v29, v46;
	[tilespmem:s20+$0xFFFFFE60] =	vst v8  }
0x80: {  	v30 =	vld [tilespmem:s20+$0xFFFFFEB0];
	v53 =	vmul.f32 v31, v51;
	[tilespmem:s20+$0xFFFFFE90] =	vst v48  }
0x81: {  	v42 =	vld [tilespmem:s20+$0xFFFFFEE0];
	v6 =	vmul.f32 v6, v51;
	[tilespmem:s20+$0xFFFFFEA0] =	vst v49  }
0x82: {  	v16 =	vld [tilespmem:s3+$0xFFFFFF90];
	v26 =	vmul.f32 v43, v54;
	[tilespmem:s20+$0xFFFFFEC0] =	vst v53  }
0x83: {  	v61 =	vld [tilespmem:s20+$0xFFFFFFC0];
	v5 =	vmul.f32 v9, v44;
	[tilespmem:s20+$0xFFFFFED0] =	vst v6  }
0x84: {  	v63 =	vld [tilespmem:s20+$0xFFFFFFD0];
	v8 =	vmul.f32 v10, v44;
	[tilespmem:s3+$0xFFFFFFE0] =	vst v26  }
0x85: {  	v14 =	vld [tilespmem:s20+$0xFFFFFEF0];
	v23 =	vmul.f32 v30, v46;
	[tilespmem:s3+$0xFFFFFF40] =	vst v5  }
0x86: {  	v41 =	vbroadcast v4, $0x7;
	v18 =	vld [tilespmem:s20+$0xFFFFFE70];
	v20 =	vmul.f32 v42, v51;
	[tilespmem:s3+$0xFFFFFF60] =	vst v8  }
0x87: {  	v25 =	vld [tilespmem:s20+$0xFFFFFE80];
	v22 =	vmul.f32 v45, v54;
	[tilespmem:s20+$0xFFFFFEB0] =	vst v23  }
0x88: {  	v19 =	vld [tilespmem:s3+$0xFFFFFFD0];
	[tilespmem:s20+$0xFFFFFEE0] =	vst v20;
	v23 =	vmul.f32 v61, v41  }
0x89: {  	v37 =	vld [tilespmem:s20+$0xFFFFFFE0];
	[tilespmem:s3+$0xFFFFFFF0] =	vst v22;
	v22 =	vmul.f32 v63, v41  }
0x8a: {  	v12 =	vld [tilespmem:s3+$0xFFFFFF80];
	v14 =	vmul.f32 v14, v51;
	[tilespmem:s20+$0xFFFFFFC0] =	vst v23  }
0x8b: {  	v17 =	vld [tilespmem:s3+$0xFFFFFFA0];
	[tilespmem:s20+$0xFFFFFFD0] =	vst v22;
	v7 =	vmul.f32 v18, v7  }
0x8c: {  	v9 =	vld [tilespmem:s20+$0xFFFFFF00];
	v18 =	vmul.f32 v25, v46;
	[tilespmem:s20+$0xFFFFFEF0] =	vst v14  }
0x8d: {  	v10 =	vld [tilespmem:s20+$0xFFFFFF20];
	v6 =	vmul.f32 v19, v54;
	[tilespmem:s20+$0xFFFFFE70] =	vst v7;
	v7 =	vbroadcast v3, $0x6  }
0x8e: {  	v5 =	vld [tilespmem:s20+$0xFFFFFF10];
	v46 =	vmul.f32 v37, v41;
	[tilespmem:s20+$0xFFFFFE80] =	vst v18  }
0x8f: {  	v8 =	vld [tilespmem:s20+$0xFFFFFF30];
	[tilespmem:s3+$0xFFFFFFD0] =	vst v6;
	v12 =	vmul.f32 v12, v7  }
0x90: {  	v58 =	vld [tilespmem:s3+$0x80];
	[tilespmem:s20+$0xFFFFFFE0] =	vst v46;
	v16 =	vmul.f32 v16, v7  }
0x91: {  	v60 =	vld [tilespmem:s3+$0x90];
	v6 =	vbroadcast v4, $0x4;
	v17 =	vmul.f32 v17, v7;
	[tilespmem:s3+$0xFFFFFF80] =	vst v12  }
0x92: {  	v13 =	vld [tilespmem:s3+$0x0];
	v7 =	vmul.f32 v24, v7;
	[tilespmem:s3+$0xFFFFFF90] =	vst v16  }
0x93: {  	v11 =	vld [tilespmem:s3+$0x10];
	v9 =	vmul.f32 v9, v6;
	v5 =	vmul.f32 v5, v6;
	[tilespmem:s3+$0xFFFFFFA0] =	vst v17  }
0x94: {  	v10 =	vmul.f32 v10, v6;
	v6 =	vmul.f32 v8, v6;
	v8 =	vld [tilespmem:s3+$0xC0];
	[tilespmem:s3+$0xFFFFFFB0] =	vst v7  }
0x95: {  	v15 =	vld [tilespmem:s20+$0xFFFFFF40];
	[tilespmem:s20+$0xFFFFFF00] =	vst v9;
	v9 =	vbroadcast v3, $0x8  }
0x96: {  	v12 =	vld [tilespmem:s20+$0xFFFFFF50];
	[tilespmem:s20+$0xFFFFFF10] =	vst v5  }
0x97: {  	v48 =	vbroadcast v3, $0xB;
	v16 =	vld [tilespmem:s20+$0xFFFFFF60];
	[tilespmem:s20+$0xFFFFFF20] =	vst v10;
	v5 =	vmul.f32 v13, v9  }
0x98: {  	v17 =	vld [tilespmem:s20+$0xFFFFFF70];
	[tilespmem:s20+$0xFFFFFF30] =	vst v6;
	v13 =	vbroadcast v4, $0x5;
	v11 =	vmul.f32 v11, v9  }
0x99: {  	v10 =	vld [tilespmem:s20+$0xFFFFFFF0];
	v8 =	vmul.f32 v8, v48;
	[tilespmem:s3+$0x0] =	vst v5  }
0x9a: {  	v6 =	vld [tilespmem:s3+$0xD0];
	v5 =	vmul.f32 v15, v13;
	[tilespmem:s3+$0x10] =	vst v11  }
0x9b: {  	v62 =	vld [tilespmem:s3+$0xA0];
	v12 =	vmul.f32 v12, v13;
	[tilespmem:s3+$0xC0] =	vst v8  }
0x9c: {  	v18 =	vld [tilespmem:s3+$0x30];
	v16 =	vmul.f32 v16, v13;
	[tilespmem:s20+$0xFFFFFF40] =	vst v5  }
0x9d: {  	v7 =	vld [tilespmem:s20+$0xFFFFFF80];
	v13 =	vmul.f32 v17, v13;
	[tilespmem:s20+$0xFFFFFF50] =	vst v12  }
0x9e: {  	v19 =	vld [tilespmem:s20+$0xFFFFFF90];
	v10 =	vmul.f32 v10, v41;
	[tilespmem:s20+$0xFFFFFF60] =	vst v16  }
0x9f: {  	v59 =	vld [tilespmem:s20+$0xFFFFFFA0];
	v6 =	vmul.f32 v6, v48;
	[tilespmem:s20+$0xFFFFFF70] =	vst v13  }
0xa0: {  	v14 =	vld [tilespmem:s20+$0xFFFFFFB0];
	v17 =	vbroadcast v4, $0x6;
	v5 =	vmul.f32 v47, v9;
	[tilespmem:s20+$0xFFFFFFF0] =	vst v10  }
0xa1: {  	v36 =	vld [tilespmem:s3+$0xB0];
	v9 =	vmul.f32 v18, v9;
	[tilespmem:s3+$0xD0] =	vst v6  }
0xa2: {  	v38 =	vld [tilespmem:s3+$0x100];
	v7 =	vmul.f32 v7, v17;
	[tilespmem:s3+$0x20] =	vst v5  }
0xa3: {  	v39 =	vld [tilespmem:s3+$0x110];
	v19 =	vmul.f32 v19, v17;
	[tilespmem:s3+$0x30] =	vst v9  }
0xa4: {  	v40 =	vld [tilespmem:s3+$0x120];
	v12 =	vbroadcast v3, $0x9;
	v20 =	vmul.f32 v59, v17;
	[tilespmem:s20+$0xFFFFFF80] =	vst v7  }
0xa5: {  	v43 =	vld [tilespmem:s3+$0x140];
	v14 =	vmul.f32 v14, v17;
	[tilespmem:s20+$0xFFFFFF90] =	vst v19  }
0xa6: {  	v42 =	vld [tilespmem:s3+$0x130];
	v16 =	vmul.f32 v50, v12;
	[tilespmem:s20+$0xFFFFFFA0] =	vst v20  }
0xa7: {  	v45 =	vld [tilespmem:s3+$0x150];
	v13 =	vmul.f32 v52, v12;
	[tilespmem:s20+$0xFFFFFFB0] =	vst v14  }
0xa8: {  	v49 =	vld [tilespmem:s3+$0x160];
	v7 =	vmul.f32 v55, v12;
	v19 =	vbroadcast v3, $0xA;
	[tilespmem:s3+$0x40] =	vst v16  }
0xa9: {  	v47 =	vld [tilespmem:s20+$0x90];
	v12 =	vmul.f32 v57, v12;
	[tilespmem:s3+$0x50] =	vst v13  }
0xaa: {  	v8 =	vld [tilespmem:s20+$0xC0];
	[tilespmem:s3+$0x60] =	vst v7;
	v17 =	vmul.f32 v58, v19  }
0xab: {  	v56 =	vbroadcast v4, $0xA;
	v11 =	vld [tilespmem:s20+$0x0];
	[tilespmem:s3+$0x70] =	vst v12;
	v14 =	vmul.f32 v60, v19  }
0xac: {  	v5 =	vld [tilespmem:s20+$0x10];
	v44 =	vmul.f32 v62, v19;
	v19 =	vmul.f32 v36, v19;
	[tilespmem:s3+$0x80] =	vst v17  }
0xad: {  	v9 =	vld [tilespmem:s20+$0x20];
	v60 =	vbroadcast v4, $0xB;
	[tilespmem:s3+$0x90] =	vst v14  }
0xae: {  	v16 =	vld [tilespmem:s20+$0x30];
	v22 =	vmul.f32 v47, v56;
	[tilespmem:s3+$0xB0] =	vst v19;
	v19 =	vbroadcast v4, $0x8  }
0xaf: {  	v15 =	vld [tilespmem:s3+$0xE0];
	[tilespmem:s3+$0xA0] =	vst v44;
	v8 =	vmul.f32 v8, v60  }
0xb0: {  	v18 =	vld [tilespmem:s3+$0xF0];
	[tilespmem:s20+$0x90] =	vst v22;
	v10 =	vmul.f32 v11, v19  }
0xb1: {  	v14 =	vld [tilespmem:s20+$0x80];
	v5 =	vmul.f32 v5, v19;
	[tilespmem:s20+$0xC0] =	vst v8  }
0xb2: {  	v11 =	vld [tilespmem:s20+$0xB0];
	v9 =	vmul.f32 v9, v19;
	[tilespmem:s20+$0x0] =	vst v10  }
0xb3: {  	v13 =	vld [tilespmem:s20+$0x40];
	v16 =	vmul.f32 v16, v19;
	[tilespmem:s20+$0x10] =	vst v5  }
0xb4: {  	v61 =	vld [tilespmem:s20+$0x160];
	v10 =	vmul.f32 v15, v48;
	[tilespmem:s20+$0x20] =	vst v9  }
0xb5: {  	v7 =	vld [tilespmem:s20+$0x50];
	v5 =	vmul.f32 v18, v48;
	[tilespmem:s20+$0x30] =	vst v16  }
0xb6: {  	v12 =	vld [tilespmem:s20+$0x60];
	v14 =	vmul.f32 v14, v56;
	[tilespmem:s3+$0xE0] =	vst v10;
	v10 =	vbroadcast v4, $0x9  }
0xb7: {  	v53 =	vbroadcast v3, $0xC;
	v17 =	vld [tilespmem:s20+$0x70];
	[tilespmem:s3+$0xF0] =	vst v5;
	v11 =	vmul.f32 v11, v56  }
0xb8: {  	v51 =	vld [tilespmem:s3+$0x170];
	[tilespmem:s20+$0x80] =	vst v14;
	v5 =	vmul.f32 v13, v10  }
0xb9: {  	v54 =	vld [tilespmem:s3+$0x1B0];
	v13 =	vmul.f32 v38, v53;
	[tilespmem:s20+$0xB0] =	vst v11  }
0xba: {  	v6 =	vld [tilespmem:s20+$0xD0];
	v7 =	vmul.f32 v7, v10;
	[tilespmem:s20+$0x40] =	vst v5  }
0xbb: {  	v50 =	vld [tilespmem:s20+$0xA0];
	v12 =	vmul.f32 v12, v10;
	[tilespmem:s3+$0x100] =	vst v13  }
0xbc: {  	v52 =	vld [tilespmem:s3+$0x180];
	v10 =	vmul.f32 v17, v10;
	[tilespmem:s20+$0x50] =	vst v7  }
0xbd: {  	v55 =	vld [tilespmem:s3+$0x1D0];
	v17 =	vmul.f32 v42, v53;
	[tilespmem:s20+$0x60] =	vst v12  }
0xbe: {  	v57 =	vld [tilespmem:s20+$0x120];
	v5 =	vmul.f32 v39, v53;
	v12 =	vbroadcast v3, $0xD;
	[tilespmem:s20+$0x70] =	vst v10  }
0xbf: {  	v58 =	vld [tilespmem:s20+$0x140];
	v7 =	vmul.f32 v40, v53;
	[tilespmem:s3+$0x130] =	vst v17  }
0xc0: {  	v19 =	vld [tilespmem:s3+$0x1A0];
	[tilespmem:s3+$0x110] =	vst v5;
	v10 =	vmul.f32 v43, v12  }
0xc1: {  	v16 =	vld [tilespmem:s3+$0x1C0];
	[tilespmem:s3+$0x120] =	vst v7;
	v14 =	vmul.f32 v45, v12  }
0xc2: {  	v15 =	vld [tilespmem:s3+$0x190];
	v3 =	vbroadcast v3, $0xE;
	v59 =	vmul.f32 v49, v12;
	[tilespmem:s3+$0x140] =	vst v10  }
0xc3: {  	v18 =	vld [tilespmem:s20+$0xE0];
	v10 =	vmul.f32 v50, v56;
	[tilespmem:s3+$0x150] =	vst v14  }
0xc4: {  	v9 =	vld [tilespmem:s20+$0xF0];
	v11 =	vmul.f32 v52, v3;
	[tilespmem:s3+$0x160] =	vst v59  }
0xc5: {  	v13 =	vld [tilespmem:s20+$0x100];
	[tilespmem:s20+$0xA0] =	vst v10;
	v10 =	vmul.f32 v51, v12  }
0xc6: {  	v7 =	vld [tilespmem:s3+$0x1E0];
	[tilespmem:s3+$0x180] =	vst v11;
	v11 =	vmul.f32 v16, v2;
	v12 =	vmul.f32 v6, v60  }
0xc7: {  	v14 =	vld [tilespmem:s20+$0x150];
	[tilespmem:s3+$0x170] =	vst v10;
	v10 =	vmul.f32 v15, v3;
	v15 =	vmul.f32 v19, v3  }
0xc8: {  	v5 =	vld [tilespmem:s20+$0x110];
	[tilespmem:s3+$0x1C0] =	vst v11;
	v19 =	vmul.f32 v54, v3;
	v3 =	vmul.f32 v18, v60  }
0xc9: {  	v17 =	vld [tilespmem:s20+$0x130];
	[tilespmem:s20+$0xD0] =	vst v12;
	v18 =	vbroadcast v4, $0xD;
	v12 =	vmul.f32 v9, v60  }
0xca: {  	v62 =	vld [tilespmem:s20+$0x170];
	[tilespmem:s3+$0x190] =	vst v10;
	v10 =	vbroadcast v4, $0xC;
	v4 =	vbroadcast v4, $0xE  }
0xcb: {  	v6 =	vld [tilespmem:s20+$0x180];
	[tilespmem:s20+$0xE0] =	vst v3;
	v3 =	vmul.f32 v55, v2;
	v2 =	vmul.f32 v7, v2  }
0xcc: {  	v8 =	vld [tilespmem:s20+$0x190];
	[tilespmem:s3+$0x1A0] =	vst v15;
	v14 =	vmul.f32 v14, v18;
	v16 =	vmul.f32 v61, v18  }
0xcd: {  	s21 =	sshll.u32 s1, $0xD;
	v9 =	vld [tilespmem:s20+$0x1A0];
	[tilespmem:s20+$0xF0] =	vst v12;
	v63 =	vmul.f32 v13, v10;
	v7 =	vmul.f32 v5, v10  }
0xce: {  	s21 =	sadd.s32 $0xDE00, s21;
	s8 =	simm.s32 $0xC0;
	[tilespmem:s3+$0x1B0] =	vst v19;
	v15 =	vmul.f32 v57, v10;
	v12 =	vmul.f32 v17, v10;
	v10 =	vld [tilespmem:s20+$0x1B0]  }
0xcf: {  	s6 =	sshll.u32 s0, $0x9;
	s9 =	simm.s32 $0x20;
	s7 =	smov.u32 s20;
	v11 =	vld [tilespmem:s20+$0x1C0];
	v13 =	vmul.f32 v58, v18;
	v17 =	vmul.f32 v62, v18;
	[tilespmem:s20+$0x100] =	vst v63  }
.LBB2_3:
0xd0: {  	p2 =	sne.s32 s8, $0x1C0;
	v18 =	vld.idx.msk [tilespmem:v1+s9+$0x0 ss:$0x1], $0xffff;
	v5 =	vmul.f32 v6, v4;
	[tilespmem:s20+$0x110] =	vst v7  }
0xd1: {  	v6 =	vmul.f32 v8, v4;
	v19 =	vld [tilespmem:s20+$0x1D0];
	[tilespmem:s20+$0x120] =	vst v15  }
0xd2: {  	s20 =	sadd.s32 $0x400, s20;
	v7 =	vmul.f32 v9, v4;
	v15 =	vld [tilespmem:s7+$0x1E0];
	[tilespmem:s7+$0x130] =	vst v12  }
0xd3: {  	v8 =	vld [tilespmem:s20+$0x1F0];
	v4 =	vmul.f32 v10, v4;
	[tilespmem:s7+$0x140] =	vst v13  }
0xd4: {  	v12 =	vld [tilespmem:s20+$0xFFFFFE00];
	v13 =	vmul.f32 v11, v0;
	[tilespmem:s7+$0x150] =	vst v14  }
0xd5: {  	v14 =	vld [tilespmem:s20+$0xFFFFFE10];
	[tilespmem:s7+$0x160] =	vst v16  }
0xd6: {  	v16 =	vbroadcast v18, $0x0;
	v21 =	vbroadcast v18, $0xF;
	v20 =	vld [tilespmem:s20+$0xFFFFFE20];
	[tilespmem:s7+$0x170] =	vst v17  }
0xd7: {  	v22 =	vbroadcast v18, $0x1;
	v23 =	vbroadcast v18, $0x2;
	v17 =	vld [tilespmem:s20+$0xFFFFFE30];
	[tilespmem:s7+$0x180] =	vst v5  }
0xd8: {  	v25 =	vbroadcast v18, $0x3;
	v24 =	vld [tilespmem:s20+$0xFFFFFE40];
	v5 =	vmul.f32 v8, v21;
	[tilespmem:s7+$0x190] =	vst v6  }
0xd9: {  	v27 =	vbroadcast v18, $0x4;
	v28 =	vbroadcast v18, $0x5;
	v26 =	vld [tilespmem:s20+$0xFFFFFE50];
	[tilespmem:s7+$0x1A0] =	vst v7  }
0xda: {  	v30 =	vbroadcast v18, $0x6;
	v11 =	vbroadcast v18, $0x7;
	v29 =	vld [tilespmem:s20+$0xFFFFFE60];
	[tilespmem:s20+$0x1F0] =	vst v5  }
0xdb: {  	v10 =	vbroadcast v18, $0x8;
	v9 =	vbroadcast v18, $0x9;
	v31 =	vld [tilespmem:s20+$0xFFFFFE70];
	[tilespmem:s7+$0x1B0] =	vst v4  }
0xdc: {  	v8 =	vbroadcast v18, $0xA;
	v7 =	vbroadcast v18, $0xB;
	v32 =	vld [tilespmem:s20+$0xFFFFFE80];
	[tilespmem:s7+$0x1C0] =	vst v13  }
0xdd: {  	v6 =	vbroadcast v18, $0xC;
	v5 =	vbroadcast v18, $0xD;
	v13 =	vld [tilespmem:s20+$0xFFFFFE90];
	[tilespmem:s3+$0x1D0] =	vst v3  }
0xde: {  	v4 =	vbroadcast v18, $0xE;
	v3 =	vmul.f32 v16, v12;
	v12 =	vld [tilespmem:s20+$0xFFFFFEA0];
	[tilespmem:s3+$0x1E0] =	vst v2;
	s3 =	smov.u32 s7;
	s7 =	smov.u32 s20  }
0xdf: {  	v2 =	vmul.f32 v14, v16;
	v14 =	vmul.f32 v20, v16;
	v18 =	vld [tilespmem:s20+$0xFFFFFEB0]  }
0xe0: {  	v16 =	vmul.f32 v17, v16;
	v17 =	vmul.f32 v24, v22;
	v20 =	vld [tilespmem:s20+$0xFFFFFEC0];
	[tilespmem:s20+$0xFFFFFE00] =	vst v3  }
0xe1: {  	v24 =	vmul.f32 v26, v22;
	v26 =	vmul.f32 v29, v22;
	v29 =	vld [tilespmem:s20+$0xFFFFFED0];
	[tilespmem:s20+$0xFFFFFE10] =	vst v2  }
0xe2: {  	v22 =	vmul.f32 v31, v22;
	v31 =	vmul.f32 v32, v23;
	v32 =	vld [tilespmem:s20+$0xFFFFFEE0];
	[tilespmem:s20+$0xFFFFFE20] =	vst v14  }
0xe3: {  	v13 =	vmul.f32 v13, v23;
	v12 =	vmul.f32 v12, v23;
	v14 =	vld [tilespmem:s20+$0xFFFFFEF0];
	[tilespmem:s20+$0xFFFFFE30] =	vst v16  }
0xe4: {  	v3 =	vmul.f32 v19, v0;
	v16 =	vmul.f32 v18, v23;
	[tilespmem:s20+$0xFFFFFE40] =	vst v17;
	v17 =	vld [tilespmem:s20+$0xFFFFFF00]  }
0xe5: {  	v2 =	vmul.f32 v15, v0;
	v0 =	vmov v21;
	v18 =	vmul.f32 v20, v25;
	[tilespmem:s20+$0xFFFFFE50] =	vst v24;
	v19 =	vld [tilespmem:s20+$0xFFFFFF10]  }
0xe6: {  	v15 =	vmul.f32 v29, v25;
	[tilespmem:s20+$0xFFFFFE60] =	vst v26;
	v20 =	vld [tilespmem:s20+$0xFFFFFF20]  }
0xe7: {  	v21 =	vmul.f32 v32, v25;
	[tilespmem:s20+$0xFFFFFE70] =	vst v22;
	v22 =	vld [tilespmem:s20+$0xFFFFFF30]  }
0xe8: {  	v14 =	vmul.f32 v14, v25;
	[tilespmem:s20+$0xFFFFFE80] =	vst v31;
	v23 =	vld [tilespmem:s20+$0xFFFFFF40]  }
0xe9: {  	[tilespmem:s20+$0xFFFFFE90] =	vst v13;
	v13 =	vmul.f32 v17, v27;
	v17 =	vld [tilespmem:s20+$0xFFFFFF50]  }
0xea: {  	[tilespmem:s20+$0xFFFFFEA0] =	vst v12;
	v12 =	vmul.f32 v19, v27;
	v19 =	vld [tilespmem:s20+$0xFFFFFF60]  }
0xeb: {  	[tilespmem:s20+$0xFFFFFEB0] =	vst v16;
	v16 =	vmul.f32 v20, v27;
	v20 =	vld [tilespmem:s20+$0xFFFFFF70]  }
0xec: {  	[tilespmem:s20+$0xFFFFFEC0] =	vst v18;
	v18 =	vmul.f32 v22, v27;
	v22 =	vld [tilespmem:s20+$0xFFFFFF80]  }
0xed: {  	[tilespmem:s20+$0xFFFFFED0] =	vst v15;
	v15 =	vmul.f32 v23, v28;
	v23 =	vld [tilespmem:s20+$0xFFFFFF90]  }
0xee: {  	[tilespmem:s20+$0xFFFFFEE0] =	vst v21;
	v17 =	vmul.f32 v17, v28;
	v21 =	vld [tilespmem:s20+$0xFFFFFFA0]  }
0xef: {  	[tilespmem:s20+$0xFFFFFEF0] =	vst v14;
	v14 =	vmul.f32 v19, v28;
	v19 =	vld [tilespmem:s20+$0xFFFFFFB0]  }
0xf0: {  	v20 =	vmul.f32 v20, v28;
	v24 =	vld [tilespmem:s20+$0xFFFFFFC0];
	[tilespmem:s20+$0xFFFFFF00] =	vst v13  }
0xf1: {  	v13 =	vmul.f32 v22, v30;
	v22 =	vld [tilespmem:s20+$0xFFFFFFD0];
	[tilespmem:s20+$0xFFFFFF10] =	vst v12  }
0xf2: {  	v12 =	vmul.f32 v23, v30;
	v23 =	vld [tilespmem:s20+$0xFFFFFFE0];
	[tilespmem:s20+$0xFFFFFF20] =	vst v16  }
0xf3: {  	v16 =	vmul.f32 v21, v30;
	v21 =	vld [tilespmem:s20+$0xFFFFFFF0];
	[tilespmem:s20+$0xFFFFFF30] =	vst v18  }
0xf4: {  	v18 =	vmul.f32 v19, v30;
	[tilespmem:s20+$0xFFFFFF40] =	vst v15;
	v15 =	vld [tilespmem:s20+$0x0]  }
0xf5: {  	v19 =	vmul.f32 v24, v11;
	[tilespmem:s20+$0xFFFFFF50] =	vst v17;
	v17 =	vld [tilespmem:s20+$0x10]  }
0xf6: {  	v22 =	vmul.f32 v22, v11;
	[tilespmem:s20+$0xFFFFFF60] =	vst v14;
	v14 =	vld [tilespmem:s20+$0x20]  }
0xf7: {  	v23 =	vmul.f32 v23, v11;
	[tilespmem:s20+$0xFFFFFF70] =	vst v20;
	v20 =	vld [tilespmem:s20+$0x30]  }
0xf8: {  	v11 =	vmul.f32 v21, v11;
	[tilespmem:s20+$0xFFFFFF80] =	vst v13;
	v13 =	vld [tilespmem:s20+$0x40]  }
0xf9: {  	[tilespmem:s20+$0xFFFFFF90] =	vst v12;
	v12 =	vmul.f32 v15, v10;
	v15 =	vld [tilespmem:s20+$0x50]  }
0xfa: {  	[tilespmem:s20+$0xFFFFFFA0] =	vst v16;
	v16 =	vmul.f32 v17, v10;
	v17 =	vld [tilespmem:s20+$0x60]  }
0xfb: {  	[tilespmem:s20+$0xFFFFFFB0] =	vst v18;
	v14 =	vmul.f32 v14, v10;
	v18 =	vld [tilespmem:s20+$0x70]  }
0xfc: {  	[tilespmem:s20+$0xFFFFFFC0] =	vst v19;
	v10 =	vmul.f32 v20, v10;
	v19 =	vld [tilespmem:s20+$0x80]  }
0xfd: {  	[tilespmem:s20+$0xFFFFFFD0] =	vst v22;
	v13 =	vmul.f32 v13, v9;
	v20 =	vld [tilespmem:s20+$0x90]  }
0xfe: {  	[tilespmem:s20+$0xFFFFFFE0] =	vst v23;
	v15 =	vmul.f32 v15, v9;
	v21 =	vld [tilespmem:s20+$0xA0]  }
0xff: {  	[tilespmem:s20+$0xFFFFFFF0] =	vst v11;
	v11 =	vmul.f32 v17, v9;
	v17 =	vld [tilespmem:s20+$0xB0]  }
0x100: {  	v9 =	vmul.f32 v18, v9;
	v18 =	vld [tilespmem:s20+$0xC0];
	[tilespmem:s20+$0x0] =	vst v12  }
0x101: {  	v12 =	vmul.f32 v19, v8;
	v19 =	vld [tilespmem:s20+$0xD0];
	[tilespmem:s20+$0x10] =	vst v16  }
0x102: {  	v16 =	vmul.f32 v20, v8;
	v20 =	vld [tilespmem:s20+$0xE0];
	[tilespmem:s20+$0x20] =	vst v14  }
0x103: {  	v14 =	vmul.f32 v21, v8;
	v21 =	vld [tilespmem:s20+$0xF0];
	[tilespmem:s20+$0x30] =	vst v10  }
0x104: {  	v8 =	vmul.f32 v17, v8;
	[tilespmem:s20+$0x40] =	vst v13;
	v10 =	vld [tilespmem:s20+$0x100]  }
0x105: {  	v13 =	vmul.f32 v18, v7;
	[tilespmem:s20+$0x50] =	vst v15;
	v15 =	vld [tilespmem:s20+$0x110]  }
0x106: {  	v17 =	vmul.f32 v19, v7;
	[tilespmem:s20+$0x60] =	vst v11;
	v11 =	vld [tilespmem:s20+$0x120]  }
0x107: {  	v18 =	vmul.f32 v20, v7;
	[tilespmem:s20+$0x70] =	vst v9;
	v9 =	vld [tilespmem:s20+$0x130]  }
0x108: {  	v19 =	vmul.f32 v21, v7;
	[tilespmem:s20+$0x80] =	vst v12;
	v20 =	vld [tilespmem:s20+$0x140]  }
0x109: {  	[tilespmem:s20+$0x90] =	vst v16;
	v21 =	vmul.f32 v10, v6;
	v10 =	vld [tilespmem:s20+$0x150]  }
0x10a: {  	[tilespmem:s20+$0xA0] =	vst v14;
	v7 =	vmul.f32 v15, v6;
	v16 =	vld [tilespmem:s20+$0x160]  }
0x10b: {  	[tilespmem:s20+$0xB0] =	vst v8;
	v15 =	vmul.f32 v11, v6;
	v11 =	vld [tilespmem:s20+$0x170]  }
.Ltmp0:
0x10c: {  	[tilespmem:s20+$0xC0] =	vst v13;
	v12 =	vmul.f32 v9, v6;
	v6 =	vld [tilespmem:s20+$0x180];
	(pc) =	sbr.rel @p2 .LBB2_3-.Ltmp0, $4  }
0x10d: {  	[tilespmem:s20+$0xD0] =	vst v17;
	v13 =	vmul.f32 v20, v5;
	v8 =	vld [tilespmem:s20+$0x190]  }
0x10e: {  	[tilespmem:s20+$0xE0] =	vst v18;
	v14 =	vmul.f32 v10, v5;
	v9 =	vld [tilespmem:s20+$0x1A0]  }
0x10f: {  	[tilespmem:s20+$0xF0] =	vst v19;
	v16 =	vmul.f32 v16, v5;
	v10 =	vld [tilespmem:s20+$0x1B0]  }
0x110: {  	s9 =	sshra.s32 s8, $0x2;
	s8 =	sadd.s32 $0x40, s8;
	v17 =	vmul.f32 v11, v5;
	v11 =	vld [tilespmem:s20+$0x1C0];
	[tilespmem:s20+$0x100] =	vst v21  }
0x111: {  	[tilespmem:s20+$0x110] =	vst v7  }
0x112: {  	[tilespmem:s20+$0x120] =	vst v15  }
0x113: {  	[tilespmem:s3+$0x1D0] =	vst v3  }
0x114: {  	[tilespmem:s3+$0x1E0] =	vst v2  }
0x115: {  	v5 =	vld [tilespmem:s20+$0x1D0];
	[tilespmem:s7+$0x130] =	vst v12  }
0x116: {  	[tilespmem:s7+$0x140] =	vst v13  }
0x117: {  	v7 =	vld.idx.msk [tilespmem:v1+s9+$0x0 ss:$0x1], $0xffff;
	[tilespmem:s7+$0x150] =	vst v14  }
0x118: {  	s8 =	sadd.s32 $0x400, s20;
	v63 =	vmul.f32 v6, v4;
	[tilespmem:s7+$0x160] =	vst v16  }
0x119: {  	v62 =	vld [tilespmem:s8+$0x1F0];
	v8 =	vmul.f32 v8, v4;
	[tilespmem:s7+$0x170] =	vst v17  }
0x11a: {  	v17 =	vld [tilespmem:s8+$0xFFFFFE00];
	v9 =	vmul.f32 v9, v4;
	[tilespmem:s7+$0x180] =	vst v63  }
0x11b: {  	v19 =	vld [tilespmem:s8+$0xFFFFFE10];
	[tilespmem:s7+$0x190] =	vst v8;
	v18 =	vmul.f32 v10, v4  }
0x11c: {  	v21 =	vld [tilespmem:s8+$0xFFFFFE20];
	[tilespmem:s7+$0x1A0] =	vst v9;
	v20 =	vmul.f32 v11, v0;
	v6 =	vbroadcast v7, $0xF  }
0x11d: {  	v23 =	vld [tilespmem:s8+$0xFFFFFE30];
	v22 =	vbroadcast v7, $0x0;
	[tilespmem:s7+$0x1B0] =	vst v18;
	v5 =	vmul.f32 v5, v0  }
0x11e: {  	v24 =	vld [tilespmem:s8+$0xFFFFFE40];
	[tilespmem:s7+$0x1C0] =	vst v20;
	v12 =	vmul.f32 v62, v6  }
0x11f: {  	v25 =	vld [tilespmem:s8+$0xFFFFFE50];
	v26 =	vmul.f32 v22, v17;
	[tilespmem:s7+$0x1D0] =	vst v5  }
0x120: {  	v27 =	vld [tilespmem:s8+$0xFFFFFE60];
	v28 =	vmul.f32 v19, v22;
	[tilespmem:s8+$0x1F0] =	vst v12  }
0x121: {  	v30 =	vld [tilespmem:s8+$0xFFFFFE70];
	v29 =	vbroadcast v7, $0x1;
	v10 =	vmul.f32 v21, v22;
	[tilespmem:s8+$0xFFFFFE00] =	vst v26  }
0x122: {  	v31 =	vld [tilespmem:s8+$0xFFFFFE80];
	v11 =	vmul.f32 v23, v22;
	[tilespmem:s8+$0xFFFFFE10] =	vst v28  }
0x123: {  	v32 =	vld [tilespmem:s8+$0xFFFFFE90];
	v4 =	vmul.f32 v24, v29;
	[tilespmem:s8+$0xFFFFFE20] =	vst v10  }
0x124: {  	v35 =	vld [tilespmem:s8+$0xFFFFFEB0];
	v9 =	vmul.f32 v25, v29;
	[tilespmem:s8+$0xFFFFFE30] =	vst v11  }
0x125: {  	v36 =	vld [tilespmem:s8+$0xFFFFFEC0];
	v34 =	vbroadcast v7, $0x2;
	v13 =	vmul.f32 v27, v29;
	[tilespmem:s8+$0xFFFFFE40] =	vst v4  }
0x126: {  	v38 =	vld [tilespmem:s8+$0xFFFFFEE0];
	v8 =	vmul.f32 v30, v29;
	[tilespmem:s8+$0xFFFFFE50] =	vst v9  }
0x127: {  	v40 =	vld [tilespmem:s8+$0xFFFFFEF0];
	v3 =	vmul.f32 v31, v34;
	[tilespmem:s8+$0xFFFFFE60] =	vst v13  }
0x128: {  	v42 =	vld [tilespmem:s8+$0xFFFFFF00];
	v39 =	vbroadcast v7, $0x3;
	v2 =	vmul.f32 v32, v34;
	[tilespmem:s8+$0xFFFFFE70] =	vst v8  }
0x129: {  	v50 =	vld [tilespmem:s8+$0xFFFFFF40];
	v41 =	vmul.f32 v35, v34;
	[tilespmem:s8+$0xFFFFFE80] =	vst v3  }
0x12a: {  	v52 =	vld [tilespmem:s8+$0xFFFFFF50];
	v43 =	vmul.f32 v36, v39;
	[tilespmem:s8+$0xFFFFFE90] =	vst v2  }
0x12b: {  	v33 =	vld [tilespmem:s8+$0xFFFFFEA0];
	v46 =	vbroadcast v7, $0x4;
	v47 =	vmul.f32 v38, v39;
	[tilespmem:s8+$0xFFFFFEB0] =	vst v41  }
0x12c: {  	v37 =	vld [tilespmem:s8+$0xFFFFFED0];
	v54 =	vbroadcast v7, $0x5;
	v49 =	vmul.f32 v40, v39;
	[tilespmem:s8+$0xFFFFFEC0] =	vst v43  }
0x12d: {  	v44 =	vld [tilespmem:s8+$0xFFFFFF10];
	v51 =	vmul.f32 v42, v46;
	[tilespmem:s8+$0xFFFFFEE0] =	vst v47  }
0x12e: {  	v48 =	vld [tilespmem:s8+$0xFFFFFF30];
	v57 =	vmul.f32 v50, v54;
	[tilespmem:s8+$0xFFFFFEF0] =	vst v49  }
0x12f: {  	v53 =	vld [tilespmem:s8+$0xFFFFFF60];
	v59 =	vmul.f32 v52, v54;
	[tilespmem:s8+$0xFFFFFF00] =	vst v51  }
0x130: {  	v55 =	vld [tilespmem:s8+$0xFFFFFF70];
	v10 =	vmul.f32 v33, v34;
	[tilespmem:s8+$0xFFFFFF40] =	vst v57  }
0x131: {  	v58 =	vld [tilespmem:s8+$0xFFFFFF90];
	v9 =	vmul.f32 v37, v39;
	[tilespmem:s8+$0xFFFFFF50] =	vst v59  }
0x132: {  	v60 =	vld [tilespmem:s8+$0xFFFFFFA0];
	v4 =	vmul.f32 v44, v46;
	[tilespmem:s8+$0xFFFFFEA0] =	vst v10  }
0x133: {  	v45 =	vld [tilespmem:s8+$0xFFFFFF20];
	v3 =	vmul.f32 v48, v46;
	[tilespmem:s8+$0xFFFFFED0] =	vst v9  }
0x134: {  	v56 =	vld [tilespmem:s8+$0xFFFFFF80];
	v61 =	vbroadcast v7, $0x6;
	v12 =	vmul.f32 v53, v54;
	[tilespmem:s8+$0xFFFFFF10] =	vst v4  }
0x135: {  	v63 =	vld [tilespmem:s8+$0xFFFFFFC0];
	v2 =	vmul.f32 v55, v54;
	[tilespmem:s8+$0xFFFFFF30] =	vst v3  }
0x136: {  	v62 =	vld [tilespmem:s8+$0xFFFFFFB0];
	v8 =	vmul.f32 v58, v61;
	[tilespmem:s8+$0xFFFFFF60] =	vst v12  }
0x137: {  	v17 =	vld [tilespmem:s8+$0xFFFFFFE0];
	v11 =	vmul.f32 v60, v61;
	[tilespmem:s8+$0xFFFFFF70] =	vst v2  }
0x138: {  	v18 =	vbroadcast v7, $0x7;
	v19 =	vld [tilespmem:s8+$0xFFFFFFF0];
	v10 =	vmul.f32 v45, v46;
	[tilespmem:s8+$0xFFFFFF90] =	vst v8  }
0x139: {  	v21 =	vld [tilespmem:s8+$0x10];
	v9 =	vmul.f32 v56, v61;
	[tilespmem:s8+$0xFFFFFFA0] =	vst v11  }
0x13a: {  	v22 =	vld [tilespmem:s8+$0x20];
	v4 =	vmul.f32 v63, v18;
	[tilespmem:s8+$0xFFFFFF20] =	vst v10  }
0x13b: {  	v52 =	vld [tilespmem:s8+$0x1A0];
	v3 =	vmul.f32 v62, v61;
	[tilespmem:s8+$0xFFFFFF80] =	vst v9  }
0x13c: {  	v1 =	vld [tilespmem:s7+$0x1E0];
	v23 =	vbroadcast v7, $0x8;
	v12 =	vmul.f32 v17, v18;
	[tilespmem:s8+$0xFFFFFFC0] =	vst v4  }
0x13d: {  	v16 =	vld [tilespmem:s8+$0xFFFFFFD0];
	v2 =	vmul.f32 v19, v18;
	[tilespmem:s8+$0xFFFFFFB0] =	vst v3  }
0x13e: {  	v20 =	vld [tilespmem:s8+$0x0];
	v53 =	vbroadcast v7, $0xE;
	v8 =	vmul.f32 v21, v23;
	[tilespmem:s8+$0xFFFFFFE0] =	vst v12  }
0x13f: {  	v25 =	vld [tilespmem:s8+$0x40];
	v11 =	vmul.f32 v22, v23;
	[tilespmem:s8+$0xFFFFFFF0] =	vst v2  }
0x140: {  	v24 =	vld [tilespmem:s8+$0x30];
	v59 =	vmul.f32 v52, v53;
	[tilespmem:s8+$0x10] =	vst v8  }
0x141: {  	v27 =	vld [tilespmem:s8+$0x60];
	v61 =	vmul.f32 v1, v0;
	[tilespmem:s8+$0x20] =	vst v11  }
0x142: {  	v29 =	vld [tilespmem:s8+$0x70];
	v28 =	vbroadcast v7, $0x9;
	v10 =	vmul.f32 v16, v18;
	[tilespmem:s8+$0x1A0] =	vst v59  }
0x143: {  	v31 =	vld [tilespmem:s8+$0x90];
	v9 =	vmul.f32 v20, v23;
	[tilespmem:s7+$0x1E0] =	vst v61  }
0x144: {  	v32 =	vld [tilespmem:s8+$0xA0];
	v4 =	vmul.f32 v25, v28;
	[tilespmem:s8+$0xFFFFFFD0] =	vst v10  }
0x145: {  	v47 =	vld [tilespmem:s8+$0x160];
	v3 =	vmul.f32 v24, v23;
	[tilespmem:s8+$0x0] =	vst v9  }
0x146: {  	v33 =	vbroadcast v7, $0xA;
	v51 =	vld [tilespmem:s8+$0x190];
	v12 =	vmul.f32 v27, v28;
	[tilespmem:s8+$0x40] =	vst v4  }
0x147: {  	v58 =	vld [tilespmem:s8+$0x1D0];
	v2 =	vmul.f32 v29, v28;
	[tilespmem:s8+$0x30] =	vst v3  }
0x148: {  	v48 =	vbroadcast v7, $0xD;
	v60 =	vld [tilespmem:s8+$0x1E0];
	v8 =	vmul.f32 v31, v33;
	[tilespmem:s8+$0x60] =	vst v12  }
0x149: {  	v26 =	vld [tilespmem:s8+$0x50];
	v11 =	vmul.f32 v32, v33;
	[tilespmem:s8+$0x70] =	vst v2  }
0x14a: {  	v30 =	vld [tilespmem:s8+$0x80];
	v54 =	vmul.f32 v47, v48;
	[tilespmem:s8+$0x90] =	vst v8  }
0x14b: {  	v35 =	vld [tilespmem:s8+$0xC0];
	v57 =	vmul.f32 v51, v53;
	[tilespmem:s8+$0xA0] =	vst v11  }
0x14c: {  	v34 =	vld [tilespmem:s8+$0xB0];
	v62 =	vmul.f32 v58, v6;
	[tilespmem:s8+$0x160] =	vst v54  }
0x14d: {  	v37 =	vld [tilespmem:s8+$0xE0];
	v63 =	vmul.f32 v60, v6;
	[tilespmem:s8+$0x190] =	vst v57  }
0x14e: {  	v38 =	vbroadcast v7, $0xB;
	v39 =	vld [tilespmem:s8+$0xF0];
	v10 =	vmul.f32 v26, v28;
	[tilespmem:s8+$0x1D0] =	vst v62  }
0x14f: {  	v41 =	vld [tilespmem:s8+$0x110];
	v9 =	vmul.f32 v30, v33;
	[tilespmem:s8+$0x1E0] =	vst v63  }
0x150: {  	v42 =	vld [tilespmem:s8+$0x120];
	v4 =	vmul.f32 v35, v38;
	[tilespmem:s8+$0x50] =	vst v10  }
0x151: {  	v36 =	vld [tilespmem:s8+$0xD0];
	v3 =	vmul.f32 v34, v33;
	[tilespmem:s8+$0x80] =	vst v9  }
0x152: {  	v40 =	vld [tilespmem:s8+$0x100];
	v43 =	vbroadcast v7, $0xC;
	v12 =	vmul.f32 v37, v38;
	[tilespmem:s8+$0xC0] =	vst v4  }
0x153: {  	v45 =	vld [tilespmem:s8+$0x140];
	v2 =	vmul.f32 v39, v38;
	[tilespmem:s8+$0xB0] =	vst v3  }
0x154: {  	v44 =	vld [tilespmem:s8+$0x130];
	v8 =	vmul.f32 v41, v43;
	[tilespmem:s8+$0xE0] =	vst v12  }
0x155: {  	v49 =	vld [tilespmem:s8+$0x170];
	v11 =	vmul.f32 v42, v43;
	[tilespmem:s8+$0xF0] =	vst v2  }
0x156: {  	v46 =	vld [tilespmem:s8+$0x150];
	v10 =	vmul.f32 v36, v38;
	[tilespmem:s8+$0x110] =	vst v8  }
0x157: {  	v50 =	vld [tilespmem:s8+$0x180];
	v9 =	vmul.f32 v40, v43;
	[tilespmem:s8+$0x120] =	vst v11  }
0x158: {  	v56 =	vld [tilespmem:s8+$0x1C0];
	v4 =	vmul.f32 v45, v48;
	[tilespmem:s8+$0xD0] =	vst v10  }
0x159: {  	v55 =	vld [tilespmem:s8+$0x1B0];
	v3 =	vmul.f32 v44, v43;
	[tilespmem:s8+$0x100] =	vst v9  }
0x15a: {  	v2 =	vmul.f32 v49, v48;
	[tilespmem:s8+$0x140] =	vst v4  }
0x15b: {  	s0 =	sadd.s32 $0x1, s0;
	v10 =	vmul.f32 v46, v48;
	[tilespmem:s8+$0x130] =	vst v3  }
0x15c: {  	p2 =	sne.s32 s0, s5;
	v9 =	vmul.f32 v50, v53;
	[tilespmem:s8+$0x170] =	vst v2  }
.Ltmp1:
0x15d: {  	v4 =	vmul.f32 v56, v6;
	[tilespmem:s8+$0x150] =	vst v10;
	(pc) =	sbr.rel @p2 .LBB2_2-.Ltmp1, $4  }
0x15e: {  	v3 =	vmul.f32 v55, v53;
	[tilespmem:s8+$0x180] =	vst v9  }
0x15f: {  	s20 =	sshra.s32 s6, $0x2;
	s1 =	sadd.s32 $0x5, s1;
	[tilespmem:s8+$0x1C0] =	vst v4  }
0x160: {  	s30 =	sadd.s32 $0x80, s30;
	s31 =	sadd.s32 $0x1, s31;
	s3 =	sadd.s32 $0x4A00, s20;
	[tilespmem:s8+$0x1B0] =	vst v3  }
0x161: {  	[spmem:s2] =	stream.indirect.scatter.add.f32 [tilespmem:s21], [sflag:s1], $0x40, s3, s19, $0x2000b8;
	[tilespmem:$0x1FA40] =	vst v63  }
0x162: {  	_ =	swait.ge [sflag:s24], $0x2000  }
0x163: {  	[sflag:s24] =	ssyncset.done $0x0  }
0x164: {  	[sflag:s24] =	ssyncadd.s32 $0xFFFFE000  }
0x165: {  	_ =	swait.ge [sflag:s25], $0x2000  }
0x166: {  	[sflag:s25] =	ssyncset.done $0x0  }
0x167: {  	[sflag:s25] =	ssyncadd.s32 $0xFFFFE000  }
0x168: {  	_ =	strace $0x9000004C  }
0x169: {  	_ =	strace $0x8000004D  }
0x16a: {  	[bflag:$0x0] =	sbarrier.arrive $0xFFFF  }
0x16b: {  	_ =	strace $0x9000004D  }
0x16c: {  	_ =	strace $0x8000004E  }
0x16d: {  	[hbm:s16], [sflag:s22] =	dma.local [spmem:s28], $0x1380  }
0x16e: {  	_ =	swait.ge [sflag:s23], $0x1380  }
0x16f: {  	s26 =	sadd.s32 $0x1, s26;
	[sflag:s23] =	ssyncset.done $0x0  }
0x170: {  	p2 =	sne.s32 s26, s18;
	[sflag:s23] =	ssyncadd.s32 $0xFFFFEC80  }
0x171: {  	[hbm:s17], [sflag:s22] =	dma.local @!p1 [spmem:s29], $0x80  }
.Ltmp2:
0x172: {  	s0 =	simm.s32 @!p1 $0x9;
	(pc) =	sbr.rel @p2 .LBB2_1-.Ltmp2, $4  }
0x173: {  	_ =	swait.ge @!p1 [sflag:s0], $0x80  }
0x174: {  	[sflag:s0] =	ssyncset.done @!p1 $0x0  }
0x175: {  	[sflag:s0] =	ssyncadd.s32 @!p1 $0xFFFFFF80  }
0x176: {  	_ =	strace $0x9000004E  }
0x177: {  	_ =	sfence.sel $0x180000  }
0x178: {  	[bflag:$0x0] =	sbarrier.arrive $0xFFFF  }
0x179: {  	_ =	strace $0x90000047  }
0x17a: {  	s0 =	stileid.u32;
	[bflag:$0x2] =	sbarrier.arrive $0xFFFF  }
0x17b: {  	p0 =	sne.s32 s0, $0x0;
	s0 =	rddreg [dreg:$0x3]  }
0x17c: {  	s0 =	sadd.s32 @!p0 $0x100000, s0  }
0x17d: {  	[sflag:s0] =	ssyncadd.tile.s32 @!p0 $0x1;
	_ =	shalt  }
.Lfunc_end2:
_tile_overlayer_lowered:
.L_overlay_start_2:
0x17e: {  	(tag) =	ssettag $0x2  }
0x17f: {  	s0 =	rddreg [dreg:$0x0];
	s2 =	stileid.u32  }
0x180: {  	s1 =	rddreg [dreg:$0x1];
	p0 =	sne.s32 s2, $0x0  }
0x181: {  	s3 =	rddreg [dreg:$0x2];
	[bflag:$0x3] =	sbarrier.arrive $0xFFFF;
	s2 =	simm.s32 @!p0 $0x1C09  }
0x182: {  	[timem:s3], [sflag:s2] =	dma.local @!p0 [hbm:s0], s1  }
0x183: {  	s0 =	simm.s32 @!p0 $0x9  }
0x184: {  	_ =	swait.ge @!p0 [sflag:s0], s1  }
0x185: {  	s1 =	ssub.s32 @!p0 $0x0, s1;
	[sflag:s0] =	ssyncset.done @!p0 $0x0  }
0x186: {  	[sflag:s0] =	ssyncadd.s32 @!p0 s1  }
0x187: {  	[bflag:$0x3] =	sbarrier.arrive $0xFFFF  }
0x188: {  	_ =	shalt  }

</sc_bundles>
